<compile_context>
chip_gen: v7x
topology: tpu7x:2x2x1
jax: 0.10.2.dev20260603
libtpu: 0.0.44.dev20260713+nightly
codegen_flags: <defaults>
</compile_context>

<pallas_src>
import functools

import jax
import jax.numpy as jnp
from jax import lax
from jax.experimental import pallas as pl
from jax.experimental.pallas import tpu as pltpu
from jax.experimental.pallas import tpu_sc as plsc

K = 16
M1, M2 = 20, 10
NC, NS = 2, 16
NW = NC * NS
CB = 8


def _fm_body(idx1_hbm, idx2_hbm, v1_hbm, v2_hbm, dum1_hbm, dum2_hbm, out_hbm,
             idx1_w, idx2_w,
             rows1_a, rows1_b, rows2_a, rows2_b,
             out_v,
             sem1_a, sem1_b, sem2_a, sem2_b,
             *, batch):
    per_w = batch // NW
    nblk = per_w // CB
    wid = lax.axis_index("s") * NC + lax.axis_index("c")
    base = wid * per_w
    rows1_v = (rows1_a, rows1_b)
    rows2_v = (rows2_a, rows2_b)
    sem1 = (sem1_a, sem1_b)
    sem2 = (sem2_a, sem2_b)

    lanes = lax.iota(jnp.int32, K)
    zeros = jnp.zeros((K,), jnp.float32)
    lane0 = lanes == 0

    pltpu.sync_copy(idx1_hbm.at[pl.ds(base * M1, per_w * M1)], idx1_w)
    pltpu.sync_copy(idx2_hbm.at[pl.ds(base * M2, per_w * M2)], idx2_w)

    def fire_rows(tab_hbm, idx_w, rows_v, sem, t, m):
        def grp(g, _):
            iv = idx_w[pl.ds(t * CB * m + g * K, K)]
            for l in range(K):
                r = iv[l]
                pltpu.make_async_copy(
                    tab_hbm.at[pl.ds(r, 1)],
                    rows_v.at[pl.ds(g * K + l, 1)], sem).start()
            return _
        lax.fori_loop(0, CB * m // K, grp, None)

    def start_gathers(t, ph):
        fire_rows(v1_hbm, idx1_w, rows1_v[ph], sem1[ph], t, M1)
        fire_rows(v2_hbm, idx2_w, rows2_v[ph], sem2[ph], t, M2)

    def wait_gathers(ph):
        pltpu.make_async_copy(dum1_hbm, rows1_v[ph], sem1[ph]).wait()
        pltpu.make_async_copy(dum2_hbm, rows2_v[ph], sem2[ph]).wait()

    def zero_pass(idx_w, rows_v, t, m):
        def grp(g, _):
            ivec = idx_w[pl.ds(t * CB * m + g * K, K)]
            mz = ivec == 0
            rowids = g * K + lanes
            for k in range(K):
                plsc.store_scatter(
                    rows_v, [rowids, jnp.full((K,), k, jnp.int32)],
                    zeros, mask=mz)
            return _
        lax.fori_loop(0, CB * m // K, grp, None)

    NG1 = CB * M1 // K
    NG2 = CB * M2 // K

    def fire_grp_dyn(tab_hbm, idx_w, rows_v, sem, t, m, g):
        iv = idx_w[pl.ds(t * CB * m + g * K, K)]
        for l in range(K):
            r = iv[l]
            pltpu.make_async_copy(
                tab_hbm.at[pl.ds(r, 1)],
                rows_v.at[pl.ds(g * K + l, 1)], sem).start()

    def compute(t, ph, fire_next):
        zero_pass(idx1_w, rows1_v[ph], t, M1)
        zero_pass(idx2_w, rows2_v[ph], t, M2)
        r1 = rows1_v[ph]
        r2 = rows2_v[ph]

        def elem(i, _):
            for gg in range(2):
                g = i * 2 + gg

                @pl.when(jnp.logical_and(fire_next, g < NG1))
                def _():
                    fire_grp_dyn(v1_hbm, idx1_w, rows1_v[1 - ph],
                                 sem1[1 - ph], t + 1, M1, g)

                @pl.when(jnp.logical_and(
                    fire_next, jnp.logical_and(g >= NG1, g < NG1 + NG2)))
                def _():
                    fire_grp_dyn(v2_hbm, idx2_w, rows2_v[1 - ph],
                                 sem2[1 - ph], t + 1, M2, g - NG1)

            s = jnp.zeros((K,), jnp.float32)
            q = jnp.zeros((K,), jnp.float32)
            for j in range(M1):
                r = r1[i * M1 + j]
                s = s + r
                q = q + r * r
            for j in range(M2):
                r = r2[i * M2 + j]
                s = s + r
                q = q + r * r
            red = 0.5 * jnp.sum(s * s - q)
            plsc.store_scatter(out_v, [jnp.full((K,), t * CB + i, jnp.int32)],
                               jnp.broadcast_to(red, (K,)), mask=lane0)
            return _

        lax.fori_loop(0, CB, elem, None)

    start_gathers(0, 0)

    def pair(p, _):
        for ph in range(2):
            t = 2 * p + ph

            @pl.when(t < nblk)
            def _():
                wait_gathers(ph)
                compute(t, ph, t + 1 < nblk)
        return _

    lax.fori_loop(0, (nblk + 1) // 2, pair, None)
    pltpu.sync_copy(out_v, out_hbm.at[pl.ds(base, per_w)])


def kernel(idx1, idx2, V1, V2):
    batch = idx1.shape[0]
    per_w = batch // NW
    mesh = plsc.VectorSubcoreMesh(
        core_axis_name="c", subcore_axis_name="s",
        num_cores=NC, num_subcores=NS)
    run = pl.kernel(
        functools.partial(_fm_body, batch=batch),
        out_type=jax.ShapeDtypeStruct((batch,), jnp.float32),
        mesh=mesh,
        scratch_types=[
            pltpu.VMEM((per_w * M1,), jnp.int32),
            pltpu.VMEM((per_w * M2,), jnp.int32),
            pltpu.VMEM((CB * M1, K), jnp.float32),
            pltpu.VMEM((CB * M1, K), jnp.float32),
            pltpu.VMEM((CB * M2, K), jnp.float32),
            pltpu.VMEM((CB * M2, K), jnp.float32),
            pltpu.VMEM((per_w,), jnp.float32),
            pltpu.SemaphoreType.DMA,
            pltpu.SemaphoreType.DMA,
            pltpu.SemaphoreType.DMA,
            pltpu.SemaphoreType.DMA,
        ],
        compiler_params=pltpu.CompilerParams(
            needs_layout_passes=False, use_tc_tiling_on_sc=True),
    )
    return run(idx1.reshape(-1), idx2.reshape(-1), V1, V2,
               jnp.zeros((CB * M1, K), jnp.float32),
               jnp.zeros((CB * M2, K), jnp.float32))

# --- scband reference (transcript-rebuilt; emitter-appended) ---
"""Pipeline reference for scband-sparse-v-45818711113997 (READ-ONLY COPY).

The authoritative reference and input builder live on the scoring server;
editing this copy changes nothing except your own understanding.
"""

import jax, jax.numpy as jnp
import numpy as np

# SparseV (FM second-order interaction over sparse multi-valued features)
# interaction: k=16; feature1: vocab=1_000_000, m=20; feature2: vocab=100_000, m=10
# Embedding tables have vocab+1 rows (index 0 reserved for padding);
# MaskEmbedding zeroes out rows where index == 0.

K = 16
BATCH = 16384

def setup_inputs(seed: int = 0) -> dict:
    key = jax.random.key(seed)
    k1, k2, k3, k4 = jax.random.split(key, 4)
    idx1 = jax.random.randint(k1, (BATCH, 20), 0, 1000000)
    idx2 = jax.random.randint(k2, (BATCH, 10), 0, 100000)
    V1 = jax.random.normal(k3, (1000001, K), dtype=jnp.float32) * 0.01
    V2 = jax.random.normal(k4, (100001, K), dtype=jnp.float32) * 0.01
    return {"idx1": idx1, "idx2": idx2, "V1": V1, "V2": V2}

def _masked_embed(table, idx):
    e = jnp.take(table, idx, axis=0)  # [B, m, K]
    mask = (idx != 0).astype(e.dtype)[..., None]  # padding index 0 masked to zero
    return e * mask

def reference(idx1, idx2, V1, V2):
    e1 = _masked_embed(V1, idx1)  # [B, 20, K]
    e2 = _masked_embed(V2, idx2)  # [B, 10, K]
    v = jnp.concatenate([e1, e2], axis=1)  # [B, 30, K]
    rows_sum = jnp.sum(v, axis=1) ** 2          # [B, K]
    squared_rows_sum = jnp.sum(v * v, axis=1)    # [B, K]
    all_interactions = 0.5 * jnp.sum(rows_sum - squared_rows_sum, axis=1)  # [B]
    return all_interactions

if __name__ == "__main__":
    import jax
    _d = setup_inputs()
    print(jax.jit(kernel)(*tuple(_d.values())))

</pallas_src>

<mosaic_0001>
#map = affine_map<(d0, d1) -> (0)>
#map1 = affine_map<(d0, d1) -> (0, 0)>
module attributes {stable_mosaic.version = 14 : i64} {
  func.func @_fm_body(%arg0: i32, %arg1: i32, %arg2: memref<327680xi32, #tpu.memory_space<hbm>>, %arg3: memref<163840xi32, #tpu.memory_space<hbm>>, %arg4: memref<1000001x16xf32, #tpu.memory_space<hbm>>, %arg5: memref<100001x16xf32, #tpu.memory_space<hbm>>, %arg6: memref<160x16xf32, #tpu.memory_space<hbm>>, %arg7: memref<80x16xf32, #tpu.memory_space<hbm>>, %arg8: memref<16384xf32, #tpu.memory_space<hbm>>, %arg9: memref<10240xi32, #tpu.memory_space<vmem>>, %arg10: memref<5120xi32, #tpu.memory_space<vmem>>, %arg11: memref<160x16xf32, #tpu.memory_space<vmem>>, %arg12: memref<160x16xf32, #tpu.memory_space<vmem>>, %arg13: memref<80x16xf32, #tpu.memory_space<vmem>>, %arg14: memref<80x16xf32, #tpu.memory_space<vmem>>, %arg15: memref<512xf32, #tpu.memory_space<vmem>>, %arg16: memref<!tpu.dma_semaphore, #tpu.memory_space<semaphore_mem>>, %arg17: memref<!tpu.dma_semaphore, #tpu.memory_space<semaphore_mem>>, %arg18: memref<!tpu.dma_semaphore, #tpu.memory_space<semaphore_mem>>, %arg19: memref<!tpu.dma_semaphore, #tpu.memory_space<semaphore_mem>>) attributes {dimension_semantics = [#tpu.dimension_semantics<core_parallel>, #tpu.dimension_semantics<subcore_parallel>], iteration_bounds = array<i64: 2, 16>, scalar_prefetch = 0 : i64, scratch_operands = 11 : i64, tpu.core_type = #tpu.core_type<sc_vector_subcore>, window_params = [{transform_indices = #map}, {transform_indices = #map}, {transform_indices = #map1}, {transform_indices = #map1}, {transform_indices = #map1}, {transform_indices = #map1}, {transform_indices = #map}]} {
    %mul3A = arith.constant 2 : i32
    %mul3A_0 = arith.muli %arg1, %mul3A : i32
    %add3A = arith.addi %mul3A_0, %arg0 : i32
    %mul3A_1 = arith.constant 512 : i32
    %mul3A_2 = arith.muli %add3A, %mul3A_1 : i32
    %iota3A = tpu.iota {dimensions = array<i32: 0>} : vector<16xi32>
    %broadcast_in_dim3A = arith.constant 0.000000e+00 : f32
    %broadcast_in_dim3A_3 = vector.broadcast %broadcast_in_dim3A : f32 to vector<16xf32>
    %eq3A = arith.constant 0 : i32
    %eq3A_4 = vector.broadcast %eq3A : i32 to vector<16xi32>
    %eq3A_5 = arith.cmpi eq, %iota3A, %eq3A_4 : vector<16xi32>
    %mul3A_6 = arith.constant 20 : i32
    %mul3A_7 = arith.muli %mul3A_2, %mul3A_6 : i32
    "tpu.region"() ({
      %run_scoped3A = tpu.sem_alloc : memref<!tpu.dma_semaphore, #tpu.memory_space<semaphore_mem>>
      %dma_start3A = tpu.memref_slice %arg2[%mul3A_7] : memref<327680xi32, #tpu.memory_space<hbm>> -> memref<10240xi32, #tpu.memory_space<hbm>>
      %dma_start3A_24 = tpu.memref_slice %arg2[%mul3A_7] : memref<327680xi32, #tpu.memory_space<hbm>> -> memref<10240xi32, #tpu.memory_space<hbm>>
      tpu.enqueue_dma source(%dma_start3A_24 : memref<10240xi32, #tpu.memory_space<hbm>>) target(%arg9 : memref<10240xi32, #tpu.memory_space<vmem>>) target_semaphore(%run_scoped3A : memref<!tpu.dma_semaphore, #tpu.memory_space<semaphore_mem>>)
      %dma_wait3A = tpu.memref_slice %arg2[%mul3A_7] : memref<327680xi32, #tpu.memory_space<hbm>> -> memref<10240xi32, #tpu.memory_space<hbm>>
      %dma_wait3A_25 = tpu.memref_slice %arg2[%mul3A_7] : memref<327680xi32, #tpu.memory_space<hbm>> -> memref<10240xi32, #tpu.memory_space<hbm>>
      tpu.wait_dma2 semaphore(%run_scoped3A : memref<!tpu.dma_semaphore, #tpu.memory_space<semaphore_mem>>) src(%dma_wait3A_25 : memref<10240xi32, #tpu.memory_space<hbm>>) dst(%arg9 : memref<10240xi32, #tpu.memory_space<vmem>>)
      tpu.yield
    }) : () -> ()
    %mul3A_8 = arith.constant 10 : i32
    %mul3A_9 = arith.muli %mul3A_2, %mul3A_8 : i32
    "tpu.region"() ({
      %run_scoped3A = tpu.sem_alloc : memref<!tpu.dma_semaphore, #tpu.memory_space<semaphore_mem>>
      %dma_start3A = tpu.memref_slice %arg3[%mul3A_9] : memref<163840xi32, #tpu.memory_space<hbm>> -> memref<5120xi32, #tpu.memory_space<hbm>>
      %dma_start3A_24 = tpu.memref_slice %arg3[%mul3A_9] : memref<163840xi32, #tpu.memory_space<hbm>> -> memref<5120xi32, #tpu.memory_space<hbm>>
      tpu.enqueue_dma source(%dma_start3A_24 : memref<5120xi32, #tpu.memory_space<hbm>>) target(%arg10 : memref<5120xi32, #tpu.memory_space<vmem>>) target_semaphore(%run_scoped3A : memref<!tpu.dma_semaphore, #tpu.memory_space<semaphore_mem>>)
      %dma_wait3A = tpu.memref_slice %arg3[%mul3A_9] : memref<163840xi32, #tpu.memory_space<hbm>> -> memref<5120xi32, #tpu.memory_space<hbm>>
      %dma_wait3A_25 = tpu.memref_slice %arg3[%mul3A_9] : memref<163840xi32, #tpu.memory_space<hbm>> -> memref<5120xi32, #tpu.memory_space<hbm>>
      tpu.wait_dma2 semaphore(%run_scoped3A : memref<!tpu.dma_semaphore, #tpu.memory_space<semaphore_mem>>) src(%dma_wait3A_25 : memref<5120xi32, #tpu.memory_space<hbm>>) dst(%arg10 : memref<5120xi32, #tpu.memory_space<vmem>>)
      tpu.yield
    }) : () -> ()
    %scan3A = arith.constant 0 : i32
    %scan3A_10 = arith.constant 10 : i32
    %scan3A_11 = arith.addi %scan3A, %scan3A_10 : i32
    %scan3A_12 = arith.constant 1 : i32
    scf.for %scan3A_24 = %scan3A to %scan3A_11 step %scan3A_12  : i32 {
      %mul3A_25 = arith.constant 16 : i32
      %mul3A_26 = arith.muli %scan3A_24, %mul3A_25 : i32
      %add3A_27 = arith.constant 0 : i32
      %add3A_28 = arith.addi %add3A_27, %mul3A_26 : i32
      %get3A = arith.index_cast %add3A_28 : i32 to index
      %get3A_29 = tpu.vector_load %arg9[%get3A] {strides = array<i32>} : memref<10240xi32, #tpu.memory_space<vmem>>, vector<16xi32>,
      %slice3A = vector.extract_strided_slice %get3A_29 {offsets = [0], sizes = [1], strides = [1]} : vector<16xi32> to vector<1xi32>
      %squeeze3A = vector.extract %slice3A[0] : i32 from vector<1xi32>
      %mul3A_30 = arith.constant 16 : i32
      %mul3A_31 = arith.muli %scan3A_24, %mul3A_30 : i32
      %add3A_32 = arith.constant 0 : i32
      %add3A_33 = arith.addi %mul3A_31, %add3A_32 : i32
      %dma_start3A = arith.constant 0 : i32
      %dma_start3A_34 = tpu.memref_slice %arg11[%add3A_33, %dma_start3A] : memref<160x16xf32, #tpu.memory_space<vmem>> -> memref<1x16xf32, #tpu.memory_space<vmem>>
      %dma_start3A_35 = arith.constant 0 : i32
      %dma_start3A_36 = tpu.memref_slice %arg4[%squeeze3A, %dma_start3A_35] : memref<1000001x16xf32, #tpu.memory_space<hbm>> -> memref<1x16xf32, #tpu.memory_space<hbm>>
      %dma_start3A_37 = arith.constant 0 : i32
      %dma_start3A_38 = tpu.memref_slice %arg11[%add3A_33, %dma_start3A_37] : memref<160x16xf32, #tpu.memory_space<vmem>> -> memref<1x16xf32, #tpu.memory_space<vmem>>
      %dma_start3A_39 = arith.constant 0 : i32
      %dma_start3A_40 = tpu.memref_slice %arg4[%squeeze3A, %dma_start3A_39] : memref<1000001x16xf32, #tpu.memory_space<hbm>> -> memref<1x16xf32, #tpu.memory_space<hbm>>
      tpu.enqueue_dma source(%dma_start3A_40 : memref<1x16xf32, #tpu.memory_space<hbm>>) target(%dma_start3A_38 : memref<1x16xf32, #tpu.memory_space<vmem>>) target_semaphore(%arg16 : memref<!tpu.dma_semaphore, #tpu.memory_space<semaphore_mem>>)
      %slice3A_41 = vector.extract_strided_slice %get3A_29 {offsets = [1], sizes = [1], strides = [1]} : vector<16xi32> to vector<1xi32>
      %squeeze3A_42 = vector.extract %slice3A_41[0] : i32 from vector<1xi32>
      %mul3A_43 = arith.constant 16 : i32
      %mul3A_44 = arith.muli %scan3A_24, %mul3A_43 : i32
      %add3A_45 = arith.constant 1 : i32
      %add3A_46 = arith.addi %mul3A_44, %add3A_45 : i32
      %dma_start3A_47 = arith.constant 0 : i32
      %dma_start3A_48 = tpu.memref_slice %arg11[%add3A_46, %dma_start3A_47] : memref<160x16xf32, #tpu.memory_space<vmem>> -> memref<1x16xf32, #tpu.memory_space<vmem>>
      %dma_start3A_49 = arith.constant 0 : i32
      %dma_start3A_50 = tpu.memref_slice %arg4[%squeeze3A_42, %dma_start3A_49] : memref<1000001x16xf32, #tpu.memory_space<hbm>> -> memref<1x16xf32, #tpu.memory_space<hbm>>
      %dma_start3A_51 = arith.constant 0 : i32
      %dma_start3A_52 = tpu.memref_slice %arg11[%add3A_46, %dma_start3A_51] : memref<160x16xf32, #tpu.memory_space<vmem>> -> memref<1x16xf32, #tpu.memory_space<vmem>>
      %dma_start3A_53 = arith.constant 0 : i32
      %dma_start3A_54 = tpu.memref_slice %arg4[%squeeze3A_42, %dma_start3A_53] : memref<1000001x16xf32, #tpu.memory_space<hbm>> -> memref<1x16xf32, #tpu.memory_space<hbm>>
      tpu.enqueue_dma source(%dma_start3A_54 : memref<1x16xf32, #tpu.memory_space<hbm>>) target(%dma_start3A_52 : memref<1x16xf32, #tpu.memory_space<vmem>>) target_semaphore(%arg16 : memref<!tpu.dma_semaphore, #tpu.memory_space<semaphore_mem>>)
      %slice3A_55 = vector.extract_strided_slice %get3A_29 {offsets = [2], sizes = [1], strides = [1]} : vector<16xi32> to vector<1xi32>
      %squeeze3A_56 = vector.extract %slice3A_55[0] : i32 from vector<1xi32>
      %mul3A_57 = arith.constant 16 : i32
      %mul3A_58 = arith.muli %scan3A_24, %mul3A_57 : i32
      %add3A_59 = arith.constant 2 : i32
      %add3A_60 = arith.addi %mul3A_58, %add3A_59 : i32
      %dma_start3A_61 = arith.constant 0 : i32
      %dma_start3A_62 = tpu.memref_slice %arg11[%add3A_60, %dma_start3A_61] : memref<160x16xf32, #tpu.memory_space<vmem>> -> memref<1x16xf32, #tpu.memory_space<vmem>>
      %dma_start3A_63 = arith.constant 0 : i32
      %dma_start3A_64 = tpu.memref_slice %arg4[%squeeze3A_56, %dma_start3A_63] : memref<1000001x16xf32, #tpu.memory_space<hbm>> -> memref<1x16xf32, #tpu.memory_space<hbm>>
      %dma_start3A_65 = arith.constant 0 : i32
      %dma_start3A_66 = tpu.memref_slice %arg11[%add3A_60, %dma_start3A_65] : memref<160x16xf32, #tpu.memory_space<vmem>> -> memref<1x16xf32, #tpu.memory_space<vmem>>
      %dma_start3A_67 = arith.constant 0 : i32
      %dma_start3A_68 = tpu.memref_slice %arg4[%squeeze3A_56, %dma_start3A_67] : memref<1000001x16xf32, #tpu.memory_space<hbm>> -> memref<1x16xf32, #tpu.memory_space<hbm>>
      tpu.enqueue_dma source(%dma_start3A_68 : memref<1x16xf32, #tpu.memory_space<hbm>>) target(%dma_start3A_66 : memref<1x16xf32, #tpu.memory_space<vmem>>) target_semaphore(%arg16 : memref<!tpu.dma_semaphore, #tpu.memory_space<semaphore_mem>>)
      %slice3A_69 = vector.extract_strided_slice %get3A_29 {offsets = [3], sizes = [1], strides = [1]} : vector<16xi32> to vector<1xi32>
      %squeeze3A_70 = vector.extract %slice3A_69[0] : i32 from vector<1xi32>
      %mul3A_71 = arith.constant 16 : i32
      %mul3A_72 = arith.muli %scan3A_24, %mul3A_71 : i32
      %add3A_73 = arith.constant 3 : i32
      %add3A_74 = arith.addi %mul3A_72, %add3A_73 : i32
      %dma_start3A_75 = arith.constant 0 : i32
      %dma_start3A_76 = tpu.memref_slice %arg11[%add3A_74, %dma_start3A_75] : memref<160x16xf32, #tpu.memory_space<vmem>> -> memref<1x16xf32, #tpu.memory_space<vmem>>
      %dma_start3A_77 = arith.constant 0 : i32
      %dma_start3A_78 = tpu.memref_slice %arg4[%squeeze3A_70, %dma_start3A_77] : memref<1000001x16xf32, #tpu.memory_space<hbm>> -> memref<1x16xf32, #tpu.memory_space<hbm>>
      %dma_start3A_79 = arith.constant 0 : i32
      %dma_start3A_80 = tpu.memref_slice %arg11[%add3A_74, %dma_start3A_79] : memref<160x16xf32, #tpu.memory_space<vmem>> -> memref<1x16xf32, #tpu.memory_space<vmem>>
      %dma_start3A_81 = arith.constant 0 : i32
      %dma_start3A_82 = tpu.memref_slice %arg4[%squeeze3A_70, %dma_start3A_81] : memref<1000001x16xf32, #tpu.memory_space<hbm>> -> memref<1x16xf32, #tpu.memory_space<hbm>>
      tpu.enqueue_dma source(%dma_start3A_82 : memref<1x16xf32, #tpu.memory_space<hbm>>) target(%dma_start3A_80 : memref<1x16xf32, #tpu.memory_space<vmem>>) target_semaphore(%arg16 : memref<!tpu.dma_semaphore, #tpu.memory_space<semaphore_mem>>)
      %slice3A_83 = vector.extract_strided_slice %get3A_29 {offsets = [4], sizes = [1], strides = [1]} : vector<16xi32> to vector<1xi32>
      %squeeze3A_84 = vector.extract %slice3A_83[0] : i32 from vector<1xi32>
      %mul3A_85 = arith.constant 16 : i32
      %mul3A_86 = arith.muli %scan3A_24, %mul3A_85 : i32
      %add3A_87 = arith.constant 4 : i32
      %add3A_88 = arith.addi %mul3A_86, %add3A_87 : i32
      %dma_start3A_89 = arith.constant 0 : i32
      %dma_start3A_90 = tpu.memref_slice %arg11[%add3A_88, %dma_start3A_89] : memref<160x16xf32, #tpu.memory_space<vmem>> -> memref<1x16xf32, #tpu.memory_space<vmem>>
      %dma_start3A_91 = arith.constant 0 : i32
      %dma_start3A_92 = tpu.memref_slice %arg4[%squeeze3A_84, %dma_start3A_91] : memref<1000001x16xf32, #tpu.memory_space<hbm>> -> memref<1x16xf32, #tpu.memory_space<hbm>>
      %dma_start3A_93 = arith.constant 0 : i32
      %dma_start3A_94 = tpu.memref_slice %arg11[%add3A_88, %dma_start3A_93] : memref<160x16xf32, #tpu.memory_space<vmem>> -> memref<1x16xf32, #tpu.memory_space<vmem>>
      %dma_start3A_95 = arith.constant 0 : i32
      %dma_start3A_96 = tpu.memref_slice %arg4[%squeeze3A_84, %dma_start3A_95] : memref<1000001x16xf32, #tpu.memory_space<hbm>> -> memref<1x16xf32, #tpu.memory_space<hbm>>
      tpu.enqueue_dma source(%dma_start3A_96 : memref<1x16xf32, #tpu.memory_space<hbm>>) target(%dma_start3A_94 : memref<1x16xf32, #tpu.memory_space<vmem>>) target_semaphore(%arg16 : memref<!tpu.dma_semaphore, #tpu.memory_space<semaphore_mem>>)
      %slice3A_97 = vector.extract_strided_slice %get3A_29 {offsets = [5], sizes = [1], strides = [1]} : vector<16xi32> to vector<1xi32>
      %squeeze3A_98 = vector.extract %slice3A_97[0] : i32 from vector<1xi32>
      %mul3A_99 = arith.constant 16 : i32
      %mul3A_100 = arith.muli %scan3A_24, %mul3A_99 : i32
      %add3A_101 = arith.constant 5 : i32
      %add3A_102 = arith.addi %mul3A_100, %add3A_101 : i32
      %dma_start3A_103 = arith.constant 0 : i32
      %dma_start3A_104 = tpu.memref_slice %arg11[%add3A_102, %dma_start3A_103] : memref<160x16xf32, #tpu.memory_space<vmem>> -> memref<1x16xf32, #tpu.memory_space<vmem>>
      %dma_start3A_105 = arith.constant 0 : i32
      %dma_start3A_106 = tpu.memref_slice %arg4[%squeeze3A_98, %dma_start3A_105] : memref<1000001x16xf32, #tpu.memory_space<hbm>> -> memref<1x16xf32, #tpu.memory_space<hbm>>
      %dma_start3A_107 = arith.constant 0 : i32
      %dma_start3A_108 = tpu.memref_slice %arg11[%add3A_102, %dma_start3A_107] : memref<160x16xf32, #tpu.memory_space<vmem>> -> memref<1x16xf32, #tpu.memory_space<vmem>>
      %dma_start3A_109 = arith.constant 0 : i32
      %dma_start3A_110 = tpu.memref_slice %arg4[%squeeze3A_98, %dma_start3A_109] : memref<1000001x16xf32, #tpu.memory_space<hbm>> -> memref<1x16xf32, #tpu.memory_space<hbm>>
      tpu.enqueue_dma source(%dma_start3A_110 : memref<1x16xf32, #tpu.memory_space<hbm>>) target(%dma_start3A_108 : memref<1x16xf32, #tpu.memory_space<vmem>>) target_semaphore(%arg16 : memref<!tpu.dma_semaphore, #tpu.memory_space<semaphore_mem>>)
      %slice3A_111 = vector.extract_strided_slice %get3A_29 {offsets = [6], sizes = [1], strides = [1]} : vector<16xi32> to vector<1xi32>
      %squeeze3A_112 = vector.extract %slice3A_111[0] : i32 from vector<1xi32>
      %mul3A_113 = arith.constant 16 : i32
      %mul3A_114 = arith.muli %scan3A_24, %mul3A_113 : i32
      %add3A_115 = arith.constant 6 : i32
      %add3A_116 = arith.addi %mul3A_114, %add3A_115 : i32
      %dma_start3A_117 = arith.constant 0 : i32
      %dma_start3A_118 = tpu.memref_slice %arg11[%add3A_116, %dma_start3A_117] : memref<160x16xf32, #tpu.memory_space<vmem>> -> memref<1x16xf32, #tpu.memory_space<vmem>>
      %dma_start3A_119 = arith.constant 0 : i32
      %dma_start3A_120 = tpu.memref_slice %arg4[%squeeze3A_112, %dma_start3A_119] : memref<1000001x16xf32, #tpu.memory_space<hbm>> -> memref<1x16xf32, #tpu.memory_space<hbm>>
      %dma_start3A_121 = arith.constant 0 : i32
      %dma_start3A_122 = tpu.memref_slice %arg11[%add3A_116, %dma_start3A_121] : memref<160x16xf32, #tpu.memory_space<vmem>> -> memref<1x16xf32, #tpu.memory_space<vmem>>
      %dma_start3A_123 = arith.constant 0 : i32
      %dma_start3A_124 = tpu.memref_slice %arg4[%squeeze3A_112, %dma_start3A_123] : memref<1000001x16xf32, #tpu.memory_space<hbm>> -> memref<1x16xf32, #tpu.memory_space<hbm>>
      tpu.enqueue_dma source(%dma_start3A_124 : memref<1x16xf32, #tpu.memory_space<hbm>>) target(%dma_start3A_122 : memref<1x16xf32, #tpu.memory_space<vmem>>) target_semaphore(%arg16 : memref<!tpu.dma_semaphore, #tpu.memory_space<semaphore_mem>>)
      %slice3A_125 = vector.extract_strided_slice %get3A_29 {offsets = [7], sizes = [1], strides = [1]} : vector<16xi32> to vector<1xi32>
      %squeeze3A_126 = vector.extract %slice3A_125[0] : i32 from vector<1xi32>
      %mul3A_127 = arith.constant 16 : i32
      %mul3A_128 = arith.muli %scan3A_24, %mul3A_127 : i32
      %add3A_129 = arith.constant 7 : i32
      %add3A_130 = arith.addi %mul3A_128, %add3A_129 : i32
      %dma_start3A_131 = arith.constant 0 : i32
      %dma_start3A_132 = tpu.memref_slice %arg11[%add3A_130, %dma_start3A_131] : memref<160x16xf32, #tpu.memory_space<vmem>> -> memref<1x16xf32, #tpu.memory_space<vmem>>
      %dma_start3A_133 = arith.constant 0 : i32
      %dma_start3A_134 = tpu.memref_slice %arg4[%squeeze3A_126, %dma_start3A_133] : memref<1000001x16xf32, #tpu.memory_space<hbm>> -> memref<1x16xf32, #tpu.memory_space<hbm>>
      %dma_start3A_135 = arith.constant 0 : i32
      %dma_start3A_136 = tpu.memref_slice %arg11[%add3A_130, %dma_start3A_135] : memref<160x16xf32, #tpu.memory_space<vmem>> -> memref<1x16xf32, #tpu.memory_space<vmem>>
      %dma_start3A_137 = arith.constant 0 : i32
      %dma_start3A_138 = tpu.memref_slice %arg4[%squeeze3A_126, %dma_start3A_137] : memref<1000001x16xf32, #tpu.memory_space<hbm>> -> memref<1x16xf32, #tpu.memory_space<hbm>>
      tpu.enqueue_dma source(%dma_start3A_138 : memref<1x16xf32, #tpu.memory_space<hbm>>) target(%dma_start3A_136 : memref<1x16xf32, #tpu.memory_space<vmem>>) target_semaphore(%arg16 : memref<!tpu.dma_semaphore, #tpu.memory_space<semaphore_mem>>)
      %slice3A_139 = vector.extract_strided_slice %get3A_29 {offsets = [8], sizes = [1], strides = [1]} : vector<16xi32> to vector<1xi32>
      %squeeze3A_140 = vector.extract %slice3A_139[0] : i32 from vector<1xi32>
      %mul3A_141 = arith.constant 16 : i32
      %mul3A_142 = arith.muli %scan3A_24, %mul3A_141 : i32
      %add3A_143 = arith.constant 8 : i32
      %add3A_144 = arith.addi %mul3A_142, %add3A_143 : i32
      %dma_start3A_145 = arith.constant 0 : i32
      %dma_start3A_146 = tpu.memref_slice %arg11[%add3A_144, %dma_start3A_145] : memref<160x16xf32, #tpu.memory_space<vmem>> -> memref<1x16xf32, #tpu.memory_space<vmem>>
      %dma_start3A_147 = arith.constant 0 : i32
      %dma_start3A_148 = tpu.memref_slice %arg4[%squeeze3A_140, %dma_start3A_147] : memref<1000001x16xf32, #tpu.memory_space<hbm>> -> memref<1x16xf32, #tpu.memory_space<hbm>>
      %dma_start3A_149 = arith.constant 0 : i32
      %dma_start3A_150 = tpu.memref_slice %arg11[%add3A_144, %dma_start3A_149] : memref<160x16xf32, #tpu.memory_space<vmem>> -> memref<1x16xf32, #tpu.memory_space<vmem>>
      %dma_start3A_151 = arith.constant 0 : i32
      %dma_start3A_152 = tpu.memref_slice %arg4[%squeeze3A_140, %dma_start3A_151] : memref<1000001x16xf32, #tpu.memory_space<hbm>> -> memref<1x16xf32, #tpu.memory_space<hbm>>
      tpu.enqueue_dma source(%dma_start3A_152 : memref<1x16xf32, #tpu.memory_space<hbm>>) target(%dma_start3A_150 : memref<1x16xf32, #tpu.memory_space<vmem>>) target_semaphore(%arg16 : memref<!tpu.dma_semaphore, #tpu.memory_space<semaphore_mem>>)
      %slice3A_153 = vector.extract_strided_slice %get3A_29 {offsets = [9], sizes = [1], strides = [1]} : vector<16xi32> to vector<1xi32>
      %squeeze3A_154 = vector.extract %slice3A_153[0] : i32 from vector<1xi32>
      %mul3A_155 = arith.constant 16 : i32
      %mul3A_156 = arith.muli %scan3A_24, %mul3A_155 : i32
      %add3A_157 = arith.constant 9 : i32
      %add3A_158 = arith.addi %mul3A_156, %add3A_157 : i32
      %dma_start3A_159 = arith.constant 0 : i32
      %dma_start3A_160 = tpu.memref_slice %arg11[%add3A_158, %dma_start3A_159] : memref<160x16xf32, #tpu.memory_space<vmem>> -> memref<1x16xf32, #tpu.memory_space<vmem>>
      %dma_start3A_161 = arith.constant 0 : i32
      %dma_start3A_162 = tpu.memref_slice %arg4[%squeeze3A_154, %dma_start3A_161] : memref<1000001x16xf32, #tpu.memory_space<hbm>> -> memref<1x16xf32, #tpu.memory_space<hbm>>
      %dma_start3A_163 = arith.constant 0 : i32
      %dma_start3A_164 = tpu.memref_slice %arg11[%add3A_158, %dma_start3A_163] : memref<160x16xf32, #tpu.memory_space<vmem>> -> memref<1x16xf32, #tpu.memory_space<vmem>>
      %dma_start3A_165 = arith.constant 0 : i32
      %dma_start3A_166 = tpu.memref_slice %arg4[%squeeze3A_154, %dma_start3A_165] : memref<1000001x16xf32, #tpu.memory_space<hbm>> -> memref<1x16xf32, #tpu.memory_space<hbm>>
      tpu.enqueue_dma source(%dma_start3A_166 : memref<1x16xf32, #tpu.memory_space<hbm>>) target(%dma_start3A_164 : memref<1x16xf32, #tpu.memory_space<vmem>>) target_semaphore(%arg16 : memref<!tpu.dma_semaphore, #tpu.memory_space<semaphore_mem>>)
      %slice3A_167 = vector.extract_strided_slice %get3A_29 {offsets = [10], sizes = [1], strides = [1]} : vector<16xi32> to vector<1xi32>
      %squeeze3A_168 = vector.extract %slice3A_167[0] : i32 from vector<1xi32>
      %mul3A_169 = arith.constant 16 : i32
      %mul3A_170 = arith.muli %scan3A_24, %mul3A_169 : i32
      %add3A_171 = arith.constant 10 : i32
      %add3A_172 = arith.addi %mul3A_170, %add3A_171 : i32
      %dma_start3A_173 = arith.constant 0 : i32
      %dma_start3A_174 = tpu.memref_slice %arg11[%add3A_172, %dma_start3A_173] : memref<160x16xf32, #tpu.memory_space<vmem>> -> memref<1x16xf32, #tpu.memory_space<vmem>>
      %dma_start3A_175 = arith.constant 0 : i32
      %dma_start3A_176 = tpu.memref_slice %arg4[%squeeze3A_168, %dma_start3A_175] : memref<1000001x16xf32, #tpu.memory_space<hbm>> -> memref<1x16xf32, #tpu.memory_space<hbm>>
      %dma_start3A_177 = arith.constant 0 : i32
      %dma_start3A_178 = tpu.memref_slice %arg11[%add3A_172, %dma_start3A_177] : memref<160x16xf32, #tpu.memory_space<vmem>> -> memref<1x16xf32, #tpu.memory_space<vmem>>
      %dma_start3A_179 = arith.constant 0 : i32
      %dma_start3A_180 = tpu.memref_slice %arg4[%squeeze3A_168, %dma_start3A_179] : memref<1000001x16xf32, #tpu.memory_space<hbm>> -> memref<1x16xf32, #tpu.memory_space<hbm>>
      tpu.enqueue_dma source(%dma_start3A_180 : memref<1x16xf32, #tpu.memory_space<hbm>>) target(%dma_start3A_178 : memref<1x16xf32, #tpu.memory_space<vmem>>) target_semaphore(%arg16 : memref<!tpu.dma_semaphore, #tpu.memory_space<semaphore_mem>>)
      %slice3A_181 = vector.extract_strided_slice %get3A_29 {offsets = [11], sizes = [1], strides = [1]} : vector<16xi32> to vector<1xi32>
      %squeeze3A_182 = vector.extract %slice3A_181[0] : i32 from vector<1xi32>
      %mul3A_183 = arith.constant 16 : i32
      %mul3A_184 = arith.muli %scan3A_24, %mul3A_183 : i32
      %add3A_185 = arith.constant 11 : i32
      %add3A_186 = arith.addi %mul3A_184, %add3A_185 : i32
      %dma_start3A_187 = arith.constant 0 : i32
      %dma_start3A_188 = tpu.memref_slice %arg11[%add3A_186, %dma_start3A_187] : memref<160x16xf32, #tpu.memory_space<vmem>> -> memref<1x16xf32, #tpu.memory_space<vmem>>
      %dma_start3A_189 = arith.constant 0 : i32
      %dma_start3A_190 = tpu.memref_slice %arg4[%squeeze3A_182, %dma_start3A_189] : memref<1000001x16xf32, #tpu.memory_space<hbm>> -> memref<1x16xf32, #tpu.memory_space<hbm>>
      %dma_start3A_191 = arith.constant 0 : i32
      %dma_start3A_192 = tpu.memref_slice %arg11[%add3A_186, %dma_start3A_191] : memref<160x16xf32, #tpu.memory_space<vmem>> -> memref<1x16xf32, #tpu.memory_space<vmem>>
      %dma_start3A_193 = arith.constant 0 : i32
      %dma_start3A_194 = tpu.memref_slice %arg4[%squeeze3A_182, %dma_start3A_193] : memref<1000001x16xf32, #tpu.memory_space<hbm>> -> memref<1x16xf32, #tpu.memory_space<hbm>>
      tpu.enqueue_dma source(%dma_start3A_194 : memref<1x16xf32, #tpu.memory_space<hbm>>) target(%dma_start3A_192 : memref<1x16xf32, #tpu.memory_space<vmem>>) target_semaphore(%arg16 : memref<!tpu.dma_semaphore, #tpu.memory_space<semaphore_mem>>)
      %slice3A_195 = vector.extract_strided_slice %get3A_29 {offsets = [12], sizes = [1], strides = [1]} : vector<16xi32> to vector<1xi32>
      %squeeze3A_196 = vector.extract %slice3A_195[0] : i32 from vector<1xi32>
      %mul3A_197 = arith.constant 16 : i32
      %mul3A_198 = arith.muli %scan3A_24, %mul3A_197 : i32
      %add3A_199 = arith.constant 12 : i32
      %add3A_200 = arith.addi %mul3A_198, %add3A_199 : i32
      %dma_start3A_201 = arith.constant 0 : i32
      %dma_start3A_202 = tpu.memref_slice %arg11[%add3A_200, %dma_start3A_201] : memref<160x16xf32, #tpu.memory_space<vmem>> -> memref<1x16xf32, #tpu.memory_space<vmem>>
      %dma_start3A_203 = arith.constant 0 : i32
      %dma_start3A_204 = tpu.memref_slice %arg4[%squeeze3A_196, %dma_start3A_203] : memref<1000001x16xf32, #tpu.memory_space<hbm>> -> memref<1x16xf32, #tpu.memory_space<hbm>>
      %dma_start3A_205 = arith.constant 0 : i32
      %dma_start3A_206 = tpu.memref_slice %arg11[%add3A_200, %dma_start3A_205] : memref<160x16xf32, #tpu.memory_space<vmem>> -> memref<1x16xf32, #tpu.memory_space<vmem>>
      %dma_start3A_207 = arith.constant 0 : i32
      %dma_start3A_208 = tpu.memref_slice %arg4[%squeeze3A_196, %dma_start3A_207] : memref<1000001x16xf32, #tpu.memory_space<hbm>> -> memref<1x16xf32, #tpu.memory_space<hbm>>
      tpu.enqueue_dma source(%dma_start3A_208 : memref<1x16xf32, #tpu.memory_space<hbm>>) target(%dma_start3A_206 : memref<1x16xf32, #tpu.memory_space<vmem>>) target_semaphore(%arg16 : memref<!tpu.dma_semaphore, #tpu.memory_space<semaphore_mem>>)
      %slice3A_209 = vector.extract_strided_slice %get3A_29 {offsets = [13], sizes = [1], strides = [1]} : vector<16xi32> to vector<1xi32>
      %squeeze3A_210 = vector.extract %slice3A_209[0] : i32 from vector<1xi32>
      %mul3A_211 = arith.constant 16 : i32
      %mul3A_212 = arith.muli %scan3A_24, %mul3A_211 : i32
      %add3A_213 = arith.constant 13 : i32
      %add3A_214 = arith.addi %mul3A_212, %add3A_213 : i32
      %dma_start3A_215 = arith.constant 0 : i32
      %dma_start3A_216 = tpu.memref_slice %arg11[%add3A_214, %dma_start3A_215] : memref<160x16xf32, #tpu.memory_space<vmem>> -> memref<1x16xf32, #tpu.memory_space<vmem>>
      %dma_start3A_217 = arith.constant 0 : i32
      %dma_start3A_218 = tpu.memref_slice %arg4[%squeeze3A_210, %dma_start3A_217] : memref<1000001x16xf32, #tpu.memory_space<hbm>> -> memref<1x16xf32, #tpu.memory_space<hbm>>
      %dma_start3A_219 = arith.constant 0 : i32
      %dma_start3A_220 = tpu.memref_slice %arg11[%add3A_214, %dma_start3A_219] : memref<160x16xf32, #tpu.memory_space<vmem>> -> memref<1x16xf32, #tpu.memory_space<vmem>>
      %dma_start3A_221 = arith.constant 0 : i32
      %dma_start3A_222 = tpu.memref_slice %arg4[%squeeze3A_210, %dma_start3A_221] : memref<1000001x16xf32, #tpu.memory_space<hbm>> -> memref<1x16xf32, #tpu.memory_space<hbm>>
      tpu.enqueue_dma source(%dma_start3A_222 : memref<1x16xf32, #tpu.memory_space<hbm>>) target(%dma_start3A_220 : memref<1x16xf32, #tpu.memory_space<vmem>>) target_semaphore(%arg16 : memref<!tpu.dma_semaphore, #tpu.memory_space<semaphore_mem>>)
      %slice3A_223 = vector.extract_strided_slice %get3A_29 {offsets = [14], sizes = [1], strides = [1]} : vector<16xi32> to vector<1xi32>
      %squeeze3A_224 = vector.extract %slice3A_223[0] : i32 from vector<1xi32>
      %mul3A_225 = arith.constant 16 : i32
      %mul3A_226 = arith.muli %scan3A_24, %mul3A_225 : i32
      %add3A_227 = arith.constant 14 : i32
      %add3A_228 = arith.addi %mul3A_226, %add3A_227 : i32
      %dma_start3A_229 = arith.constant 0 : i32
      %dma_start3A_230 = tpu.memref_slice %arg11[%add3A_228, %dma_start3A_229] : memref<160x16xf32, #tpu.memory_space<vmem>> -> memref<1x16xf32, #tpu.memory_space<vmem>>
      %dma_start3A_231 = arith.constant 0 : i32
      %dma_start3A_232 = tpu.memref_slice %arg4[%squeeze3A_224, %dma_start3A_231] : memref<1000001x16xf32, #tpu.memory_space<hbm>> -> memref<1x16xf32, #tpu.memory_space<hbm>>
      %dma_start3A_233 = arith.constant 0 : i32
      %dma_start3A_234 = tpu.memref_slice %arg11[%add3A_228, %dma_start3A_233] : memref<160x16xf32, #tpu.memory_space<vmem>> -> memref<1x16xf32, #tpu.memory_space<vmem>>
      %dma_start3A_235 = arith.constant 0 : i32
      %dma_start3A_236 = tpu.memref_slice %arg4[%squeeze3A_224, %dma_start3A_235] : memref<1000001x16xf32, #tpu.memory_space<hbm>> -> memref<1x16xf32, #tpu.memory_space<hbm>>
      tpu.enqueue_dma source(%dma_start3A_236 : memref<1x16xf32, #tpu.memory_space<hbm>>) target(%dma_start3A_234 : memref<1x16xf32, #tpu.memory_space<vmem>>) target_semaphore(%arg16 : memref<!tpu.dma_semaphore, #tpu.memory_space<semaphore_mem>>)
      %slice3A_237 = vector.extract_strided_slice %get3A_29 {offsets = [15], sizes = [1], strides = [1]} : vector<16xi32> to vector<1xi32>
      %squeeze3A_238 = vector.extract %slice3A_237[0] : i32 from vector<1xi32>
      %mul3A_239 = arith.constant 16 : i32
      %mul3A_240 = arith.muli %scan3A_24, %mul3A_239 : i32
      %add3A_241 = arith.constant 15 : i32
      %add3A_242 = arith.addi %mul3A_240, %add3A_241 : i32
      %dma_start3A_243 = arith.constant 0 : i32
      %dma_start3A_244 = tpu.memref_slice %arg11[%add3A_242, %dma_start3A_243] : memref<160x16xf32, #tpu.memory_space<vmem>> -> memref<1x16xf32, #tpu.memory_space<vmem>>
      %dma_start3A_245 = arith.constant 0 : i32
      %dma_start3A_246 = tpu.memref_slice %arg4[%squeeze3A_238, %dma_start3A_245] : memref<1000001x16xf32, #tpu.memory_space<hbm>> -> memref<1x16xf32, #tpu.memory_space<hbm>>
      %dma_start3A_247 = arith.constant 0 : i32
      %dma_start3A_248 = tpu.memref_slice %arg11[%add3A_242, %dma_start3A_247] : memref<160x16xf32, #tpu.memory_space<vmem>> -> memref<1x16xf32, #tpu.memory_space<vmem>>
      %dma_start3A_249 = arith.constant 0 : i32
      %dma_start3A_250 = tpu.memref_slice %arg4[%squeeze3A_238, %dma_start3A_249] : memref<1000001x16xf32, #tpu.memory_space<hbm>> -> memref<1x16xf32, #tpu.memory_space<hbm>>
      tpu.enqueue_dma source(%dma_start3A_250 : memref<1x16xf32, #tpu.memory_space<hbm>>) target(%dma_start3A_248 : memref<1x16xf32, #tpu.memory_space<vmem>>) target_semaphore(%arg16 : memref<!tpu.dma_semaphore, #tpu.memory_space<semaphore_mem>>)
    }
    %scan3A_13 = arith.constant 10 : i32
    %scan3A_14 = arith.constant 0 : i32
    %scan3A_15 = arith.constant 5 : i32
    %scan3A_16 = arith.addi %scan3A_14, %scan3A_15 : i32
    %scan3A_17 = arith.constant 1 : i32
    scf.for %scan3A_24 = %scan3A_14 to %scan3A_16 step %scan3A_17  : i32 {
      %mul3A_25 = arith.constant 16 : i32
      %mul3A_26 = arith.muli %scan3A_24, %mul3A_25 : i32
      %add3A_27 = arith.constant 0 : i32
      %add3A_28 = arith.addi %add3A_27, %mul3A_26 : i32
      %get3A = arith.index_cast %add3A_28 : i32 to index
      %get3A_29 = tpu.vector_load %arg10[%get3A] {strides = array<i32>} : memref<5120xi32, #tpu.memory_space<vmem>>, vector<16xi32>,
      %slice3A = vector.extract_strided_slice %get3A_29 {offsets = [0], sizes = [1], strides = [1]} : vector<16xi32> to vector<1xi32>
      %squeeze3A = vector.extract %slice3A[0] : i32 from vector<1xi32>
      %mul3A_30 = arith.constant 16 : i32
      %mul3A_31 = arith.muli %scan3A_24, %mul3A_30 : i32
      %add3A_32 = arith.constant 0 : i32
      %add3A_33 = arith.addi %mul3A_31, %add3A_32 : i32
      %dma_start3A = arith.constant 0 : i32
      %dma_start3A_34 = tpu.memref_slice %arg13[%add3A_33, %dma_start3A] : memref<80x16xf32, #tpu.memory_space<vmem>> -> memref<1x16xf32, #tpu.memory_space<vmem>>
      %dma_start3A_35 = arith.constant 0 : i32
      %dma_start3A_36 = tpu.memref_slice %arg5[%squeeze3A, %dma_start3A_35] : memref<100001x16xf32, #tpu.memory_space<hbm>> -> memref<1x16xf32, #tpu.memory_space<hbm>>
      %dma_start3A_37 = arith.constant 0 : i32
      %dma_start3A_38 = tpu.memref_slice %arg13[%add3A_33, %dma_start3A_37] : memref<80x16xf32, #tpu.memory_space<vmem>> -> memref<1x16xf32, #tpu.memory_space<vmem>>
      %dma_start3A_39 = arith.constant 0 : i32
      %dma_start3A_40 = tpu.memref_slice %arg5[%squeeze3A, %dma_start3A_39] : memref<100001x16xf32, #tpu.memory_space<hbm>> -> memref<1x16xf32, #tpu.memory_space<hbm>>
      tpu.enqueue_dma source(%dma_start3A_40 : memref<1x16xf32, #tpu.memory_space<hbm>>) target(%dma_start3A_38 : memref<1x16xf32, #tpu.memory_space<vmem>>) target_semaphore(%arg18 : memref<!tpu.dma_semaphore, #tpu.memory_space<semaphore_mem>>)
      %slice3A_41 = vector.extract_strided_slice %get3A_29 {offsets = [1], sizes = [1], strides = [1]} : vector<16xi32> to vector<1xi32>
      %squeeze3A_42 = vector.extract %slice3A_41[0] : i32 from vector<1xi32>
      %mul3A_43 = arith.constant 16 : i32
      %mul3A_44 = arith.muli %scan3A_24, %mul3A_43 : i32
      %add3A_45 = arith.constant 1 : i32
      %add3A_46 = arith.addi %mul3A_44, %add3A_45 : i32
      %dma_start3A_47 = arith.constant 0 : i32
      %dma_start3A_48 = tpu.memref_slice %arg13[%add3A_46, %dma_start3A_47] : memref<80x16xf32, #tpu.memory_space<vmem>> -> memref<1x16xf32, #tpu.memory_space<vmem>>
      %dma_start3A_49 = arith.constant 0 : i32
      %dma_start3A_50 = tpu.memref_slice %arg5[%squeeze3A_42, %dma_start3A_49] : memref<100001x16xf32, #tpu.memory_space<hbm>> -> memref<1x16xf32, #tpu.memory_space<hbm>>
      %dma_start3A_51 = arith.constant 0 : i32
      %dma_start3A_52 = tpu.memref_slice %arg13[%add3A_46, %dma_start3A_51] : memref<80x16xf32, #tpu.memory_space<vmem>> -> memref<1x16xf32, #tpu.memory_space<vmem>>
      %dma_start3A_53 = arith.constant 0 : i32
      %dma_start3A_54 = tpu.memref_slice %arg5[%squeeze3A_42, %dma_start3A_53] : memref<100001x16xf32, #tpu.memory_space<hbm>> -> memref<1x16xf32, #tpu.memory_space<hbm>>
      tpu.enqueue_dma source(%dma_start3A_54 : memref<1x16xf32, #tpu.memory_space<hbm>>) target(%dma_start3A_52 : memref<1x16xf32, #tpu.memory_space<vmem>>) target_semaphore(%arg18 : memref<!tpu.dma_semaphore, #tpu.memory_space<semaphore_mem>>)
      %slice3A_55 = vector.extract_strided_slice %get3A_29 {offsets = [2], sizes = [1], strides = [1]} : vector<16xi32> to vector<1xi32>
      %squeeze3A_56 = vector.extract %slice3A_55[0] : i32 from vector<1xi32>
      %mul3A_57 = arith.constant 16 : i32
      %mul3A_58 = arith.muli %scan3A_24, %mul3A_57 : i32
      %add3A_59 = arith.constant 2 : i32
      %add3A_60 = arith.addi %mul3A_58, %add3A_59 : i32
      %dma_start3A_61 = arith.constant 0 : i32
      %dma_start3A_62 = tpu.memref_slice %arg13[%add3A_60, %dma_start3A_61] : memref<80x16xf32, #tpu.memory_space<vmem>> -> memref<1x16xf32, #tpu.memory_space<vmem>>
      %dma_start3A_63 = arith.constant 0 : i32
      %dma_start3A_64 = tpu.memref_slice %arg5[%squeeze3A_56, %dma_start3A_63] : memref<100001x16xf32, #tpu.memory_space<hbm>> -> memref<1x16xf32, #tpu.memory_space<hbm>>
      %dma_start3A_65 = arith.constant 0 : i32
      %dma_start3A_66 = tpu.memref_slice %arg13[%add3A_60, %dma_start3A_65] : memref<80x16xf32, #tpu.memory_space<vmem>> -> memref<1x16xf32, #tpu.memory_space<vmem>>
      %dma_start3A_67 = arith.constant 0 : i32
      %dma_start3A_68 = tpu.memref_slice %arg5[%squeeze3A_56, %dma_start3A_67] : memref<100001x16xf32, #tpu.memory_space<hbm>> -> memref<1x16xf32, #tpu.memory_space<hbm>>
      tpu.enqueue_dma source(%dma_start3A_68 : memref<1x16xf32, #tpu.memory_space<hbm>>) target(%dma_start3A_66 : memref<1x16xf32, #tpu.memory_space<vmem>>) target_semaphore(%arg18 : memref<!tpu.dma_semaphore, #tpu.memory_space<semaphore_mem>>)
      %slice3A_69 = vector.extract_strided_slice %get3A_29 {offsets = [3], sizes = [1], strides = [1]} : vector<16xi32> to vector<1xi32>
      %squeeze3A_70 = vector.extract %slice3A_69[0] : i32 from vector<1xi32>
      %mul3A_71 = arith.constant 16 : i32
      %mul3A_72 = arith.muli %scan3A_24, %mul3A_71 : i32
      %add3A_73 = arith.constant 3 : i32
      %add3A_74 = arith.addi %mul3A_72, %add3A_73 : i32
      %dma_start3A_75 = arith.constant 0 : i32
      %dma_start3A_76 = tpu.memref_slice %arg13[%add3A_74, %dma_start3A_75] : memref<80x16xf32, #tpu.memory_space<vmem>> -> memref<1x16xf32, #tpu.memory_space<vmem>>
      %dma_start3A_77 = arith.constant 0 : i32
      %dma_start3A_78 = tpu.memref_slice %arg5[%squeeze3A_70, %dma_start3A_77] : memref<100001x16xf32, #tpu.memory_space<hbm>> -> memref<1x16xf32, #tpu.memory_space<hbm>>
      %dma_start3A_79 = arith.constant 0 : i32
      %dma_start3A_80 = tpu.memref_slice %arg13[%add3A_74, %dma_start3A_79] : memref<80x16xf32, #tpu.memory_space<vmem>> -> memref<1x16xf32, #tpu.memory_space<vmem>>
      %dma_start3A_81 = arith.constant 0 : i32
      %dma_start3A_82 = tpu.memref_slice %arg5[%squeeze3A_70, %dma_start3A_81] : memref<100001x16xf32, #tpu.memory_space<hbm>> -> memref<1x16xf32, #tpu.memory_space<hbm>>
      tpu.enqueue_dma source(%dma_start3A_82 : memref<1x16xf32, #tpu.memory_space<hbm>>) target(%dma_start3A_80 : memref<1x16xf32, #tpu.memory_space<vmem>>) target_semaphore(%arg18 : memref<!tpu.dma_semaphore, #tpu.memory_space<semaphore_mem>>)
      %slice3A_83 = vector.extract_strided_slice %get3A_29 {offsets = [4], sizes = [1], strides = [1]} : vector<16xi32> to vector<1xi32>
      %squeeze3A_84 = vector.extract %slice3A_83[0] : i32 from vector<1xi32>
      %mul3A_85 = arith.constant 16 : i32
      %mul3A_86 = arith.muli %scan3A_24, %mul3A_85 : i32
      %add3A_87 = arith.constant 4 : i32
      %add3A_88 = arith.addi %mul3A_86, %add3A_87 : i32
      %dma_start3A_89 = arith.constant 0 : i32
      %dma_start3A_90 = tpu.memref_slice %arg13[%add3A_88, %dma_start3A_89] : memref<80x16xf32, #tpu.memory_space<vmem>> -> memref<1x16xf32, #tpu.memory_space<vmem>>
      %dma_start3A_91 = arith.constant 0 : i32
      %dma_start3A_92 = tpu.memref_slice %arg5[%squeeze3A_84, %dma_start3A_91] : memref<100001x16xf32, #tpu.memory_space<hbm>> -> memref<1x16xf32, #tpu.memory_space<hbm>>
      %dma_start3A_93 = arith.constant 0 : i32
      %dma_start3A_94 = tpu.memref_slice %arg13[%add3A_88, %dma_start3A_93] : memref<80x16xf32, #tpu.memory_space<vmem>> -> memref<1x16xf32, #tpu.memory_space<vmem>>
      %dma_start3A_95 = arith.constant 0 : i32
      %dma_start3A_96 = tpu.memref_slice %arg5[%squeeze3A_84, %dma_start3A_95] : memref<100001x16xf32, #tpu.memory_space<hbm>> -> memref<1x16xf32, #tpu.memory_space<hbm>>
      tpu.enqueue_dma source(%dma_start3A_96 : memref<1x16xf32, #tpu.memory_space<hbm>>) target(%dma_start3A_94 : memref<1x16xf32, #tpu.memory_space<vmem>>) target_semaphore(%arg18 : memref<!tpu.dma_semaphore, #tpu.memory_space<semaphore_mem>>)
      %slice3A_97 = vector.extract_strided_slice %get3A_29 {offsets = [5], sizes = [1], strides = [1]} : vector<16xi32> to vector<1xi32>
      %squeeze3A_98 = vector.extract %slice3A_97[0] : i32 from vector<1xi32>
      %mul3A_99 = arith.constant 16 : i32
      %mul3A_100 = arith.muli %scan3A_24, %mul3A_99 : i32
      %add3A_101 = arith.constant 5 : i32
      %add3A_102 = arith.addi %mul3A_100, %add3A_101 : i32
      %dma_start3A_103 = arith.constant 0 : i32
      %dma_start3A_104 = tpu.memref_slice %arg13[%add3A_102, %dma_start3A_103] : memref<80x16xf32, #tpu.memory_space<vmem>> -> memref<1x16xf32, #tpu.memory_space<vmem>>
      %dma_start3A_105 = arith.constant 0 : i32
      %dma_start3A_106 = tpu.memref_slice %arg5[%squeeze3A_98, %dma_start3A_105] : memref<100001x16xf32, #tpu.memory_space<hbm>> -> memref<1x16xf32, #tpu.memory_space<hbm>>
      %dma_start3A_107 = arith.constant 0 : i32
      %dma_start3A_108 = tpu.memref_slice %arg13[%add3A_102, %dma_start3A_107] : memref<80x16xf32, #tpu.memory_space<vmem>> -> memref<1x16xf32, #tpu.memory_space<vmem>>
      %dma_start3A_109 = arith.constant 0 : i32
      %dma_start3A_110 = tpu.memref_slice %arg5[%squeeze3A_98, %dma_start3A_109] : memref<100001x16xf32, #tpu.memory_space<hbm>> -> memref<1x16xf32, #tpu.memory_space<hbm>>
      tpu.enqueue_dma source(%dma_start3A_110 : memref<1x16xf32, #tpu.memory_space<hbm>>) target(%dma_start3A_108 : memref<1x16xf32, #tpu.memory_space<vmem>>) target_semaphore(%arg18 : memref<!tpu.dma_semaphore, #tpu.memory_space<semaphore_mem>>)
      %slice3A_111 = vector.extract_strided_slice %get3A_29 {offsets = [6], sizes = [1], strides = [1]} : vector<16xi32> to vector<1xi32>
      %squeeze3A_112 = vector.extract %slice3A_111[0] : i32 from vector<1xi32>
      %mul3A_113 = arith.constant 16 : i32
      %mul3A_114 = arith.muli %scan3A_24, %mul3A_113 : i32
      %add3A_115 = arith.constant 6 : i32
      %add3A_116 = arith.addi %mul3A_114, %add3A_115 : i32
      %dma_start3A_117 = arith.constant 0 : i32
      %dma_start3A_118 = tpu.memref_slice %arg13[%add3A_116, %dma_start3A_117] : memref<80x16xf32, #tpu.memory_space<vmem>> -> memref<1x16xf32, #tpu.memory_space<vmem>>
      %dma_start3A_119 = arith.constant 0 : i32
      %dma_start3A_120 = tpu.memref_slice %arg5[%squeeze3A_112, %dma_start3A_119] : memref<100001x16xf32, #tpu.memory_space<hbm>> -> memref<1x16xf32, #tpu.memory_space<hbm>>
      %dma_start3A_121 = arith.constant 0 : i32
      %dma_start3A_122 = tpu.memref_slice %arg13[%add3A_116, %dma_start3A_121] : memref<80x16xf32, #tpu.memory_space<vmem>> -> memref<1x16xf32, #tpu.memory_space<vmem>>
      %dma_start3A_123 = arith.constant 0 : i32
      %dma_start3A_124 = tpu.memref_slice %arg5[%squeeze3A_112, %dma_start3A_123] : memref<100001x16xf32, #tpu.memory_space<hbm>> -> memref<1x16xf32, #tpu.memory_space<hbm>>
      tpu.enqueue_dma source(%dma_start3A_124 : memref<1x16xf32, #tpu.memory_space<hbm>>) target(%dma_start3A_122 : memref<1x16xf32, #tpu.memory_space<vmem>>) target_semaphore(%arg18 : memref<!tpu.dma_semaphore, #tpu.memory_space<semaphore_mem>>)
      %slice3A_125 = vector.extract_strided_slice %get3A_29 {offsets = [7], sizes = [1], strides = [1]} : vector<16xi32> to vector<1xi32>
      %squeeze3A_126 = vector.extract %slice3A_125[0] : i32 from vector<1xi32>
      %mul3A_127 = arith.constant 16 : i32
      %mul3A_128 = arith.muli %scan3A_24, %mul3A_127 : i32
      %add3A_129 = arith.constant 7 : i32
      %add3A_130 = arith.addi %mul3A_128, %add3A_129 : i32
      %dma_start3A_131 = arith.constant 0 : i32
      %dma_start3A_132 = tpu.memref_slice %arg13[%add3A_130, %dma_start3A_131] : memref<80x16xf32, #tpu.memory_space<vmem>> -> memref<1x16xf32, #tpu.memory_space<vmem>>
      %dma_start3A_133 = arith.constant 0 : i32
      %dma_start3A_134 = tpu.memref_slice %arg5[%squeeze3A_126, %dma_start3A_133] : memref<100001x16xf32, #tpu.memory_space<hbm>> -> memref<1x16xf32, #tpu.memory_space<hbm>>
      %dma_start3A_135 = arith.constant 0 : i32
      %dma_start3A_136 = tpu.memref_slice %arg13[%add3A_130, %dma_start3A_135] : memref<80x16xf32, #tpu.memory_space<vmem>> -> memref<1x16xf32, #tpu.memory_space<vmem>>
      %dma_start3A_137 = arith.constant 0 : i32
      %dma_start3A_138 = tpu.memref_slice %arg5[%squeeze3A_126, %dma_start3A_137] : memref<100001x16xf32, #tpu.memory_space<hbm>> -> memref<1x16xf32, #tpu.memory_space<hbm>>
      tpu.enqueue_dma source(%dma_start3A_138 : memref<1x16xf32, #tpu.memory_space<hbm>>) target(%dma_start3A_136 : memref<1x16xf32, #tpu.memory_space<vmem>>) target_semaphore(%arg18 : memref<!tpu.dma_semaphore, #tpu.memory_space<semaphore_mem>>)
      %slice3A_139 = vector.extract_strided_slice %get3A_29 {offsets = [8], sizes = [1], strides = [1]} : vector<16xi32> to vector<1xi32>
      %squeeze3A_140 = vector.extract %slice3A_139[0] : i32 from vector<1xi32>
      %mul3A_141 = arith.constant 16 : i32
      %mul3A_142 = arith.muli %scan3A_24, %mul3A_141 : i32
      %add3A_143 = arith.constant 8 : i32
      %add3A_144 = arith.addi %mul3A_142, %add3A_143 : i32
      %dma_start3A_145 = arith.constant 0 : i32
      %dma_start3A_146 = tpu.memref_slice %arg13[%add3A_144, %dma_start3A_145] : memref<80x16xf32, #tpu.memory_space<vmem>> -> memref<1x16xf32, #tpu.memory_space<vmem>>
      %dma_start3A_147 = arith.constant 0 : i32
      %dma_start3A_148 = tpu.memref_slice %arg5[%squeeze3A_140, %dma_start3A_147] : memref<100001x16xf32, #tpu.memory_space<hbm>> -> memref<1x16xf32, #tpu.memory_space<hbm>>
      %dma_start3A_149 = arith.constant 0 : i32
      %dma_start3A_150 = tpu.memref_slice %arg13[%add3A_144, %dma_start3A_149] : memref<80x16xf32, #tpu.memory_space<vmem>> -> memref<1x16xf32, #tpu.memory_space<vmem>>
      %dma_start3A_151 = arith.constant 0 : i32
      %dma_start3A_152 = tpu.memref_slice %arg5[%squeeze3A_140, %dma_start3A_151] : memref<100001x16xf32, #tpu.memory_space<hbm>> -> memref<1x16xf32, #tpu.memory_space<hbm>>
      tpu.enqueue_dma source(%dma_start3A_152 : memref<1x16xf32, #tpu.memory_space<hbm>>) target(%dma_start3A_150 : memref<1x16xf32, #tpu.memory_space<vmem>>) target_semaphore(%arg18 : memref<!tpu.dma_semaphore, #tpu.memory_space<semaphore_mem>>)
      %slice3A_153 = vector.extract_strided_slice %get3A_29 {offsets = [9], sizes = [1], strides = [1]} : vector<16xi32> to vector<1xi32>
      %squeeze3A_154 = vector.extract %slice3A_153[0] : i32 from vector<1xi32>
      %mul3A_155 = arith.constant 16 : i32
      %mul3A_156 = arith.muli %scan3A_24, %mul3A_155 : i32
      %add3A_157 = arith.constant 9 : i32
      %add3A_158 = arith.addi %mul3A_156, %add3A_157 : i32
      %dma_start3A_159 = arith.constant 0 : i32
      %dma_start3A_160 = tpu.memref_slice %arg13[%add3A_158, %dma_start3A_159] : memref<80x16xf32, #tpu.memory_space<vmem>> -> memref<1x16xf32, #tpu.memory_space<vmem>>
      %dma_start3A_161 = arith.constant 0 : i32
      %dma_start3A_162 = tpu.memref_slice %arg5[%squeeze3A_154, %dma_start3A_161] : memref<100001x16xf32, #tpu.memory_space<hbm>> -> memref<1x16xf32, #tpu.memory_space<hbm>>
      %dma_start3A_163 = arith.constant 0 : i32
      %dma_start3A_164 = tpu.memref_slice %arg13[%add3A_158, %dma_start3A_163] : memref<80x16xf32, #tpu.memory_space<vmem>> -> memref<1x16xf32, #tpu.memory_space<vmem>>
      %dma_start3A_165 = arith.constant 0 : i32
      %dma_start3A_166 = tpu.memref_slice %arg5[%squeeze3A_154, %dma_start3A_165] : memref<100001x16xf32, #tpu.memory_space<hbm>> -> memref<1x16xf32, #tpu.memory_space<hbm>>
      tpu.enqueue_dma source(%dma_start3A_166 : memref<1x16xf32, #tpu.memory_space<hbm>>) target(%dma_start3A_164 : memref<1x16xf32, #tpu.memory_space<vmem>>) target_semaphore(%arg18 : memref<!tpu.dma_semaphore, #tpu.memory_space<semaphore_mem>>)
      %slice3A_167 = vector.extract_strided_slice %get3A_29 {offsets = [10], sizes = [1], strides = [1]} : vector<16xi32> to vector<1xi32>
      %squeeze3A_168 = vector.extract %slice3A_167[0] : i32 from vector<1xi32>
      %mul3A_169 = arith.constant 16 : i32
      %mul3A_170 = arith.muli %scan3A_24, %mul3A_169 : i32
      %add3A_171 = arith.constant 10 : i32
      %add3A_172 = arith.addi %mul3A_170, %add3A_171 : i32
      %dma_start3A_173 = arith.constant 0 : i32
      %dma_start3A_174 = tpu.memref_slice %arg13[%add3A_172, %dma_start3A_173] : memref<80x16xf32, #tpu.memory_space<vmem>> -> memref<1x16xf32, #tpu.memory_space<vmem>>
      %dma_start3A_175 = arith.constant 0 : i32
      %dma_start3A_176 = tpu.memref_slice %arg5[%squeeze3A_168, %dma_start3A_175] : memref<100001x16xf32, #tpu.memory_space<hbm>> -> memref<1x16xf32, #tpu.memory_space<hbm>>
      %dma_start3A_177 = arith.constant 0 : i32
      %dma_start3A_178 = tpu.memref_slice %arg13[%add3A_172, %dma_start3A_177] : memref<80x16xf32, #tpu.memory_space<vmem>> -> memref<1x16xf32, #tpu.memory_space<vmem>>
      %dma_start3A_179 = arith.constant 0 : i32
      %dma_start3A_180 = tpu.memref_slice %arg5[%squeeze3A_168, %dma_start3A_179] : memref<100001x16xf32, #tpu.memory_space<hbm>> -> memref<1x16xf32, #tpu.memory_space<hbm>>
      tpu.enqueue_dma source(%dma_start3A_180 : memref<1x16xf32, #tpu.memory_space<hbm>>) target(%dma_start3A_178 : memref<1x16xf32, #tpu.memory_space<vmem>>) target_semaphore(%arg18 : memref<!tpu.dma_semaphore, #tpu.memory_space<semaphore_mem>>)
      %slice3A_181 = vector.extract_strided_slice %get3A_29 {offsets = [11], sizes = [1], strides = [1]} : vector<16xi32> to vector<1xi32>
      %squeeze3A_182 = vector.extract %slice3A_181[0] : i32 from vector<1xi32>
      %mul3A_183 = arith.constant 16 : i32
      %mul3A_184 = arith.muli %scan3A_24, %mul3A_183 : i32
      %add3A_185 = arith.constant 11 : i32
      %add3A_186 = arith.addi %mul3A_184, %add3A_185 : i32
      %dma_start3A_187 = arith.constant 0 : i32
      %dma_start3A_188 = tpu.memref_slice %arg13[%add3A_186, %dma_start3A_187] : memref<80x16xf32, #tpu.memory_space<vmem>> -> memref<1x16xf32, #tpu.memory_space<vmem>>
      %dma_start3A_189 = arith.constant 0 : i32
      %dma_start3A_190 = tpu.memref_slice %arg5[%squeeze3A_182, %dma_start3A_189] : memref<100001x16xf32, #tpu.memory_space<hbm>> -> memref<1x16xf32, #tpu.memory_space<hbm>>
      %dma_start3A_191 = arith.constant 0 : i32
      %dma_start3A_192 = tpu.memref_slice %arg13[%add3A_186, %dma_start3A_191] : memref<80x16xf32, #tpu.memory_space<vmem>> -> memref<1x16xf32, #tpu.memory_space<vmem>>
      %dma_start3A_193 = arith.constant 0 : i32
      %dma_start3A_194 = tpu.memref_slice %arg5[%squeeze3A_182, %dma_start3A_193] : memref<100001x16xf32, #tpu.memory_space<hbm>> -> memref<1x16xf32, #tpu.memory_space<hbm>>
      tpu.enqueue_dma source(%dma_start3A_194 : memref<1x16xf32, #tpu.memory_space<hbm>>) target(%dma_start3A_192 : memref<1x16xf32, #tpu.memory_space<vmem>>) target_semaphore(%arg18 : memref<!tpu.dma_semaphore, #tpu.memory_space<semaphore_mem>>)
      %slice3A_195 = vector.extract_strided_slice %get3A_29 {offsets = [12], sizes = [1], strides = [1]} : vector<16xi32> to vector<1xi32>
      %squeeze3A_196 = vector.extract %slice3A_195[0] : i32 from vector<1xi32>
      %mul3A_197 = arith.constant 16 : i32
      %mul3A_198 = arith.muli %scan3A_24, %mul3A_197 : i32
      %add3A_199 = arith.constant 12 : i32
      %add3A_200 = arith.addi %mul3A_198, %add3A_199 : i32
      %dma_start3A_201 = arith.constant 0 : i32
      %dma_start3A_202 = tpu.memref_slice %arg13[%add3A_200, %dma_start3A_201] : memref<80x16xf32, #tpu.memory_space<vmem>> -> memref<1x16xf32, #tpu.memory_space<vmem>>
      %dma_start3A_203 = arith.constant 0 : i32
      %dma_start3A_204 = tpu.memref_slice %arg5[%squeeze3A_196, %dma_start3A_203] : memref<100001x16xf32, #tpu.memory_space<hbm>> -> memref<1x16xf32, #tpu.memory_space<hbm>>
      %dma_start3A_205 = arith.constant 0 : i32
      %dma_start3A_206 = tpu.memref_slice %arg13[%add3A_200, %dma_start3A_205] : memref<80x16xf32, #tpu.memory_space<vmem>> -> memref<1x16xf32, #tpu.memory_space<vmem>>
      %dma_start3A_207 = arith.constant 0 : i32
      %dma_start3A_208 = tpu.memref_slice %arg5[%squeeze3A_196, %dma_start3A_207] : memref<100001x16xf32, #tpu.memory_space<hbm>> -> memref<1x16xf32, #tpu.memory_space<hbm>>
      tpu.enqueue_dma source(%dma_start3A_208 : memref<1x16xf32, #tpu.memory_space<hbm>>) target(%dma_start3A_206 : memref<1x16xf32, #tpu.memory_space<vmem>>) target_semaphore(%arg18 : memref<!tpu.dma_semaphore, #tpu.memory_space<semaphore_mem>>)
      %slice3A_209 = vector.extract_strided_slice %get3A_29 {offsets = [13], sizes = [1], strides = [1]} : vector<16xi32> to vector<1xi32>
      %squeeze3A_210 = vector.extract %slice3A_209[0] : i32 from vector<1xi32>
      %mul3A_211 = arith.constant 16 : i32
      %mul3A_212 = arith.muli %scan3A_24, %mul3A_211 : i32
      %add3A_213 = arith.constant 13 : i32
      %add3A_214 = arith.addi %mul3A_212, %add3A_213 : i32
      %dma_start3A_215 = arith.constant 0 : i32
      %dma_start3A_216 = tpu.memref_slice %arg13[%add3A_214, %dma_start3A_215] : memref<80x16xf32, #tpu.memory_space<vmem>> -> memref<1x16xf32, #tpu.memory_space<vmem>>
      %dma_start3A_217 = arith.constant 0 : i32
      %dma_start3A_218 = tpu.memref_slice %arg5[%squeeze3A_210, %dma_start3A_217] : memref<100001x16xf32, #tpu.memory_space<hbm>> -> memref<1x16xf32, #tpu.memory_space<hbm>>
      %dma_start3A_219 = arith.constant 0 : i32
      %dma_start3A_220 = tpu.memref_slice %arg13[%add3A_214, %dma_start3A_219] : memref<80x16xf32, #tpu.memory_space<vmem>> -> memref<1x16xf32, #tpu.memory_space<vmem>>
      %dma_start3A_221 = arith.constant 0 : i32
      %dma_start3A_222 = tpu.memref_slice %arg5[%squeeze3A_210, %dma_start3A_221] : memref<100001x16xf32, #tpu.memory_space<hbm>> -> memref<1x16xf32, #tpu.memory_space<hbm>>
      tpu.enqueue_dma source(%dma_start3A_222 : memref<1x16xf32, #tpu.memory_space<hbm>>) target(%dma_start3A_220 : memref<1x16xf32, #tpu.memory_space<vmem>>) target_semaphore(%arg18 : memref<!tpu.dma_semaphore, #tpu.memory_space<semaphore_mem>>)
      %slice3A_223 = vector.extract_strided_slice %get3A_29 {offsets = [14], sizes = [1], strides = [1]} : vector<16xi32> to vector<1xi32>
      %squeeze3A_224 = vector.extract %slice3A_223[0] : i32 from vector<1xi32>
      %mul3A_225 = arith.constant 16 : i32
      %mul3A_226 = arith.muli %scan3A_24, %mul3A_225 : i32
      %add3A_227 = arith.constant 14 : i32
      %add3A_228 = arith.addi %mul3A_226, %add3A_227 : i32
      %dma_start3A_229 = arith.constant 0 : i32
      %dma_start3A_230 = tpu.memref_slice %arg13[%add3A_228, %dma_start3A_229] : memref<80x16xf32, #tpu.memory_space<vmem>> -> memref<1x16xf32, #tpu.memory_space<vmem>>
      %dma_start3A_231 = arith.constant 0 : i32
      %dma_start3A_232 = tpu.memref_slice %arg5[%squeeze3A_224, %dma_start3A_231] : memref<100001x16xf32, #tpu.memory_space<hbm>> -> memref<1x16xf32, #tpu.memory_space<hbm>>
      %dma_start3A_233 = arith.constant 0 : i32
      %dma_start3A_234 = tpu.memref_slice %arg13[%add3A_228, %dma_start3A_233] : memref<80x16xf32, #tpu.memory_space<vmem>> -> memref<1x16xf32, #tpu.memory_space<vmem>>
      %dma_start3A_235 = arith.constant 0 : i32
      %dma_start3A_236 = tpu.memref_slice %arg5[%squeeze3A_224, %dma_start3A_235] : memref<100001x16xf32, #tpu.memory_space<hbm>> -> memref<1x16xf32, #tpu.memory_space<hbm>>
      tpu.enqueue_dma source(%dma_start3A_236 : memref<1x16xf32, #tpu.memory_space<hbm>>) target(%dma_start3A_234 : memref<1x16xf32, #tpu.memory_space<vmem>>) target_semaphore(%arg18 : memref<!tpu.dma_semaphore, #tpu.memory_space<semaphore_mem>>)
      %slice3A_237 = vector.extract_strided_slice %get3A_29 {offsets = [15], sizes = [1], strides = [1]} : vector<16xi32> to vector<1xi32>
      %squeeze3A_238 = vector.extract %slice3A_237[0] : i32 from vector<1xi32>
      %mul3A_239 = arith.constant 16 : i32
      %mul3A_240 = arith.muli %scan3A_24, %mul3A_239 : i32
      %add3A_241 = arith.constant 15 : i32
      %add3A_242 = arith.addi %mul3A_240, %add3A_241 : i32
      %dma_start3A_243 = arith.constant 0 : i32
      %dma_start3A_244 = tpu.memref_slice %arg13[%add3A_242, %dma_start3A_243] : memref<80x16xf32, #tpu.memory_space<vmem>> -> memref<1x16xf32, #tpu.memory_space<vmem>>
      %dma_start3A_245 = arith.constant 0 : i32
      %dma_start3A_246 = tpu.memref_slice %arg5[%squeeze3A_238, %dma_start3A_245] : memref<100001x16xf32, #tpu.memory_space<hbm>> -> memref<1x16xf32, #tpu.memory_space<hbm>>
      %dma_start3A_247 = arith.constant 0 : i32
      %dma_start3A_248 = tpu.memref_slice %arg13[%add3A_242, %dma_start3A_247] : memref<80x16xf32, #tpu.memory_space<vmem>> -> memref<1x16xf32, #tpu.memory_space<vmem>>
      %dma_start3A_249 = arith.constant 0 : i32
      %dma_start3A_250 = tpu.memref_slice %arg5[%squeeze3A_238, %dma_start3A_249] : memref<100001x16xf32, #tpu.memory_space<hbm>> -> memref<1x16xf32, #tpu.memory_space<hbm>>
      tpu.enqueue_dma source(%dma_start3A_250 : memref<1x16xf32, #tpu.memory_space<hbm>>) target(%dma_start3A_248 : memref<1x16xf32, #tpu.memory_space<vmem>>) target_semaphore(%arg18 : memref<!tpu.dma_semaphore, #tpu.memory_space<semaphore_mem>>)
    }
    %scan3A_18 = arith.constant 5 : i32
    %scan3A_19 = arith.constant 0 : i32
    %scan3A_20 = arith.constant 32 : i32
    %scan3A_21 = arith.addi %scan3A_19, %scan3A_20 : i32
    %scan3A_22 = arith.constant 1 : i32
    scf.for %scan3A_24 = %scan3A_19 to %scan3A_21 step %scan3A_22  : i32 {
      %mul3A_25 = arith.constant 2 : i32
      %mul3A_26 = arith.muli %mul3A_25, %scan3A_24 : i32
      %add3A_27 = arith.constant 0 : i32
      %add3A_28 = arith.addi %mul3A_26, %add3A_27 : i32
      %lt3A = arith.constant 64 : i32
      %lt3A_29 = arith.cmpi slt, %add3A_28, %lt3A : i32
      %convert_element_type3A = arith.extui %lt3A_29 : i1 to i32
      %cond3A = arith.constant 0 : i32
      %cond3A_30 = arith.cmpi ne, %convert_element_type3A, %cond3A : i32
      scf.if %cond3A_30 {
        tpu.wait_dma2 semaphore(%arg16 : memref<!tpu.dma_semaphore, #tpu.memory_space<semaphore_mem>>) src(%arg6 : memref<160x16xf32, #tpu.memory_space<hbm>>) dst(%arg11 : memref<160x16xf32, #tpu.memory_space<vmem>>)
        tpu.wait_dma2 semaphore(%arg18 : memref<!tpu.dma_semaphore, #tpu.memory_space<semaphore_mem>>) src(%arg7 : memref<80x16xf32, #tpu.memory_space<hbm>>) dst(%arg13 : memref<80x16xf32, #tpu.memory_space<vmem>>)
        %add3A_40 = arith.constant 1 : i32
        %add3A_41 = arith.addi %add3A_28, %add3A_40 : i32
        %lt3A_42 = arith.constant 64 : i32
        %lt3A_43 = arith.cmpi slt, %add3A_41, %lt3A_42 : i32
        %scan3A_44 = arith.constant 0 : i32
        %scan3A_45 = arith.constant 10 : i32
        %scan3A_46 = arith.addi %scan3A_44, %scan3A_45 : i32
        %scan3A_47 = arith.constant 1 : i32
        scf.for %scan3A_59 = %scan3A_44 to %scan3A_46 step %scan3A_47  : i32 {
          %mul3A_60 = arith.constant 8 : i32
          %mul3A_61 = arith.muli %add3A_28, %mul3A_60 : i32
          %mul3A_62 = arith.constant 20 : i32
          %mul3A_63 = arith.muli %mul3A_61, %mul3A_62 : i32
          %mul3A_64 = arith.constant 16 : i32
          %mul3A_65 = arith.muli %scan3A_59, %mul3A_64 : i32
          %add3A_66 = arith.addi %mul3A_63, %mul3A_65 : i32
          %get3A = arith.index_cast %add3A_66 : i32 to index
          %get3A_67 = tpu.vector_load %arg9[%get3A] {strides = array<i32>} : memref<10240xi32, #tpu.memory_space<vmem>>, vector<16xi32>,
          %eq3A_68 = arith.constant 0 : i32
          %eq3A_69 = vector.broadcast %eq3A_68 : i32 to vector<16xi32>
          %eq3A_70 = arith.cmpi eq, %get3A_67, %eq3A_69 : vector<16xi32>
          %mul3A_71 = arith.constant 16 : i32
          %mul3A_72 = arith.muli %scan3A_59, %mul3A_71 : i32
          %add3A_73 = vector.broadcast %mul3A_72 : i32 to vector<16xi32>
          %add3A_74 = arith.addi %add3A_73, %iota3A : vector<16xi32>
          %broadcast_in_dim3A_75 = arith.constant 0 : i32
          %broadcast_in_dim3A_76 = vector.broadcast %broadcast_in_dim3A_75 : i32 to vector<16xi32>
          tpu.vector_store_idx %arg11[%add3A_74, %broadcast_in_dim3A_76], %broadcast_in_dim3A_3 masked %eq3A_70 : memref<160x16xf32, #tpu.memory_space<vmem>>[vector<16xi32>, vector<16xi32>], vector<16xf32>, vector<16xi1>
          %broadcast_in_dim3A_77 = arith.constant 1 : i32
          %broadcast_in_dim3A_78 = vector.broadcast %broadcast_in_dim3A_77 : i32 to vector<16xi32>
          tpu.vector_store_idx %arg11[%add3A_74, %broadcast_in_dim3A_78], %broadcast_in_dim3A_3 masked %eq3A_70 : memref<160x16xf32, #tpu.memory_space<vmem>>[vector<16xi32>, vector<16xi32>], vector<16xf32>, vector<16xi1>
          %broadcast_in_dim3A_79 = arith.constant 2 : i32
          %broadcast_in_dim3A_80 = vector.broadcast %broadcast_in_dim3A_79 : i32 to vector<16xi32>
          tpu.vector_store_idx %arg11[%add3A_74, %broadcast_in_dim3A_80], %broadcast_in_dim3A_3 masked %eq3A_70 : memref<160x16xf32, #tpu.memory_space<vmem>>[vector<16xi32>, vector<16xi32>], vector<16xf32>, vector<16xi1>
          %broadcast_in_dim3A_81 = arith.constant 3 : i32
          %broadcast_in_dim3A_82 = vector.broadcast %broadcast_in_dim3A_81 : i32 to vector<16xi32>
          tpu.vector_store_idx %arg11[%add3A_74, %broadcast_in_dim3A_82], %broadcast_in_dim3A_3 masked %eq3A_70 : memref<160x16xf32, #tpu.memory_space<vmem>>[vector<16xi32>, vector<16xi32>], vector<16xf32>, vector<16xi1>
          %broadcast_in_dim3A_83 = arith.constant 4 : i32
          %broadcast_in_dim3A_84 = vector.broadcast %broadcast_in_dim3A_83 : i32 to vector<16xi32>
          tpu.vector_store_idx %arg11[%add3A_74, %broadcast_in_dim3A_84], %broadcast_in_dim3A_3 masked %eq3A_70 : memref<160x16xf32, #tpu.memory_space<vmem>>[vector<16xi32>, vector<16xi32>], vector<16xf32>, vector<16xi1>
          %broadcast_in_dim3A_85 = arith.constant 5 : i32
          %broadcast_in_dim3A_86 = vector.broadcast %broadcast_in_dim3A_85 : i32 to vector<16xi32>
          tpu.vector_store_idx %arg11[%add3A_74, %broadcast_in_dim3A_86], %broadcast_in_dim3A_3 masked %eq3A_70 : memref<160x16xf32, #tpu.memory_space<vmem>>[vector<16xi32>, vector<16xi32>], vector<16xf32>, vector<16xi1>
          %broadcast_in_dim3A_87 = arith.constant 6 : i32
          %broadcast_in_dim3A_88 = vector.broadcast %broadcast_in_dim3A_87 : i32 to vector<16xi32>
          tpu.vector_store_idx %arg11[%add3A_74, %broadcast_in_dim3A_88], %broadcast_in_dim3A_3 masked %eq3A_70 : memref<160x16xf32, #tpu.memory_space<vmem>>[vector<16xi32>, vector<16xi32>], vector<16xf32>, vector<16xi1>
          %broadcast_in_dim3A_89 = arith.constant 7 : i32
          %broadcast_in_dim3A_90 = vector.broadcast %broadcast_in_dim3A_89 : i32 to vector<16xi32>
          tpu.vector_store_idx %arg11[%add3A_74, %broadcast_in_dim3A_90], %broadcast_in_dim3A_3 masked %eq3A_70 : memref<160x16xf32, #tpu.memory_space<vmem>>[vector<16xi32>, vector<16xi32>], vector<16xf32>, vector<16xi1>
          %broadcast_in_dim3A_91 = arith.constant 8 : i32
          %broadcast_in_dim3A_92 = vector.broadcast %broadcast_in_dim3A_91 : i32 to vector<16xi32>
          tpu.vector_store_idx %arg11[%add3A_74, %broadcast_in_dim3A_92], %broadcast_in_dim3A_3 masked %eq3A_70 : memref<160x16xf32, #tpu.memory_space<vmem>>[vector<16xi32>, vector<16xi32>], vector<16xf32>, vector<16xi1>
          %broadcast_in_dim3A_93 = arith.constant 9 : i32
          %broadcast_in_dim3A_94 = vector.broadcast %broadcast_in_dim3A_93 : i32 to vector<16xi32>
          tpu.vector_store_idx %arg11[%add3A_74, %broadcast_in_dim3A_94], %broadcast_in_dim3A_3 masked %eq3A_70 : memref<160x16xf32, #tpu.memory_space<vmem>>[vector<16xi32>, vector<16xi32>], vector<16xf32>, vector<16xi1>
          %broadcast_in_dim3A_95 = arith.constant 10 : i32
          %broadcast_in_dim3A_96 = vector.broadcast %broadcast_in_dim3A_95 : i32 to vector<16xi32>
          tpu.vector_store_idx %arg11[%add3A_74, %broadcast_in_dim3A_96], %broadcast_in_dim3A_3 masked %eq3A_70 : memref<160x16xf32, #tpu.memory_space<vmem>>[vector<16xi32>, vector<16xi32>], vector<16xf32>, vector<16xi1>
          %broadcast_in_dim3A_97 = arith.constant 11 : i32
          %broadcast_in_dim3A_98 = vector.broadcast %broadcast_in_dim3A_97 : i32 to vector<16xi32>
          tpu.vector_store_idx %arg11[%add3A_74, %broadcast_in_dim3A_98], %broadcast_in_dim3A_3 masked %eq3A_70 : memref<160x16xf32, #tpu.memory_space<vmem>>[vector<16xi32>, vector<16xi32>], vector<16xf32>, vector<16xi1>
          %broadcast_in_dim3A_99 = arith.constant 12 : i32
          %broadcast_in_dim3A_100 = vector.broadcast %broadcast_in_dim3A_99 : i32 to vector<16xi32>
          tpu.vector_store_idx %arg11[%add3A_74, %broadcast_in_dim3A_100], %broadcast_in_dim3A_3 masked %eq3A_70 : memref<160x16xf32, #tpu.memory_space<vmem>>[vector<16xi32>, vector<16xi32>], vector<16xf32>, vector<16xi1>
          %broadcast_in_dim3A_101 = arith.constant 13 : i32
          %broadcast_in_dim3A_102 = vector.broadcast %broadcast_in_dim3A_101 : i32 to vector<16xi32>
          tpu.vector_store_idx %arg11[%add3A_74, %broadcast_in_dim3A_102], %broadcast_in_dim3A_3 masked %eq3A_70 : memref<160x16xf32, #tpu.memory_space<vmem>>[vector<16xi32>, vector<16xi32>], vector<16xf32>, vector<16xi1>
          %broadcast_in_dim3A_103 = arith.constant 14 : i32
          %broadcast_in_dim3A_104 = vector.broadcast %broadcast_in_dim3A_103 : i32 to vector<16xi32>
          tpu.vector_store_idx %arg11[%add3A_74, %broadcast_in_dim3A_104], %broadcast_in_dim3A_3 masked %eq3A_70 : memref<160x16xf32, #tpu.memory_space<vmem>>[vector<16xi32>, vector<16xi32>], vector<16xf32>, vector<16xi1>
          %broadcast_in_dim3A_105 = arith.constant 15 : i32
          %broadcast_in_dim3A_106 = vector.broadcast %broadcast_in_dim3A_105 : i32 to vector<16xi32>
          tpu.vector_store_idx %arg11[%add3A_74, %broadcast_in_dim3A_106], %broadcast_in_dim3A_3 masked %eq3A_70 : memref<160x16xf32, #tpu.memory_space<vmem>>[vector<16xi32>, vector<16xi32>], vector<16xf32>, vector<16xi1>
        }
        %scan3A_48 = arith.constant 10 : i32
        %scan3A_49 = arith.constant 0 : i32
        %scan3A_50 = arith.constant 5 : i32
        %scan3A_51 = arith.addi %scan3A_49, %scan3A_50 : i32
        %scan3A_52 = arith.constant 1 : i32
        scf.for %scan3A_59 = %scan3A_49 to %scan3A_51 step %scan3A_52  : i32 {
          %mul3A_60 = arith.constant 8 : i32
          %mul3A_61 = arith.muli %add3A_28, %mul3A_60 : i32
          %mul3A_62 = arith.constant 10 : i32
          %mul3A_63 = arith.muli %mul3A_61, %mul3A_62 : i32
          %mul3A_64 = arith.constant 16 : i32
          %mul3A_65 = arith.muli %scan3A_59, %mul3A_64 : i32
          %add3A_66 = arith.addi %mul3A_63, %mul3A_65 : i32
          %get3A = arith.index_cast %add3A_66 : i32 to index
          %get3A_67 = tpu.vector_load %arg10[%get3A] {strides = array<i32>} : memref<5120xi32, #tpu.memory_space<vmem>>, vector<16xi32>,
          %eq3A_68 = arith.constant 0 : i32
          %eq3A_69 = vector.broadcast %eq3A_68 : i32 to vector<16xi32>
          %eq3A_70 = arith.cmpi eq, %get3A_67, %eq3A_69 : vector<16xi32>
          %mul3A_71 = arith.constant 16 : i32
          %mul3A_72 = arith.muli %scan3A_59, %mul3A_71 : i32
          %add3A_73 = vector.broadcast %mul3A_72 : i32 to vector<16xi32>
          %add3A_74 = arith.addi %add3A_73, %iota3A : vector<16xi32>
          %broadcast_in_dim3A_75 = arith.constant 0 : i32
          %broadcast_in_dim3A_76 = vector.broadcast %broadcast_in_dim3A_75 : i32 to vector<16xi32>
          tpu.vector_store_idx %arg13[%add3A_74, %broadcast_in_dim3A_76], %broadcast_in_dim3A_3 masked %eq3A_70 : memref<80x16xf32, #tpu.memory_space<vmem>>[vector<16xi32>, vector<16xi32>], vector<16xf32>, vector<16xi1>
          %broadcast_in_dim3A_77 = arith.constant 1 : i32
          %broadcast_in_dim3A_78 = vector.broadcast %broadcast_in_dim3A_77 : i32 to vector<16xi32>
          tpu.vector_store_idx %arg13[%add3A_74, %broadcast_in_dim3A_78], %broadcast_in_dim3A_3 masked %eq3A_70 : memref<80x16xf32, #tpu.memory_space<vmem>>[vector<16xi32>, vector<16xi32>], vector<16xf32>, vector<16xi1>
          %broadcast_in_dim3A_79 = arith.constant 2 : i32
          %broadcast_in_dim3A_80 = vector.broadcast %broadcast_in_dim3A_79 : i32 to vector<16xi32>
          tpu.vector_store_idx %arg13[%add3A_74, %broadcast_in_dim3A_80], %broadcast_in_dim3A_3 masked %eq3A_70 : memref<80x16xf32, #tpu.memory_space<vmem>>[vector<16xi32>, vector<16xi32>], vector<16xf32>, vector<16xi1>
          %broadcast_in_dim3A_81 = arith.constant 3 : i32
          %broadcast_in_dim3A_82 = vector.broadcast %broadcast_in_dim3A_81 : i32 to vector<16xi32>
          tpu.vector_store_idx %arg13[%add3A_74, %broadcast_in_dim3A_82], %broadcast_in_dim3A_3 masked %eq3A_70 : memref<80x16xf32, #tpu.memory_space<vmem>>[vector<16xi32>, vector<16xi32>], vector<16xf32>, vector<16xi1>
          %broadcast_in_dim3A_83 = arith.constant 4 : i32
          %broadcast_in_dim3A_84 = vector.broadcast %broadcast_in_dim3A_83 : i32 to vector<16xi32>
          tpu.vector_store_idx %arg13[%add3A_74, %broadcast_in_dim3A_84], %broadcast_in_dim3A_3 masked %eq3A_70 : memref<80x16xf32, #tpu.memory_space<vmem>>[vector<16xi32>, vector<16xi32>], vector<16xf32>, vector<16xi1>
          %broadcast_in_dim3A_85 = arith.constant 5 : i32
          %broadcast_in_dim3A_86 = vector.broadcast %broadcast_in_dim3A_85 : i32 to vector<16xi32>
          tpu.vector_store_idx %arg13[%add3A_74, %broadcast_in_dim3A_86], %broadcast_in_dim3A_3 masked %eq3A_70 : memref<80x16xf32, #tpu.memory_space<vmem>>[vector<16xi32>, vector<16xi32>], vector<16xf32>, vector<16xi1>
          %broadcast_in_dim3A_87 = arith.constant 6 : i32
          %broadcast_in_dim3A_88 = vector.broadcast %broadcast_in_dim3A_87 : i32 to vector<16xi32>
          tpu.vector_store_idx %arg13[%add3A_74, %broadcast_in_dim3A_88], %broadcast_in_dim3A_3 masked %eq3A_70 : memref<80x16xf32, #tpu.memory_space<vmem>>[vector<16xi32>, vector<16xi32>], vector<16xf32>, vector<16xi1>
          %broadcast_in_dim3A_89 = arith.constant 7 : i32
          %broadcast_in_dim3A_90 = vector.broadcast %broadcast_in_dim3A_89 : i32 to vector<16xi32>
          tpu.vector_store_idx %arg13[%add3A_74, %broadcast_in_dim3A_90], %broadcast_in_dim3A_3 masked %eq3A_70 : memref<80x16xf32, #tpu.memory_space<vmem>>[vector<16xi32>, vector<16xi32>], vector<16xf32>, vector<16xi1>
          %broadcast_in_dim3A_91 = arith.constant 8 : i32
          %broadcast_in_dim3A_92 = vector.broadcast %broadcast_in_dim3A_91 : i32 to vector<16xi32>
          tpu.vector_store_idx %arg13[%add3A_74, %broadcast_in_dim3A_92], %broadcast_in_dim3A_3 masked %eq3A_70 : memref<80x16xf32, #tpu.memory_space<vmem>>[vector<16xi32>, vector<16xi32>], vector<16xf32>, vector<16xi1>
          %broadcast_in_dim3A_93 = arith.constant 9 : i32
          %broadcast_in_dim3A_94 = vector.broadcast %broadcast_in_dim3A_93 : i32 to vector<16xi32>
          tpu.vector_store_idx %arg13[%add3A_74, %broadcast_in_dim3A_94], %broadcast_in_dim3A_3 masked %eq3A_70 : memref<80x16xf32, #tpu.memory_space<vmem>>[vector<16xi32>, vector<16xi32>], vector<16xf32>, vector<16xi1>
          %broadcast_in_dim3A_95 = arith.constant 10 : i32
          %broadcast_in_dim3A_96 = vector.broadcast %broadcast_in_dim3A_95 : i32 to vector<16xi32>
          tpu.vector_store_idx %arg13[%add3A_74, %broadcast_in_dim3A_96], %broadcast_in_dim3A_3 masked %eq3A_70 : memref<80x16xf32, #tpu.memory_space<vmem>>[vector<16xi32>, vector<16xi32>], vector<16xf32>, vector<16xi1>
          %broadcast_in_dim3A_97 = arith.constant 11 : i32
          %broadcast_in_dim3A_98 = vector.broadcast %broadcast_in_dim3A_97 : i32 to vector<16xi32>
          tpu.vector_store_idx %arg13[%add3A_74, %broadcast_in_dim3A_98], %broadcast_in_dim3A_3 masked %eq3A_70 : memref<80x16xf32, #tpu.memory_space<vmem>>[vector<16xi32>, vector<16xi32>], vector<16xf32>, vector<16xi1>
          %broadcast_in_dim3A_99 = arith.constant 12 : i32
          %broadcast_in_dim3A_100 = vector.broadcast %broadcast_in_dim3A_99 : i32 to vector<16xi32>
          tpu.vector_store_idx %arg13[%add3A_74, %broadcast_in_dim3A_100], %broadcast_in_dim3A_3 masked %eq3A_70 : memref<80x16xf32, #tpu.memory_space<vmem>>[vector<16xi32>, vector<16xi32>], vector<16xf32>, vector<16xi1>
          %broadcast_in_dim3A_101 = arith.constant 13 : i32
          %broadcast_in_dim3A_102 = vector.broadcast %broadcast_in_dim3A_101 : i32 to vector<16xi32>
          tpu.vector_store_idx %arg13[%add3A_74, %broadcast_in_dim3A_102], %broadcast_in_dim3A_3 masked %eq3A_70 : memref<80x16xf32, #tpu.memory_space<vmem>>[vector<16xi32>, vector<16xi32>], vector<16xf32>, vector<16xi1>
          %broadcast_in_dim3A_103 = arith.constant 14 : i32
          %broadcast_in_dim3A_104 = vector.broadcast %broadcast_in_dim3A_103 : i32 to vector<16xi32>
          tpu.vector_store_idx %arg13[%add3A_74, %broadcast_in_dim3A_104], %broadcast_in_dim3A_3 masked %eq3A_70 : memref<80x16xf32, #tpu.memory_space<vmem>>[vector<16xi32>, vector<16xi32>], vector<16xf32>, vector<16xi1>
          %broadcast_in_dim3A_105 = arith.constant 15 : i32
          %broadcast_in_dim3A_106 = vector.broadcast %broadcast_in_dim3A_105 : i32 to vector<16xi32>
          tpu.vector_store_idx %arg13[%add3A_74, %broadcast_in_dim3A_106], %broadcast_in_dim3A_3 masked %eq3A_70 : memref<80x16xf32, #tpu.memory_space<vmem>>[vector<16xi32>, vector<16xi32>], vector<16xf32>, vector<16xi1>
        }
        %scan3A_53 = arith.constant 5 : i32
        %scan3A_54 = arith.constant 0 : i32
        %scan3A_55 = arith.constant 8 : i32
        %scan3A_56 = arith.addi %scan3A_54, %scan3A_55 : i32
        %scan3A_57 = arith.constant 1 : i32
        scf.for %scan3A_59 = %scan3A_54 to %scan3A_56 step %scan3A_57  : i32 {
          %mul3A_60 = arith.constant 2 : i32
          %mul3A_61 = arith.muli %scan3A_59, %mul3A_60 : i32
          %add3A_62 = arith.constant 0 : i32
          %add3A_63 = arith.addi %mul3A_61, %add3A_62 : i32
          %lt3A_64 = arith.constant 10 : i32
          %lt3A_65 = arith.cmpi slt, %add3A_63, %lt3A_64 : i32
          %and3A = arith.andi %lt3A_43, %lt3A_65 : i1
          %convert_element_type3A_66 = arith.extui %and3A : i1 to i32
          %cond3A_67 = arith.constant 0 : i32
          %cond3A_68 = arith.cmpi ne, %convert_element_type3A_66, %cond3A_67 : i32
          scf.if %cond3A_68 {
            %add3A_410 = arith.constant 1 : i32
            %add3A_411 = arith.addi %add3A_28, %add3A_410 : i32
            %mul3A_412 = arith.constant 8 : i32
            %mul3A_413 = arith.muli %add3A_411, %mul3A_412 : i32
            %mul3A_414 = arith.constant 20 : i32
            %mul3A_415 = arith.muli %mul3A_413, %mul3A_414 : i32
            %mul3A_416 = arith.constant 16 : i32
            %mul3A_417 = arith.muli %add3A_63, %mul3A_416 : i32
            %add3A_418 = arith.addi %mul3A_415, %mul3A_417 : i32
            %get3A_419 = arith.index_cast %add3A_418 : i32 to index
            %get3A_420 = tpu.vector_load %arg9[%get3A_419] {strides = array<i32>} : memref<10240xi32, #tpu.memory_space<vmem>>, vector<16xi32>,
            %slice3A = vector.extract_strided_slice %get3A_420 {offsets = [0], sizes = [1], strides = [1]} : vector<16xi32> to vector<1xi32>
            %squeeze3A = vector.extract %slice3A[0] : i32 from vector<1xi32>
            %mul3A_421 = arith.constant 16 : i32
            %mul3A_422 = arith.muli %add3A_63, %mul3A_421 : i32
            %add3A_423 = arith.constant 0 : i32
            %add3A_424 = arith.addi %mul3A_422, %add3A_423 : i32
            %dma_start3A = arith.constant 0 : i32
            %dma_start3A_425 = tpu.memref_slice %arg12[%add3A_424, %dma_start3A] : memref<160x16xf32, #tpu.memory_space<vmem>> -> memref<1x16xf32, #tpu.memory_space<vmem>>
            %dma_start3A_426 = arith.constant 0 : i32
            %dma_start3A_427 = tpu.memref_slice %arg4[%squeeze3A, %dma_start3A_426] : memref<1000001x16xf32, #tpu.memory_space<hbm>> -> memref<1x16xf32, #tpu.memory_space<hbm>>
            %dma_start3A_428 = arith.constant 0 : i32
            %dma_start3A_429 = tpu.memref_slice %arg12[%add3A_424, %dma_start3A_428] : memref<160x16xf32, #tpu.memory_space<vmem>> -> memref<1x16xf32, #tpu.memory_space<vmem>>
            %dma_start3A_430 = arith.constant 0 : i32
            %dma_start3A_431 = tpu.memref_slice %arg4[%squeeze3A, %dma_start3A_430] : memref<1000001x16xf32, #tpu.memory_space<hbm>> -> memref<1x16xf32, #tpu.memory_space<hbm>>
            tpu.enqueue_dma source(%dma_start3A_431 : memref<1x16xf32, #tpu.memory_space<hbm>>) target(%dma_start3A_429 : memref<1x16xf32, #tpu.memory_space<vmem>>) target_semaphore(%arg17 : memref<!tpu.dma_semaphore, #tpu.memory_space<semaphore_mem>>)
            %slice3A_432 = vector.extract_strided_slice %get3A_420 {offsets = [1], sizes = [1], strides = [1]} : vector<16xi32> to vector<1xi32>
            %squeeze3A_433 = vector.extract %slice3A_432[0] : i32 from vector<1xi32>
            %mul3A_434 = arith.constant 16 : i32
            %mul3A_435 = arith.muli %add3A_63, %mul3A_434 : i32
            %add3A_436 = arith.constant 1 : i32
            %add3A_437 = arith.addi %mul3A_435, %add3A_436 : i32
            %dma_start3A_438 = arith.constant 0 : i32
            %dma_start3A_439 = tpu.memref_slice %arg12[%add3A_437, %dma_start3A_438] : memref<160x16xf32, #tpu.memory_space<vmem>> -> memref<1x16xf32, #tpu.memory_space<vmem>>
            %dma_start3A_440 = arith.constant 0 : i32
            %dma_start3A_441 = tpu.memref_slice %arg4[%squeeze3A_433, %dma_start3A_440] : memref<1000001x16xf32, #tpu.memory_space<hbm>> -> memref<1x16xf32, #tpu.memory_space<hbm>>
            %dma_start3A_442 = arith.constant 0 : i32
            %dma_start3A_443 = tpu.memref_slice %arg12[%add3A_437, %dma_start3A_442] : memref<160x16xf32, #tpu.memory_space<vmem>> -> memref<1x16xf32, #tpu.memory_space<vmem>>
            %dma_start3A_444 = arith.constant 0 : i32
            %dma_start3A_445 = tpu.memref_slice %arg4[%squeeze3A_433, %dma_start3A_444] : memref<1000001x16xf32, #tpu.memory_space<hbm>> -> memref<1x16xf32, #tpu.memory_space<hbm>>
            tpu.enqueue_dma source(%dma_start3A_445 : memref<1x16xf32, #tpu.memory_space<hbm>>) target(%dma_start3A_443 : memref<1x16xf32, #tpu.memory_space<vmem>>) target_semaphore(%arg17 : memref<!tpu.dma_semaphore, #tpu.memory_space<semaphore_mem>>)
            %slice3A_446 = vector.extract_strided_slice %get3A_420 {offsets = [2], sizes = [1], strides = [1]} : vector<16xi32> to vector<1xi32>
            %squeeze3A_447 = vector.extract %slice3A_446[0] : i32 from vector<1xi32>
            %mul3A_448 = arith.constant 16 : i32
            %mul3A_449 = arith.muli %add3A_63, %mul3A_448 : i32
            %add3A_450 = arith.constant 2 : i32
            %add3A_451 = arith.addi %mul3A_449, %add3A_450 : i32
            %dma_start3A_452 = arith.constant 0 : i32
            %dma_start3A_453 = tpu.memref_slice %arg12[%add3A_451, %dma_start3A_452] : memref<160x16xf32, #tpu.memory_space<vmem>> -> memref<1x16xf32, #tpu.memory_space<vmem>>
            %dma_start3A_454 = arith.constant 0 : i32
            %dma_start3A_455 = tpu.memref_slice %arg4[%squeeze3A_447, %dma_start3A_454] : memref<1000001x16xf32, #tpu.memory_space<hbm>> -> memref<1x16xf32, #tpu.memory_space<hbm>>
            %dma_start3A_456 = arith.constant 0 : i32
            %dma_start3A_457 = tpu.memref_slice %arg12[%add3A_451, %dma_start3A_456] : memref<160x16xf32, #tpu.memory_space<vmem>> -> memref<1x16xf32, #tpu.memory_space<vmem>>
            %dma_start3A_458 = arith.constant 0 : i32
            %dma_start3A_459 = tpu.memref_slice %arg4[%squeeze3A_447, %dma_start3A_458] : memref<1000001x16xf32, #tpu.memory_space<hbm>> -> memref<1x16xf32, #tpu.memory_space<hbm>>
            tpu.enqueue_dma source(%dma_start3A_459 : memref<1x16xf32, #tpu.memory_space<hbm>>) target(%dma_start3A_457 : memref<1x16xf32, #tpu.memory_space<vmem>>) target_semaphore(%arg17 : memref<!tpu.dma_semaphore, #tpu.memory_space<semaphore_mem>>)
            %slice3A_460 = vector.extract_strided_slice %get3A_420 {offsets = [3], sizes = [1], strides = [1]} : vector<16xi32> to vector<1xi32>
            %squeeze3A_461 = vector.extract %slice3A_460[0] : i32 from vector<1xi32>
            %mul3A_462 = arith.constant 16 : i32
            %mul3A_463 = arith.muli %add3A_63, %mul3A_462 : i32
            %add3A_464 = arith.constant 3 : i32
            %add3A_465 = arith.addi %mul3A_463, %add3A_464 : i32
            %dma_start3A_466 = arith.constant 0 : i32
            %dma_start3A_467 = tpu.memref_slice %arg12[%add3A_465, %dma_start3A_466] : memref<160x16xf32, #tpu.memory_space<vmem>> -> memref<1x16xf32, #tpu.memory_space<vmem>>
            %dma_start3A_468 = arith.constant 0 : i32
            %dma_start3A_469 = tpu.memref_slice %arg4[%squeeze3A_461, %dma_start3A_468] : memref<1000001x16xf32, #tpu.memory_space<hbm>> -> memref<1x16xf32, #tpu.memory_space<hbm>>
            %dma_start3A_470 = arith.constant 0 : i32
            %dma_start3A_471 = tpu.memref_slice %arg12[%add3A_465, %dma_start3A_470] : memref<160x16xf32, #tpu.memory_space<vmem>> -> memref<1x16xf32, #tpu.memory_space<vmem>>
            %dma_start3A_472 = arith.constant 0 : i32
            %dma_start3A_473 = tpu.memref_slice %arg4[%squeeze3A_461, %dma_start3A_472] : memref<1000001x16xf32, #tpu.memory_space<hbm>> -> memref<1x16xf32, #tpu.memory_space<hbm>>
            tpu.enqueue_dma source(%dma_start3A_473 : memref<1x16xf32, #tpu.memory_space<hbm>>) target(%dma_start3A_471 : memref<1x16xf32, #tpu.memory_space<vmem>>) target_semaphore(%arg17 : memref<!tpu.dma_semaphore, #tpu.memory_space<semaphore_mem>>)
            %slice3A_474 = vector.extract_strided_slice %get3A_420 {offsets = [4], sizes = [1], strides = [1]} : vector<16xi32> to vector<1xi32>
            %squeeze3A_475 = vector.extract %slice3A_474[0] : i32 from vector<1xi32>
            %mul3A_476 = arith.constant 16 : i32
            %mul3A_477 = arith.muli %add3A_63, %mul3A_476 : i32
            %add3A_478 = arith.constant 4 : i32
            %add3A_479 = arith.addi %mul3A_477, %add3A_478 : i32
            %dma_start3A_480 = arith.constant 0 : i32
            %dma_start3A_481 = tpu.memref_slice %arg12[%add3A_479, %dma_start3A_480] : memref<160x16xf32, #tpu.memory_space<vmem>> -> memref<1x16xf32, #tpu.memory_space<vmem>>
            %dma_start3A_482 = arith.constant 0 : i32
            %dma_start3A_483 = tpu.memref_slice %arg4[%squeeze3A_475, %dma_start3A_482] : memref<1000001x16xf32, #tpu.memory_space<hbm>> -> memref<1x16xf32, #tpu.memory_space<hbm>>
            %dma_start3A_484 = arith.constant 0 : i32
            %dma_start3A_485 = tpu.memref_slice %arg12[%add3A_479, %dma_start3A_484] : memref<160x16xf32, #tpu.memory_space<vmem>> -> memref<1x16xf32, #tpu.memory_space<vmem>>
            %dma_start3A_486 = arith.constant 0 : i32
            %dma_start3A_487 = tpu.memref_slice %arg4[%squeeze3A_475, %dma_start3A_486] : memref<1000001x16xf32, #tpu.memory_space<hbm>> -> memref<1x16xf32, #tpu.memory_space<hbm>>
            tpu.enqueue_dma source(%dma_start3A_487 : memref<1x16xf32, #tpu.memory_space<hbm>>) target(%dma_start3A_485 : memref<1x16xf32, #tpu.memory_space<vmem>>) target_semaphore(%arg17 : memref<!tpu.dma_semaphore, #tpu.memory_space<semaphore_mem>>)
            %slice3A_488 = vector.extract_strided_slice %get3A_420 {offsets = [5], sizes = [1], strides = [1]} : vector<16xi32> to vector<1xi32>
            %squeeze3A_489 = vector.extract %slice3A_488[0] : i32 from vector<1xi32>
            %mul3A_490 = arith.constant 16 : i32
            %mul3A_491 = arith.muli %add3A_63, %mul3A_490 : i32
            %add3A_492 = arith.constant 5 : i32
            %add3A_493 = arith.addi %mul3A_491, %add3A_492 : i32
            %dma_start3A_494 = arith.constant 0 : i32
            %dma_start3A_495 = tpu.memref_slice %arg12[%add3A_493, %dma_start3A_494] : memref<160x16xf32, #tpu.memory_space<vmem>> -> memref<1x16xf32, #tpu.memory_space<vmem>>
            %dma_start3A_496 = arith.constant 0 : i32
            %dma_start3A_497 = tpu.memref_slice %arg4[%squeeze3A_489, %dma_start3A_496] : memref<1000001x16xf32, #tpu.memory_space<hbm>> -> memref<1x16xf32, #tpu.memory_space<hbm>>
            %dma_start3A_498 = arith.constant 0 : i32
            %dma_start3A_499 = tpu.memref_slice %arg12[%add3A_493, %dma_start3A_498] : memref<160x16xf32, #tpu.memory_space<vmem>> -> memref<1x16xf32, #tpu.memory_space<vmem>>
            %dma_start3A_500 = arith.constant 0 : i32
            %dma_start3A_501 = tpu.memref_slice %arg4[%squeeze3A_489, %dma_start3A_500] : memref<1000001x16xf32, #tpu.memory_space<hbm>> -> memref<1x16xf32, #tpu.memory_space<hbm>>
            tpu.enqueue_dma source(%dma_start3A_501 : memref<1x16xf32, #tpu.memory_space<hbm>>) target(%dma_start3A_499 : memref<1x16xf32, #tpu.memory_space<vmem>>) target_semaphore(%arg17 : memref<!tpu.dma_semaphore, #tpu.memory_space<semaphore_mem>>)
            %slice3A_502 = vector.extract_strided_slice %get3A_420 {offsets = [6], sizes = [1], strides = [1]} : vector<16xi32> to vector<1xi32>
            %squeeze3A_503 = vector.extract %slice3A_502[0] : i32 from vector<1xi32>
            %mul3A_504 = arith.constant 16 : i32
            %mul3A_505 = arith.muli %add3A_63, %mul3A_504 : i32
            %add3A_506 = arith.constant 6 : i32
            %add3A_507 = arith.addi %mul3A_505, %add3A_506 : i32
            %dma_start3A_508 = arith.constant 0 : i32
            %dma_start3A_509 = tpu.memref_slice %arg12[%add3A_507, %dma_start3A_508] : memref<160x16xf32, #tpu.memory_space<vmem>> -> memref<1x16xf32, #tpu.memory_space<vmem>>
            %dma_start3A_510 = arith.constant 0 : i32
            %dma_start3A_511 = tpu.memref_slice %arg4[%squeeze3A_503, %dma_start3A_510] : memref<1000001x16xf32, #tpu.memory_space<hbm>> -> memref<1x16xf32, #tpu.memory_space<hbm>>
            %dma_start3A_512 = arith.constant 0 : i32
            %dma_start3A_513 = tpu.memref_slice %arg12[%add3A_507, %dma_start3A_512] : memref<160x16xf32, #tpu.memory_space<vmem>> -> memref<1x16xf32, #tpu.memory_space<vmem>>
            %dma_start3A_514 = arith.constant 0 : i32
            %dma_start3A_515 = tpu.memref_slice %arg4[%squeeze3A_503, %dma_start3A_514] : memref<1000001x16xf32, #tpu.memory_space<hbm>> -> memref<1x16xf32, #tpu.memory_space<hbm>>
            tpu.enqueue_dma source(%dma_start3A_515 : memref<1x16xf32, #tpu.memory_space<hbm>>) target(%dma_start3A_513 : memref<1x16xf32, #tpu.memory_space<vmem>>) target_semaphore(%arg17 : memref<!tpu.dma_semaphore, #tpu.memory_space<semaphore_mem>>)
            %slice3A_516 = vector.extract_strided_slice %get3A_420 {offsets = [7], sizes = [1], strides = [1]} : vector<16xi32> to vector<1xi32>
            %squeeze3A_517 = vector.extract %slice3A_516[0] : i32 from vector<1xi32>
            %mul3A_518 = arith.constant 16 : i32
            %mul3A_519 = arith.muli %add3A_63, %mul3A_518 : i32
            %add3A_520 = arith.constant 7 : i32
            %add3A_521 = arith.addi %mul3A_519, %add3A_520 : i32
            %dma_start3A_522 = arith.constant 0 : i32
            %dma_start3A_523 = tpu.memref_slice %arg12[%add3A_521, %dma_start3A_522] : memref<160x16xf32, #tpu.memory_space<vmem>> -> memref<1x16xf32, #tpu.memory_space<vmem>>
            %dma_start3A_524 = arith.constant 0 : i32
            %dma_start3A_525 = tpu.memref_slice %arg4[%squeeze3A_517, %dma_start3A_524] : memref<1000001x16xf32, #tpu.memory_space<hbm>> -> memref<1x16xf32, #tpu.memory_space<hbm>>
            %dma_start3A_526 = arith.constant 0 : i32
            %dma_start3A_527 = tpu.memref_slice %arg12[%add3A_521, %dma_start3A_526] : memref<160x16xf32, #tpu.memory_space<vmem>> -> memref<1x16xf32, #tpu.memory_space<vmem>>
            %dma_start3A_528 = arith.constant 0 : i32
            %dma_start3A_529 = tpu.memref_slice %arg4[%squeeze3A_517, %dma_start3A_528] : memref<1000001x16xf32, #tpu.memory_space<hbm>> -> memref<1x16xf32, #tpu.memory_space<hbm>>
            tpu.enqueue_dma source(%dma_start3A_529 : memref<1x16xf32, #tpu.memory_space<hbm>>) target(%dma_start3A_527 : memref<1x16xf32, #tpu.memory_space<vmem>>) target_semaphore(%arg17 : memref<!tpu.dma_semaphore, #tpu.memory_space<semaphore_mem>>)
            %slice3A_530 = vector.extract_strided_slice %get3A_420 {offsets = [8], sizes = [1], strides = [1]} : vector<16xi32> to vector<1xi32>
            %squeeze3A_531 = vector.extract %slice3A_530[0] : i32 from vector<1xi32>
            %mul3A_532 = arith.constant 16 : i32
            %mul3A_533 = arith.muli %add3A_63, %mul3A_532 : i32
            %add3A_534 = arith.constant 8 : i32
            %add3A_535 = arith.addi %mul3A_533, %add3A_534 : i32
            %dma_start3A_536 = arith.constant 0 : i32
            %dma_start3A_537 = tpu.memref_slice %arg12[%add3A_535, %dma_start3A_536] : memref<160x16xf32, #tpu.memory_space<vmem>> -> memref<1x16xf32, #tpu.memory_space<vmem>>
            %dma_start3A_538 = arith.constant 0 : i32
            %dma_start3A_539 = tpu.memref_slice %arg4[%squeeze3A_531, %dma_start3A_538] : memref<1000001x16xf32, #tpu.memory_space<hbm>> -> memref<1x16xf32, #tpu.memory_space<hbm>>
            %dma_start3A_540 = arith.constant 0 : i32
            %dma_start3A_541 = tpu.memref_slice %arg12[%add3A_535, %dma_start3A_540] : memref<160x16xf32, #tpu.memory_space<vmem>> -> memref<1x16xf32, #tpu.memory_space<vmem>>
            %dma_start3A_542 = arith.constant 0 : i32
            %dma_start3A_543 = tpu.memref_slice %arg4[%squeeze3A_531, %dma_start3A_542] : memref<1000001x16xf32, #tpu.memory_space<hbm>> -> memref<1x16xf32, #tpu.memory_space<hbm>>
            tpu.enqueue_dma source(%dma_start3A_543 : memref<1x16xf32, #tpu.memory_space<hbm>>) target(%dma_start3A_541 : memref<1x16xf32, #tpu.memory_space<vmem>>) target_semaphore(%arg17 : memref<!tpu.dma_semaphore, #tpu.memory_space<semaphore_mem>>)
            %slice3A_544 = vector.extract_strided_slice %get3A_420 {offsets = [9], sizes = [1], strides = [1]} : vector<16xi32> to vector<1xi32>
            %squeeze3A_545 = vector.extract %slice3A_544[0] : i32 from vector<1xi32>
            %mul3A_546 = arith.constant 16 : i32
            %mul3A_547 = arith.muli %add3A_63, %mul3A_546 : i32
            %add3A_548 = arith.constant 9 : i32
            %add3A_549 = arith.addi %mul3A_547, %add3A_548 : i32
            %dma_start3A_550 = arith.constant 0 : i32
            %dma_start3A_551 = tpu.memref_slice %arg12[%add3A_549, %dma_start3A_550] : memref<160x16xf32, #tpu.memory_space<vmem>> -> memref<1x16xf32, #tpu.memory_space<vmem>>
            %dma_start3A_552 = arith.constant 0 : i32
            %dma_start3A_553 = tpu.memref_slice %arg4[%squeeze3A_545, %dma_start3A_552] : memref<1000001x16xf32, #tpu.memory_space<hbm>> -> memref<1x16xf32, #tpu.memory_space<hbm>>
            %dma_start3A_554 = arith.constant 0 : i32
            %dma_start3A_555 = tpu.memref_slice %arg12[%add3A_549, %dma_start3A_554] : memref<160x16xf32, #tpu.memory_space<vmem>> -> memref<1x16xf32, #tpu.memory_space<vmem>>
            %dma_start3A_556 = arith.constant 0 : i32
            %dma_start3A_557 = tpu.memref_slice %arg4[%squeeze3A_545, %dma_start3A_556] : memref<1000001x16xf32, #tpu.memory_space<hbm>> -> memref<1x16xf32, #tpu.memory_space<hbm>>
            tpu.enqueue_dma source(%dma_start3A_557 : memref<1x16xf32, #tpu.memory_space<hbm>>) target(%dma_start3A_555 : memref<1x16xf32, #tpu.memory_space<vmem>>) target_semaphore(%arg17 : memref<!tpu.dma_semaphore, #tpu.memory_space<semaphore_mem>>)
            %slice3A_558 = vector.extract_strided_slice %get3A_420 {offsets = [10], sizes = [1], strides = [1]} : vector<16xi32> to vector<1xi32>
            %squeeze3A_559 = vector.extract %slice3A_558[0] : i32 from vector<1xi32>
            %mul3A_560 = arith.constant 16 : i32
            %mul3A_561 = arith.muli %add3A_63, %mul3A_560 : i32
            %add3A_562 = arith.constant 10 : i32
            %add3A_563 = arith.addi %mul3A_561, %add3A_562 : i32
            %dma_start3A_564 = arith.constant 0 : i32
            %dma_start3A_565 = tpu.memref_slice %arg12[%add3A_563, %dma_start3A_564] : memref<160x16xf32, #tpu.memory_space<vmem>> -> memref<1x16xf32, #tpu.memory_space<vmem>>
            %dma_start3A_566 = arith.constant 0 : i32
            %dma_start3A_567 = tpu.memref_slice %arg4[%squeeze3A_559, %dma_start3A_566] : memref<1000001x16xf32, #tpu.memory_space<hbm>> -> memref<1x16xf32, #tpu.memory_space<hbm>>
            %dma_start3A_568 = arith.constant 0 : i32
            %dma_start3A_569 = tpu.memref_slice %arg12[%add3A_563, %dma_start3A_568] : memref<160x16xf32, #tpu.memory_space<vmem>> -> memref<1x16xf32, #tpu.memory_space<vmem>>
            %dma_start3A_570 = arith.constant 0 : i32
            %dma_start3A_571 = tpu.memref_slice %arg4[%squeeze3A_559, %dma_start3A_570] : memref<1000001x16xf32, #tpu.memory_space<hbm>> -> memref<1x16xf32, #tpu.memory_space<hbm>>
            tpu.enqueue_dma source(%dma_start3A_571 : memref<1x16xf32, #tpu.memory_space<hbm>>) target(%dma_start3A_569 : memref<1x16xf32, #tpu.memory_space<vmem>>) target_semaphore(%arg17 : memref<!tpu.dma_semaphore, #tpu.memory_space<semaphore_mem>>)
            %slice3A_572 = vector.extract_strided_slice %get3A_420 {offsets = [11], sizes = [1], strides = [1]} : vector<16xi32> to vector<1xi32>
            %squeeze3A_573 = vector.extract %slice3A_572[0] : i32 from vector<1xi32>
            %mul3A_574 = arith.constant 16 : i32
            %mul3A_575 = arith.muli %add3A_63, %mul3A_574 : i32
            %add3A_576 = arith.constant 11 : i32
            %add3A_577 = arith.addi %mul3A_575, %add3A_576 : i32
            %dma_start3A_578 = arith.constant 0 : i32
            %dma_start3A_579 = tpu.memref_slice %arg12[%add3A_577, %dma_start3A_578] : memref<160x16xf32, #tpu.memory_space<vmem>> -> memref<1x16xf32, #tpu.memory_space<vmem>>
            %dma_start3A_580 = arith.constant 0 : i32
            %dma_start3A_581 = tpu.memref_slice %arg4[%squeeze3A_573, %dma_start3A_580] : memref<1000001x16xf32, #tpu.memory_space<hbm>> -> memref<1x16xf32, #tpu.memory_space<hbm>>
            %dma_start3A_582 = arith.constant 0 : i32
            %dma_start3A_583 = tpu.memref_slice %arg12[%add3A_577, %dma_start3A_582] : memref<160x16xf32, #tpu.memory_space<vmem>> -> memref<1x16xf32, #tpu.memory_space<vmem>>
            %dma_start3A_584 = arith.constant 0 : i32
            %dma_start3A_585 = tpu.memref_slice %arg4[%squeeze3A_573, %dma_start3A_584] : memref<1000001x16xf32, #tpu.memory_space<hbm>> -> memref<1x16xf32, #tpu.memory_space<hbm>>
            tpu.enqueue_dma source(%dma_start3A_585 : memref<1x16xf32, #tpu.memory_space<hbm>>) target(%dma_start3A_583 : memref<1x16xf32, #tpu.memory_space<vmem>>) target_semaphore(%arg17 : memref<!tpu.dma_semaphore, #tpu.memory_space<semaphore_mem>>)
            %slice3A_586 = vector.extract_strided_slice %get3A_420 {offsets = [12], sizes = [1], strides = [1]} : vector<16xi32> to vector<1xi32>
            %squeeze3A_587 = vector.extract %slice3A_586[0] : i32 from vector<1xi32>
            %mul3A_588 = arith.constant 16 : i32
            %mul3A_589 = arith.muli %add3A_63, %mul3A_588 : i32
            %add3A_590 = arith.constant 12 : i32
            %add3A_591 = arith.addi %mul3A_589, %add3A_590 : i32
            %dma_start3A_592 = arith.constant 0 : i32
            %dma_start3A_593 = tpu.memref_slice %arg12[%add3A_591, %dma_start3A_592] : memref<160x16xf32, #tpu.memory_space<vmem>> -> memref<1x16xf32, #tpu.memory_space<vmem>>
            %dma_start3A_594 = arith.constant 0 : i32
            %dma_start3A_595 = tpu.memref_slice %arg4[%squeeze3A_587, %dma_start3A_594] : memref<1000001x16xf32, #tpu.memory_space<hbm>> -> memref<1x16xf32, #tpu.memory_space<hbm>>
            %dma_start3A_596 = arith.constant 0 : i32
            %dma_start3A_597 = tpu.memref_slice %arg12[%add3A_591, %dma_start3A_596] : memref<160x16xf32, #tpu.memory_space<vmem>> -> memref<1x16xf32, #tpu.memory_space<vmem>>
            %dma_start3A_598 = arith.constant 0 : i32
            %dma_start3A_599 = tpu.memref_slice %arg4[%squeeze3A_587, %dma_start3A_598] : memref<1000001x16xf32, #tpu.memory_space<hbm>> -> memref<1x16xf32, #tpu.memory_space<hbm>>
            tpu.enqueue_dma source(%dma_start3A_599 : memref<1x16xf32, #tpu.memory_space<hbm>>) target(%dma_start3A_597 : memref<1x16xf32, #tpu.memory_space<vmem>>) target_semaphore(%arg17 : memref<!tpu.dma_semaphore, #tpu.memory_space<semaphore_mem>>)
            %slice3A_600 = vector.extract_strided_slice %get3A_420 {offsets = [13], sizes = [1], strides = [1]} : vector<16xi32> to vector<1xi32>
            %squeeze3A_601 = vector.extract %slice3A_600[0] : i32 from vector<1xi32>
            %mul3A_602 = arith.constant 16 : i32
            %mul3A_603 = arith.muli %add3A_63, %mul3A_602 : i32
            %add3A_604 = arith.constant 13 : i32
            %add3A_605 = arith.addi %mul3A_603, %add3A_604 : i32
            %dma_start3A_606 = arith.constant 0 : i32
            %dma_start3A_607 = tpu.memref_slice %arg12[%add3A_605, %dma_start3A_606] : memref<160x16xf32, #tpu.memory_space<vmem>> -> memref<1x16xf32, #tpu.memory_space<vmem>>
            %dma_start3A_608 = arith.constant 0 : i32
            %dma_start3A_609 = tpu.memref_slice %arg4[%squeeze3A_601, %dma_start3A_608] : memref<1000001x16xf32, #tpu.memory_space<hbm>> -> memref<1x16xf32, #tpu.memory_space<hbm>>
            %dma_start3A_610 = arith.constant 0 : i32
            %dma_start3A_611 = tpu.memref_slice %arg12[%add3A_605, %dma_start3A_610] : memref<160x16xf32, #tpu.memory_space<vmem>> -> memref<1x16xf32, #tpu.memory_space<vmem>>
            %dma_start3A_612 = arith.constant 0 : i32
            %dma_start3A_613 = tpu.memref_slice %arg4[%squeeze3A_601, %dma_start3A_612] : memref<1000001x16xf32, #tpu.memory_space<hbm>> -> memref<1x16xf32, #tpu.memory_space<hbm>>
            tpu.enqueue_dma source(%dma_start3A_613 : memref<1x16xf32, #tpu.memory_space<hbm>>) target(%dma_start3A_611 : memref<1x16xf32, #tpu.memory_space<vmem>>) target_semaphore(%arg17 : memref<!tpu.dma_semaphore, #tpu.memory_space<semaphore_mem>>)
            %slice3A_614 = vector.extract_strided_slice %get3A_420 {offsets = [14], sizes = [1], strides = [1]} : vector<16xi32> to vector<1xi32>
            %squeeze3A_615 = vector.extract %slice3A_614[0] : i32 from vector<1xi32>
            %mul3A_616 = arith.constant 16 : i32
            %mul3A_617 = arith.muli %add3A_63, %mul3A_616 : i32
            %add3A_618 = arith.constant 14 : i32
            %add3A_619 = arith.addi %mul3A_617, %add3A_618 : i32
            %dma_start3A_620 = arith.constant 0 : i32
            %dma_start3A_621 = tpu.memref_slice %arg12[%add3A_619, %dma_start3A_620] : memref<160x16xf32, #tpu.memory_space<vmem>> -> memref<1x16xf32, #tpu.memory_space<vmem>>
            %dma_start3A_622 = arith.constant 0 : i32
            %dma_start3A_623 = tpu.memref_slice %arg4[%squeeze3A_615, %dma_start3A_622] : memref<1000001x16xf32, #tpu.memory_space<hbm>> -> memref<1x16xf32, #tpu.memory_space<hbm>>
            %dma_start3A_624 = arith.constant 0 : i32
            %dma_start3A_625 = tpu.memref_slice %arg12[%add3A_619, %dma_start3A_624] : memref<160x16xf32, #tpu.memory_space<vmem>> -> memref<1x16xf32, #tpu.memory_space<vmem>>
            %dma_start3A_626 = arith.constant 0 : i32
            %dma_start3A_627 = tpu.memref_slice %arg4[%squeeze3A_615, %dma_start3A_626] : memref<1000001x16xf32, #tpu.memory_space<hbm>> -> memref<1x16xf32, #tpu.memory_space<hbm>>
            tpu.enqueue_dma source(%dma_start3A_627 : memref<1x16xf32, #tpu.memory_space<hbm>>) target(%dma_start3A_625 : memref<1x16xf32, #tpu.memory_space<vmem>>) target_semaphore(%arg17 : memref<!tpu.dma_semaphore, #tpu.memory_space<semaphore_mem>>)
            %slice3A_628 = vector.extract_strided_slice %get3A_420 {offsets = [15], sizes = [1], strides = [1]} : vector<16xi32> to vector<1xi32>
            %squeeze3A_629 = vector.extract %slice3A_628[0] : i32 from vector<1xi32>
            %mul3A_630 = arith.constant 16 : i32
            %mul3A_631 = arith.muli %add3A_63, %mul3A_630 : i32
            %add3A_632 = arith.constant 15 : i32
            %add3A_633 = arith.addi %mul3A_631, %add3A_632 : i32
            %dma_start3A_634 = arith.constant 0 : i32
            %dma_start3A_635 = tpu.memref_slice %arg12[%add3A_633, %dma_start3A_634] : memref<160x16xf32, #tpu.memory_space<vmem>> -> memref<1x16xf32, #tpu.memory_space<vmem>>
            %dma_start3A_636 = arith.constant 0 : i32
            %dma_start3A_637 = tpu.memref_slice %arg4[%squeeze3A_629, %dma_start3A_636] : memref<1000001x16xf32, #tpu.memory_space<hbm>> -> memref<1x16xf32, #tpu.memory_space<hbm>>
            %dma_start3A_638 = arith.constant 0 : i32
            %dma_start3A_639 = tpu.memref_slice %arg12[%add3A_633, %dma_start3A_638] : memref<160x16xf32, #tpu.memory_space<vmem>> -> memref<1x16xf32, #tpu.memory_space<vmem>>
            %dma_start3A_640 = arith.constant 0 : i32
            %dma_start3A_641 = tpu.memref_slice %arg4[%squeeze3A_629, %dma_start3A_640] : memref<1000001x16xf32, #tpu.memory_space<hbm>> -> memref<1x16xf32, #tpu.memory_space<hbm>>
            tpu.enqueue_dma source(%dma_start3A_641 : memref<1x16xf32, #tpu.memory_space<hbm>>) target(%dma_start3A_639 : memref<1x16xf32, #tpu.memory_space<vmem>>) target_semaphore(%arg17 : memref<!tpu.dma_semaphore, #tpu.memory_space<semaphore_mem>>)
          } else {
          }
          %ge3A = arith.constant 10 : i32
          %ge3A_69 = arith.cmpi sge, %add3A_63, %ge3A : i32
          %lt3A_70 = arith.constant 15 : i32
          %lt3A_71 = arith.cmpi slt, %add3A_63, %lt3A_70 : i32
          %and3A_72 = arith.andi %ge3A_69, %lt3A_71 : i1
          %and3A_73 = arith.andi %lt3A_43, %and3A_72 : i1
          %convert_element_type3A_74 = arith.extui %and3A_73 : i1 to i32
          %cond3A_75 = arith.constant 0 : i32
          %cond3A_76 = arith.cmpi ne, %convert_element_type3A_74, %cond3A_75 : i32
          scf.if %cond3A_76 {
            %add3A_410 = arith.constant 1 : i32
            %add3A_411 = arith.addi %add3A_28, %add3A_410 : i32
            %sub3A_412 = arith.constant 10 : i32
            %sub3A_413 = arith.subi %add3A_63, %sub3A_412 : i32
            %mul3A_414 = arith.constant 8 : i32
            %mul3A_415 = arith.muli %add3A_411, %mul3A_414 : i32
            %mul3A_416 = arith.constant 10 : i32
            %mul3A_417 = arith.muli %mul3A_415, %mul3A_416 : i32
            %mul3A_418 = arith.constant 16 : i32
            %mul3A_419 = arith.muli %sub3A_413, %mul3A_418 : i32
            %add3A_420 = arith.addi %mul3A_417, %mul3A_419 : i32
            %get3A_421 = arith.index_cast %add3A_420 : i32 to index
            %get3A_422 = tpu.vector_load %arg10[%get3A_421] {strides = array<i32>} : memref<5120xi32, #tpu.memory_space<vmem>>, vector<16xi32>,
            %slice3A = vector.extract_strided_slice %get3A_422 {offsets = [0], sizes = [1], strides = [1]} : vector<16xi32> to vector<1xi32>
            %squeeze3A = vector.extract %slice3A[0] : i32 from vector<1xi32>
            %mul3A_423 = arith.constant 16 : i32
            %mul3A_424 = arith.muli %sub3A_413, %mul3A_423 : i32
            %add3A_425 = arith.constant 0 : i32
            %add3A_426 = arith.addi %mul3A_424, %add3A_425 : i32
            %dma_start3A = arith.constant 0 : i32
            %dma_start3A_427 = tpu.memref_slice %arg14[%add3A_426, %dma_start3A] : memref<80x16xf32, #tpu.memory_space<vmem>> -> memref<1x16xf32, #tpu.memory_space<vmem>>
            %dma_start3A_428 = arith.constant 0 : i32
            %dma_start3A_429 = tpu.memref_slice %arg5[%squeeze3A, %dma_start3A_428] : memref<100001x16xf32, #tpu.memory_space<hbm>> -> memref<1x16xf32, #tpu.memory_space<hbm>>
            %dma_start3A_430 = arith.constant 0 : i32
            %dma_start3A_431 = tpu.memref_slice %arg14[%add3A_426, %dma_start3A_430] : memref<80x16xf32, #tpu.memory_space<vmem>> -> memref<1x16xf32, #tpu.memory_space<vmem>>
            %dma_start3A_432 = arith.constant 0 : i32
            %dma_start3A_433 = tpu.memref_slice %arg5[%squeeze3A, %dma_start3A_432] : memref<100001x16xf32, #tpu.memory_space<hbm>> -> memref<1x16xf32, #tpu.memory_space<hbm>>
            tpu.enqueue_dma source(%dma_start3A_433 : memref<1x16xf32, #tpu.memory_space<hbm>>) target(%dma_start3A_431 : memref<1x16xf32, #tpu.memory_space<vmem>>) target_semaphore(%arg19 : memref<!tpu.dma_semaphore, #tpu.memory_space<semaphore_mem>>)
            %slice3A_434 = vector.extract_strided_slice %get3A_422 {offsets = [1], sizes = [1], strides = [1]} : vector<16xi32> to vector<1xi32>
            %squeeze3A_435 = vector.extract %slice3A_434[0] : i32 from vector<1xi32>
            %mul3A_436 = arith.constant 16 : i32
            %mul3A_437 = arith.muli %sub3A_413, %mul3A_436 : i32
            %add3A_438 = arith.constant 1 : i32
            %add3A_439 = arith.addi %mul3A_437, %add3A_438 : i32
            %dma_start3A_440 = arith.constant 0 : i32
            %dma_start3A_441 = tpu.memref_slice %arg14[%add3A_439, %dma_start3A_440] : memref<80x16xf32, #tpu.memory_space<vmem>> -> memref<1x16xf32, #tpu.memory_space<vmem>>
            %dma_start3A_442 = arith.constant 0 : i32
            %dma_start3A_443 = tpu.memref_slice %arg5[%squeeze3A_435, %dma_start3A_442] : memref<100001x16xf32, #tpu.memory_space<hbm>> -> memref<1x16xf32, #tpu.memory_space<hbm>>
            %dma_start3A_444 = arith.constant 0 : i32
            %dma_start3A_445 = tpu.memref_slice %arg14[%add3A_439, %dma_start3A_444] : memref<80x16xf32, #tpu.memory_space<vmem>> -> memref<1x16xf32, #tpu.memory_space<vmem>>
            %dma_start3A_446 = arith.constant 0 : i32
            %dma_start3A_447 = tpu.memref_slice %arg5[%squeeze3A_435, %dma_start3A_446] : memref<100001x16xf32, #tpu.memory_space<hbm>> -> memref<1x16xf32, #tpu.memory_space<hbm>>
            tpu.enqueue_dma source(%dma_start3A_447 : memref<1x16xf32, #tpu.memory_space<hbm>>) target(%dma_start3A_445 : memref<1x16xf32, #tpu.memory_space<vmem>>) target_semaphore(%arg19 : memref<!tpu.dma_semaphore, #tpu.memory_space<semaphore_mem>>)
            %slice3A_448 = vector.extract_strided_slice %get3A_422 {offsets = [2], sizes = [1], strides = [1]} : vector<16xi32> to vector<1xi32>
            %squeeze3A_449 = vector.extract %slice3A_448[0] : i32 from vector<1xi32>
            %mul3A_450 = arith.constant 16 : i32
            %mul3A_451 = arith.muli %sub3A_413, %mul3A_450 : i32
            %add3A_452 = arith.constant 2 : i32
            %add3A_453 = arith.addi %mul3A_451, %add3A_452 : i32
            %dma_start3A_454 = arith.constant 0 : i32
            %dma_start3A_455 = tpu.memref_slice %arg14[%add3A_453, %dma_start3A_454] : memref<80x16xf32, #tpu.memory_space<vmem>> -> memref<1x16xf32, #tpu.memory_space<vmem>>
            %dma_start3A_456 = arith.constant 0 : i32
            %dma_start3A_457 = tpu.memref_slice %arg5[%squeeze3A_449, %dma_start3A_456] : memref<100001x16xf32, #tpu.memory_space<hbm>> -> memref<1x16xf32, #tpu.memory_space<hbm>>
            %dma_start3A_458 = arith.constant 0 : i32
            %dma_start3A_459 = tpu.memref_slice %arg14[%add3A_453, %dma_start3A_458] : memref<80x16xf32, #tpu.memory_space<vmem>> -> memref<1x16xf32, #tpu.memory_space<vmem>>
            %dma_start3A_460 = arith.constant 0 : i32
            %dma_start3A_461 = tpu.memref_slice %arg5[%squeeze3A_449, %dma_start3A_460] : memref<100001x16xf32, #tpu.memory_space<hbm>> -> memref<1x16xf32, #tpu.memory_space<hbm>>
            tpu.enqueue_dma source(%dma_start3A_461 : memref<1x16xf32, #tpu.memory_space<hbm>>) target(%dma_start3A_459 : memref<1x16xf32, #tpu.memory_space<vmem>>) target_semaphore(%arg19 : memref<!tpu.dma_semaphore, #tpu.memory_space<semaphore_mem>>)
            %slice3A_462 = vector.extract_strided_slice %get3A_422 {offsets = [3], sizes = [1], strides = [1]} : vector<16xi32> to vector<1xi32>
            %squeeze3A_463 = vector.extract %slice3A_462[0] : i32 from vector<1xi32>
            %mul3A_464 = arith.constant 16 : i32
            %mul3A_465 = arith.muli %sub3A_413, %mul3A_464 : i32
            %add3A_466 = arith.constant 3 : i32
            %add3A_467 = arith.addi %mul3A_465, %add3A_466 : i32
            %dma_start3A_468 = arith.constant 0 : i32
            %dma_start3A_469 = tpu.memref_slice %arg14[%add3A_467, %dma_start3A_468] : memref<80x16xf32, #tpu.memory_space<vmem>> -> memref<1x16xf32, #tpu.memory_space<vmem>>
            %dma_start3A_470 = arith.constant 0 : i32
            %dma_start3A_471 = tpu.memref_slice %arg5[%squeeze3A_463, %dma_start3A_470] : memref<100001x16xf32, #tpu.memory_space<hbm>> -> memref<1x16xf32, #tpu.memory_space<hbm>>
            %dma_start3A_472 = arith.constant 0 : i32
            %dma_start3A_473 = tpu.memref_slice %arg14[%add3A_467, %dma_start3A_472] : memref<80x16xf32, #tpu.memory_space<vmem>> -> memref<1x16xf32, #tpu.memory_space<vmem>>
            %dma_start3A_474 = arith.constant 0 : i32
            %dma_start3A_475 = tpu.memref_slice %arg5[%squeeze3A_463, %dma_start3A_474] : memref<100001x16xf32, #tpu.memory_space<hbm>> -> memref<1x16xf32, #tpu.memory_space<hbm>>
            tpu.enqueue_dma source(%dma_start3A_475 : memref<1x16xf32, #tpu.memory_space<hbm>>) target(%dma_start3A_473 : memref<1x16xf32, #tpu.memory_space<vmem>>) target_semaphore(%arg19 : memref<!tpu.dma_semaphore, #tpu.memory_space<semaphore_mem>>)
            %slice3A_476 = vector.extract_strided_slice %get3A_422 {offsets = [4], sizes = [1], strides = [1]} : vector<16xi32> to vector<1xi32>
            %squeeze3A_477 = vector.extract %slice3A_476[0] : i32 from vector<1xi32>
            %mul3A_478 = arith.constant 16 : i32
            %mul3A_479 = arith.muli %sub3A_413, %mul3A_478 : i32
            %add3A_480 = arith.constant 4 : i32
            %add3A_481 = arith.addi %mul3A_479, %add3A_480 : i32
            %dma_start3A_482 = arith.constant 0 : i32
            %dma_start3A_483 = tpu.memref_slice %arg14[%add3A_481, %dma_start3A_482] : memref<80x16xf32, #tpu.memory_space<vmem>> -> memref<1x16xf32, #tpu.memory_space<vmem>>
            %dma_start3A_484 = arith.constant 0 : i32
            %dma_start3A_485 = tpu.memref_slice %arg5[%squeeze3A_477, %dma_start3A_484] : memref<100001x16xf32, #tpu.memory_space<hbm>> -> memref<1x16xf32, #tpu.memory_space<hbm>>
            %dma_start3A_486 = arith.constant 0 : i32
            %dma_start3A_487 = tpu.memref_slice %arg14[%add3A_481, %dma_start3A_486] : memref<80x16xf32, #tpu.memory_space<vmem>> -> memref<1x16xf32, #tpu.memory_space<vmem>>
            %dma_start3A_488 = arith.constant 0 : i32
            %dma_start3A_489 = tpu.memref_slice %arg5[%squeeze3A_477, %dma_start3A_488] : memref<100001x16xf32, #tpu.memory_space<hbm>> -> memref<1x16xf32, #tpu.memory_space<hbm>>
            tpu.enqueue_dma source(%dma_start3A_489 : memref<1x16xf32, #tpu.memory_space<hbm>>) target(%dma_start3A_487 : memref<1x16xf32, #tpu.memory_space<vmem>>) target_semaphore(%arg19 : memref<!tpu.dma_semaphore, #tpu.memory_space<semaphore_mem>>)
            %slice3A_490 = vector.extract_strided_slice %get3A_422 {offsets = [5], sizes = [1], strides = [1]} : vector<16xi32> to vector<1xi32>
            %squeeze3A_491 = vector.extract %slice3A_490[0] : i32 from vector<1xi32>
            %mul3A_492 = arith.constant 16 : i32
            %mul3A_493 = arith.muli %sub3A_413, %mul3A_492 : i32
            %add3A_494 = arith.constant 5 : i32
            %add3A_495 = arith.addi %mul3A_493, %add3A_494 : i32
            %dma_start3A_496 = arith.constant 0 : i32
            %dma_start3A_497 = tpu.memref_slice %arg14[%add3A_495, %dma_start3A_496] : memref<80x16xf32, #tpu.memory_space<vmem>> -> memref<1x16xf32, #tpu.memory_space<vmem>>
            %dma_start3A_498 = arith.constant 0 : i32
            %dma_start3A_499 = tpu.memref_slice %arg5[%squeeze3A_491, %dma_start3A_498] : memref<100001x16xf32, #tpu.memory_space<hbm>> -> memref<1x16xf32, #tpu.memory_space<hbm>>
            %dma_start3A_500 = arith.constant 0 : i32
            %dma_start3A_501 = tpu.memref_slice %arg14[%add3A_495, %dma_start3A_500] : memref<80x16xf32, #tpu.memory_space<vmem>> -> memref<1x16xf32, #tpu.memory_space<vmem>>
            %dma_start3A_502 = arith.constant 0 : i32
            %dma_start3A_503 = tpu.memref_slice %arg5[%squeeze3A_491, %dma_start3A_502] : memref<100001x16xf32, #tpu.memory_space<hbm>> -> memref<1x16xf32, #tpu.memory_space<hbm>>
            tpu.enqueue_dma source(%dma_start3A_503 : memref<1x16xf32, #tpu.memory_space<hbm>>) target(%dma_start3A_501 : memref<1x16xf32, #tpu.memory_space<vmem>>) target_semaphore(%arg19 : memref<!tpu.dma_semaphore, #tpu.memory_space<semaphore_mem>>)
            %slice3A_504 = vector.extract_strided_slice %get3A_422 {offsets = [6], sizes = [1], strides = [1]} : vector<16xi32> to vector<1xi32>
            %squeeze3A_505 = vector.extract %slice3A_504[0] : i32 from vector<1xi32>
            %mul3A_506 = arith.constant 16 : i32
            %mul3A_507 = arith.muli %sub3A_413, %mul3A_506 : i32
            %add3A_508 = arith.constant 6 : i32
            %add3A_509 = arith.addi %mul3A_507, %add3A_508 : i32
            %dma_start3A_510 = arith.constant 0 : i32
            %dma_start3A_511 = tpu.memref_slice %arg14[%add3A_509, %dma_start3A_510] : memref<80x16xf32, #tpu.memory_space<vmem>> -> memref<1x16xf32, #tpu.memory_space<vmem>>
            %dma_start3A_512 = arith.constant 0 : i32
            %dma_start3A_513 = tpu.memref_slice %arg5[%squeeze3A_505, %dma_start3A_512] : memref<100001x16xf32, #tpu.memory_space<hbm>> -> memref<1x16xf32, #tpu.memory_space<hbm>>
            %dma_start3A_514 = arith.constant 0 : i32
            %dma_start3A_515 = tpu.memref_slice %arg14[%add3A_509, %dma_start3A_514] : memref<80x16xf32, #tpu.memory_space<vmem>> -> memref<1x16xf32, #tpu.memory_space<vmem>>
            %dma_start3A_516 = arith.constant 0 : i32
            %dma_start3A_517 = tpu.memref_slice %arg5[%squeeze3A_505, %dma_start3A_516] : memref<100001x16xf32, #tpu.memory_space<hbm>> -> memref<1x16xf32, #tpu.memory_space<hbm>>
            tpu.enqueue_dma source(%dma_start3A_517 : memref<1x16xf32, #tpu.memory_space<hbm>>) target(%dma_start3A_515 : memref<1x16xf32, #tpu.memory_space<vmem>>) target_semaphore(%arg19 : memref<!tpu.dma_semaphore, #tpu.memory_space<semaphore_mem>>)
            %slice3A_518 = vector.extract_strided_slice %get3A_422 {offsets = [7], sizes = [1], strides = [1]} : vector<16xi32> to vector<1xi32>
            %squeeze3A_519 = vector.extract %slice3A_518[0] : i32 from vector<1xi32>
            %mul3A_520 = arith.constant 16 : i32
            %mul3A_521 = arith.muli %sub3A_413, %mul3A_520 : i32
            %add3A_522 = arith.constant 7 : i32
            %add3A_523 = arith.addi %mul3A_521, %add3A_522 : i32
            %dma_start3A_524 = arith.constant 0 : i32
            %dma_start3A_525 = tpu.memref_slice %arg14[%add3A_523, %dma_start3A_524] : memref<80x16xf32, #tpu.memory_space<vmem>> -> memref<1x16xf32, #tpu.memory_space<vmem>>
            %dma_start3A_526 = arith.constant 0 : i32
            %dma_start3A_527 = tpu.memref_slice %arg5[%squeeze3A_519, %dma_start3A_526] : memref<100001x16xf32, #tpu.memory_space<hbm>> -> memref<1x16xf32, #tpu.memory_space<hbm>>
            %dma_start3A_528 = arith.constant 0 : i32
            %dma_start3A_529 = tpu.memref_slice %arg14[%add3A_523, %dma_start3A_528] : memref<80x16xf32, #tpu.memory_space<vmem>> -> memref<1x16xf32, #tpu.memory_space<vmem>>
            %dma_start3A_530 = arith.constant 0 : i32
            %dma_start3A_531 = tpu.memref_slice %arg5[%squeeze3A_519, %dma_start3A_530] : memref<100001x16xf32, #tpu.memory_space<hbm>> -> memref<1x16xf32, #tpu.memory_space<hbm>>
            tpu.enqueue_dma source(%dma_start3A_531 : memref<1x16xf32, #tpu.memory_space<hbm>>) target(%dma_start3A_529 : memref<1x16xf32, #tpu.memory_space<vmem>>) target_semaphore(%arg19 : memref<!tpu.dma_semaphore, #tpu.memory_space<semaphore_mem>>)
            %slice3A_532 = vector.extract_strided_slice %get3A_422 {offsets = [8], sizes = [1], strides = [1]} : vector<16xi32> to vector<1xi32>
            %squeeze3A_533 = vector.extract %slice3A_532[0] : i32 from vector<1xi32>
            %mul3A_534 = arith.constant 16 : i32
            %mul3A_535 = arith.muli %sub3A_413, %mul3A_534 : i32
            %add3A_536 = arith.constant 8 : i32
            %add3A_537 = arith.addi %mul3A_535, %add3A_536 : i32
            %dma_start3A_538 = arith.constant 0 : i32
            %dma_start3A_539 = tpu.memref_slice %arg14[%add3A_537, %dma_start3A_538] : memref<80x16xf32, #tpu.memory_space<vmem>> -> memref<1x16xf32, #tpu.memory_space<vmem>>
            %dma_start3A_540 = arith.constant 0 : i32
            %dma_start3A_541 = tpu.memref_slice %arg5[%squeeze3A_533, %dma_start3A_540] : memref<100001x16xf32, #tpu.memory_space<hbm>> -> memref<1x16xf32, #tpu.memory_space<hbm>>
            %dma_start3A_542 = arith.constant 0 : i32
            %dma_start3A_543 = tpu.memref_slice %arg14[%add3A_537, %dma_start3A_542] : memref<80x16xf32, #tpu.memory_space<vmem>> -> memref<1x16xf32, #tpu.memory_space<vmem>>
            %dma_start3A_544 = arith.constant 0 : i32
            %dma_start3A_545 = tpu.memref_slice %arg5[%squeeze3A_533, %dma_start3A_544] : memref<100001x16xf32, #tpu.memory_space<hbm>> -> memref<1x16xf32, #tpu.memory_space<hbm>>
            tpu.enqueue_dma source(%dma_start3A_545 : memref<1x16xf32, #tpu.memory_space<hbm>>) target(%dma_start3A_543 : memref<1x16xf32, #tpu.memory_space<vmem>>) target_semaphore(%arg19 : memref<!tpu.dma_semaphore, #tpu.memory_space<semaphore_mem>>)
            %slice3A_546 = vector.extract_strided_slice %get3A_422 {offsets = [9], sizes = [1], strides = [1]} : vector<16xi32> to vector<1xi32>
            %squeeze3A_547 = vector.extract %slice3A_546[0] : i32 from vector<1xi32>
            %mul3A_548 = arith.constant 16 : i32
            %mul3A_549 = arith.muli %sub3A_413, %mul3A_548 : i32
            %add3A_550 = arith.constant 9 : i32
            %add3A_551 = arith.addi %mul3A_549, %add3A_550 : i32
            %dma_start3A_552 = arith.constant 0 : i32
            %dma_start3A_553 = tpu.memref_slice %arg14[%add3A_551, %dma_start3A_552] : memref<80x16xf32, #tpu.memory_space<vmem>> -> memref<1x16xf32, #tpu.memory_space<vmem>>
            %dma_start3A_554 = arith.constant 0 : i32
            %dma_start3A_555 = tpu.memref_slice %arg5[%squeeze3A_547, %dma_start3A_554] : memref<100001x16xf32, #tpu.memory_space<hbm>> -> memref<1x16xf32, #tpu.memory_space<hbm>>
            %dma_start3A_556 = arith.constant 0 : i32
            %dma_start3A_557 = tpu.memref_slice %arg14[%add3A_551, %dma_start3A_556] : memref<80x16xf32, #tpu.memory_space<vmem>> -> memref<1x16xf32, #tpu.memory_space<vmem>>
            %dma_start3A_558 = arith.constant 0 : i32
            %dma_start3A_559 = tpu.memref_slice %arg5[%squeeze3A_547, %dma_start3A_558] : memref<100001x16xf32, #tpu.memory_space<hbm>> -> memref<1x16xf32, #tpu.memory_space<hbm>>
            tpu.enqueue_dma source(%dma_start3A_559 : memref<1x16xf32, #tpu.memory_space<hbm>>) target(%dma_start3A_557 : memref<1x16xf32, #tpu.memory_space<vmem>>) target_semaphore(%arg19 : memref<!tpu.dma_semaphore, #tpu.memory_space<semaphore_mem>>)
            %slice3A_560 = vector.extract_strided_slice %get3A_422 {offsets = [10], sizes = [1], strides = [1]} : vector<16xi32> to vector<1xi32>
            %squeeze3A_561 = vector.extract %slice3A_560[0] : i32 from vector<1xi32>
            %mul3A_562 = arith.constant 16 : i32
            %mul3A_563 = arith.muli %sub3A_413, %mul3A_562 : i32
            %add3A_564 = arith.constant 10 : i32
            %add3A_565 = arith.addi %mul3A_563, %add3A_564 : i32
            %dma_start3A_566 = arith.constant 0 : i32
            %dma_start3A_567 = tpu.memref_slice %arg14[%add3A_565, %dma_start3A_566] : memref<80x16xf32, #tpu.memory_space<vmem>> -> memref<1x16xf32, #tpu.memory_space<vmem>>
            %dma_start3A_568 = arith.constant 0 : i32
            %dma_start3A_569 = tpu.memref_slice %arg5[%squeeze3A_561, %dma_start3A_568] : memref<100001x16xf32, #tpu.memory_space<hbm>> -> memref<1x16xf32, #tpu.memory_space<hbm>>
            %dma_start3A_570 = arith.constant 0 : i32
            %dma_start3A_571 = tpu.memref_slice %arg14[%add3A_565, %dma_start3A_570] : memref<80x16xf32, #tpu.memory_space<vmem>> -> memref<1x16xf32, #tpu.memory_space<vmem>>
            %dma_start3A_572 = arith.constant 0 : i32
            %dma_start3A_573 = tpu.memref_slice %arg5[%squeeze3A_561, %dma_start3A_572] : memref<100001x16xf32, #tpu.memory_space<hbm>> -> memref<1x16xf32, #tpu.memory_space<hbm>>
            tpu.enqueue_dma source(%dma_start3A_573 : memref<1x16xf32, #tpu.memory_space<hbm>>) target(%dma_start3A_571 : memref<1x16xf32, #tpu.memory_space<vmem>>) target_semaphore(%arg19 : memref<!tpu.dma_semaphore, #tpu.memory_space<semaphore_mem>>)
            %slice3A_574 = vector.extract_strided_slice %get3A_422 {offsets = [11], sizes = [1], strides = [1]} : vector<16xi32> to vector<1xi32>
            %squeeze3A_575 = vector.extract %slice3A_574[0] : i32 from vector<1xi32>
            %mul3A_576 = arith.constant 16 : i32
            %mul3A_577 = arith.muli %sub3A_413, %mul3A_576 : i32
            %add3A_578 = arith.constant 11 : i32
            %add3A_579 = arith.addi %mul3A_577, %add3A_578 : i32
            %dma_start3A_580 = arith.constant 0 : i32
            %dma_start3A_581 = tpu.memref_slice %arg14[%add3A_579, %dma_start3A_580] : memref<80x16xf32, #tpu.memory_space<vmem>> -> memref<1x16xf32, #tpu.memory_space<vmem>>
            %dma_start3A_582 = arith.constant 0 : i32
            %dma_start3A_583 = tpu.memref_slice %arg5[%squeeze3A_575, %dma_start3A_582] : memref<100001x16xf32, #tpu.memory_space<hbm>> -> memref<1x16xf32, #tpu.memory_space<hbm>>
            %dma_start3A_584 = arith.constant 0 : i32
            %dma_start3A_585 = tpu.memref_slice %arg14[%add3A_579, %dma_start3A_584] : memref<80x16xf32, #tpu.memory_space<vmem>> -> memref<1x16xf32, #tpu.memory_space<vmem>>
            %dma_start3A_586 = arith.constant 0 : i32
            %dma_start3A_587 = tpu.memref_slice %arg5[%squeeze3A_575, %dma_start3A_586] : memref<100001x16xf32, #tpu.memory_space<hbm>> -> memref<1x16xf32, #tpu.memory_space<hbm>>
            tpu.enqueue_dma source(%dma_start3A_587 : memref<1x16xf32, #tpu.memory_space<hbm>>) target(%dma_start3A_585 : memref<1x16xf32, #tpu.memory_space<vmem>>) target_semaphore(%arg19 : memref<!tpu.dma_semaphore, #tpu.memory_space<semaphore_mem>>)
            %slice3A_588 = vector.extract_strided_slice %get3A_422 {offsets = [12], sizes = [1], strides = [1]} : vector<16xi32> to vector<1xi32>
            %squeeze3A_589 = vector.extract %slice3A_588[0] : i32 from vector<1xi32>
            %mul3A_590 = arith.constant 16 : i32
            %mul3A_591 = arith.muli %sub3A_413, %mul3A_590 : i32
            %add3A_592 = arith.constant 12 : i32
            %add3A_593 = arith.addi %mul3A_591, %add3A_592 : i32
            %dma_start3A_594 = arith.constant 0 : i32
            %dma_start3A_595 = tpu.memref_slice %arg14[%add3A_593, %dma_start3A_594] : memref<80x16xf32, #tpu.memory_space<vmem>> -> memref<1x16xf32, #tpu.memory_space<vmem>>
            %dma_start3A_596 = arith.constant 0 : i32
            %dma_start3A_597 = tpu.memref_slice %arg5[%squeeze3A_589, %dma_start3A_596] : memref<100001x16xf32, #tpu.memory_space<hbm>> -> memref<1x16xf32, #tpu.memory_space<hbm>>
            %dma_start3A_598 = arith.constant 0 : i32
            %dma_start3A_599 = tpu.memref_slice %arg14[%add3A_593, %dma_start3A_598] : memref<80x16xf32, #tpu.memory_space<vmem>> -> memref<1x16xf32, #tpu.memory_space<vmem>>
            %dma_start3A_600 = arith.constant 0 : i32
            %dma_start3A_601 = tpu.memref_slice %arg5[%squeeze3A_589, %dma_start3A_600] : memref<100001x16xf32, #tpu.memory_space<hbm>> -> memref<1x16xf32, #tpu.memory_space<hbm>>
            tpu.enqueue_dma source(%dma_start3A_601 : memref<1x16xf32, #tpu.memory_space<hbm>>) target(%dma_start3A_599 : memref<1x16xf32, #tpu.memory_space<vmem>>) target_semaphore(%arg19 : memref<!tpu.dma_semaphore, #tpu.memory_space<semaphore_mem>>)
            %slice3A_602 = vector.extract_strided_slice %get3A_422 {offsets = [13], sizes = [1], strides = [1]} : vector<16xi32> to vector<1xi32>
            %squeeze3A_603 = vector.extract %slice3A_602[0] : i32 from vector<1xi32>
            %mul3A_604 = arith.constant 16 : i32
            %mul3A_605 = arith.muli %sub3A_413, %mul3A_604 : i32
            %add3A_606 = arith.constant 13 : i32
            %add3A_607 = arith.addi %mul3A_605, %add3A_606 : i32
            %dma_start3A_608 = arith.constant 0 : i32
            %dma_start3A_609 = tpu.memref_slice %arg14[%add3A_607, %dma_start3A_608] : memref<80x16xf32, #tpu.memory_space<vmem>> -> memref<1x16xf32, #tpu.memory_space<vmem>>
            %dma_start3A_610 = arith.constant 0 : i32
            %dma_start3A_611 = tpu.memref_slice %arg5[%squeeze3A_603, %dma_start3A_610] : memref<100001x16xf32, #tpu.memory_space<hbm>> -> memref<1x16xf32, #tpu.memory_space<hbm>>
            %dma_start3A_612 = arith.constant 0 : i32
            %dma_start3A_613 = tpu.memref_slice %arg14[%add3A_607, %dma_start3A_612] : memref<80x16xf32, #tpu.memory_space<vmem>> -> memref<1x16xf32, #tpu.memory_space<vmem>>
            %dma_start3A_614 = arith.constant 0 : i32
            %dma_start3A_615 = tpu.memref_slice %arg5[%squeeze3A_603, %dma_start3A_614] : memref<100001x16xf32, #tpu.memory_space<hbm>> -> memref<1x16xf32, #tpu.memory_space<hbm>>
            tpu.enqueue_dma source(%dma_start3A_615 : memref<1x16xf32, #tpu.memory_space<hbm>>) target(%dma_start3A_613 : memref<1x16xf32, #tpu.memory_space<vmem>>) target_semaphore(%arg19 : memref<!tpu.dma_semaphore, #tpu.memory_space<semaphore_mem>>)
            %slice3A_616 = vector.extract_strided_slice %get3A_422 {offsets = [14], sizes = [1], strides = [1]} : vector<16xi32> to vector<1xi32>
            %squeeze3A_617 = vector.extract %slice3A_616[0] : i32 from vector<1xi32>
            %mul3A_618 = arith.constant 16 : i32
            %mul3A_619 = arith.muli %sub3A_413, %mul3A_618 : i32
            %add3A_620 = arith.constant 14 : i32
            %add3A_621 = arith.addi %mul3A_619, %add3A_620 : i32
            %dma_start3A_622 = arith.constant 0 : i32
            %dma_start3A_623 = tpu.memref_slice %arg14[%add3A_621, %dma_start3A_622] : memref<80x16xf32, #tpu.memory_space<vmem>> -> memref<1x16xf32, #tpu.memory_space<vmem>>
            %dma_start3A_624 = arith.constant 0 : i32
            %dma_start3A_625 = tpu.memref_slice %arg5[%squeeze3A_617, %dma_start3A_624] : memref<100001x16xf32, #tpu.memory_space<hbm>> -> memref<1x16xf32, #tpu.memory_space<hbm>>
            %dma_start3A_626 = arith.constant 0 : i32
            %dma_start3A_627 = tpu.memref_slice %arg14[%add3A_621, %dma_start3A_626] : memref<80x16xf32, #tpu.memory_space<vmem>> -> memref<1x16xf32, #tpu.memory_space<vmem>>
            %dma_start3A_628 = arith.constant 0 : i32
            %dma_start3A_629 = tpu.memref_slice %arg5[%squeeze3A_617, %dma_start3A_628] : memref<100001x16xf32, #tpu.memory_space<hbm>> -> memref<1x16xf32, #tpu.memory_space<hbm>>
            tpu.enqueue_dma source(%dma_start3A_629 : memref<1x16xf32, #tpu.memory_space<hbm>>) target(%dma_start3A_627 : memref<1x16xf32, #tpu.memory_space<vmem>>) target_semaphore(%arg19 : memref<!tpu.dma_semaphore, #tpu.memory_space<semaphore_mem>>)
            %slice3A_630 = vector.extract_strided_slice %get3A_422 {offsets = [15], sizes = [1], strides = [1]} : vector<16xi32> to vector<1xi32>
            %squeeze3A_631 = vector.extract %slice3A_630[0] : i32 from vector<1xi32>
            %mul3A_632 = arith.constant 16 : i32
            %mul3A_633 = arith.muli %sub3A_413, %mul3A_632 : i32
            %add3A_634 = arith.constant 15 : i32
            %add3A_635 = arith.addi %mul3A_633, %add3A_634 : i32
            %dma_start3A_636 = arith.constant 0 : i32
            %dma_start3A_637 = tpu.memref_slice %arg14[%add3A_635, %dma_start3A_636] : memref<80x16xf32, #tpu.memory_space<vmem>> -> memref<1x16xf32, #tpu.memory_space<vmem>>
            %dma_start3A_638 = arith.constant 0 : i32
            %dma_start3A_639 = tpu.memref_slice %arg5[%squeeze3A_631, %dma_start3A_638] : memref<100001x16xf32, #tpu.memory_space<hbm>> -> memref<1x16xf32, #tpu.memory_space<hbm>>
            %dma_start3A_640 = arith.constant 0 : i32
            %dma_start3A_641 = tpu.memref_slice %arg14[%add3A_635, %dma_start3A_640] : memref<80x16xf32, #tpu.memory_space<vmem>> -> memref<1x16xf32, #tpu.memory_space<vmem>>
            %dma_start3A_642 = arith.constant 0 : i32
            %dma_start3A_643 = tpu.memref_slice %arg5[%squeeze3A_631, %dma_start3A_642] : memref<100001x16xf32, #tpu.memory_space<hbm>> -> memref<1x16xf32, #tpu.memory_space<hbm>>
            tpu.enqueue_dma source(%dma_start3A_643 : memref<1x16xf32, #tpu.memory_space<hbm>>) target(%dma_start3A_641 : memref<1x16xf32, #tpu.memory_space<vmem>>) target_semaphore(%arg19 : memref<!tpu.dma_semaphore, #tpu.memory_space<semaphore_mem>>)
          } else {
          }
          %mul3A_77 = arith.constant 2 : i32
          %mul3A_78 = arith.muli %scan3A_59, %mul3A_77 : i32
          %add3A_79 = arith.constant 1 : i32
          %add3A_80 = arith.addi %mul3A_78, %add3A_79 : i32
          %lt3A_81 = arith.constant 10 : i32
          %lt3A_82 = arith.cmpi slt, %add3A_80, %lt3A_81 : i32
          %and3A_83 = arith.andi %lt3A_43, %lt3A_82 : i1
          %convert_element_type3A_84 = arith.extui %and3A_83 : i1 to i32
          %cond3A_85 = arith.constant 0 : i32
          %cond3A_86 = arith.cmpi ne, %convert_element_type3A_84, %cond3A_85 : i32
          scf.if %cond3A_86 {
            %add3A_410 = arith.constant 1 : i32
            %add3A_411 = arith.addi %add3A_28, %add3A_410 : i32
            %mul3A_412 = arith.constant 8 : i32
            %mul3A_413 = arith.muli %add3A_411, %mul3A_412 : i32
            %mul3A_414 = arith.constant 20 : i32
            %mul3A_415 = arith.muli %mul3A_413, %mul3A_414 : i32
            %mul3A_416 = arith.constant 16 : i32
            %mul3A_417 = arith.muli %add3A_80, %mul3A_416 : i32
            %add3A_418 = arith.addi %mul3A_415, %mul3A_417 : i32
            %get3A_419 = arith.index_cast %add3A_418 : i32 to index
            %get3A_420 = tpu.vector_load %arg9[%get3A_419] {strides = array<i32>} : memref<10240xi32, #tpu.memory_space<vmem>>, vector<16xi32>,
            %slice3A = vector.extract_strided_slice %get3A_420 {offsets = [0], sizes = [1], strides = [1]} : vector<16xi32> to vector<1xi32>
            %squeeze3A = vector.extract %slice3A[0] : i32 from vector<1xi32>
            %mul3A_421 = arith.constant 16 : i32
            %mul3A_422 = arith.muli %add3A_80, %mul3A_421 : i32
            %add3A_423 = arith.constant 0 : i32
            %add3A_424 = arith.addi %mul3A_422, %add3A_423 : i32
            %dma_start3A = arith.constant 0 : i32
            %dma_start3A_425 = tpu.memref_slice %arg12[%add3A_424, %dma_start3A] : memref<160x16xf32, #tpu.memory_space<vmem>> -> memref<1x16xf32, #tpu.memory_space<vmem>>
            %dma_start3A_426 = arith.constant 0 : i32
            %dma_start3A_427 = tpu.memref_slice %arg4[%squeeze3A, %dma_start3A_426] : memref<1000001x16xf32, #tpu.memory_space<hbm>> -> memref<1x16xf32, #tpu.memory_space<hbm>>
            %dma_start3A_428 = arith.constant 0 : i32
            %dma_start3A_429 = tpu.memref_slice %arg12[%add3A_424, %dma_start3A_428] : memref<160x16xf32, #tpu.memory_space<vmem>> -> memref<1x16xf32, #tpu.memory_space<vmem>>
            %dma_start3A_430 = arith.constant 0 : i32
            %dma_start3A_431 = tpu.memref_slice %arg4[%squeeze3A, %dma_start3A_430] : memref<1000001x16xf32, #tpu.memory_space<hbm>> -> memref<1x16xf32, #tpu.memory_space<hbm>>
            tpu.enqueue_dma source(%dma_start3A_431 : memref<1x16xf32, #tpu.memory_space<hbm>>) target(%dma_start3A_429 : memref<1x16xf32, #tpu.memory_space<vmem>>) target_semaphore(%arg17 : memref<!tpu.dma_semaphore, #tpu.memory_space<semaphore_mem>>)
            %slice3A_432 = vector.extract_strided_slice %get3A_420 {offsets = [1], sizes = [1], strides = [1]} : vector<16xi32> to vector<1xi32>
            %squeeze3A_433 = vector.extract %slice3A_432[0] : i32 from vector<1xi32>
            %mul3A_434 = arith.constant 16 : i32
            %mul3A_435 = arith.muli %add3A_80, %mul3A_434 : i32
            %add3A_436 = arith.constant 1 : i32
            %add3A_437 = arith.addi %mul3A_435, %add3A_436 : i32
            %dma_start3A_438 = arith.constant 0 : i32
            %dma_start3A_439 = tpu.memref_slice %arg12[%add3A_437, %dma_start3A_438] : memref<160x16xf32, #tpu.memory_space<vmem>> -> memref<1x16xf32, #tpu.memory_space<vmem>>
            %dma_start3A_440 = arith.constant 0 : i32
            %dma_start3A_441 = tpu.memref_slice %arg4[%squeeze3A_433, %dma_start3A_440] : memref<1000001x16xf32, #tpu.memory_space<hbm>> -> memref<1x16xf32, #tpu.memory_space<hbm>>
            %dma_start3A_442 = arith.constant 0 : i32
            %dma_start3A_443 = tpu.memref_slice %arg12[%add3A_437, %dma_start3A_442] : memref<160x16xf32, #tpu.memory_space<vmem>> -> memref<1x16xf32, #tpu.memory_space<vmem>>
            %dma_start3A_444 = arith.constant 0 : i32
            %dma_start3A_445 = tpu.memref_slice %arg4[%squeeze3A_433, %dma_start3A_444] : memref<1000001x16xf32, #tpu.memory_space<hbm>> -> memref<1x16xf32, #tpu.memory_space<hbm>>
            tpu.enqueue_dma source(%dma_start3A_445 : memref<1x16xf32, #tpu.memory_space<hbm>>) target(%dma_start3A_443 : memref<1x16xf32, #tpu.memory_space<vmem>>) target_semaphore(%arg17 : memref<!tpu.dma_semaphore, #tpu.memory_space<semaphore_mem>>)
            %slice3A_446 = vector.extract_strided_slice %get3A_420 {offsets = [2], sizes = [1], strides = [1]} : vector<16xi32> to vector<1xi32>
            %squeeze3A_447 = vector.extract %slice3A_446[0] : i32 from vector<1xi32>
            %mul3A_448 = arith.constant 16 : i32
            %mul3A_449 = arith.muli %add3A_80, %mul3A_448 : i32
            %add3A_450 = arith.constant 2 : i32
            %add3A_451 = arith.addi %mul3A_449, %add3A_450 : i32
            %dma_start3A_452 = arith.constant 0 : i32
            %dma_start3A_453 = tpu.memref_slice %arg12[%add3A_451, %dma_start3A_452] : memref<160x16xf32, #tpu.memory_space<vmem>> -> memref<1x16xf32, #tpu.memory_space<vmem>>
            %dma_start3A_454 = arith.constant 0 : i32
            %dma_start3A_455 = tpu.memref_slice %arg4[%squeeze3A_447, %dma_start3A_454] : memref<1000001x16xf32, #tpu.memory_space<hbm>> -> memref<1x16xf32, #tpu.memory_space<hbm>>
            %dma_start3A_456 = arith.constant 0 : i32
            %dma_start3A_457 = tpu.memref_slice %arg12[%add3A_451, %dma_start3A_456] : memref<160x16xf32, #tpu.memory_space<vmem>> -> memref<1x16xf32, #tpu.memory_space<vmem>>
            %dma_start3A_458 = arith.constant 0 : i32
            %dma_start3A_459 = tpu.memref_slice %arg4[%squeeze3A_447, %dma_start3A_458] : memref<1000001x16xf32, #tpu.memory_space<hbm>> -> memref<1x16xf32, #tpu.memory_space<hbm>>
            tpu.enqueue_dma source(%dma_start3A_459 : memref<1x16xf32, #tpu.memory_space<hbm>>) target(%dma_start3A_457 : memref<1x16xf32, #tpu.memory_space<vmem>>) target_semaphore(%arg17 : memref<!tpu.dma_semaphore, #tpu.memory_space<semaphore_mem>>)
            %slice3A_460 = vector.extract_strided_slice %get3A_420 {offsets = [3], sizes = [1], strides = [1]} : vector<16xi32> to vector<1xi32>
            %squeeze3A_461 = vector.extract %slice3A_460[0] : i32 from vector<1xi32>
            %mul3A_462 = arith.constant 16 : i32
            %mul3A_463 = arith.muli %add3A_80, %mul3A_462 : i32
            %add3A_464 = arith.constant 3 : i32
            %add3A_465 = arith.addi %mul3A_463, %add3A_464 : i32
            %dma_start3A_466 = arith.constant 0 : i32
            %dma_start3A_467 = tpu.memref_slice %arg12[%add3A_465, %dma_start3A_466] : memref<160x16xf32, #tpu.memory_space<vmem>> -> memref<1x16xf32, #tpu.memory_space<vmem>>
            %dma_start3A_468 = arith.constant 0 : i32
            %dma_start3A_469 = tpu.memref_slice %arg4[%squeeze3A_461, %dma_start3A_468] : memref<1000001x16xf32, #tpu.memory_space<hbm>> -> memref<1x16xf32, #tpu.memory_space<hbm>>
            %dma_start3A_470 = arith.constant 0 : i32
            %dma_start3A_471 = tpu.memref_slice %arg12[%add3A_465, %dma_start3A_470] : memref<160x16xf32, #tpu.memory_space<vmem>> -> memref<1x16xf32, #tpu.memory_space<vmem>>
            %dma_start3A_472 = arith.constant 0 : i32
            %dma_start3A_473 = tpu.memref_slice %arg4[%squeeze3A_461, %dma_start3A_472] : memref<1000001x16xf32, #tpu.memory_space<hbm>> -> memref<1x16xf32, #tpu.memory_space<hbm>>
            tpu.enqueue_dma source(%dma_start3A_473 : memref<1x16xf32, #tpu.memory_space<hbm>>) target(%dma_start3A_471 : memref<1x16xf32, #tpu.memory_space<vmem>>) target_semaphore(%arg17 : memref<!tpu.dma_semaphore, #tpu.memory_space<semaphore_mem>>)
            %slice3A_474 = vector.extract_strided_slice %get3A_420 {offsets = [4], sizes = [1], strides = [1]} : vector<16xi32> to vector<1xi32>
            %squeeze3A_475 = vector.extract %slice3A_474[0] : i32 from vector<1xi32>
            %mul3A_476 = arith.constant 16 : i32
            %mul3A_477 = arith.muli %add3A_80, %mul3A_476 : i32
            %add3A_478 = arith.constant 4 : i32
            %add3A_479 = arith.addi %mul3A_477, %add3A_478 : i32
            %dma_start3A_480 = arith.constant 0 : i32
            %dma_start3A_481 = tpu.memref_slice %arg12[%add3A_479, %dma_start3A_480] : memref<160x16xf32, #tpu.memory_space<vmem>> -> memref<1x16xf32, #tpu.memory_space<vmem>>
            %dma_start3A_482 = arith.constant 0 : i32
            %dma_start3A_483 = tpu.memref_slice %arg4[%squeeze3A_475, %dma_start3A_482] : memref<1000001x16xf32, #tpu.memory_space<hbm>> -> memref<1x16xf32, #tpu.memory_space<hbm>>
            %dma_start3A_484 = arith.constant 0 : i32
            %dma_start3A_485 = tpu.memref_slice %arg12[%add3A_479, %dma_start3A_484] : memref<160x16xf32, #tpu.memory_space<vmem>> -> memref<1x16xf32, #tpu.memory_space<vmem>>
            %dma_start3A_486 = arith.constant 0 : i32
            %dma_start3A_487 = tpu.memref_slice %arg4[%squeeze3A_475, %dma_start3A_486] : memref<1000001x16xf32, #tpu.memory_space<hbm>> -> memref<1x16xf32, #tpu.memory_space<hbm>>
            tpu.enqueue_dma source(%dma_start3A_487 : memref<1x16xf32, #tpu.memory_space<hbm>>) target(%dma_start3A_485 : memref<1x16xf32, #tpu.memory_space<vmem>>) target_semaphore(%arg17 : memref<!tpu.dma_semaphore, #tpu.memory_space<semaphore_mem>>)
            %slice3A_488 = vector.extract_strided_slice %get3A_420 {offsets = [5], sizes = [1], strides = [1]} : vector<16xi32> to vector<1xi32>
            %squeeze3A_489 = vector.extract %slice3A_488[0] : i32 from vector<1xi32>
            %mul3A_490 = arith.constant 16 : i32
            %mul3A_491 = arith.muli %add3A_80, %mul3A_490 : i32
            %add3A_492 = arith.constant 5 : i32
            %add3A_493 = arith.addi %mul3A_491, %add3A_492 : i32
            %dma_start3A_494 = arith.constant 0 : i32
            %dma_start3A_495 = tpu.memref_slice %arg12[%add3A_493, %dma_start3A_494] : memref<160x16xf32, #tpu.memory_space<vmem>> -> memref<1x16xf32, #tpu.memory_space<vmem>>
            %dma_start3A_496 = arith.constant 0 : i32
            %dma_start3A_497 = tpu.memref_slice %arg4[%squeeze3A_489, %dma_start3A_496] : memref<1000001x16xf32, #tpu.memory_space<hbm>> -> memref<1x16xf32, #tpu.memory_space<hbm>>
            %dma_start3A_498 = arith.constant 0 : i32
            %dma_start3A_499 = tpu.memref_slice %arg12[%add3A_493, %dma_start3A_498] : memref<160x16xf32, #tpu.memory_space<vmem>> -> memref<1x16xf32, #tpu.memory_space<vmem>>
            %dma_start3A_500 = arith.constant 0 : i32
            %dma_start3A_501 = tpu.memref_slice %arg4[%squeeze3A_489, %dma_start3A_500] : memref<1000001x16xf32, #tpu.memory_space<hbm>> -> memref<1x16xf32, #tpu.memory_space<hbm>>
            tpu.enqueue_dma source(%dma_start3A_501 : memref<1x16xf32, #tpu.memory_space<hbm>>) target(%dma_start3A_499 : memref<1x16xf32, #tpu.memory_space<vmem>>) target_semaphore(%arg17 : memref<!tpu.dma_semaphore, #tpu.memory_space<semaphore_mem>>)
            %slice3A_502 = vector.extract_strided_slice %get3A_420 {offsets = [6], sizes = [1], strides = [1]} : vector<16xi32> to vector<1xi32>
            %squeeze3A_503 = vector.extract %slice3A_502[0] : i32 from vector<1xi32>
            %mul3A_504 = arith.constant 16 : i32
            %mul3A_505 = arith.muli %add3A_80, %mul3A_504 : i32
            %add3A_506 = arith.constant 6 : i32
            %add3A_507 = arith.addi %mul3A_505, %add3A_506 : i32
            %dma_start3A_508 = arith.constant 0 : i32
            %dma_start3A_509 = tpu.memref_slice %arg12[%add3A_507, %dma_start3A_508] : memref<160x16xf32, #tpu.memory_space<vmem>> -> memref<1x16xf32, #tpu.memory_space<vmem>>
            %dma_start3A_510 = arith.constant 0 : i32
            %dma_start3A_511 = tpu.memref_slice %arg4[%squeeze3A_503, %dma_start3A_510] : memref<1000001x16xf32, #tpu.memory_space<hbm>> -> memref<1x16xf32, #tpu.memory_space<hbm>>
            %dma_start3A_512 = arith.constant 0 : i32
            %dma_start3A_513 = tpu.memref_slice %arg12[%add3A_507, %dma_start3A_512] : memref<160x16xf32, #tpu.memory_space<vmem>> -> memref<1x16xf32, #tpu.memory_space<vmem>>
            %dma_start3A_514 = arith.constant 0 : i32
            %dma_start3A_515 = tpu.memref_slice %arg4[%squeeze3A_503, %dma_start3A_514] : memref<1000001x16xf32, #tpu.memory_space<hbm>> -> memref<1x16xf32, #tpu.memory_space<hbm>>
            tpu.enqueue_dma source(%dma_start3A_515 : memref<1x16xf32, #tpu.memory_space<hbm>>) target(%dma_start3A_513 : memref<1x16xf32, #tpu.memory_space<vmem>>) target_semaphore(%arg17 : memref<!tpu.dma_semaphore, #tpu.memory_space<semaphore_mem>>)
            %slice3A_516 = vector.extract_strided_slice %get3A_420 {offsets = [7], sizes = [1], strides = [1]} : vector<16xi32> to vector<1xi32>
            %squeeze3A_517 = vector.extract %slice3A_516[0] : i32 from vector<1xi32>
            %mul3A_518 = arith.constant 16 : i32
            %mul3A_519 = arith.muli %add3A_80, %mul3A_518 : i32
            %add3A_520 = arith.constant 7 : i32
            %add3A_521 = arith.addi %mul3A_519, %add3A_520 : i32
            %dma_start3A_522 = arith.constant 0 : i32
            %dma_start3A_523 = tpu.memref_slice %arg12[%add3A_521, %dma_start3A_522] : memref<160x16xf32, #tpu.memory_space<vmem>> -> memref<1x16xf32, #tpu.memory_space<vmem>>
            %dma_start3A_524 = arith.constant 0 : i32
            %dma_start3A_525 = tpu.memref_slice %arg4[%squeeze3A_517, %dma_start3A_524] : memref<1000001x16xf32, #tpu.memory_space<hbm>> -> memref<1x16xf32, #tpu.memory_space<hbm>>
            %dma_start3A_526 = arith.constant 0 : i32
            %dma_start3A_527 = tpu.memref_slice %arg12[%add3A_521, %dma_start3A_526] : memref<160x16xf32, #tpu.memory_space<vmem>> -> memref<1x16xf32, #tpu.memory_space<vmem>>
            %dma_start3A_528 = arith.constant 0 : i32
            %dma_start3A_529 = tpu.memref_slice %arg4[%squeeze3A_517, %dma_start3A_528] : memref<1000001x16xf32, #tpu.memory_space<hbm>> -> memref<1x16xf32, #tpu.memory_space<hbm>>
            tpu.enqueue_dma source(%dma_start3A_529 : memref<1x16xf32, #tpu.memory_space<hbm>>) target(%dma_start3A_527 : memref<1x16xf32, #tpu.memory_space<vmem>>) target_semaphore(%arg17 : memref<!tpu.dma_semaphore, #tpu.memory_space<semaphore_mem>>)
            %slice3A_530 = vector.extract_strided_slice %get3A_420 {offsets = [8], sizes = [1], strides = [1]} : vector<16xi32> to vector<1xi32>
            %squeeze3A_531 = vector.extract %slice3A_530[0] : i32 from vector<1xi32>
            %mul3A_532 = arith.constant 16 : i32
            %mul3A_533 = arith.muli %add3A_80, %mul3A_532 : i32
            %add3A_534 = arith.constant 8 : i32
            %add3A_535 = arith.addi %mul3A_533, %add3A_534 : i32
            %dma_start3A_536 = arith.constant 0 : i32
            %dma_start3A_537 = tpu.memref_slice %arg12[%add3A_535, %dma_start3A_536] : memref<160x16xf32, #tpu.memory_space<vmem>> -> memref<1x16xf32, #tpu.memory_space<vmem>>
            %dma_start3A_538 = arith.constant 0 : i32
            %dma_start3A_539 = tpu.memref_slice %arg4[%squeeze3A_531, %dma_start3A_538] : memref<1000001x16xf32, #tpu.memory_space<hbm>> -> memref<1x16xf32, #tpu.memory_space<hbm>>
            %dma_start3A_540 = arith.constant 0 : i32
            %dma_start3A_541 = tpu.memref_slice %arg12[%add3A_535, %dma_start3A_540] : memref<160x16xf32, #tpu.memory_space<vmem>> -> memref<1x16xf32, #tpu.memory_space<vmem>>
            %dma_start3A_542 = arith.constant 0 : i32
            %dma_start3A_543 = tpu.memref_slice %arg4[%squeeze3A_531, %dma_start3A_542] : memref<1000001x16xf32, #tpu.memory_space<hbm>> -> memref<1x16xf32, #tpu.memory_space<hbm>>
            tpu.enqueue_dma source(%dma_start3A_543 : memref<1x16xf32, #tpu.memory_space<hbm>>) target(%dma_start3A_541 : memref<1x16xf32, #tpu.memory_space<vmem>>) target_semaphore(%arg17 : memref<!tpu.dma_semaphore, #tpu.memory_space<semaphore_mem>>)
            %slice3A_544 = vector.extract_strided_slice %get3A_420 {offsets = [9], sizes = [1], strides = [1]} : vector<16xi32> to vector<1xi32>
            %squeeze3A_545 = vector.extract %slice3A_544[0] : i32 from vector<1xi32>
            %mul3A_546 = arith.constant 16 : i32
            %mul3A_547 = arith.muli %add3A_80, %mul3A_546 : i32
            %add3A_548 = arith.constant 9 : i32
            %add3A_549 = arith.addi %mul3A_547, %add3A_548 : i32
            %dma_start3A_550 = arith.constant 0 : i32
            %dma_start3A_551 = tpu.memref_slice %arg12[%add3A_549, %dma_start3A_550] : memref<160x16xf32, #tpu.memory_space<vmem>> -> memref<1x16xf32, #tpu.memory_space<vmem>>
            %dma_start3A_552 = arith.constant 0 : i32
            %dma_start3A_553 = tpu.memref_slice %arg4[%squeeze3A_545, %dma_start3A_552] : memref<1000001x16xf32, #tpu.memory_space<hbm>> -> memref<1x16xf32, #tpu.memory_space<hbm>>
            %dma_start3A_554 = arith.constant 0 : i32
            %dma_start3A_555 = tpu.memref_slice %arg12[%add3A_549, %dma_start3A_554] : memref<160x16xf32, #tpu.memory_space<vmem>> -> memref<1x16xf32, #tpu.memory_space<vmem>>
            %dma_start3A_556 = arith.constant 0 : i32
            %dma_start3A_557 = tpu.memref_slice %arg4[%squeeze3A_545, %dma_start3A_556] : memref<1000001x16xf32, #tpu.memory_space<hbm>> -> memref<1x16xf32, #tpu.memory_space<hbm>>
            tpu.enqueue_dma source(%dma_start3A_557 : memref<1x16xf32, #tpu.memory_space<hbm>>) target(%dma_start3A_555 : memref<1x16xf32, #tpu.memory_space<vmem>>) target_semaphore(%arg17 : memref<!tpu.dma_semaphore, #tpu.memory_space<semaphore_mem>>)
            %slice3A_558 = vector.extract_strided_slice %get3A_420 {offsets = [10], sizes = [1], strides = [1]} : vector<16xi32> to vector<1xi32>
            %squeeze3A_559 = vector.extract %slice3A_558[0] : i32 from vector<1xi32>
            %mul3A_560 = arith.constant 16 : i32
            %mul3A_561 = arith.muli %add3A_80, %mul3A_560 : i32
            %add3A_562 = arith.constant 10 : i32
            %add3A_563 = arith.addi %mul3A_561, %add3A_562 : i32
            %dma_start3A_564 = arith.constant 0 : i32
            %dma_start3A_565 = tpu.memref_slice %arg12[%add3A_563, %dma_start3A_564] : memref<160x16xf32, #tpu.memory_space<vmem>> -> memref<1x16xf32, #tpu.memory_space<vmem>>
            %dma_start3A_566 = arith.constant 0 : i32
            %dma_start3A_567 = tpu.memref_slice %arg4[%squeeze3A_559, %dma_start3A_566] : memref<1000001x16xf32, #tpu.memory_space<hbm>> -> memref<1x16xf32, #tpu.memory_space<hbm>>
            %dma_start3A_568 = arith.constant 0 : i32
            %dma_start3A_569 = tpu.memref_slice %arg12[%add3A_563, %dma_start3A_568] : memref<160x16xf32, #tpu.memory_space<vmem>> -> memref<1x16xf32, #tpu.memory_space<vmem>>
            %dma_start3A_570 = arith.constant 0 : i32
            %dma_start3A_571 = tpu.memref_slice %arg4[%squeeze3A_559, %dma_start3A_570] : memref<1000001x16xf32, #tpu.memory_space<hbm>> -> memref<1x16xf32, #tpu.memory_space<hbm>>
            tpu.enqueue_dma source(%dma_start3A_571 : memref<1x16xf32, #tpu.memory_space<hbm>>) target(%dma_start3A_569 : memref<1x16xf32, #tpu.memory_space<vmem>>) target_semaphore(%arg17 : memref<!tpu.dma_semaphore, #tpu.memory_space<semaphore_mem>>)
            %slice3A_572 = vector.extract_strided_slice %get3A_420 {offsets = [11], sizes = [1], strides = [1]} : vector<16xi32> to vector<1xi32>
            %squeeze3A_573 = vector.extract %slice3A_572[0] : i32 from vector<1xi32>
            %mul3A_574 = arith.constant 16 : i32
            %mul3A_575 = arith.muli %add3A_80, %mul3A_574 : i32
            %add3A_576 = arith.constant 11 : i32
            %add3A_577 = arith.addi %mul3A_575, %add3A_576 : i32
            %dma_start3A_578 = arith.constant 0 : i32
            %dma_start3A_579 = tpu.memref_slice %arg12[%add3A_577, %dma_start3A_578] : memref<160x16xf32, #tpu.memory_space<vmem>> -> memref<1x16xf32, #tpu.memory_space<vmem>>
            %dma_start3A_580 = arith.constant 0 : i32
            %dma_start3A_581 = tpu.memref_slice %arg4[%squeeze3A_573, %dma_start3A_580] : memref<1000001x16xf32, #tpu.memory_space<hbm>> -> memref<1x16xf32, #tpu.memory_space<hbm>>
            %dma_start3A_582 = arith.constant 0 : i32
            %dma_start3A_583 = tpu.memref_slice %arg12[%add3A_577, %dma_start3A_582] : memref<160x16xf32, #tpu.memory_space<vmem>> -> memref<1x16xf32, #tpu.memory_space<vmem>>
            %dma_start3A_584 = arith.constant 0 : i32
            %dma_start3A_585 = tpu.memref_slice %arg4[%squeeze3A_573, %dma_start3A_584] : memref<1000001x16xf32, #tpu.memory_space<hbm>> -> memref<1x16xf32, #tpu.memory_space<hbm>>
            tpu.enqueue_dma source(%dma_start3A_585 : memref<1x16xf32, #tpu.memory_space<hbm>>) target(%dma_start3A_583 : memref<1x16xf32, #tpu.memory_space<vmem>>) target_semaphore(%arg17 : memref<!tpu.dma_semaphore, #tpu.memory_space<semaphore_mem>>)
            %slice3A_586 = vector.extract_strided_slice %get3A_420 {offsets = [12], sizes = [1], strides = [1]} : vector<16xi32> to vector<1xi32>
            %squeeze3A_587 = vector.extract %slice3A_586[0] : i32 from vector<1xi32>
            %mul3A_588 = arith.constant 16 : i32
            %mul3A_589 = arith.muli %add3A_80, %mul3A_588 : i32
            %add3A_590 = arith.constant 12 : i32
            %add3A_591 = arith.addi %mul3A_589, %add3A_590 : i32
            %dma_start3A_592 = arith.constant 0 : i32
            %dma_start3A_593 = tpu.memref_slice %arg12[%add3A_591, %dma_start3A_592] : memref<160x16xf32, #tpu.memory_space<vmem>> -> memref<1x16xf32, #tpu.memory_space<vmem>>
            %dma_start3A_594 = arith.constant 0 : i32
            %dma_start3A_595 = tpu.memref_slice %arg4[%squeeze3A_587, %dma_start3A_594] : memref<1000001x16xf32, #tpu.memory_space<hbm>> -> memref<1x16xf32, #tpu.memory_space<hbm>>
            %dma_start3A_596 = arith.constant 0 : i32
            %dma_start3A_597 = tpu.memref_slice %arg12[%add3A_591, %dma_start3A_596] : memref<160x16xf32, #tpu.memory_space<vmem>> -> memref<1x16xf32, #tpu.memory_space<vmem>>
            %dma_start3A_598 = arith.constant 0 : i32
            %dma_start3A_599 = tpu.memref_slice %arg4[%squeeze3A_587, %dma_start3A_598] : memref<1000001x16xf32, #tpu.memory_space<hbm>> -> memref<1x16xf32, #tpu.memory_space<hbm>>
            tpu.enqueue_dma source(%dma_start3A_599 : memref<1x16xf32, #tpu.memory_space<hbm>>) target(%dma_start3A_597 : memref<1x16xf32, #tpu.memory_space<vmem>>) target_semaphore(%arg17 : memref<!tpu.dma_semaphore, #tpu.memory_space<semaphore_mem>>)
            %slice3A_600 = vector.extract_strided_slice %get3A_420 {offsets = [13], sizes = [1], strides = [1]} : vector<16xi32> to vector<1xi32>
            %squeeze3A_601 = vector.extract %slice3A_600[0] : i32 from vector<1xi32>
            %mul3A_602 = arith.constant 16 : i32
            %mul3A_603 = arith.muli %add3A_80, %mul3A_602 : i32
            %add3A_604 = arith.constant 13 : i32
            %add3A_605 = arith.addi %mul3A_603, %add3A_604 : i32
            %dma_start3A_606 = arith.constant 0 : i32
            %dma_start3A_607 = tpu.memref_slice %arg12[%add3A_605, %dma_start3A_606] : memref<160x16xf32, #tpu.memory_space<vmem>> -> memref<1x16xf32, #tpu.memory_space<vmem>>
            %dma_start3A_608 = arith.constant 0 : i32
            %dma_start3A_609 = tpu.memref_slice %arg4[%squeeze3A_601, %dma_start3A_608] : memref<1000001x16xf32, #tpu.memory_space<hbm>> -> memref<1x16xf32, #tpu.memory_space<hbm>>
            %dma_start3A_610 = arith.constant 0 : i32
            %dma_start3A_611 = tpu.memref_slice %arg12[%add3A_605, %dma_start3A_610] : memref<160x16xf32, #tpu.memory_space<vmem>> -> memref<1x16xf32, #tpu.memory_space<vmem>>
            %dma_start3A_612 = arith.constant 0 : i32
            %dma_start3A_613 = tpu.memref_slice %arg4[%squeeze3A_601, %dma_start3A_612] : memref<1000001x16xf32, #tpu.memory_space<hbm>> -> memref<1x16xf32, #tpu.memory_space<hbm>>
            tpu.enqueue_dma source(%dma_start3A_613 : memref<1x16xf32, #tpu.memory_space<hbm>>) target(%dma_start3A_611 : memref<1x16xf32, #tpu.memory_space<vmem>>) target_semaphore(%arg17 : memref<!tpu.dma_semaphore, #tpu.memory_space<semaphore_mem>>)
            %slice3A_614 = vector.extract_strided_slice %get3A_420 {offsets = [14], sizes = [1], strides = [1]} : vector<16xi32> to vector<1xi32>
            %squeeze3A_615 = vector.extract %slice3A_614[0] : i32 from vector<1xi32>
            %mul3A_616 = arith.constant 16 : i32
            %mul3A_617 = arith.muli %add3A_80, %mul3A_616 : i32
            %add3A_618 = arith.constant 14 : i32
            %add3A_619 = arith.addi %mul3A_617, %add3A_618 : i32
            %dma_start3A_620 = arith.constant 0 : i32
            %dma_start3A_621 = tpu.memref_slice %arg12[%add3A_619, %dma_start3A_620] : memref<160x16xf32, #tpu.memory_space<vmem>> -> memref<1x16xf32, #tpu.memory_space<vmem>>
            %dma_start3A_622 = arith.constant 0 : i32
            %dma_start3A_623 = tpu.memref_slice %arg4[%squeeze3A_615, %dma_start3A_622] : memref<1000001x16xf32, #tpu.memory_space<hbm>> -> memref<1x16xf32, #tpu.memory_space<hbm>>
            %dma_start3A_624 = arith.constant 0 : i32
            %dma_start3A_625 = tpu.memref_slice %arg12[%add3A_619, %dma_start3A_624] : memref<160x16xf32, #tpu.memory_space<vmem>> -> memref<1x16xf32, #tpu.memory_space<vmem>>
            %dma_start3A_626 = arith.constant 0 : i32
            %dma_start3A_627 = tpu.memref_slice %arg4[%squeeze3A_615, %dma_start3A_626] : memref<1000001x16xf32, #tpu.memory_space<hbm>> -> memref<1x16xf32, #tpu.memory_space<hbm>>
            tpu.enqueue_dma source(%dma_start3A_627 : memref<1x16xf32, #tpu.memory_space<hbm>>) target(%dma_start3A_625 : memref<1x16xf32, #tpu.memory_space<vmem>>) target_semaphore(%arg17 : memref<!tpu.dma_semaphore, #tpu.memory_space<semaphore_mem>>)
            %slice3A_628 = vector.extract_strided_slice %get3A_420 {offsets = [15], sizes = [1], strides = [1]} : vector<16xi32> to vector<1xi32>
            %squeeze3A_629 = vector.extract %slice3A_628[0] : i32 from vector<1xi32>
            %mul3A_630 = arith.constant 16 : i32
            %mul3A_631 = arith.muli %add3A_80, %mul3A_630 : i32
            %add3A_632 = arith.constant 15 : i32
            %add3A_633 = arith.addi %mul3A_631, %add3A_632 : i32
            %dma_start3A_634 = arith.constant 0 : i32
            %dma_start3A_635 = tpu.memref_slice %arg12[%add3A_633, %dma_start3A_634] : memref<160x16xf32, #tpu.memory_space<vmem>> -> memref<1x16xf32, #tpu.memory_space<vmem>>
            %dma_start3A_636 = arith.constant 0 : i32
            %dma_start3A_637 = tpu.memref_slice %arg4[%squeeze3A_629, %dma_start3A_636] : memref<1000001x16xf32, #tpu.memory_space<hbm>> -> memref<1x16xf32, #tpu.memory_space<hbm>>
            %dma_start3A_638 = arith.constant 0 : i32
            %dma_start3A_639 = tpu.memref_slice %arg12[%add3A_633, %dma_start3A_638] : memref<160x16xf32, #tpu.memory_space<vmem>> -> memref<1x16xf32, #tpu.memory_space<vmem>>
            %dma_start3A_640 = arith.constant 0 : i32
            %dma_start3A_641 = tpu.memref_slice %arg4[%squeeze3A_629, %dma_start3A_640] : memref<1000001x16xf32, #tpu.memory_space<hbm>> -> memref<1x16xf32, #tpu.memory_space<hbm>>
            tpu.enqueue_dma source(%dma_start3A_641 : memref<1x16xf32, #tpu.memory_space<hbm>>) target(%dma_start3A_639 : memref<1x16xf32, #tpu.memory_space<vmem>>) target_semaphore(%arg17 : memref<!tpu.dma_semaphore, #tpu.memory_space<semaphore_mem>>)
          } else {
          }
          %ge3A_87 = arith.constant 10 : i32
          %ge3A_88 = arith.cmpi sge, %add3A_80, %ge3A_87 : i32
          %lt3A_89 = arith.constant 15 : i32
          %lt3A_90 = arith.cmpi slt, %add3A_80, %lt3A_89 : i32
          %and3A_91 = arith.andi %ge3A_88, %lt3A_90 : i1
          %and3A_92 = arith.andi %lt3A_43, %and3A_91 : i1
          %convert_element_type3A_93 = arith.extui %and3A_92 : i1 to i32
          %cond3A_94 = arith.constant 0 : i32
          %cond3A_95 = arith.cmpi ne, %convert_element_type3A_93, %cond3A_94 : i32
          scf.if %cond3A_95 {
            %add3A_410 = arith.constant 1 : i32
            %add3A_411 = arith.addi %add3A_28, %add3A_410 : i32
            %sub3A_412 = arith.constant 10 : i32
            %sub3A_413 = arith.subi %add3A_80, %sub3A_412 : i32
            %mul3A_414 = arith.constant 8 : i32
            %mul3A_415 = arith.muli %add3A_411, %mul3A_414 : i32
            %mul3A_416 = arith.constant 10 : i32
            %mul3A_417 = arith.muli %mul3A_415, %mul3A_416 : i32
            %mul3A_418 = arith.constant 16 : i32
            %mul3A_419 = arith.muli %sub3A_413, %mul3A_418 : i32
            %add3A_420 = arith.addi %mul3A_417, %mul3A_419 : i32
            %get3A_421 = arith.index_cast %add3A_420 : i32 to index
            %get3A_422 = tpu.vector_load %arg10[%get3A_421] {strides = array<i32>} : memref<5120xi32, #tpu.memory_space<vmem>>, vector<16xi32>,
            %slice3A = vector.extract_strided_slice %get3A_422 {offsets = [0], sizes = [1], strides = [1]} : vector<16xi32> to vector<1xi32>
            %squeeze3A = vector.extract %slice3A[0] : i32 from vector<1xi32>
            %mul3A_423 = arith.constant 16 : i32
            %mul3A_424 = arith.muli %sub3A_413, %mul3A_423 : i32
            %add3A_425 = arith.constant 0 : i32
            %add3A_426 = arith.addi %mul3A_424, %add3A_425 : i32
            %dma_start3A = arith.constant 0 : i32
            %dma_start3A_427 = tpu.memref_slice %arg14[%add3A_426, %dma_start3A] : memref<80x16xf32, #tpu.memory_space<vmem>> -> memref<1x16xf32, #tpu.memory_space<vmem>>
            %dma_start3A_428 = arith.constant 0 : i32
            %dma_start3A_429 = tpu.memref_slice %arg5[%squeeze3A, %dma_start3A_428] : memref<100001x16xf32, #tpu.memory_space<hbm>> -> memref<1x16xf32, #tpu.memory_space<hbm>>
            %dma_start3A_430 = arith.constant 0 : i32
            %dma_start3A_431 = tpu.memref_slice %arg14[%add3A_426, %dma_start3A_430] : memref<80x16xf32, #tpu.memory_space<vmem>> -> memref<1x16xf32, #tpu.memory_space<vmem>>
            %dma_start3A_432 = arith.constant 0 : i32
            %dma_start3A_433 = tpu.memref_slice %arg5[%squeeze3A, %dma_start3A_432] : memref<100001x16xf32, #tpu.memory_space<hbm>> -> memref<1x16xf32, #tpu.memory_space<hbm>>
            tpu.enqueue_dma source(%dma_start3A_433 : memref<1x16xf32, #tpu.memory_space<hbm>>) target(%dma_start3A_431 : memref<1x16xf32, #tpu.memory_space<vmem>>) target_semaphore(%arg19 : memref<!tpu.dma_semaphore, #tpu.memory_space<semaphore_mem>>)
            %slice3A_434 = vector.extract_strided_slice %get3A_422 {offsets = [1], sizes = [1], strides = [1]} : vector<16xi32> to vector<1xi32>
            %squeeze3A_435 = vector.extract %slice3A_434[0] : i32 from vector<1xi32>
            %mul3A_436 = arith.constant 16 : i32
            %mul3A_437 = arith.muli %sub3A_413, %mul3A_436 : i32
            %add3A_438 = arith.constant 1 : i32
            %add3A_439 = arith.addi %mul3A_437, %add3A_438 : i32
            %dma_start3A_440 = arith.constant 0 : i32
            %dma_start3A_441 = tpu.memref_slice %arg14[%add3A_439, %dma_start3A_440] : memref<80x16xf32, #tpu.memory_space<vmem>> -> memref<1x16xf32, #tpu.memory_space<vmem>>
            %dma_start3A_442 = arith.constant 0 : i32
            %dma_start3A_443 = tpu.memref_slice %arg5[%squeeze3A_435, %dma_start3A_442] : memref<100001x16xf32, #tpu.memory_space<hbm>> -> memref<1x16xf32, #tpu.memory_space<hbm>>
            %dma_start3A_444 = arith.constant 0 : i32
            %dma_start3A_445 = tpu.memref_slice %arg14[%add3A_439, %dma_start3A_444] : memref<80x16xf32, #tpu.memory_space<vmem>> -> memref<1x16xf32, #tpu.memory_space<vmem>>
            %dma_start3A_446 = arith.constant 0 : i32
            %dma_start3A_447 = tpu.memref_slice %arg5[%squeeze3A_435, %dma_start3A_446] : memref<100001x16xf32, #tpu.memory_space<hbm>> -> memref<1x16xf32, #tpu.memory_space<hbm>>
            tpu.enqueue_dma source(%dma_start3A_447 : memref<1x16xf32, #tpu.memory_space<hbm>>) target(%dma_start3A_445 : memref<1x16xf32, #tpu.memory_space<vmem>>) target_semaphore(%arg19 : memref<!tpu.dma_semaphore, #tpu.memory_space<semaphore_mem>>)
            %slice3A_448 = vector.extract_strided_slice %get3A_422 {offsets = [2], sizes = [1], strides = [1]} : vector<16xi32> to vector<1xi32>
            %squeeze3A_449 = vector.extract %slice3A_448[0] : i32 from vector<1xi32>
            %mul3A_450 = arith.constant 16 : i32
            %mul3A_451 = arith.muli %sub3A_413, %mul3A_450 : i32
            %add3A_452 = arith.constant 2 : i32
            %add3A_453 = arith.addi %mul3A_451, %add3A_452 : i32
            %dma_start3A_454 = arith.constant 0 : i32
            %dma_start3A_455 = tpu.memref_slice %arg14[%add3A_453, %dma_start3A_454] : memref<80x16xf32, #tpu.memory_space<vmem>> -> memref<1x16xf32, #tpu.memory_space<vmem>>
            %dma_start3A_456 = arith.constant 0 : i32
            %dma_start3A_457 = tpu.memref_slice %arg5[%squeeze3A_449, %dma_start3A_456] : memref<100001x16xf32, #tpu.memory_space<hbm>> -> memref<1x16xf32, #tpu.memory_space<hbm>>
            %dma_start3A_458 = arith.constant 0 : i32
            %dma_start3A_459 = tpu.memref_slice %arg14[%add3A_453, %dma_start3A_458] : memref<80x16xf32, #tpu.memory_space<vmem>> -> memref<1x16xf32, #tpu.memory_space<vmem>>
            %dma_start3A_460 = arith.constant 0 : i32
            %dma_start3A_461 = tpu.memref_slice %arg5[%squeeze3A_449, %dma_start3A_460] : memref<100001x16xf32, #tpu.memory_space<hbm>> -> memref<1x16xf32, #tpu.memory_space<hbm>>
            tpu.enqueue_dma source(%dma_start3A_461 : memref<1x16xf32, #tpu.memory_space<hbm>>) target(%dma_start3A_459 : memref<1x16xf32, #tpu.memory_space<vmem>>) target_semaphore(%arg19 : memref<!tpu.dma_semaphore, #tpu.memory_space<semaphore_mem>>)
            %slice3A_462 = vector.extract_strided_slice %get3A_422 {offsets = [3], sizes = [1], strides = [1]} : vector<16xi32> to vector<1xi32>
            %squeeze3A_463 = vector.extract %slice3A_462[0] : i32 from vector<1xi32>
            %mul3A_464 = arith.constant 16 : i32
            %mul3A_465 = arith.muli %sub3A_413, %mul3A_464 : i32
            %add3A_466 = arith.constant 3 : i32
            %add3A_467 = arith.addi %mul3A_465, %add3A_466 : i32
            %dma_start3A_468 = arith.constant 0 : i32
            %dma_start3A_469 = tpu.memref_slice %arg14[%add3A_467, %dma_start3A_468] : memref<80x16xf32, #tpu.memory_space<vmem>> -> memref<1x16xf32, #tpu.memory_space<vmem>>
            %dma_start3A_470 = arith.constant 0 : i32
            %dma_start3A_471 = tpu.memref_slice %arg5[%squeeze3A_463, %dma_start3A_470] : memref<100001x16xf32, #tpu.memory_space<hbm>> -> memref<1x16xf32, #tpu.memory_space<hbm>>
            %dma_start3A_472 = arith.constant 0 : i32
            %dma_start3A_473 = tpu.memref_slice %arg14[%add3A_467, %dma_start3A_472] : memref<80x16xf32, #tpu.memory_space<vmem>> -> memref<1x16xf32, #tpu.memory_space<vmem>>
            %dma_start3A_474 = arith.constant 0 : i32
            %dma_start3A_475 = tpu.memref_slice %arg5[%squeeze3A_463, %dma_start3A_474] : memref<100001x16xf32, #tpu.memory_space<hbm>> -> memref<1x16xf32, #tpu.memory_space<hbm>>
            tpu.enqueue_dma source(%dma_start3A_475 : memref<1x16xf32, #tpu.memory_space<hbm>>) target(%dma_start3A_473 : memref<1x16xf32, #tpu.memory_space<vmem>>) target_semaphore(%arg19 : memref<!tpu.dma_semaphore, #tpu.memory_space<semaphore_mem>>)
            %slice3A_476 = vector.extract_strided_slice %get3A_422 {offsets = [4], sizes = [1], strides = [1]} : vector<16xi32> to vector<1xi32>
            %squeeze3A_477 = vector.extract %slice3A_476[0] : i32 from vector<1xi32>
            %mul3A_478 = arith.constant 16 : i32
            %mul3A_479 = arith.muli %sub3A_413, %mul3A_478 : i32
            %add3A_480 = arith.constant 4 : i32
            %add3A_481 = arith.addi %mul3A_479, %add3A_480 : i32
            %dma_start3A_482 = arith.constant 0 : i32
            %dma_start3A_483 = tpu.memref_slice %arg14[%add3A_481, %dma_start3A_482] : memref<80x16xf32, #tpu.memory_space<vmem>> -> memref<1x16xf32, #tpu.memory_space<vmem>>
            %dma_start3A_484 = arith.constant 0 : i32
            %dma_start3A_485 = tpu.memref_slice %arg5[%squeeze3A_477, %dma_start3A_484] : memref<100001x16xf32, #tpu.memory_space<hbm>> -> memref<1x16xf32, #tpu.memory_space<hbm>>
            %dma_start3A_486 = arith.constant 0 : i32
            %dma_start3A_487 = tpu.memref_slice %arg14[%add3A_481, %dma_start3A_486] : memref<80x16xf32, #tpu.memory_space<vmem>> -> memref<1x16xf32, #tpu.memory_space<vmem>>
            %dma_start3A_488 = arith.constant 0 : i32
            %dma_start3A_489 = tpu.memref_slice %arg5[%squeeze3A_477, %dma_start3A_488] : memref<100001x16xf32, #tpu.memory_space<hbm>> -> memref<1x16xf32, #tpu.memory_space<hbm>>
            tpu.enqueue_dma source(%dma_start3A_489 : memref<1x16xf32, #tpu.memory_space<hbm>>) target(%dma_start3A_487 : memref<1x16xf32, #tpu.memory_space<vmem>>) target_semaphore(%arg19 : memref<!tpu.dma_semaphore, #tpu.memory_space<semaphore_mem>>)
            %slice3A_490 = vector.extract_strided_slice %get3A_422 {offsets = [5], sizes = [1], strides = [1]} : vector<16xi32> to vector<1xi32>
            %squeeze3A_491 = vector.extract %slice3A_490[0] : i32 from vector<1xi32>
            %mul3A_492 = arith.constant 16 : i32
            %mul3A_493 = arith.muli %sub3A_413, %mul3A_492 : i32
            %add3A_494 = arith.constant 5 : i32
            %add3A_495 = arith.addi %mul3A_493, %add3A_494 : i32
            %dma_start3A_496 = arith.constant 0 : i32
            %dma_start3A_497 = tpu.memref_slice %arg14[%add3A_495, %dma_start3A_496] : memref<80x16xf32, #tpu.memory_space<vmem>> -> memref<1x16xf32, #tpu.memory_space<vmem>>
            %dma_start3A_498 = arith.constant 0 : i32
            %dma_start3A_499 = tpu.memref_slice %arg5[%squeeze3A_491, %dma_start3A_498] : memref<100001x16xf32, #tpu.memory_space<hbm>> -> memref<1x16xf32, #tpu.memory_space<hbm>>
            %dma_start3A_500 = arith.constant 0 : i32
            %dma_start3A_501 = tpu.memref_slice %arg14[%add3A_495, %dma_start3A_500] : memref<80x16xf32, #tpu.memory_space<vmem>> -> memref<1x16xf32, #tpu.memory_space<vmem>>
            %dma_start3A_502 = arith.constant 0 : i32
            %dma_start3A_503 = tpu.memref_slice %arg5[%squeeze3A_491, %dma_start3A_502] : memref<100001x16xf32, #tpu.memory_space<hbm>> -> memref<1x16xf32, #tpu.memory_space<hbm>>
            tpu.enqueue_dma source(%dma_start3A_503 : memref<1x16xf32, #tpu.memory_space<hbm>>) target(%dma_start3A_501 : memref<1x16xf32, #tpu.memory_space<vmem>>) target_semaphore(%arg19 : memref<!tpu.dma_semaphore, #tpu.memory_space<semaphore_mem>>)
            %slice3A_504 = vector.extract_strided_slice %get3A_422 {offsets = [6], sizes = [1], strides = [1]} : vector<16xi32> to vector<1xi32>
            %squeeze3A_505 = vector.extract %slice3A_504[0] : i32 from vector<1xi32>
            %mul3A_506 = arith.constant 16 : i32
            %mul3A_507 = arith.muli %sub3A_413, %mul3A_506 : i32
            %add3A_508 = arith.constant 6 : i32
            %add3A_509 = arith.addi %mul3A_507, %add3A_508 : i32
            %dma_start3A_510 = arith.constant 0 : i32
            %dma_start3A_511 = tpu.memref_slice %arg14[%add3A_509, %dma_start3A_510] : memref<80x16xf32, #tpu.memory_space<vmem>> -> memref<1x16xf32, #tpu.memory_space<vmem>>
            %dma_start3A_512 = arith.constant 0 : i32
            %dma_start3A_513 = tpu.memref_slice %arg5[%squeeze3A_505, %dma_start3A_512] : memref<100001x16xf32, #tpu.memory_space<hbm>> -> memref<1x16xf32, #tpu.memory_space<hbm>>
            %dma_start3A_514 = arith.constant 0 : i32
            %dma_start3A_515 = tpu.memref_slice %arg14[%add3A_509, %dma_start3A_514] : memref<80x16xf32, #tpu.memory_space<vmem>> -> memref<1x16xf32, #tpu.memory_space<vmem>>
            %dma_start3A_516 = arith.constant 0 : i32
            %dma_start3A_517 = tpu.memref_slice %arg5[%squeeze3A_505, %dma_start3A_516] : memref<100001x16xf32, #tpu.memory_space<hbm>> -> memref<1x16xf32, #tpu.memory_space<hbm>>
            tpu.enqueue_dma source(%dma_start3A_517 : memref<1x16xf32, #tpu.memory_space<hbm>>) target(%dma_start3A_515 : memref<1x16xf32, #tpu.memory_space<vmem>>) target_semaphore(%arg19 : memref<!tpu.dma_semaphore, #tpu.memory_space<semaphore_mem>>)
            %slice3A_518 = vector.extract_strided_slice %get3A_422 {offsets = [7], sizes = [1], strides = [1]} : vector<16xi32> to vector<1xi32>
            %squeeze3A_519 = vector.extract %slice3A_518[0] : i32 from vector<1xi32>
            %mul3A_520 = arith.constant 16 : i32
            %mul3A_521 = arith.muli %sub3A_413, %mul3A_520 : i32
            %add3A_522 = arith.constant 7 : i32
            %add3A_523 = arith.addi %mul3A_521, %add3A_522 : i32
            %dma_start3A_524 = arith.constant 0 : i32
            %dma_start3A_525 = tpu.memref_slice %arg14[%add3A_523, %dma_start3A_524] : memref<80x16xf32, #tpu.memory_space<vmem>> -> memref<1x16xf32, #tpu.memory_space<vmem>>
            %dma_start3A_526 = arith.constant 0 : i32
            %dma_start3A_527 = tpu.memref_slice %arg5[%squeeze3A_519, %dma_start3A_526] : memref<100001x16xf32, #tpu.memory_space<hbm>> -> memref<1x16xf32, #tpu.memory_space<hbm>>
            %dma_start3A_528 = arith.constant 0 : i32
            %dma_start3A_529 = tpu.memref_slice %arg14[%add3A_523, %dma_start3A_528] : memref<80x16xf32, #tpu.memory_space<vmem>> -> memref<1x16xf32, #tpu.memory_space<vmem>>
            %dma_start3A_530 = arith.constant 0 : i32
            %dma_start3A_531 = tpu.memref_slice %arg5[%squeeze3A_519, %dma_start3A_530] : memref<100001x16xf32, #tpu.memory_space<hbm>> -> memref<1x16xf32, #tpu.memory_space<hbm>>
            tpu.enqueue_dma source(%dma_start3A_531 : memref<1x16xf32, #tpu.memory_space<hbm>>) target(%dma_start3A_529 : memref<1x16xf32, #tpu.memory_space<vmem>>) target_semaphore(%arg19 : memref<!tpu.dma_semaphore, #tpu.memory_space<semaphore_mem>>)
            %slice3A_532 = vector.extract_strided_slice %get3A_422 {offsets = [8], sizes = [1], strides = [1]} : vector<16xi32> to vector<1xi32>
            %squeeze3A_533 = vector.extract %slice3A_532[0] : i32 from vector<1xi32>
            %mul3A_534 = arith.constant 16 : i32
            %mul3A_535 = arith.muli %sub3A_413, %mul3A_534 : i32
            %add3A_536 = arith.constant 8 : i32
            %add3A_537 = arith.addi %mul3A_535, %add3A_536 : i32
            %dma_start3A_538 = arith.constant 0 : i32
            %dma_start3A_539 = tpu.memref_slice %arg14[%add3A_537, %dma_start3A_538] : memref<80x16xf32, #tpu.memory_space<vmem>> -> memref<1x16xf32, #tpu.memory_space<vmem>>
            %dma_start3A_540 = arith.constant 0 : i32
            %dma_start3A_541 = tpu.memref_slice %arg5[%squeeze3A_533, %dma_start3A_540] : memref<100001x16xf32, #tpu.memory_space<hbm>> -> memref<1x16xf32, #tpu.memory_space<hbm>>
            %dma_start3A_542 = arith.constant 0 : i32
            %dma_start3A_543 = tpu.memref_slice %arg14[%add3A_537, %dma_start3A_542] : memref<80x16xf32, #tpu.memory_space<vmem>> -> memref<1x16xf32, #tpu.memory_space<vmem>>
            %dma_start3A_544 = arith.constant 0 : i32
            %dma_start3A_545 = tpu.memref_slice %arg5[%squeeze3A_533, %dma_start3A_544] : memref<100001x16xf32, #tpu.memory_space<hbm>> -> memref<1x16xf32, #tpu.memory_space<hbm>>
            tpu.enqueue_dma source(%dma_start3A_545 : memref<1x16xf32, #tpu.memory_space<hbm>>) target(%dma_start3A_543 : memref<1x16xf32, #tpu.memory_space<vmem>>) target_semaphore(%arg19 : memref<!tpu.dma_semaphore, #tpu.memory_space<semaphore_mem>>)
            %slice3A_546 = vector.extract_strided_slice %get3A_422 {offsets = [9], sizes = [1], strides = [1]} : vector<16xi32> to vector<1xi32>
            %squeeze3A_547 = vector.extract %slice3A_546[0] : i32 from vector<1xi32>
            %mul3A_548 = arith.constant 16 : i32
            %mul3A_549 = arith.muli %sub3A_413, %mul3A_548 : i32
            %add3A_550 = arith.constant 9 : i32
            %add3A_551 = arith.addi %mul3A_549, %add3A_550 : i32
            %dma_start3A_552 = arith.constant 0 : i32
            %dma_start3A_553 = tpu.memref_slice %arg14[%add3A_551, %dma_start3A_552] : memref<80x16xf32, #tpu.memory_space<vmem>> -> memref<1x16xf32, #tpu.memory_space<vmem>>
            %dma_start3A_554 = arith.constant 0 : i32
            %dma_start3A_555 = tpu.memref_slice %arg5[%squeeze3A_547, %dma_start3A_554] : memref<100001x16xf32, #tpu.memory_space<hbm>> -> memref<1x16xf32, #tpu.memory_space<hbm>>
            %dma_start3A_556 = arith.constant 0 : i32
            %dma_start3A_557 = tpu.memref_slice %arg14[%add3A_551, %dma_start3A_556] : memref<80x16xf32, #tpu.memory_space<vmem>> -> memref<1x16xf32, #tpu.memory_space<vmem>>
            %dma_start3A_558 = arith.constant 0 : i32
            %dma_start3A_559 = tpu.memref_slice %arg5[%squeeze3A_547, %dma_start3A_558] : memref<100001x16xf32, #tpu.memory_space<hbm>> -> memref<1x16xf32, #tpu.memory_space<hbm>>
            tpu.enqueue_dma source(%dma_start3A_559 : memref<1x16xf32, #tpu.memory_space<hbm>>) target(%dma_start3A_557 : memref<1x16xf32, #tpu.memory_space<vmem>>) target_semaphore(%arg19 : memref<!tpu.dma_semaphore, #tpu.memory_space<semaphore_mem>>)
            %slice3A_560 = vector.extract_strided_slice %get3A_422 {offsets = [10], sizes = [1], strides = [1]} : vector<16xi32> to vector<1xi32>
            %squeeze3A_561 = vector.extract %slice3A_560[0] : i32 from vector<1xi32>
            %mul3A_562 = arith.constant 16 : i32
            %mul3A_563 = arith.muli %sub3A_413, %mul3A_562 : i32
            %add3A_564 = arith.constant 10 : i32
            %add3A_565 = arith.addi %mul3A_563, %add3A_564 : i32
            %dma_start3A_566 = arith.constant 0 : i32
            %dma_start3A_567 = tpu.memref_slice %arg14[%add3A_565, %dma_start3A_566] : memref<80x16xf32, #tpu.memory_space<vmem>> -> memref<1x16xf32, #tpu.memory_space<vmem>>
            %dma_start3A_568 = arith.constant 0 : i32
            %dma_start3A_569 = tpu.memref_slice %arg5[%squeeze3A_561, %dma_start3A_568] : memref<100001x16xf32, #tpu.memory_space<hbm>> -> memref<1x16xf32, #tpu.memory_space<hbm>>
            %dma_start3A_570 = arith.constant 0 : i32
            %dma_start3A_571 = tpu.memref_slice %arg14[%add3A_565, %dma_start3A_570] : memref<80x16xf32, #tpu.memory_space<vmem>> -> memref<1x16xf32, #tpu.memory_space<vmem>>
            %dma_start3A_572 = arith.constant 0 : i32
            %dma_start3A_573 = tpu.memref_slice %arg5[%squeeze3A_561, %dma_start3A_572] : memref<100001x16xf32, #tpu.memory_space<hbm>> -> memref<1x16xf32, #tpu.memory_space<hbm>>
            tpu.enqueue_dma source(%dma_start3A_573 : memref<1x16xf32, #tpu.memory_space<hbm>>) target(%dma_start3A_571 : memref<1x16xf32, #tpu.memory_space<vmem>>) target_semaphore(%arg19 : memref<!tpu.dma_semaphore, #tpu.memory_space<semaphore_mem>>)
            %slice3A_574 = vector.extract_strided_slice %get3A_422 {offsets = [11], sizes = [1], strides = [1]} : vector<16xi32> to vector<1xi32>
            %squeeze3A_575 = vector.extract %slice3A_574[0] : i32 from vector<1xi32>
            %mul3A_576 = arith.constant 16 : i32
            %mul3A_577 = arith.muli %sub3A_413, %mul3A_576 : i32
            %add3A_578 = arith.constant 11 : i32
            %add3A_579 = arith.addi %mul3A_577, %add3A_578 : i32
            %dma_start3A_580 = arith.constant 0 : i32
            %dma_start3A_581 = tpu.memref_slice %arg14[%add3A_579, %dma_start3A_580] : memref<80x16xf32, #tpu.memory_space<vmem>> -> memref<1x16xf32, #tpu.memory_space<vmem>>
            %dma_start3A_582 = arith.constant 0 : i32
            %dma_start3A_583 = tpu.memref_slice %arg5[%squeeze3A_575, %dma_start3A_582] : memref<100001x16xf32, #tpu.memory_space<hbm>> -> memref<1x16xf32, #tpu.memory_space<hbm>>
            %dma_start3A_584 = arith.constant 0 : i32
            %dma_start3A_585 = tpu.memref_slice %arg14[%add3A_579, %dma_start3A_584] : memref<80x16xf32, #tpu.memory_space<vmem>> -> memref<1x16xf32, #tpu.memory_space<vmem>>
            %dma_start3A_586 = arith.constant 0 : i32
            %dma_start3A_587 = tpu.memref_slice %arg5[%squeeze3A_575, %dma_start3A_586] : memref<100001x16xf32, #tpu.memory_space<hbm>> -> memref<1x16xf32, #tpu.memory_space<hbm>>
            tpu.enqueue_dma source(%dma_start3A_587 : memref<1x16xf32, #tpu.memory_space<hbm>>) target(%dma_start3A_585 : memref<1x16xf32, #tpu.memory_space<vmem>>) target_semaphore(%arg19 : memref<!tpu.dma_semaphore, #tpu.memory_space<semaphore_mem>>)
            %slice3A_588 = vector.extract_strided_slice %get3A_422 {offsets = [12], sizes = [1], strides = [1]} : vector<16xi32> to vector<1xi32>
            %squeeze3A_589 = vector.extract %slice3A_588[0] : i32 from vector<1xi32>
            %mul3A_590 = arith.constant 16 : i32
            %mul3A_591 = arith.muli %sub3A_413, %mul3A_590 : i32
            %add3A_592 = arith.constant 12 : i32
            %add3A_593 = arith.addi %mul3A_591, %add3A_592 : i32
            %dma_start3A_594 = arith.constant 0 : i32
            %dma_start3A_595 = tpu.memref_slice %arg14[%add3A_593, %dma_start3A_594] : memref<80x16xf32, #tpu.memory_space<vmem>> -> memref<1x16xf32, #tpu.memory_space<vmem>>
            %dma_start3A_596 = arith.constant 0 : i32
            %dma_start3A_597 = tpu.memref_slice %arg5[%squeeze3A_589, %dma_start3A_596] : memref<100001x16xf32, #tpu.memory_space<hbm>> -> memref<1x16xf32, #tpu.memory_space<hbm>>
            %dma_start3A_598 = arith.constant 0 : i32
            %dma_start3A_599 = tpu.memref_slice %arg14[%add3A_593, %dma_start3A_598] : memref<80x16xf32, #tpu.memory_space<vmem>> -> memref<1x16xf32, #tpu.memory_space<vmem>>
            %dma_start3A_600 = arith.constant 0 : i32
            %dma_start3A_601 = tpu.memref_slice %arg5[%squeeze3A_589, %dma_start3A_600] : memref<100001x16xf32, #tpu.memory_space<hbm>> -> memref<1x16xf32, #tpu.memory_space<hbm>>
            tpu.enqueue_dma source(%dma_start3A_601 : memref<1x16xf32, #tpu.memory_space<hbm>>) target(%dma_start3A_599 : memref<1x16xf32, #tpu.memory_space<vmem>>) target_semaphore(%arg19 : memref<!tpu.dma_semaphore, #tpu.memory_space<semaphore_mem>>)
            %slice3A_602 = vector.extract_strided_slice %get3A_422 {offsets = [13], sizes = [1], strides = [1]} : vector<16xi32> to vector<1xi32>
            %squeeze3A_603 = vector.extract %slice3A_602[0] : i32 from vector<1xi32>
            %mul3A_604 = arith.constant 16 : i32
            %mul3A_605 = arith.muli %sub3A_413, %mul3A_604 : i32
            %add3A_606 = arith.constant 13 : i32
            %add3A_607 = arith.addi %mul3A_605, %add3A_606 : i32
            %dma_start3A_608 = arith.constant 0 : i32
            %dma_start3A_609 = tpu.memref_slice %arg14[%add3A_607, %dma_start3A_608] : memref<80x16xf32, #tpu.memory_space<vmem>> -> memref<1x16xf32, #tpu.memory_space<vmem>>
            %dma_start3A_610 = arith.constant 0 : i32
            %dma_start3A_611 = tpu.memref_slice %arg5[%squeeze3A_603, %dma_start3A_610] : memref<100001x16xf32, #tpu.memory_space<hbm>> -> memref<1x16xf32, #tpu.memory_space<hbm>>
            %dma_start3A_612 = arith.constant 0 : i32
            %dma_start3A_613 = tpu.memref_slice %arg14[%add3A_607, %dma_start3A_612] : memref<80x16xf32, #tpu.memory_space<vmem>> -> memref<1x16xf32, #tpu.memory_space<vmem>>
            %dma_start3A_614 = arith.constant 0 : i32
            %dma_start3A_615 = tpu.memref_slice %arg5[%squeeze3A_603, %dma_start3A_614] : memref<100001x16xf32, #tpu.memory_space<hbm>> -> memref<1x16xf32, #tpu.memory_space<hbm>>
            tpu.enqueue_dma source(%dma_start3A_615 : memref<1x16xf32, #tpu.memory_space<hbm>>) target(%dma_start3A_613 : memref<1x16xf32, #tpu.memory_space<vmem>>) target_semaphore(%arg19 : memref<!tpu.dma_semaphore, #tpu.memory_space<semaphore_mem>>)
            %slice3A_616 = vector.extract_strided_slice %get3A_422 {offsets = [14], sizes = [1], strides = [1]} : vector<16xi32> to vector<1xi32>
            %squeeze3A_617 = vector.extract %slice3A_616[0] : i32 from vector<1xi32>
            %mul3A_618 = arith.constant 16 : i32
            %mul3A_619 = arith.muli %sub3A_413, %mul3A_618 : i32
            %add3A_620 = arith.constant 14 : i32
            %add3A_621 = arith.addi %mul3A_619, %add3A_620 : i32
            %dma_start3A_622 = arith.constant 0 : i32
            %dma_start3A_623 = tpu.memref_slice %arg14[%add3A_621, %dma_start3A_622] : memref<80x16xf32, #tpu.memory_space<vmem>> -> memref<1x16xf32, #tpu.memory_space<vmem>>
            %dma_start3A_624 = arith.constant 0 : i32
            %dma_start3A_625 = tpu.memref_slice %arg5[%squeeze3A_617, %dma_start3A_624] : memref<100001x16xf32, #tpu.memory_space<hbm>> -> memref<1x16xf32, #tpu.memory_space<hbm>>
            %dma_start3A_626 = arith.constant 0 : i32
            %dma_start3A_627 = tpu.memref_slice %arg14[%add3A_621, %dma_start3A_626] : memref<80x16xf32, #tpu.memory_space<vmem>> -> memref<1x16xf32, #tpu.memory_space<vmem>>
            %dma_start3A_628 = arith.constant 0 : i32
            %dma_start3A_629 = tpu.memref_slice %arg5[%squeeze3A_617, %dma_start3A_628] : memref<100001x16xf32, #tpu.memory_space<hbm>> -> memref<1x16xf32, #tpu.memory_space<hbm>>
            tpu.enqueue_dma source(%dma_start3A_629 : memref<1x16xf32, #tpu.memory_space<hbm>>) target(%dma_start3A_627 : memref<1x16xf32, #tpu.memory_space<vmem>>) target_semaphore(%arg19 : memref<!tpu.dma_semaphore, #tpu.memory_space<semaphore_mem>>)
            %slice3A_630 = vector.extract_strided_slice %get3A_422 {offsets = [15], sizes = [1], strides = [1]} : vector<16xi32> to vector<1xi32>
            %squeeze3A_631 = vector.extract %slice3A_630[0] : i32 from vector<1xi32>
            %mul3A_632 = arith.constant 16 : i32
            %mul3A_633 = arith.muli %sub3A_413, %mul3A_632 : i32
            %add3A_634 = arith.constant 15 : i32
            %add3A_635 = arith.addi %mul3A_633, %add3A_634 : i32
            %dma_start3A_636 = arith.constant 0 : i32
            %dma_start3A_637 = tpu.memref_slice %arg14[%add3A_635, %dma_start3A_636] : memref<80x16xf32, #tpu.memory_space<vmem>> -> memref<1x16xf32, #tpu.memory_space<vmem>>
            %dma_start3A_638 = arith.constant 0 : i32
            %dma_start3A_639 = tpu.memref_slice %arg5[%squeeze3A_631, %dma_start3A_638] : memref<100001x16xf32, #tpu.memory_space<hbm>> -> memref<1x16xf32, #tpu.memory_space<hbm>>
            %dma_start3A_640 = arith.constant 0 : i32
            %dma_start3A_641 = tpu.memref_slice %arg14[%add3A_635, %dma_start3A_640] : memref<80x16xf32, #tpu.memory_space<vmem>> -> memref<1x16xf32, #tpu.memory_space<vmem>>
            %dma_start3A_642 = arith.constant 0 : i32
            %dma_start3A_643 = tpu.memref_slice %arg5[%squeeze3A_631, %dma_start3A_642] : memref<100001x16xf32, #tpu.memory_space<hbm>> -> memref<1x16xf32, #tpu.memory_space<hbm>>
            tpu.enqueue_dma source(%dma_start3A_643 : memref<1x16xf32, #tpu.memory_space<hbm>>) target(%dma_start3A_641 : memref<1x16xf32, #tpu.memory_space<vmem>>) target_semaphore(%arg19 : memref<!tpu.dma_semaphore, #tpu.memory_space<semaphore_mem>>)
          } else {
          }
          %broadcast_in_dim3A_96 = arith.constant 0.000000e+00 : f32
          %broadcast_in_dim3A_97 = vector.broadcast %broadcast_in_dim3A_96 : f32 to vector<16xf32>
          %broadcast_in_dim3A_98 = arith.constant 0.000000e+00 : f32
          %broadcast_in_dim3A_99 = vector.broadcast %broadcast_in_dim3A_98 : f32 to vector<16xf32>
          %mul3A_100 = arith.constant 20 : i32
          %mul3A_101 = arith.muli %scan3A_59, %mul3A_100 : i32
          %add3A_102 = arith.constant 0 : i32
          %add3A_103 = arith.addi %mul3A_101, %add3A_102 : i32
          %get3A = arith.index_cast %add3A_103 : i32 to index
          %get3A_104 = arith.constant 0 : index
          %get3A_105 = tpu.vector_load %arg11[%get3A, %get3A_104] {strides = array<i32>} : memref<160x16xf32, #tpu.memory_space<vmem>>, vector<16xf32>,
          %add3A_106 = arith.addf %broadcast_in_dim3A_97, %get3A_105 : vector<16xf32>
          %mul3A_107 = arith.mulf %get3A_105, %get3A_105 : vector<16xf32>
          %add3A_108 = arith.addf %broadcast_in_dim3A_99, %mul3A_107 : vector<16xf32>
          %mul3A_109 = arith.constant 20 : i32
          %mul3A_110 = arith.muli %scan3A_59, %mul3A_109 : i32
          %add3A_111 = arith.constant 1 : i32
          %add3A_112 = arith.addi %mul3A_110, %add3A_111 : i32
          %get3A_113 = arith.index_cast %add3A_112 : i32 to index
          %get3A_114 = arith.constant 0 : index
          %get3A_115 = tpu.vector_load %arg11[%get3A_113, %get3A_114] {strides = array<i32>} : memref<160x16xf32, #tpu.memory_space<vmem>>, vector<16xf32>,
          %add3A_116 = arith.addf %add3A_106, %get3A_115 : vector<16xf32>
          %mul3A_117 = arith.mulf %get3A_115, %get3A_115 : vector<16xf32>
          %add3A_118 = arith.addf %add3A_108, %mul3A_117 : vector<16xf32>
          %mul3A_119 = arith.constant 20 : i32
          %mul3A_120 = arith.muli %scan3A_59, %mul3A_119 : i32
          %add3A_121 = arith.constant 2 : i32
          %add3A_122 = arith.addi %mul3A_120, %add3A_121 : i32
          %get3A_123 = arith.index_cast %add3A_122 : i32 to index
          %get3A_124 = arith.constant 0 : index
          %get3A_125 = tpu.vector_load %arg11[%get3A_123, %get3A_124] {strides = array<i32>} : memref<160x16xf32, #tpu.memory_space<vmem>>, vector<16xf32>,
          %add3A_126 = arith.addf %add3A_116, %get3A_125 : vector<16xf32>
          %mul3A_127 = arith.mulf %get3A_125, %get3A_125 : vector<16xf32>
          %add3A_128 = arith.addf %add3A_118, %mul3A_127 : vector<16xf32>
          %mul3A_129 = arith.constant 20 : i32
          %mul3A_130 = arith.muli %scan3A_59, %mul3A_129 : i32
          %add3A_131 = arith.constant 3 : i32
          %add3A_132 = arith.addi %mul3A_130, %add3A_131 : i32
          %get3A_133 = arith.index_cast %add3A_132 : i32 to index
          %get3A_134 = arith.constant 0 : index
          %get3A_135 = tpu.vector_load %arg11[%get3A_133, %get3A_134] {strides = array<i32>} : memref<160x16xf32, #tpu.memory_space<vmem>>, vector<16xf32>,
          %add3A_136 = arith.addf %add3A_126, %get3A_135 : vector<16xf32>
          %mul3A_137 = arith.mulf %get3A_135, %get3A_135 : vector<16xf32>
          %add3A_138 = arith.addf %add3A_128, %mul3A_137 : vector<16xf32>
          %mul3A_139 = arith.constant 20 : i32
          %mul3A_140 = arith.muli %scan3A_59, %mul3A_139 : i32
          %add3A_141 = arith.constant 4 : i32
          %add3A_142 = arith.addi %mul3A_140, %add3A_141 : i32
          %get3A_143 = arith.index_cast %add3A_142 : i32 to index
          %get3A_144 = arith.constant 0 : index
          %get3A_145 = tpu.vector_load %arg11[%get3A_143, %get3A_144] {strides = array<i32>} : memref<160x16xf32, #tpu.memory_space<vmem>>, vector<16xf32>,
          %add3A_146 = arith.addf %add3A_136, %get3A_145 : vector<16xf32>
          %mul3A_147 = arith.mulf %get3A_145, %get3A_145 : vector<16xf32>
          %add3A_148 = arith.addf %add3A_138, %mul3A_147 : vector<16xf32>
          %mul3A_149 = arith.constant 20 : i32
          %mul3A_150 = arith.muli %scan3A_59, %mul3A_149 : i32
          %add3A_151 = arith.constant 5 : i32
          %add3A_152 = arith.addi %mul3A_150, %add3A_151 : i32
          %get3A_153 = arith.index_cast %add3A_152 : i32 to index
          %get3A_154 = arith.constant 0 : index
          %get3A_155 = tpu.vector_load %arg11[%get3A_153, %get3A_154] {strides = array<i32>} : memref<160x16xf32, #tpu.memory_space<vmem>>, vector<16xf32>,
          %add3A_156 = arith.addf %add3A_146, %get3A_155 : vector<16xf32>
          %mul3A_157 = arith.mulf %get3A_155, %get3A_155 : vector<16xf32>
          %add3A_158 = arith.addf %add3A_148, %mul3A_157 : vector<16xf32>
          %mul3A_159 = arith.constant 20 : i32
          %mul3A_160 = arith.muli %scan3A_59, %mul3A_159 : i32
          %add3A_161 = arith.constant 6 : i32
          %add3A_162 = arith.addi %mul3A_160, %add3A_161 : i32
          %get3A_163 = arith.index_cast %add3A_162 : i32 to index
          %get3A_164 = arith.constant 0 : index
          %get3A_165 = tpu.vector_load %arg11[%get3A_163, %get3A_164] {strides = array<i32>} : memref<160x16xf32, #tpu.memory_space<vmem>>, vector<16xf32>,
          %add3A_166 = arith.addf %add3A_156, %get3A_165 : vector<16xf32>
          %mul3A_167 = arith.mulf %get3A_165, %get3A_165 : vector<16xf32>
          %add3A_168 = arith.addf %add3A_158, %mul3A_167 : vector<16xf32>
          %mul3A_169 = arith.constant 20 : i32
          %mul3A_170 = arith.muli %scan3A_59, %mul3A_169 : i32
          %add3A_171 = arith.constant 7 : i32
          %add3A_172 = arith.addi %mul3A_170, %add3A_171 : i32
          %get3A_173 = arith.index_cast %add3A_172 : i32 to index
          %get3A_174 = arith.constant 0 : index
          %get3A_175 = tpu.vector_load %arg11[%get3A_173, %get3A_174] {strides = array<i32>} : memref<160x16xf32, #tpu.memory_space<vmem>>, vector<16xf32>,
          %add3A_176 = arith.addf %add3A_166, %get3A_175 : vector<16xf32>
          %mul3A_177 = arith.mulf %get3A_175, %get3A_175 : vector<16xf32>
          %add3A_178 = arith.addf %add3A_168, %mul3A_177 : vector<16xf32>
          %mul3A_179 = arith.constant 20 : i32
          %mul3A_180 = arith.muli %scan3A_59, %mul3A_179 : i32
          %add3A_181 = arith.constant 8 : i32
          %add3A_182 = arith.addi %mul3A_180, %add3A_181 : i32
          %get3A_183 = arith.index_cast %add3A_182 : i32 to index
          %get3A_184 = arith.constant 0 : index
          %get3A_185 = tpu.vector_load %arg11[%get3A_183, %get3A_184] {strides = array<i32>} : memref<160x16xf32, #tpu.memory_space<vmem>>, vector<16xf32>,
          %add3A_186 = arith.addf %add3A_176, %get3A_185 : vector<16xf32>
          %mul3A_187 = arith.mulf %get3A_185, %get3A_185 : vector<16xf32>
          %add3A_188 = arith.addf %add3A_178, %mul3A_187 : vector<16xf32>
          %mul3A_189 = arith.constant 20 : i32
          %mul3A_190 = arith.muli %scan3A_59, %mul3A_189 : i32
          %add3A_191 = arith.constant 9 : i32
          %add3A_192 = arith.addi %mul3A_190, %add3A_191 : i32
          %get3A_193 = arith.index_cast %add3A_192 : i32 to index
          %get3A_194 = arith.constant 0 : index
          %get3A_195 = tpu.vector_load %arg11[%get3A_193, %get3A_194] {strides = array<i32>} : memref<160x16xf32, #tpu.memory_space<vmem>>, vector<16xf32>,
          %add3A_196 = arith.addf %add3A_186, %get3A_195 : vector<16xf32>
          %mul3A_197 = arith.mulf %get3A_195, %get3A_195 : vector<16xf32>
          %add3A_198 = arith.addf %add3A_188, %mul3A_197 : vector<16xf32>
          %mul3A_199 = arith.constant 20 : i32
          %mul3A_200 = arith.muli %scan3A_59, %mul3A_199 : i32
          %add3A_201 = arith.constant 10 : i32
          %add3A_202 = arith.addi %mul3A_200, %add3A_201 : i32
          %get3A_203 = arith.index_cast %add3A_202 : i32 to index
          %get3A_204 = arith.constant 0 : index
          %get3A_205 = tpu.vector_load %arg11[%get3A_203, %get3A_204] {strides = array<i32>} : memref<160x16xf32, #tpu.memory_space<vmem>>, vector<16xf32>,
          %add3A_206 = arith.addf %add3A_196, %get3A_205 : vector<16xf32>
          %mul3A_207 = arith.mulf %get3A_205, %get3A_205 : vector<16xf32>
          %add3A_208 = arith.addf %add3A_198, %mul3A_207 : vector<16xf32>
          %mul3A_209 = arith.constant 20 : i32
          %mul3A_210 = arith.muli %scan3A_59, %mul3A_209 : i32
          %add3A_211 = arith.constant 11 : i32
          %add3A_212 = arith.addi %mul3A_210, %add3A_211 : i32
          %get3A_213 = arith.index_cast %add3A_212 : i32 to index
          %get3A_214 = arith.constant 0 : index
          %get3A_215 = tpu.vector_load %arg11[%get3A_213, %get3A_214] {strides = array<i32>} : memref<160x16xf32, #tpu.memory_space<vmem>>, vector<16xf32>,
          %add3A_216 = arith.addf %add3A_206, %get3A_215 : vector<16xf32>
          %mul3A_217 = arith.mulf %get3A_215, %get3A_215 : vector<16xf32>
          %add3A_218 = arith.addf %add3A_208, %mul3A_217 : vector<16xf32>
          %mul3A_219 = arith.constant 20 : i32
          %mul3A_220 = arith.muli %scan3A_59, %mul3A_219 : i32
          %add3A_221 = arith.constant 12 : i32
          %add3A_222 = arith.addi %mul3A_220, %add3A_221 : i32
          %get3A_223 = arith.index_cast %add3A_222 : i32 to index
          %get3A_224 = arith.constant 0 : index
          %get3A_225 = tpu.vector_load %arg11[%get3A_223, %get3A_224] {strides = array<i32>} : memref<160x16xf32, #tpu.memory_space<vmem>>, vector<16xf32>,
          %add3A_226 = arith.addf %add3A_216, %get3A_225 : vector<16xf32>
          %mul3A_227 = arith.mulf %get3A_225, %get3A_225 : vector<16xf32>
          %add3A_228 = arith.addf %add3A_218, %mul3A_227 : vector<16xf32>
          %mul3A_229 = arith.constant 20 : i32
          %mul3A_230 = arith.muli %scan3A_59, %mul3A_229 : i32
          %add3A_231 = arith.constant 13 : i32
          %add3A_232 = arith.addi %mul3A_230, %add3A_231 : i32
          %get3A_233 = arith.index_cast %add3A_232 : i32 to index
          %get3A_234 = arith.constant 0 : index
          %get3A_235 = tpu.vector_load %arg11[%get3A_233, %get3A_234] {strides = array<i32>} : memref<160x16xf32, #tpu.memory_space<vmem>>, vector<16xf32>,
          %add3A_236 = arith.addf %add3A_226, %get3A_235 : vector<16xf32>
          %mul3A_237 = arith.mulf %get3A_235, %get3A_235 : vector<16xf32>
          %add3A_238 = arith.addf %add3A_228, %mul3A_237 : vector<16xf32>
          %mul3A_239 = arith.constant 20 : i32
          %mul3A_240 = arith.muli %scan3A_59, %mul3A_239 : i32
          %add3A_241 = arith.constant 14 : i32
          %add3A_242 = arith.addi %mul3A_240, %add3A_241 : i32
          %get3A_243 = arith.index_cast %add3A_242 : i32 to index
          %get3A_244 = arith.constant 0 : index
          %get3A_245 = tpu.vector_load %arg11[%get3A_243, %get3A_244] {strides = array<i32>} : memref<160x16xf32, #tpu.memory_space<vmem>>, vector<16xf32>,
          %add3A_246 = arith.addf %add3A_236, %get3A_245 : vector<16xf32>
          %mul3A_247 = arith.mulf %get3A_245, %get3A_245 : vector<16xf32>
          %add3A_248 = arith.addf %add3A_238, %mul3A_247 : vector<16xf32>
          %mul3A_249 = arith.constant 20 : i32
          %mul3A_250 = arith.muli %scan3A_59, %mul3A_249 : i32
          %add3A_251 = arith.constant 15 : i32
          %add3A_252 = arith.addi %mul3A_250, %add3A_251 : i32
          %get3A_253 = arith.index_cast %add3A_252 : i32 to index
          %get3A_254 = arith.constant 0 : index
          %get3A_255 = tpu.vector_load %arg11[%get3A_253, %get3A_254] {strides = array<i32>} : memref<160x16xf32, #tpu.memory_space<vmem>>, vector<16xf32>,
          %add3A_256 = arith.addf %add3A_246, %get3A_255 : vector<16xf32>
          %mul3A_257 = arith.mulf %get3A_255, %get3A_255 : vector<16xf32>
          %add3A_258 = arith.addf %add3A_248, %mul3A_257 : vector<16xf32>
          %mul3A_259 = arith.constant 20 : i32
          %mul3A_260 = arith.muli %scan3A_59, %mul3A_259 : i32
          %add3A_261 = arith.constant 16 : i32
          %add3A_262 = arith.addi %mul3A_260, %add3A_261 : i32
          %get3A_263 = arith.index_cast %add3A_262 : i32 to index
          %get3A_264 = arith.constant 0 : index
          %get3A_265 = tpu.vector_load %arg11[%get3A_263, %get3A_264] {strides = array<i32>} : memref<160x16xf32, #tpu.memory_space<vmem>>, vector<16xf32>,
          %add3A_266 = arith.addf %add3A_256, %get3A_265 : vector<16xf32>
          %mul3A_267 = arith.mulf %get3A_265, %get3A_265 : vector<16xf32>
          %add3A_268 = arith.addf %add3A_258, %mul3A_267 : vector<16xf32>
          %mul3A_269 = arith.constant 20 : i32
          %mul3A_270 = arith.muli %scan3A_59, %mul3A_269 : i32
          %add3A_271 = arith.constant 17 : i32
          %add3A_272 = arith.addi %mul3A_270, %add3A_271 : i32
          %get3A_273 = arith.index_cast %add3A_272 : i32 to index
          %get3A_274 = arith.constant 0 : index
          %get3A_275 = tpu.vector_load %arg11[%get3A_273, %get3A_274] {strides = array<i32>} : memref<160x16xf32, #tpu.memory_space<vmem>>, vector<16xf32>,
          %add3A_276 = arith.addf %add3A_266, %get3A_275 : vector<16xf32>
          %mul3A_277 = arith.mulf %get3A_275, %get3A_275 : vector<16xf32>
          %add3A_278 = arith.addf %add3A_268, %mul3A_277 : vector<16xf32>
          %mul3A_279 = arith.constant 20 : i32
          %mul3A_280 = arith.muli %scan3A_59, %mul3A_279 : i32
          %add3A_281 = arith.constant 18 : i32
          %add3A_282 = arith.addi %mul3A_280, %add3A_281 : i32
          %get3A_283 = arith.index_cast %add3A_282 : i32 to index
          %get3A_284 = arith.constant 0 : index
          %get3A_285 = tpu.vector_load %arg11[%get3A_283, %get3A_284] {strides = array<i32>} : memref<160x16xf32, #tpu.memory_space<vmem>>, vector<16xf32>,
          %add3A_286 = arith.addf %add3A_276, %get3A_285 : vector<16xf32>
          %mul3A_287 = arith.mulf %get3A_285, %get3A_285 : vector<16xf32>
          %add3A_288 = arith.addf %add3A_278, %mul3A_287 : vector<16xf32>
          %mul3A_289 = arith.constant 20 : i32
          %mul3A_290 = arith.muli %scan3A_59, %mul3A_289 : i32
          %add3A_291 = arith.constant 19 : i32
          %add3A_292 = arith.addi %mul3A_290, %add3A_291 : i32
          %get3A_293 = arith.index_cast %add3A_292 : i32 to index
          %get3A_294 = arith.constant 0 : index
          %get3A_295 = tpu.vector_load %arg11[%get3A_293, %get3A_294] {strides = array<i32>} : memref<160x16xf32, #tpu.memory_space<vmem>>, vector<16xf32>,
          %add3A_296 = arith.addf %add3A_286, %get3A_295 : vector<16xf32>
          %mul3A_297 = arith.mulf %get3A_295, %get3A_295 : vector<16xf32>
          %add3A_298 = arith.addf %add3A_288, %mul3A_297 : vector<16xf32>
          %mul3A_299 = arith.constant 10 : i32
          %mul3A_300 = arith.muli %scan3A_59, %mul3A_299 : i32
          %add3A_301 = arith.constant 0 : i32
          %add3A_302 = arith.addi %mul3A_300, %add3A_301 : i32
          %get3A_303 = arith.index_cast %add3A_302 : i32 to index
          %get3A_304 = arith.constant 0 : index
          %get3A_305 = tpu.vector_load %arg13[%get3A_303, %get3A_304] {strides = array<i32>} : memref<80x16xf32, #tpu.memory_space<vmem>>, vector<16xf32>,
          %add3A_306 = arith.addf %add3A_296, %get3A_305 : vector<16xf32>
          %mul3A_307 = arith.mulf %get3A_305, %get3A_305 : vector<16xf32>
          %add3A_308 = arith.addf %add3A_298, %mul3A_307 : vector<16xf32>
          %mul3A_309 = arith.constant 10 : i32
          %mul3A_310 = arith.muli %scan3A_59, %mul3A_309 : i32
          %add3A_311 = arith.constant 1 : i32
          %add3A_312 = arith.addi %mul3A_310, %add3A_311 : i32
          %get3A_313 = arith.index_cast %add3A_312 : i32 to index
          %get3A_314 = arith.constant 0 : index
          %get3A_315 = tpu.vector_load %arg13[%get3A_313, %get3A_314] {strides = array<i32>} : memref<80x16xf32, #tpu.memory_space<vmem>>, vector<16xf32>,
          %add3A_316 = arith.addf %add3A_306, %get3A_315 : vector<16xf32>
          %mul3A_317 = arith.mulf %get3A_315, %get3A_315 : vector<16xf32>
          %add3A_318 = arith.addf %add3A_308, %mul3A_317 : vector<16xf32>
          %mul3A_319 = arith.constant 10 : i32
          %mul3A_320 = arith.muli %scan3A_59, %mul3A_319 : i32
          %add3A_321 = arith.constant 2 : i32
          %add3A_322 = arith.addi %mul3A_320, %add3A_321 : i32
          %get3A_323 = arith.index_cast %add3A_322 : i32 to index
          %get3A_324 = arith.constant 0 : index
          %get3A_325 = tpu.vector_load %arg13[%get3A_323, %get3A_324] {strides = array<i32>} : memref<80x16xf32, #tpu.memory_space<vmem>>, vector<16xf32>,
          %add3A_326 = arith.addf %add3A_316, %get3A_325 : vector<16xf32>
          %mul3A_327 = arith.mulf %get3A_325, %get3A_325 : vector<16xf32>
          %add3A_328 = arith.addf %add3A_318, %mul3A_327 : vector<16xf32>
          %mul3A_329 = arith.constant 10 : i32
          %mul3A_330 = arith.muli %scan3A_59, %mul3A_329 : i32
          %add3A_331 = arith.constant 3 : i32
          %add3A_332 = arith.addi %mul3A_330, %add3A_331 : i32
          %get3A_333 = arith.index_cast %add3A_332 : i32 to index
          %get3A_334 = arith.constant 0 : index
          %get3A_335 = tpu.vector_load %arg13[%get3A_333, %get3A_334] {strides = array<i32>} : memref<80x16xf32, #tpu.memory_space<vmem>>, vector<16xf32>,
          %add3A_336 = arith.addf %add3A_326, %get3A_335 : vector<16xf32>
          %mul3A_337 = arith.mulf %get3A_335, %get3A_335 : vector<16xf32>
          %add3A_338 = arith.addf %add3A_328, %mul3A_337 : vector<16xf32>
          %mul3A_339 = arith.constant 10 : i32
          %mul3A_340 = arith.muli %scan3A_59, %mul3A_339 : i32
          %add3A_341 = arith.constant 4 : i32
          %add3A_342 = arith.addi %mul3A_340, %add3A_341 : i32
          %get3A_343 = arith.index_cast %add3A_342 : i32 to index
          %get3A_344 = arith.constant 0 : index
          %get3A_345 = tpu.vector_load %arg13[%get3A_343, %get3A_344] {strides = array<i32>} : memref<80x16xf32, #tpu.memory_space<vmem>>, vector<16xf32>,
          %add3A_346 = arith.addf %add3A_336, %get3A_345 : vector<16xf32>
          %mul3A_347 = arith.mulf %get3A_345, %get3A_345 : vector<16xf32>
          %add3A_348 = arith.addf %add3A_338, %mul3A_347 : vector<16xf32>
          %mul3A_349 = arith.constant 10 : i32
          %mul3A_350 = arith.muli %scan3A_59, %mul3A_349 : i32
          %add3A_351 = arith.constant 5 : i32
          %add3A_352 = arith.addi %mul3A_350, %add3A_351 : i32
          %get3A_353 = arith.index_cast %add3A_352 : i32 to index
          %get3A_354 = arith.constant 0 : index
          %get3A_355 = tpu.vector_load %arg13[%get3A_353, %get3A_354] {strides = array<i32>} : memref<80x16xf32, #tpu.memory_space<vmem>>, vector<16xf32>,
          %add3A_356 = arith.addf %add3A_346, %get3A_355 : vector<16xf32>
          %mul3A_357 = arith.mulf %get3A_355, %get3A_355 : vector<16xf32>
          %add3A_358 = arith.addf %add3A_348, %mul3A_357 : vector<16xf32>
          %mul3A_359 = arith.constant 10 : i32
          %mul3A_360 = arith.muli %scan3A_59, %mul3A_359 : i32
          %add3A_361 = arith.constant 6 : i32
          %add3A_362 = arith.addi %mul3A_360, %add3A_361 : i32
          %get3A_363 = arith.index_cast %add3A_362 : i32 to index
          %get3A_364 = arith.constant 0 : index
          %get3A_365 = tpu.vector_load %arg13[%get3A_363, %get3A_364] {strides = array<i32>} : memref<80x16xf32, #tpu.memory_space<vmem>>, vector<16xf32>,
          %add3A_366 = arith.addf %add3A_356, %get3A_365 : vector<16xf32>
          %mul3A_367 = arith.mulf %get3A_365, %get3A_365 : vector<16xf32>
          %add3A_368 = arith.addf %add3A_358, %mul3A_367 : vector<16xf32>
          %mul3A_369 = arith.constant 10 : i32
          %mul3A_370 = arith.muli %scan3A_59, %mul3A_369 : i32
          %add3A_371 = arith.constant 7 : i32
          %add3A_372 = arith.addi %mul3A_370, %add3A_371 : i32
          %get3A_373 = arith.index_cast %add3A_372 : i32 to index
          %get3A_374 = arith.constant 0 : index
          %get3A_375 = tpu.vector_load %arg13[%get3A_373, %get3A_374] {strides = array<i32>} : memref<80x16xf32, #tpu.memory_space<vmem>>, vector<16xf32>,
          %add3A_376 = arith.addf %add3A_366, %get3A_375 : vector<16xf32>
          %mul3A_377 = arith.mulf %get3A_375, %get3A_375 : vector<16xf32>
          %add3A_378 = arith.addf %add3A_368, %mul3A_377 : vector<16xf32>
          %mul3A_379 = arith.constant 10 : i32
          %mul3A_380 = arith.muli %scan3A_59, %mul3A_379 : i32
          %add3A_381 = arith.constant 8 : i32
          %add3A_382 = arith.addi %mul3A_380, %add3A_381 : i32
          %get3A_383 = arith.index_cast %add3A_382 : i32 to index
          %get3A_384 = arith.constant 0 : index
          %get3A_385 = tpu.vector_load %arg13[%get3A_383, %get3A_384] {strides = array<i32>} : memref<80x16xf32, #tpu.memory_space<vmem>>, vector<16xf32>,
          %add3A_386 = arith.addf %add3A_376, %get3A_385 : vector<16xf32>
          %mul3A_387 = arith.mulf %get3A_385, %get3A_385 : vector<16xf32>
          %add3A_388 = arith.addf %add3A_378, %mul3A_387 : vector<16xf32>
          %mul3A_389 = arith.constant 10 : i32
          %mul3A_390 = arith.muli %scan3A_59, %mul3A_389 : i32
          %add3A_391 = arith.constant 9 : i32
          %add3A_392 = arith.addi %mul3A_390, %add3A_391 : i32
          %get3A_393 = arith.index_cast %add3A_392 : i32 to index
          %get3A_394 = arith.constant 0 : index
          %get3A_395 = tpu.vector_load %arg13[%get3A_393, %get3A_394] {strides = array<i32>} : memref<80x16xf32, #tpu.memory_space<vmem>>, vector<16xf32>,
          %add3A_396 = arith.addf %add3A_386, %get3A_395 : vector<16xf32>
          %mul3A_397 = arith.mulf %get3A_395, %get3A_395 : vector<16xf32>
          %add3A_398 = arith.addf %add3A_388, %mul3A_397 : vector<16xf32>
          %mul3A_399 = arith.mulf %add3A_396, %add3A_396 : vector<16xf32>
          %sub3A = arith.subf %mul3A_399, %add3A_398 : vector<16xf32>
          %reduce_sum3A = arith.constant true
          %reduce_sum3A_400 = vector.broadcast %reduce_sum3A : i1 to vector<16xi1>
          %reduce_sum3A_401 = tpu.scan <sum>, %sub3A masked %reduce_sum3A_400 : vector<16xf32>, vector<16xi1> -> vector<16xf32>
          %reduce_sum3A_402 = vector.extract %reduce_sum3A_401[15] : f32 from vector<16xf32>
          %mul3A_403 = arith.constant 5.000000e-01 : f32
          %mul3A_404 = arith.mulf %mul3A_403, %reduce_sum3A_402 : f32
          %mul3A_405 = arith.constant 8 : i32
          %mul3A_406 = arith.muli %add3A_28, %mul3A_405 : i32
          %add3A_407 = arith.addi %mul3A_406, %scan3A_59 : i32
          %broadcast_in_dim3A_408 = vector.broadcast %add3A_407 : i32 to vector<16xi32>
          %broadcast_in_dim3A_409 = vector.broadcast %mul3A_404 : f32 to vector<16xf32>
          tpu.vector_store_idx %arg15[%broadcast_in_dim3A_408], %broadcast_in_dim3A_409 masked %eq3A_5 : memref<512xf32, #tpu.memory_space<vmem>>[vector<16xi32>], vector<16xf32>, vector<16xi1>
        }
        %scan3A_58 = arith.constant 8 : i32
      } else {
      }
      %mul3A_31 = arith.constant 2 : i32
      %mul3A_32 = arith.muli %mul3A_31, %scan3A_24 : i32
      %add3A_33 = arith.constant 1 : i32
      %add3A_34 = arith.addi %mul3A_32, %add3A_33 : i32
      %lt3A_35 = arith.constant 64 : i32
      %lt3A_36 = arith.cmpi slt, %add3A_34, %lt3A_35 : i32
      %convert_element_type3A_37 = arith.extui %lt3A_36 : i1 to i32
      %cond3A_38 = arith.constant 0 : i32
      %cond3A_39 = arith.cmpi ne, %convert_element_type3A_37, %cond3A_38 : i32
      scf.if %cond3A_39 {
        tpu.wait_dma2 semaphore(%arg17 : memref<!tpu.dma_semaphore, #tpu.memory_space<semaphore_mem>>) src(%arg6 : memref<160x16xf32, #tpu.memory_space<hbm>>) dst(%arg12 : memref<160x16xf32, #tpu.memory_space<vmem>>)
        tpu.wait_dma2 semaphore(%arg19 : memref<!tpu.dma_semaphore, #tpu.memory_space<semaphore_mem>>) src(%arg7 : memref<80x16xf32, #tpu.memory_space<hbm>>) dst(%arg14 : memref<80x16xf32, #tpu.memory_space<vmem>>)
        %add3A_40 = arith.constant 1 : i32
        %add3A_41 = arith.addi %add3A_34, %add3A_40 : i32
        %lt3A_42 = arith.constant 64 : i32
        %lt3A_43 = arith.cmpi slt, %add3A_41, %lt3A_42 : i32
        %scan3A_44 = arith.constant 0 : i32
        %scan3A_45 = arith.constant 10 : i32
        %scan3A_46 = arith.addi %scan3A_44, %scan3A_45 : i32
        %scan3A_47 = arith.constant 1 : i32
        scf.for %scan3A_59 = %scan3A_44 to %scan3A_46 step %scan3A_47  : i32 {
          %mul3A_60 = arith.constant 8 : i32
          %mul3A_61 = arith.muli %add3A_34, %mul3A_60 : i32
          %mul3A_62 = arith.constant 20 : i32
          %mul3A_63 = arith.muli %mul3A_61, %mul3A_62 : i32
          %mul3A_64 = arith.constant 16 : i32
          %mul3A_65 = arith.muli %scan3A_59, %mul3A_64 : i32
          %add3A_66 = arith.addi %mul3A_63, %mul3A_65 : i32
          %get3A = arith.index_cast %add3A_66 : i32 to index
          %get3A_67 = tpu.vector_load %arg9[%get3A] {strides = array<i32>} : memref<10240xi32, #tpu.memory_space<vmem>>, vector<16xi32>,
          %eq3A_68 = arith.constant 0 : i32
          %eq3A_69 = vector.broadcast %eq3A_68 : i32 to vector<16xi32>
          %eq3A_70 = arith.cmpi eq, %get3A_67, %eq3A_69 : vector<16xi32>
          %mul3A_71 = arith.constant 16 : i32
          %mul3A_72 = arith.muli %scan3A_59, %mul3A_71 : i32
          %add3A_73 = vector.broadcast %mul3A_72 : i32 to vector<16xi32>
          %add3A_74 = arith.addi %add3A_73, %iota3A : vector<16xi32>
          %broadcast_in_dim3A_75 = arith.constant 0 : i32
          %broadcast_in_dim3A_76 = vector.broadcast %broadcast_in_dim3A_75 : i32 to vector<16xi32>
          tpu.vector_store_idx %arg12[%add3A_74, %broadcast_in_dim3A_76], %broadcast_in_dim3A_3 masked %eq3A_70 : memref<160x16xf32, #tpu.memory_space<vmem>>[vector<16xi32>, vector<16xi32>], vector<16xf32>, vector<16xi1>
          %broadcast_in_dim3A_77 = arith.constant 1 : i32
          %broadcast_in_dim3A_78 = vector.broadcast %broadcast_in_dim3A_77 : i32 to vector<16xi32>
          tpu.vector_store_idx %arg12[%add3A_74, %broadcast_in_dim3A_78], %broadcast_in_dim3A_3 masked %eq3A_70 : memref<160x16xf32, #tpu.memory_space<vmem>>[vector<16xi32>, vector<16xi32>], vector<16xf32>, vector<16xi1>
          %broadcast_in_dim3A_79 = arith.constant 2 : i32
          %broadcast_in_dim3A_80 = vector.broadcast %broadcast_in_dim3A_79 : i32 to vector<16xi32>
          tpu.vector_store_idx %arg12[%add3A_74, %broadcast_in_dim3A_80], %broadcast_in_dim3A_3 masked %eq3A_70 : memref<160x16xf32, #tpu.memory_space<vmem>>[vector<16xi32>, vector<16xi32>], vector<16xf32>, vector<16xi1>
          %broadcast_in_dim3A_81 = arith.constant 3 : i32
          %broadcast_in_dim3A_82 = vector.broadcast %broadcast_in_dim3A_81 : i32 to vector<16xi32>
          tpu.vector_store_idx %arg12[%add3A_74, %broadcast_in_dim3A_82], %broadcast_in_dim3A_3 masked %eq3A_70 : memref<160x16xf32, #tpu.memory_space<vmem>>[vector<16xi32>, vector<16xi32>], vector<16xf32>, vector<16xi1>
          %broadcast_in_dim3A_83 = arith.constant 4 : i32
          %broadcast_in_dim3A_84 = vector.broadcast %broadcast_in_dim3A_83 : i32 to vector<16xi32>
          tpu.vector_store_idx %arg12[%add3A_74, %broadcast_in_dim3A_84], %broadcast_in_dim3A_3 masked %eq3A_70 : memref<160x16xf32, #tpu.memory_space<vmem>>[vector<16xi32>, vector<16xi32>], vector<16xf32>, vector<16xi1>
          %broadcast_in_dim3A_85 = arith.constant 5 : i32
          %broadcast_in_dim3A_86 = vector.broadcast %broadcast_in_dim3A_85 : i32 to vector<16xi32>
          tpu.vector_store_idx %arg12[%add3A_74, %broadcast_in_dim3A_86], %broadcast_in_dim3A_3 masked %eq3A_70 : memref<160x16xf32, #tpu.memory_space<vmem>>[vector<16xi32>, vector<16xi32>], vector<16xf32>, vector<16xi1>
          %broadcast_in_dim3A_87 = arith.constant 6 : i32
          %broadcast_in_dim3A_88 = vector.broadcast %broadcast_in_dim3A_87 : i32 to vector<16xi32>
          tpu.vector_store_idx %arg12[%add3A_74, %broadcast_in_dim3A_88], %broadcast_in_dim3A_3 masked %eq3A_70 : memref<160x16xf32, #tpu.memory_space<vmem>>[vector<16xi32>, vector<16xi32>], vector<16xf32>, vector<16xi1>
          %broadcast_in_dim3A_89 = arith.constant 7 : i32
          %broadcast_in_dim3A_90 = vector.broadcast %broadcast_in_dim3A_89 : i32 to vector<16xi32>
          tpu.vector_store_idx %arg12[%add3A_74, %broadcast_in_dim3A_90], %broadcast_in_dim3A_3 masked %eq3A_70 : memref<160x16xf32, #tpu.memory_space<vmem>>[vector<16xi32>, vector<16xi32>], vector<16xf32>, vector<16xi1>
          %broadcast_in_dim3A_91 = arith.constant 8 : i32
          %broadcast_in_dim3A_92 = vector.broadcast %broadcast_in_dim3A_91 : i32 to vector<16xi32>
          tpu.vector_store_idx %arg12[%add3A_74, %broadcast_in_dim3A_92], %broadcast_in_dim3A_3 masked %eq3A_70 : memref<160x16xf32, #tpu.memory_space<vmem>>[vector<16xi32>, vector<16xi32>], vector<16xf32>, vector<16xi1>
          %broadcast_in_dim3A_93 = arith.constant 9 : i32
          %broadcast_in_dim3A_94 = vector.broadcast %broadcast_in_dim3A_93 : i32 to vector<16xi32>
          tpu.vector_store_idx %arg12[%add3A_74, %broadcast_in_dim3A_94], %broadcast_in_dim3A_3 masked %eq3A_70 : memref<160x16xf32, #tpu.memory_space<vmem>>[vector<16xi32>, vector<16xi32>], vector<16xf32>, vector<16xi1>
          %broadcast_in_dim3A_95 = arith.constant 10 : i32
          %broadcast_in_dim3A_96 = vector.broadcast %broadcast_in_dim3A_95 : i32 to vector<16xi32>
          tpu.vector_store_idx %arg12[%add3A_74, %broadcast_in_dim3A_96], %broadcast_in_dim3A_3 masked %eq3A_70 : memref<160x16xf32, #tpu.memory_space<vmem>>[vector<16xi32>, vector<16xi32>], vector<16xf32>, vector<16xi1>
          %broadcast_in_dim3A_97 = arith.constant 11 : i32
          %broadcast_in_dim3A_98 = vector.broadcast %broadcast_in_dim3A_97 : i32 to vector<16xi32>
          tpu.vector_store_idx %arg12[%add3A_74, %broadcast_in_dim3A_98], %broadcast_in_dim3A_3 masked %eq3A_70 : memref<160x16xf32, #tpu.memory_space<vmem>>[vector<16xi32>, vector<16xi32>], vector<16xf32>, vector<16xi1>
          %broadcast_in_dim3A_99 = arith.constant 12 : i32
          %broadcast_in_dim3A_100 = vector.broadcast %broadcast_in_dim3A_99 : i32 to vector<16xi32>
          tpu.vector_store_idx %arg12[%add3A_74, %broadcast_in_dim3A_100], %broadcast_in_dim3A_3 masked %eq3A_70 : memref<160x16xf32, #tpu.memory_space<vmem>>[vector<16xi32>, vector<16xi32>], vector<16xf32>, vector<16xi1>
          %broadcast_in_dim3A_101 = arith.constant 13 : i32
          %broadcast_in_dim3A_102 = vector.broadcast %broadcast_in_dim3A_101 : i32 to vector<16xi32>
          tpu.vector_store_idx %arg12[%add3A_74, %broadcast_in_dim3A_102], %broadcast_in_dim3A_3 masked %eq3A_70 : memref<160x16xf32, #tpu.memory_space<vmem>>[vector<16xi32>, vector<16xi32>], vector<16xf32>, vector<16xi1>
          %broadcast_in_dim3A_103 = arith.constant 14 : i32
          %broadcast_in_dim3A_104 = vector.broadcast %broadcast_in_dim3A_103 : i32 to vector<16xi32>
          tpu.vector_store_idx %arg12[%add3A_74, %broadcast_in_dim3A_104], %broadcast_in_dim3A_3 masked %eq3A_70 : memref<160x16xf32, #tpu.memory_space<vmem>>[vector<16xi32>, vector<16xi32>], vector<16xf32>, vector<16xi1>
          %broadcast_in_dim3A_105 = arith.constant 15 : i32
          %broadcast_in_dim3A_106 = vector.broadcast %broadcast_in_dim3A_105 : i32 to vector<16xi32>
          tpu.vector_store_idx %arg12[%add3A_74, %broadcast_in_dim3A_106], %broadcast_in_dim3A_3 masked %eq3A_70 : memref<160x16xf32, #tpu.memory_space<vmem>>[vector<16xi32>, vector<16xi32>], vector<16xf32>, vector<16xi1>
        }
        %scan3A_48 = arith.constant 10 : i32
        %scan3A_49 = arith.constant 0 : i32
        %scan3A_50 = arith.constant 5 : i32
        %scan3A_51 = arith.addi %scan3A_49, %scan3A_50 : i32
        %scan3A_52 = arith.constant 1 : i32
        scf.for %scan3A_59 = %scan3A_49 to %scan3A_51 step %scan3A_52  : i32 {
          %mul3A_60 = arith.constant 8 : i32
          %mul3A_61 = arith.muli %add3A_34, %mul3A_60 : i32
          %mul3A_62 = arith.constant 10 : i32
          %mul3A_63 = arith.muli %mul3A_61, %mul3A_62 : i32
          %mul3A_64 = arith.constant 16 : i32
          %mul3A_65 = arith.muli %scan3A_59, %mul3A_64 : i32
          %add3A_66 = arith.addi %mul3A_63, %mul3A_65 : i32
          %get3A = arith.index_cast %add3A_66 : i32 to index
          %get3A_67 = tpu.vector_load %arg10[%get3A] {strides = array<i32>} : memref<5120xi32, #tpu.memory_space<vmem>>, vector<16xi32>,
          %eq3A_68 = arith.constant 0 : i32
          %eq3A_69 = vector.broadcast %eq3A_68 : i32 to vector<16xi32>
          %eq3A_70 = arith.cmpi eq, %get3A_67, %eq3A_69 : vector<16xi32>
          %mul3A_71 = arith.constant 16 : i32
          %mul3A_72 = arith.muli %scan3A_59, %mul3A_71 : i32
          %add3A_73 = vector.broadcast %mul3A_72 : i32 to vector<16xi32>
          %add3A_74 = arith.addi %add3A_73, %iota3A : vector<16xi32>
          %broadcast_in_dim3A_75 = arith.constant 0 : i32
          %broadcast_in_dim3A_76 = vector.broadcast %broadcast_in_dim3A_75 : i32 to vector<16xi32>
          tpu.vector_store_idx %arg14[%add3A_74, %broadcast_in_dim3A_76], %broadcast_in_dim3A_3 masked %eq3A_70 : memref<80x16xf32, #tpu.memory_space<vmem>>[vector<16xi32>, vector<16xi32>], vector<16xf32>, vector<16xi1>
          %broadcast_in_dim3A_77 = arith.constant 1 : i32
          %broadcast_in_dim3A_78 = vector.broadcast %broadcast_in_dim3A_77 : i32 to vector<16xi32>
          tpu.vector_store_idx %arg14[%add3A_74, %broadcast_in_dim3A_78], %broadcast_in_dim3A_3 masked %eq3A_70 : memref<80x16xf32, #tpu.memory_space<vmem>>[vector<16xi32>, vector<16xi32>], vector<16xf32>, vector<16xi1>
          %broadcast_in_dim3A_79 = arith.constant 2 : i32
          %broadcast_in_dim3A_80 = vector.broadcast %broadcast_in_dim3A_79 : i32 to vector<16xi32>
          tpu.vector_store_idx %arg14[%add3A_74, %broadcast_in_dim3A_80], %broadcast_in_dim3A_3 masked %eq3A_70 : memref<80x16xf32, #tpu.memory_space<vmem>>[vector<16xi32>, vector<16xi32>], vector<16xf32>, vector<16xi1>
          %broadcast_in_dim3A_81 = arith.constant 3 : i32
          %broadcast_in_dim3A_82 = vector.broadcast %broadcast_in_dim3A_81 : i32 to vector<16xi32>
          tpu.vector_store_idx %arg14[%add3A_74, %broadcast_in_dim3A_82], %broadcast_in_dim3A_3 masked %eq3A_70 : memref<80x16xf32, #tpu.memory_space<vmem>>[vector<16xi32>, vector<16xi32>], vector<16xf32>, vector<16xi1>
          %broadcast_in_dim3A_83 = arith.constant 4 : i32
          %broadcast_in_dim3A_84 = vector.broadcast %broadcast_in_dim3A_83 : i32 to vector<16xi32>
          tpu.vector_store_idx %arg14[%add3A_74, %broadcast_in_dim3A_84], %broadcast_in_dim3A_3 masked %eq3A_70 : memref<80x16xf32, #tpu.memory_space<vmem>>[vector<16xi32>, vector<16xi32>], vector<16xf32>, vector<16xi1>
          %broadcast_in_dim3A_85 = arith.constant 5 : i32
          %broadcast_in_dim3A_86 = vector.broadcast %broadcast_in_dim3A_85 : i32 to vector<16xi32>
          tpu.vector_store_idx %arg14[%add3A_74, %broadcast_in_dim3A_86], %broadcast_in_dim3A_3 masked %eq3A_70 : memref<80x16xf32, #tpu.memory_space<vmem>>[vector<16xi32>, vector<16xi32>], vector<16xf32>, vector<16xi1>
          %broadcast_in_dim3A_87 = arith.constant 6 : i32
          %broadcast_in_dim3A_88 = vector.broadcast %broadcast_in_dim3A_87 : i32 to vector<16xi32>
          tpu.vector_store_idx %arg14[%add3A_74, %broadcast_in_dim3A_88], %broadcast_in_dim3A_3 masked %eq3A_70 : memref<80x16xf32, #tpu.memory_space<vmem>>[vector<16xi32>, vector<16xi32>], vector<16xf32>, vector<16xi1>
          %broadcast_in_dim3A_89 = arith.constant 7 : i32
          %broadcast_in_dim3A_90 = vector.broadcast %broadcast_in_dim3A_89 : i32 to vector<16xi32>
          tpu.vector_store_idx %arg14[%add3A_74, %broadcast_in_dim3A_90], %broadcast_in_dim3A_3 masked %eq3A_70 : memref<80x16xf32, #tpu.memory_space<vmem>>[vector<16xi32>, vector<16xi32>], vector<16xf32>, vector<16xi1>
          %broadcast_in_dim3A_91 = arith.constant 8 : i32
          %broadcast_in_dim3A_92 = vector.broadcast %broadcast_in_dim3A_91 : i32 to vector<16xi32>
          tpu.vector_store_idx %arg14[%add3A_74, %broadcast_in_dim3A_92], %broadcast_in_dim3A_3 masked %eq3A_70 : memref<80x16xf32, #tpu.memory_space<vmem>>[vector<16xi32>, vector<16xi32>], vector<16xf32>, vector<16xi1>
          %broadcast_in_dim3A_93 = arith.constant 9 : i32
          %broadcast_in_dim3A_94 = vector.broadcast %broadcast_in_dim3A_93 : i32 to vector<16xi32>
          tpu.vector_store_idx %arg14[%add3A_74, %broadcast_in_dim3A_94], %broadcast_in_dim3A_3 masked %eq3A_70 : memref<80x16xf32, #tpu.memory_space<vmem>>[vector<16xi32>, vector<16xi32>], vector<16xf32>, vector<16xi1>
          %broadcast_in_dim3A_95 = arith.constant 10 : i32
          %broadcast_in_dim3A_96 = vector.broadcast %broadcast_in_dim3A_95 : i32 to vector<16xi32>
          tpu.vector_store_idx %arg14[%add3A_74, %broadcast_in_dim3A_96], %broadcast_in_dim3A_3 masked %eq3A_70 : memref<80x16xf32, #tpu.memory_space<vmem>>[vector<16xi32>, vector<16xi32>], vector<16xf32>, vector<16xi1>
          %broadcast_in_dim3A_97 = arith.constant 11 : i32
          %broadcast_in_dim3A_98 = vector.broadcast %broadcast_in_dim3A_97 : i32 to vector<16xi32>
          tpu.vector_store_idx %arg14[%add3A_74, %broadcast_in_dim3A_98], %broadcast_in_dim3A_3 masked %eq3A_70 : memref<80x16xf32, #tpu.memory_space<vmem>>[vector<16xi32>, vector<16xi32>], vector<16xf32>, vector<16xi1>
          %broadcast_in_dim3A_99 = arith.constant 12 : i32
          %broadcast_in_dim3A_100 = vector.broadcast %broadcast_in_dim3A_99 : i32 to vector<16xi32>
          tpu.vector_store_idx %arg14[%add3A_74, %broadcast_in_dim3A_100], %broadcast_in_dim3A_3 masked %eq3A_70 : memref<80x16xf32, #tpu.memory_space<vmem>>[vector<16xi32>, vector<16xi32>], vector<16xf32>, vector<16xi1>
          %broadcast_in_dim3A_101 = arith.constant 13 : i32
          %broadcast_in_dim3A_102 = vector.broadcast %broadcast_in_dim3A_101 : i32 to vector<16xi32>
          tpu.vector_store_idx %arg14[%add3A_74, %broadcast_in_dim3A_102], %broadcast_in_dim3A_3 masked %eq3A_70 : memref<80x16xf32, #tpu.memory_space<vmem>>[vector<16xi32>, vector<16xi32>], vector<16xf32>, vector<16xi1>
          %broadcast_in_dim3A_103 = arith.constant 14 : i32
          %broadcast_in_dim3A_104 = vector.broadcast %broadcast_in_dim3A_103 : i32 to vector<16xi32>
          tpu.vector_store_idx %arg14[%add3A_74, %broadcast_in_dim3A_104], %broadcast_in_dim3A_3 masked %eq3A_70 : memref<80x16xf32, #tpu.memory_space<vmem>>[vector<16xi32>, vector<16xi32>], vector<16xf32>, vector<16xi1>
          %broadcast_in_dim3A_105 = arith.constant 15 : i32
          %broadcast_in_dim3A_106 = vector.broadcast %broadcast_in_dim3A_105 : i32 to vector<16xi32>
          tpu.vector_store_idx %arg14[%add3A_74, %broadcast_in_dim3A_106], %broadcast_in_dim3A_3 masked %eq3A_70 : memref<80x16xf32, #tpu.memory_space<vmem>>[vector<16xi32>, vector<16xi32>], vector<16xf32>, vector<16xi1>
        }
        %scan3A_53 = arith.constant 5 : i32
        %scan3A_54 = arith.constant 0 : i32
        %scan3A_55 = arith.constant 8 : i32
        %scan3A_56 = arith.addi %scan3A_54, %scan3A_55 : i32
        %scan3A_57 = arith.constant 1 : i32
        scf.for %scan3A_59 = %scan3A_54 to %scan3A_56 step %scan3A_57  : i32 {
          %mul3A_60 = arith.constant 2 : i32
          %mul3A_61 = arith.muli %scan3A_59, %mul3A_60 : i32
          %add3A_62 = arith.constant 0 : i32
          %add3A_63 = arith.addi %mul3A_61, %add3A_62 : i32
          %lt3A_64 = arith.constant 10 : i32
          %lt3A_65 = arith.cmpi slt, %add3A_63, %lt3A_64 : i32
          %and3A = arith.andi %lt3A_43, %lt3A_65 : i1
          %convert_element_type3A_66 = arith.extui %and3A : i1 to i32
          %cond3A_67 = arith.constant 0 : i32
          %cond3A_68 = arith.cmpi ne, %convert_element_type3A_66, %cond3A_67 : i32
          scf.if %cond3A_68 {
            %add3A_410 = arith.constant 1 : i32
            %add3A_411 = arith.addi %add3A_34, %add3A_410 : i32
            %mul3A_412 = arith.constant 8 : i32
            %mul3A_413 = arith.muli %add3A_411, %mul3A_412 : i32
            %mul3A_414 = arith.constant 20 : i32
            %mul3A_415 = arith.muli %mul3A_413, %mul3A_414 : i32
            %mul3A_416 = arith.constant 16 : i32
            %mul3A_417 = arith.muli %add3A_63, %mul3A_416 : i32
            %add3A_418 = arith.addi %mul3A_415, %mul3A_417 : i32
            %get3A_419 = arith.index_cast %add3A_418 : i32 to index
            %get3A_420 = tpu.vector_load %arg9[%get3A_419] {strides = array<i32>} : memref<10240xi32, #tpu.memory_space<vmem>>, vector<16xi32>,
            %slice3A = vector.extract_strided_slice %get3A_420 {offsets = [0], sizes = [1], strides = [1]} : vector<16xi32> to vector<1xi32>
            %squeeze3A = vector.extract %slice3A[0] : i32 from vector<1xi32>
            %mul3A_421 = arith.constant 16 : i32
            %mul3A_422 = arith.muli %add3A_63, %mul3A_421 : i32
            %add3A_423 = arith.constant 0 : i32
            %add3A_424 = arith.addi %mul3A_422, %add3A_423 : i32
            %dma_start3A = arith.constant 0 : i32
            %dma_start3A_425 = tpu.memref_slice %arg11[%add3A_424, %dma_start3A] : memref<160x16xf32, #tpu.memory_space<vmem>> -> memref<1x16xf32, #tpu.memory_space<vmem>>
            %dma_start3A_426 = arith.constant 0 : i32
            %dma_start3A_427 = tpu.memref_slice %arg4[%squeeze3A, %dma_start3A_426] : memref<1000001x16xf32, #tpu.memory_space<hbm>> -> memref<1x16xf32, #tpu.memory_space<hbm>>
            %dma_start3A_428 = arith.constant 0 : i32
            %dma_start3A_429 = tpu.memref_slice %arg11[%add3A_424, %dma_start3A_428] : memref<160x16xf32, #tpu.memory_space<vmem>> -> memref<1x16xf32, #tpu.memory_space<vmem>>
            %dma_start3A_430 = arith.constant 0 : i32
            %dma_start3A_431 = tpu.memref_slice %arg4[%squeeze3A, %dma_start3A_430] : memref<1000001x16xf32, #tpu.memory_space<hbm>> -> memref<1x16xf32, #tpu.memory_space<hbm>>
            tpu.enqueue_dma source(%dma_start3A_431 : memref<1x16xf32, #tpu.memory_space<hbm>>) target(%dma_start3A_429 : memref<1x16xf32, #tpu.memory_space<vmem>>) target_semaphore(%arg16 : memref<!tpu.dma_semaphore, #tpu.memory_space<semaphore_mem>>)
            %slice3A_432 = vector.extract_strided_slice %get3A_420 {offsets = [1], sizes = [1], strides = [1]} : vector<16xi32> to vector<1xi32>
            %squeeze3A_433 = vector.extract %slice3A_432[0] : i32 from vector<1xi32>
            %mul3A_434 = arith.constant 16 : i32
            %mul3A_435 = arith.muli %add3A_63, %mul3A_434 : i32
            %add3A_436 = arith.constant 1 : i32
            %add3A_437 = arith.addi %mul3A_435, %add3A_436 : i32
            %dma_start3A_438 = arith.constant 0 : i32
            %dma_start3A_439 = tpu.memref_slice %arg11[%add3A_437, %dma_start3A_438] : memref<160x16xf32, #tpu.memory_space<vmem>> -> memref<1x16xf32, #tpu.memory_space<vmem>>
            %dma_start3A_440 = arith.constant 0 : i32
            %dma_start3A_441 = tpu.memref_slice %arg4[%squeeze3A_433, %dma_start3A_440] : memref<1000001x16xf32, #tpu.memory_space<hbm>> -> memref<1x16xf32, #tpu.memory_space<hbm>>
            %dma_start3A_442 = arith.constant 0 : i32
            %dma_start3A_443 = tpu.memref_slice %arg11[%add3A_437, %dma_start3A_442] : memref<160x16xf32, #tpu.memory_space<vmem>> -> memref<1x16xf32, #tpu.memory_space<vmem>>
            %dma_start3A_444 = arith.constant 0 : i32
            %dma_start3A_445 = tpu.memref_slice %arg4[%squeeze3A_433, %dma_start3A_444] : memref<1000001x16xf32, #tpu.memory_space<hbm>> -> memref<1x16xf32, #tpu.memory_space<hbm>>
            tpu.enqueue_dma source(%dma_start3A_445 : memref<1x16xf32, #tpu.memory_space<hbm>>) target(%dma_start3A_443 : memref<1x16xf32, #tpu.memory_space<vmem>>) target_semaphore(%arg16 : memref<!tpu.dma_semaphore, #tpu.memory_space<semaphore_mem>>)
            %slice3A_446 = vector.extract_strided_slice %get3A_420 {offsets = [2], sizes = [1], strides = [1]} : vector<16xi32> to vector<1xi32>
            %squeeze3A_447 = vector.extract %slice3A_446[0] : i32 from vector<1xi32>
            %mul3A_448 = arith.constant 16 : i32
            %mul3A_449 = arith.muli %add3A_63, %mul3A_448 : i32
            %add3A_450 = arith.constant 2 : i32
            %add3A_451 = arith.addi %mul3A_449, %add3A_450 : i32
            %dma_start3A_452 = arith.constant 0 : i32
            %dma_start3A_453 = tpu.memref_slice %arg11[%add3A_451, %dma_start3A_452] : memref<160x16xf32, #tpu.memory_space<vmem>> -> memref<1x16xf32, #tpu.memory_space<vmem>>
            %dma_start3A_454 = arith.constant 0 : i32
            %dma_start3A_455 = tpu.memref_slice %arg4[%squeeze3A_447, %dma_start3A_454] : memref<1000001x16xf32, #tpu.memory_space<hbm>> -> memref<1x16xf32, #tpu.memory_space<hbm>>
            %dma_start3A_456 = arith.constant 0 : i32
            %dma_start3A_457 = tpu.memref_slice %arg11[%add3A_451, %dma_start3A_456] : memref<160x16xf32, #tpu.memory_space<vmem>> -> memref<1x16xf32, #tpu.memory_space<vmem>>
            %dma_start3A_458 = arith.constant 0 : i32
            %dma_start3A_459 = tpu.memref_slice %arg4[%squeeze3A_447, %dma_start3A_458] : memref<1000001x16xf32, #tpu.memory_space<hbm>> -> memref<1x16xf32, #tpu.memory_space<hbm>>
            tpu.enqueue_dma source(%dma_start3A_459 : memref<1x16xf32, #tpu.memory_space<hbm>>) target(%dma_start3A_457 : memref<1x16xf32, #tpu.memory_space<vmem>>) target_semaphore(%arg16 : memref<!tpu.dma_semaphore, #tpu.memory_space<semaphore_mem>>)
            %slice3A_460 = vector.extract_strided_slice %get3A_420 {offsets = [3], sizes = [1], strides = [1]} : vector<16xi32> to vector<1xi32>
            %squeeze3A_461 = vector.extract %slice3A_460[0] : i32 from vector<1xi32>
            %mul3A_462 = arith.constant 16 : i32
            %mul3A_463 = arith.muli %add3A_63, %mul3A_462 : i32
            %add3A_464 = arith.constant 3 : i32
            %add3A_465 = arith.addi %mul3A_463, %add3A_464 : i32
            %dma_start3A_466 = arith.constant 0 : i32
            %dma_start3A_467 = tpu.memref_slice %arg11[%add3A_465, %dma_start3A_466] : memref<160x16xf32, #tpu.memory_space<vmem>> -> memref<1x16xf32, #tpu.memory_space<vmem>>
            %dma_start3A_468 = arith.constant 0 : i32
            %dma_start3A_469 = tpu.memref_slice %arg4[%squeeze3A_461, %dma_start3A_468] : memref<1000001x16xf32, #tpu.memory_space<hbm>> -> memref<1x16xf32, #tpu.memory_space<hbm>>
            %dma_start3A_470 = arith.constant 0 : i32
            %dma_start3A_471 = tpu.memref_slice %arg11[%add3A_465, %dma_start3A_470] : memref<160x16xf32, #tpu.memory_space<vmem>> -> memref<1x16xf32, #tpu.memory_space<vmem>>
            %dma_start3A_472 = arith.constant 0 : i32
            %dma_start3A_473 = tpu.memref_slice %arg4[%squeeze3A_461, %dma_start3A_472] : memref<1000001x16xf32, #tpu.memory_space<hbm>> -> memref<1x16xf32, #tpu.memory_space<hbm>>
            tpu.enqueue_dma source(%dma_start3A_473 : memref<1x16xf32, #tpu.memory_space<hbm>>) target(%dma_start3A_471 : memref<1x16xf32, #tpu.memory_space<vmem>>) target_semaphore(%arg16 : memref<!tpu.dma_semaphore, #tpu.memory_space<semaphore_mem>>)
            %slice3A_474 = vector.extract_strided_slice %get3A_420 {offsets = [4], sizes = [1], strides = [1]} : vector<16xi32> to vector<1xi32>
            %squeeze3A_475 = vector.extract %slice3A_474[0] : i32 from vector<1xi32>
            %mul3A_476 = arith.constant 16 : i32
            %mul3A_477 = arith.muli %add3A_63, %mul3A_476 : i32
            %add3A_478 = arith.constant 4 : i32
            %add3A_479 = arith.addi %mul3A_477, %add3A_478 : i32
            %dma_start3A_480 = arith.constant 0 : i32
            %dma_start3A_481 = tpu.memref_slice %arg11[%add3A_479, %dma_start3A_480] : memref<160x16xf32, #tpu.memory_space<vmem>> -> memref<1x16xf32, #tpu.memory_space<vmem>>
            %dma_start3A_482 = arith.constant 0 : i32
            %dma_start3A_483 = tpu.memref_slice %arg4[%squeeze3A_475, %dma_start3A_482] : memref<1000001x16xf32, #tpu.memory_space<hbm>> -> memref<1x16xf32, #tpu.memory_space<hbm>>
            %dma_start3A_484 = arith.constant 0 : i32
            %dma_start3A_485 = tpu.memref_slice %arg11[%add3A_479, %dma_start3A_484] : memref<160x16xf32, #tpu.memory_space<vmem>> -> memref<1x16xf32, #tpu.memory_space<vmem>>
            %dma_start3A_486 = arith.constant 0 : i32
            %dma_start3A_487 = tpu.memref_slice %arg4[%squeeze3A_475, %dma_start3A_486] : memref<1000001x16xf32, #tpu.memory_space<hbm>> -> memref<1x16xf32, #tpu.memory_space<hbm>>
            tpu.enqueue_dma source(%dma_start3A_487 : memref<1x16xf32, #tpu.memory_space<hbm>>) target(%dma_start3A_485 : memref<1x16xf32, #tpu.memory_space<vmem>>) target_semaphore(%arg16 : memref<!tpu.dma_semaphore, #tpu.memory_space<semaphore_mem>>)
            %slice3A_488 = vector.extract_strided_slice %get3A_420 {offsets = [5], sizes = [1], strides = [1]} : vector<16xi32> to vector<1xi32>
            %squeeze3A_489 = vector.extract %slice3A_488[0] : i32 from vector<1xi32>
            %mul3A_490 = arith.constant 16 : i32
            %mul3A_491 = arith.muli %add3A_63, %mul3A_490 : i32
            %add3A_492 = arith.constant 5 : i32
            %add3A_493 = arith.addi %mul3A_491, %add3A_492 : i32
            %dma_start3A_494 = arith.constant 0 : i32
            %dma_start3A_495 = tpu.memref_slice %arg11[%add3A_493, %dma_start3A_494] : memref<160x16xf32, #tpu.memory_space<vmem>> -> memref<1x16xf32, #tpu.memory_space<vmem>>
            %dma_start3A_496 = arith.constant 0 : i32
            %dma_start3A_497 = tpu.memref_slice %arg4[%squeeze3A_489, %dma_start3A_496] : memref<1000001x16xf32, #tpu.memory_space<hbm>> -> memref<1x16xf32, #tpu.memory_space<hbm>>
            %dma_start3A_498 = arith.constant 0 : i32
            %dma_start3A_499 = tpu.memref_slice %arg11[%add3A_493, %dma_start3A_498] : memref<160x16xf32, #tpu.memory_space<vmem>> -> memref<1x16xf32, #tpu.memory_space<vmem>>
            %dma_start3A_500 = arith.constant 0 : i32
            %dma_start3A_501 = tpu.memref_slice %arg4[%squeeze3A_489, %dma_start3A_500] : memref<1000001x16xf32, #tpu.memory_space<hbm>> -> memref<1x16xf32, #tpu.memory_space<hbm>>
            tpu.enqueue_dma source(%dma_start3A_501 : memref<1x16xf32, #tpu.memory_space<hbm>>) target(%dma_start3A_499 : memref<1x16xf32, #tpu.memory_space<vmem>>) target_semaphore(%arg16 : memref<!tpu.dma_semaphore, #tpu.memory_space<semaphore_mem>>)
            %slice3A_502 = vector.extract_strided_slice %get3A_420 {offsets = [6], sizes = [1], strides = [1]} : vector<16xi32> to vector<1xi32>
            %squeeze3A_503 = vector.extract %slice3A_502[0] : i32 from vector<1xi32>
            %mul3A_504 = arith.constant 16 : i32
            %mul3A_505 = arith.muli %add3A_63, %mul3A_504 : i32
            %add3A_506 = arith.constant 6 : i32
            %add3A_507 = arith.addi %mul3A_505, %add3A_506 : i32
            %dma_start3A_508 = arith.constant 0 : i32
            %dma_start3A_509 = tpu.memref_slice %arg11[%add3A_507, %dma_start3A_508] : memref<160x16xf32, #tpu.memory_space<vmem>> -> memref<1x16xf32, #tpu.memory_space<vmem>>
            %dma_start3A_510 = arith.constant 0 : i32
            %dma_start3A_511 = tpu.memref_slice %arg4[%squeeze3A_503, %dma_start3A_510] : memref<1000001x16xf32, #tpu.memory_space<hbm>> -> memref<1x16xf32, #tpu.memory_space<hbm>>
            %dma_start3A_512 = arith.constant 0 : i32
            %dma_start3A_513 = tpu.memref_slice %arg11[%add3A_507, %dma_start3A_512] : memref<160x16xf32, #tpu.memory_space<vmem>> -> memref<1x16xf32, #tpu.memory_space<vmem>>
            %dma_start3A_514 = arith.constant 0 : i32
            %dma_start3A_515 = tpu.memref_slice %arg4[%squeeze3A_503, %dma_start3A_514] : memref<1000001x16xf32, #tpu.memory_space<hbm>> -> memref<1x16xf32, #tpu.memory_space<hbm>>
            tpu.enqueue_dma source(%dma_start3A_515 : memref<1x16xf32, #tpu.memory_space<hbm>>) target(%dma_start3A_513 : memref<1x16xf32, #tpu.memory_space<vmem>>) target_semaphore(%arg16 : memref<!tpu.dma_semaphore, #tpu.memory_space<semaphore_mem>>)
            %slice3A_516 = vector.extract_strided_slice %get3A_420 {offsets = [7], sizes = [1], strides = [1]} : vector<16xi32> to vector<1xi32>
            %squeeze3A_517 = vector.extract %slice3A_516[0] : i32 from vector<1xi32>
            %mul3A_518 = arith.constant 16 : i32
            %mul3A_519 = arith.muli %add3A_63, %mul3A_518 : i32
            %add3A_520 = arith.constant 7 : i32
            %add3A_521 = arith.addi %mul3A_519, %add3A_520 : i32
            %dma_start3A_522 = arith.constant 0 : i32
            %dma_start3A_523 = tpu.memref_slice %arg11[%add3A_521, %dma_start3A_522] : memref<160x16xf32, #tpu.memory_space<vmem>> -> memref<1x16xf32, #tpu.memory_space<vmem>>
            %dma_start3A_524 = arith.constant 0 : i32
            %dma_start3A_525 = tpu.memref_slice %arg4[%squeeze3A_517, %dma_start3A_524] : memref<1000001x16xf32, #tpu.memory_space<hbm>> -> memref<1x16xf32, #tpu.memory_space<hbm>>
            %dma_start3A_526 = arith.constant 0 : i32
            %dma_start3A_527 = tpu.memref_slice %arg11[%add3A_521, %dma_start3A_526] : memref<160x16xf32, #tpu.memory_space<vmem>> -> memref<1x16xf32, #tpu.memory_space<vmem>>
            %dma_start3A_528 = arith.constant 0 : i32
            %dma_start3A_529 = tpu.memref_slice %arg4[%squeeze3A_517, %dma_start3A_528] : memref<1000001x16xf32, #tpu.memory_space<hbm>> -> memref<1x16xf32, #tpu.memory_space<hbm>>
            tpu.enqueue_dma source(%dma_start3A_529 : memref<1x16xf32, #tpu.memory_space<hbm>>) target(%dma_start3A_527 : memref<1x16xf32, #tpu.memory_space<vmem>>) target_semaphore(%arg16 : memref<!tpu.dma_semaphore, #tpu.memory_space<semaphore_mem>>)
            %slice3A_530 = vector.extract_strided_slice %get3A_420 {offsets = [8], sizes = [1], strides = [1]} : vector<16xi32> to vector<1xi32>
            %squeeze3A_531 = vector.extract %slice3A_530[0] : i32 from vector<1xi32>
            %mul3A_532 = arith.constant 16 : i32
            %mul3A_533 = arith.muli %add3A_63, %mul3A_532 : i32
            %add3A_534 = arith.constant 8 : i32
            %add3A_535 = arith.addi %mul3A_533, %add3A_534 : i32
            %dma_start3A_536 = arith.constant 0 : i32
            %dma_start3A_537 = tpu.memref_slice %arg11[%add3A_535, %dma_start3A_536] : memref<160x16xf32, #tpu.memory_space<vmem>> -> memref<1x16xf32, #tpu.memory_space<vmem>>
            %dma_start3A_538 = arith.constant 0 : i32
            %dma_start3A_539 = tpu.memref_slice %arg4[%squeeze3A_531, %dma_start3A_538] : memref<1000001x16xf32, #tpu.memory_space<hbm>> -> memref<1x16xf32, #tpu.memory_space<hbm>>
            %dma_start3A_540 = arith.constant 0 : i32
            %dma_start3A_541 = tpu.memref_slice %arg11[%add3A_535, %dma_start3A_540] : memref<160x16xf32, #tpu.memory_space<vmem>> -> memref<1x16xf32, #tpu.memory_space<vmem>>
            %dma_start3A_542 = arith.constant 0 : i32
            %dma_start3A_543 = tpu.memref_slice %arg4[%squeeze3A_531, %dma_start3A_542] : memref<1000001x16xf32, #tpu.memory_space<hbm>> -> memref<1x16xf32, #tpu.memory_space<hbm>>
            tpu.enqueue_dma source(%dma_start3A_543 : memref<1x16xf32, #tpu.memory_space<hbm>>) target(%dma_start3A_541 : memref<1x16xf32, #tpu.memory_space<vmem>>) target_semaphore(%arg16 : memref<!tpu.dma_semaphore, #tpu.memory_space<semaphore_mem>>)
            %slice3A_544 = vector.extract_strided_slice %get3A_420 {offsets = [9], sizes = [1], strides = [1]} : vector<16xi32> to vector<1xi32>
            %squeeze3A_545 = vector.extract %slice3A_544[0] : i32 from vector<1xi32>
            %mul3A_546 = arith.constant 16 : i32
            %mul3A_547 = arith.muli %add3A_63, %mul3A_546 : i32
            %add3A_548 = arith.constant 9 : i32
            %add3A_549 = arith.addi %mul3A_547, %add3A_548 : i32
            %dma_start3A_550 = arith.constant 0 : i32
            %dma_start3A_551 = tpu.memref_slice %arg11[%add3A_549, %dma_start3A_550] : memref<160x16xf32, #tpu.memory_space<vmem>> -> memref<1x16xf32, #tpu.memory_space<vmem>>
            %dma_start3A_552 = arith.constant 0 : i32
            %dma_start3A_553 = tpu.memref_slice %arg4[%squeeze3A_545, %dma_start3A_552] : memref<1000001x16xf32, #tpu.memory_space<hbm>> -> memref<1x16xf32, #tpu.memory_space<hbm>>
            %dma_start3A_554 = arith.constant 0 : i32
            %dma_start3A_555 = tpu.memref_slice %arg11[%add3A_549, %dma_start3A_554] : memref<160x16xf32, #tpu.memory_space<vmem>> -> memref<1x16xf32, #tpu.memory_space<vmem>>
            %dma_start3A_556 = arith.constant 0 : i32
            %dma_start3A_557 = tpu.memref_slice %arg4[%squeeze3A_545, %dma_start3A_556] : memref<1000001x16xf32, #tpu.memory_space<hbm>> -> memref<1x16xf32, #tpu.memory_space<hbm>>
            tpu.enqueue_dma source(%dma_start3A_557 : memref<1x16xf32, #tpu.memory_space<hbm>>) target(%dma_start3A_555 : memref<1x16xf32, #tpu.memory_space<vmem>>) target_semaphore(%arg16 : memref<!tpu.dma_semaphore, #tpu.memory_space<semaphore_mem>>)
            %slice3A_558 = vector.extract_strided_slice %get3A_420 {offsets = [10], sizes = [1], strides = [1]} : vector<16xi32> to vector<1xi32>
            %squeeze3A_559 = vector.extract %slice3A_558[0] : i32 from vector<1xi32>
            %mul3A_560 = arith.constant 16 : i32
            %mul3A_561 = arith.muli %add3A_63, %mul3A_560 : i32
            %add3A_562 = arith.constant 10 : i32
            %add3A_563 = arith.addi %mul3A_561, %add3A_562 : i32
            %dma_start3A_564 = arith.constant 0 : i32
            %dma_start3A_565 = tpu.memref_slice %arg11[%add3A_563, %dma_start3A_564] : memref<160x16xf32, #tpu.memory_space<vmem>> -> memref<1x16xf32, #tpu.memory_space<vmem>>
            %dma_start3A_566 = arith.constant 0 : i32
            %dma_start3A_567 = tpu.memref_slice %arg4[%squeeze3A_559, %dma_start3A_566] : memref<1000001x16xf32, #tpu.memory_space<hbm>> -> memref<1x16xf32, #tpu.memory_space<hbm>>
            %dma_start3A_568 = arith.constant 0 : i32
            %dma_start3A_569 = tpu.memref_slice %arg11[%add3A_563, %dma_start3A_568] : memref<160x16xf32, #tpu.memory_space<vmem>> -> memref<1x16xf32, #tpu.memory_space<vmem>>
            %dma_start3A_570 = arith.constant 0 : i32
            %dma_start3A_571 = tpu.memref_slice %arg4[%squeeze3A_559, %dma_start3A_570] : memref<1000001x16xf32, #tpu.memory_space<hbm>> -> memref<1x16xf32, #tpu.memory_space<hbm>>
            tpu.enqueue_dma source(%dma_start3A_571 : memref<1x16xf32, #tpu.memory_space<hbm>>) target(%dma_start3A_569 : memref<1x16xf32, #tpu.memory_space<vmem>>) target_semaphore(%arg16 : memref<!tpu.dma_semaphore, #tpu.memory_space<semaphore_mem>>)
            %slice3A_572 = vector.extract_strided_slice %get3A_420 {offsets = [11], sizes = [1], strides = [1]} : vector<16xi32> to vector<1xi32>
            %squeeze3A_573 = vector.extract %slice3A_572[0] : i32 from vector<1xi32>
            %mul3A_574 = arith.constant 16 : i32
            %mul3A_575 = arith.muli %add3A_63, %mul3A_574 : i32
            %add3A_576 = arith.constant 11 : i32
            %add3A_577 = arith.addi %mul3A_575, %add3A_576 : i32
            %dma_start3A_578 = arith.constant 0 : i32
            %dma_start3A_579 = tpu.memref_slice %arg11[%add3A_577, %dma_start3A_578] : memref<160x16xf32, #tpu.memory_space<vmem>> -> memref<1x16xf32, #tpu.memory_space<vmem>>
            %dma_start3A_580 = arith.constant 0 : i32
            %dma_start3A_581 = tpu.memref_slice %arg4[%squeeze3A_573, %dma_start3A_580] : memref<1000001x16xf32, #tpu.memory_space<hbm>> -> memref<1x16xf32, #tpu.memory_space<hbm>>
            %dma_start3A_582 = arith.constant 0 : i32
            %dma_start3A_583 = tpu.memref_slice %arg11[%add3A_577, %dma_start3A_582] : memref<160x16xf32, #tpu.memory_space<vmem>> -> memref<1x16xf32, #tpu.memory_space<vmem>>
            %dma_start3A_584 = arith.constant 0 : i32
            %dma_start3A_585 = tpu.memref_slice %arg4[%squeeze3A_573, %dma_start3A_584] : memref<1000001x16xf32, #tpu.memory_space<hbm>> -> memref<1x16xf32, #tpu.memory_space<hbm>>
            tpu.enqueue_dma source(%dma_start3A_585 : memref<1x16xf32, #tpu.memory_space<hbm>>) target(%dma_start3A_583 : memref<1x16xf32, #tpu.memory_space<vmem>>) target_semaphore(%arg16 : memref<!tpu.dma_semaphore, #tpu.memory_space<semaphore_mem>>)
            %slice3A_586 = vector.extract_strided_slice %get3A_420 {offsets = [12], sizes = [1], strides = [1]} : vector<16xi32> to vector<1xi32>
            %squeeze3A_587 = vector.extract %slice3A_586[0] : i32 from vector<1xi32>
            %mul3A_588 = arith.constant 16 : i32
            %mul3A_589 = arith.muli %add3A_63, %mul3A_588 : i32
            %add3A_590 = arith.constant 12 : i32
            %add3A_591 = arith.addi %mul3A_589, %add3A_590 : i32
            %dma_start3A_592 = arith.constant 0 : i32
            %dma_start3A_593 = tpu.memref_slice %arg11[%add3A_591, %dma_start3A_592] : memref<160x16xf32, #tpu.memory_space<vmem>> -> memref<1x16xf32, #tpu.memory_space<vmem>>
            %dma_start3A_594 = arith.constant 0 : i32
            %dma_start3A_595 = tpu.memref_slice %arg4[%squeeze3A_587, %dma_start3A_594] : memref<1000001x16xf32, #tpu.memory_space<hbm>> -> memref<1x16xf32, #tpu.memory_space<hbm>>
            %dma_start3A_596 = arith.constant 0 : i32
            %dma_start3A_597 = tpu.memref_slice %arg11[%add3A_591, %dma_start3A_596] : memref<160x16xf32, #tpu.memory_space<vmem>> -> memref<1x16xf32, #tpu.memory_space<vmem>>
            %dma_start3A_598 = arith.constant 0 : i32
            %dma_start3A_599 = tpu.memref_slice %arg4[%squeeze3A_587, %dma_start3A_598] : memref<1000001x16xf32, #tpu.memory_space<hbm>> -> memref<1x16xf32, #tpu.memory_space<hbm>>
            tpu.enqueue_dma source(%dma_start3A_599 : memref<1x16xf32, #tpu.memory_space<hbm>>) target(%dma_start3A_597 : memref<1x16xf32, #tpu.memory_space<vmem>>) target_semaphore(%arg16 : memref<!tpu.dma_semaphore, #tpu.memory_space<semaphore_mem>>)
            %slice3A_600 = vector.extract_strided_slice %get3A_420 {offsets = [13], sizes = [1], strides = [1]} : vector<16xi32> to vector<1xi32>
            %squeeze3A_601 = vector.extract %slice3A_600[0] : i32 from vector<1xi32>
            %mul3A_602 = arith.constant 16 : i32
            %mul3A_603 = arith.muli %add3A_63, %mul3A_602 : i32
            %add3A_604 = arith.constant 13 : i32
            %add3A_605 = arith.addi %mul3A_603, %add3A_604 : i32
            %dma_start3A_606 = arith.constant 0 : i32
            %dma_start3A_607 = tpu.memref_slice %arg11[%add3A_605, %dma_start3A_606] : memref<160x16xf32, #tpu.memory_space<vmem>> -> memref<1x16xf32, #tpu.memory_space<vmem>>
            %dma_start3A_608 = arith.constant 0 : i32
            %dma_start3A_609 = tpu.memref_slice %arg4[%squeeze3A_601, %dma_start3A_608] : memref<1000001x16xf32, #tpu.memory_space<hbm>> -> memref<1x16xf32, #tpu.memory_space<hbm>>
            %dma_start3A_610 = arith.constant 0 : i32
            %dma_start3A_611 = tpu.memref_slice %arg11[%add3A_605, %dma_start3A_610] : memref<160x16xf32, #tpu.memory_space<vmem>> -> memref<1x16xf32, #tpu.memory_space<vmem>>
            %dma_start3A_612 = arith.constant 0 : i32
            %dma_start3A_613 = tpu.memref_slice %arg4[%squeeze3A_601, %dma_start3A_612] : memref<1000001x16xf32, #tpu.memory_space<hbm>> -> memref<1x16xf32, #tpu.memory_space<hbm>>
            tpu.enqueue_dma source(%dma_start3A_613 : memref<1x16xf32, #tpu.memory_space<hbm>>) target(%dma_start3A_611 : memref<1x16xf32, #tpu.memory_space<vmem>>) target_semaphore(%arg16 : memref<!tpu.dma_semaphore, #tpu.memory_space<semaphore_mem>>)
            %slice3A_614 = vector.extract_strided_slice %get3A_420 {offsets = [14], sizes = [1], strides = [1]} : vector<16xi32> to vector<1xi32>
            %squeeze3A_615 = vector.extract %slice3A_614[0] : i32 from vector<1xi32>
            %mul3A_616 = arith.constant 16 : i32
            %mul3A_617 = arith.muli %add3A_63, %mul3A_616 : i32
            %add3A_618 = arith.constant 14 : i32
            %add3A_619 = arith.addi %mul3A_617, %add3A_618 : i32
            %dma_start3A_620 = arith.constant 0 : i32
            %dma_start3A_621 = tpu.memref_slice %arg11[%add3A_619, %dma_start3A_620] : memref<160x16xf32, #tpu.memory_space<vmem>> -> memref<1x16xf32, #tpu.memory_space<vmem>>
            %dma_start3A_622 = arith.constant 0 : i32
            %dma_start3A_623 = tpu.memref_slice %arg4[%squeeze3A_615, %dma_start3A_622] : memref<1000001x16xf32, #tpu.memory_space<hbm>> -> memref<1x16xf32, #tpu.memory_space<hbm>>
            %dma_start3A_624 = arith.constant 0 : i32
            %dma_start3A_625 = tpu.memref_slice %arg11[%add3A_619, %dma_start3A_624] : memref<160x16xf32, #tpu.memory_space<vmem>> -> memref<1x16xf32, #tpu.memory_space<vmem>>
            %dma_start3A_626 = arith.constant 0 : i32
            %dma_start3A_627 = tpu.memref_slice %arg4[%squeeze3A_615, %dma_start3A_626] : memref<1000001x16xf32, #tpu.memory_space<hbm>> -> memref<1x16xf32, #tpu.memory_space<hbm>>
            tpu.enqueue_dma source(%dma_start3A_627 : memref<1x16xf32, #tpu.memory_space<hbm>>) target(%dma_start3A_625 : memref<1x16xf32, #tpu.memory_space<vmem>>) target_semaphore(%arg16 : memref<!tpu.dma_semaphore, #tpu.memory_space<semaphore_mem>>)
            %slice3A_628 = vector.extract_strided_slice %get3A_420 {offsets = [15], sizes = [1], strides = [1]} : vector<16xi32> to vector<1xi32>
            %squeeze3A_629 = vector.extract %slice3A_628[0] : i32 from vector<1xi32>
            %mul3A_630 = arith.constant 16 : i32
            %mul3A_631 = arith.muli %add3A_63, %mul3A_630 : i32
            %add3A_632 = arith.constant 15 : i32
            %add3A_633 = arith.addi %mul3A_631, %add3A_632 : i32
            %dma_start3A_634 = arith.constant 0 : i32
            %dma_start3A_635 = tpu.memref_slice %arg11[%add3A_633, %dma_start3A_634] : memref<160x16xf32, #tpu.memory_space<vmem>> -> memref<1x16xf32, #tpu.memory_space<vmem>>
            %dma_start3A_636 = arith.constant 0 : i32
            %dma_start3A_637 = tpu.memref_slice %arg4[%squeeze3A_629, %dma_start3A_636] : memref<1000001x16xf32, #tpu.memory_space<hbm>> -> memref<1x16xf32, #tpu.memory_space<hbm>>
            %dma_start3A_638 = arith.constant 0 : i32
            %dma_start3A_639 = tpu.memref_slice %arg11[%add3A_633, %dma_start3A_638] : memref<160x16xf32, #tpu.memory_space<vmem>> -> memref<1x16xf32, #tpu.memory_space<vmem>>
            %dma_start3A_640 = arith.constant 0 : i32
            %dma_start3A_641 = tpu.memref_slice %arg4[%squeeze3A_629, %dma_start3A_640] : memref<1000001x16xf32, #tpu.memory_space<hbm>> -> memref<1x16xf32, #tpu.memory_space<hbm>>
            tpu.enqueue_dma source(%dma_start3A_641 : memref<1x16xf32, #tpu.memory_space<hbm>>) target(%dma_start3A_639 : memref<1x16xf32, #tpu.memory_space<vmem>>) target_semaphore(%arg16 : memref<!tpu.dma_semaphore, #tpu.memory_space<semaphore_mem>>)
          } else {
          }
          %ge3A = arith.constant 10 : i32
          %ge3A_69 = arith.cmpi sge, %add3A_63, %ge3A : i32
          %lt3A_70 = arith.constant 15 : i32
          %lt3A_71 = arith.cmpi slt, %add3A_63, %lt3A_70 : i32
          %and3A_72 = arith.andi %ge3A_69, %lt3A_71 : i1
          %and3A_73 = arith.andi %lt3A_43, %and3A_72 : i1
          %convert_element_type3A_74 = arith.extui %and3A_73 : i1 to i32
          %cond3A_75 = arith.constant 0 : i32
          %cond3A_76 = arith.cmpi ne, %convert_element_type3A_74, %cond3A_75 : i32
          scf.if %cond3A_76 {
            %add3A_410 = arith.constant 1 : i32
            %add3A_411 = arith.addi %add3A_34, %add3A_410 : i32
            %sub3A_412 = arith.constant 10 : i32
            %sub3A_413 = arith.subi %add3A_63, %sub3A_412 : i32
            %mul3A_414 = arith.constant 8 : i32
            %mul3A_415 = arith.muli %add3A_411, %mul3A_414 : i32
            %mul3A_416 = arith.constant 10 : i32
            %mul3A_417 = arith.muli %mul3A_415, %mul3A_416 : i32
            %mul3A_418 = arith.constant 16 : i32
            %mul3A_419 = arith.muli %sub3A_413, %mul3A_418 : i32
            %add3A_420 = arith.addi %mul3A_417, %mul3A_419 : i32
            %get3A_421 = arith.index_cast %add3A_420 : i32 to index
            %get3A_422 = tpu.vector_load %arg10[%get3A_421] {strides = array<i32>} : memref<5120xi32, #tpu.memory_space<vmem>>, vector<16xi32>,
            %slice3A = vector.extract_strided_slice %get3A_422 {offsets = [0], sizes = [1], strides = [1]} : vector<16xi32> to vector<1xi32>
            %squeeze3A = vector.extract %slice3A[0] : i32 from vector<1xi32>
            %mul3A_423 = arith.constant 16 : i32
            %mul3A_424 = arith.muli %sub3A_413, %mul3A_423 : i32
            %add3A_425 = arith.constant 0 : i32
            %add3A_426 = arith.addi %mul3A_424, %add3A_425 : i32
            %dma_start3A = arith.constant 0 : i32
            %dma_start3A_427 = tpu.memref_slice %arg13[%add3A_426, %dma_start3A] : memref<80x16xf32, #tpu.memory_space<vmem>> -> memref<1x16xf32, #tpu.memory_space<vmem>>
            %dma_start3A_428 = arith.constant 0 : i32
            %dma_start3A_429 = tpu.memref_slice %arg5[%squeeze3A, %dma_start3A_428] : memref<100001x16xf32, #tpu.memory_space<hbm>> -> memref<1x16xf32, #tpu.memory_space<hbm>>
            %dma_start3A_430 = arith.constant 0 : i32
            %dma_start3A_431 = tpu.memref_slice %arg13[%add3A_426, %dma_start3A_430] : memref<80x16xf32, #tpu.memory_space<vmem>> -> memref<1x16xf32, #tpu.memory_space<vmem>>
            %dma_start3A_432 = arith.constant 0 : i32
            %dma_start3A_433 = tpu.memref_slice %arg5[%squeeze3A, %dma_start3A_432] : memref<100001x16xf32, #tpu.memory_space<hbm>> -> memref<1x16xf32, #tpu.memory_space<hbm>>
            tpu.enqueue_dma source(%dma_start3A_433 : memref<1x16xf32, #tpu.memory_space<hbm>>) target(%dma_start3A_431 : memref<1x16xf32, #tpu.memory_space<vmem>>) target_semaphore(%arg18 : memref<!tpu.dma_semaphore, #tpu.memory_space<semaphore_mem>>)
            %slice3A_434 = vector.extract_strided_slice %get3A_422 {offsets = [1], sizes = [1], strides = [1]} : vector<16xi32> to vector<1xi32>
            %squeeze3A_435 = vector.extract %slice3A_434[0] : i32 from vector<1xi32>
            %mul3A_436 = arith.constant 16 : i32
            %mul3A_437 = arith.muli %sub3A_413, %mul3A_436 : i32
            %add3A_438 = arith.constant 1 : i32
            %add3A_439 = arith.addi %mul3A_437, %add3A_438 : i32
            %dma_start3A_440 = arith.constant 0 : i32
            %dma_start3A_441 = tpu.memref_slice %arg13[%add3A_439, %dma_start3A_440] : memref<80x16xf32, #tpu.memory_space<vmem>> -> memref<1x16xf32, #tpu.memory_space<vmem>>
            %dma_start3A_442 = arith.constant 0 : i32
            %dma_start3A_443 = tpu.memref_slice %arg5[%squeeze3A_435, %dma_start3A_442] : memref<100001x16xf32, #tpu.memory_space<hbm>> -> memref<1x16xf32, #tpu.memory_space<hbm>>
            %dma_start3A_444 = arith.constant 0 : i32
            %dma_start3A_445 = tpu.memref_slice %arg13[%add3A_439, %dma_start3A_444] : memref<80x16xf32, #tpu.memory_space<vmem>> -> memref<1x16xf32, #tpu.memory_space<vmem>>
            %dma_start3A_446 = arith.constant 0 : i32
            %dma_start3A_447 = tpu.memref_slice %arg5[%squeeze3A_435, %dma_start3A_446] : memref<100001x16xf32, #tpu.memory_space<hbm>> -> memref<1x16xf32, #tpu.memory_space<hbm>>
            tpu.enqueue_dma source(%dma_start3A_447 : memref<1x16xf32, #tpu.memory_space<hbm>>) target(%dma_start3A_445 : memref<1x16xf32, #tpu.memory_space<vmem>>) target_semaphore(%arg18 : memref<!tpu.dma_semaphore, #tpu.memory_space<semaphore_mem>>)
            %slice3A_448 = vector.extract_strided_slice %get3A_422 {offsets = [2], sizes = [1], strides = [1]} : vector<16xi32> to vector<1xi32>
            %squeeze3A_449 = vector.extract %slice3A_448[0] : i32 from vector<1xi32>
            %mul3A_450 = arith.constant 16 : i32
            %mul3A_451 = arith.muli %sub3A_413, %mul3A_450 : i32
            %add3A_452 = arith.constant 2 : i32
            %add3A_453 = arith.addi %mul3A_451, %add3A_452 : i32
            %dma_start3A_454 = arith.constant 0 : i32
            %dma_start3A_455 = tpu.memref_slice %arg13[%add3A_453, %dma_start3A_454] : memref<80x16xf32, #tpu.memory_space<vmem>> -> memref<1x16xf32, #tpu.memory_space<vmem>>
            %dma_start3A_456 = arith.constant 0 : i32
            %dma_start3A_457 = tpu.memref_slice %arg5[%squeeze3A_449, %dma_start3A_456] : memref<100001x16xf32, #tpu.memory_space<hbm>> -> memref<1x16xf32, #tpu.memory_space<hbm>>
            %dma_start3A_458 = arith.constant 0 : i32
            %dma_start3A_459 = tpu.memref_slice %arg13[%add3A_453, %dma_start3A_458] : memref<80x16xf32, #tpu.memory_space<vmem>> -> memref<1x16xf32, #tpu.memory_space<vmem>>
            %dma_start3A_460 = arith.constant 0 : i32
            %dma_start3A_461 = tpu.memref_slice %arg5[%squeeze3A_449, %dma_start3A_460] : memref<100001x16xf32, #tpu.memory_space<hbm>> -> memref<1x16xf32, #tpu.memory_space<hbm>>
            tpu.enqueue_dma source(%dma_start3A_461 : memref<1x16xf32, #tpu.memory_space<hbm>>) target(%dma_start3A_459 : memref<1x16xf32, #tpu.memory_space<vmem>>) target_semaphore(%arg18 : memref<!tpu.dma_semaphore, #tpu.memory_space<semaphore_mem>>)
            %slice3A_462 = vector.extract_strided_slice %get3A_422 {offsets = [3], sizes = [1], strides = [1]} : vector<16xi32> to vector<1xi32>
            %squeeze3A_463 = vector.extract %slice3A_462[0] : i32 from vector<1xi32>
            %mul3A_464 = arith.constant 16 : i32
            %mul3A_465 = arith.muli %sub3A_413, %mul3A_464 : i32
            %add3A_466 = arith.constant 3 : i32
            %add3A_467 = arith.addi %mul3A_465, %add3A_466 : i32
            %dma_start3A_468 = arith.constant 0 : i32
            %dma_start3A_469 = tpu.memref_slice %arg13[%add3A_467, %dma_start3A_468] : memref<80x16xf32, #tpu.memory_space<vmem>> -> memref<1x16xf32, #tpu.memory_space<vmem>>
            %dma_start3A_470 = arith.constant 0 : i32
            %dma_start3A_471 = tpu.memref_slice %arg5[%squeeze3A_463, %dma_start3A_470] : memref<100001x16xf32, #tpu.memory_space<hbm>> -> memref<1x16xf32, #tpu.memory_space<hbm>>
            %dma_start3A_472 = arith.constant 0 : i32
            %dma_start3A_473 = tpu.memref_slice %arg13[%add3A_467, %dma_start3A_472] : memref<80x16xf32, #tpu.memory_space<vmem>> -> memref<1x16xf32, #tpu.memory_space<vmem>>
            %dma_start3A_474 = arith.constant 0 : i32
            %dma_start3A_475 = tpu.memref_slice %arg5[%squeeze3A_463, %dma_start3A_474] : memref<100001x16xf32, #tpu.memory_space<hbm>> -> memref<1x16xf32, #tpu.memory_space<hbm>>
            tpu.enqueue_dma source(%dma_start3A_475 : memref<1x16xf32, #tpu.memory_space<hbm>>) target(%dma_start3A_473 : memref<1x16xf32, #tpu.memory_space<vmem>>) target_semaphore(%arg18 : memref<!tpu.dma_semaphore, #tpu.memory_space<semaphore_mem>>)
            %slice3A_476 = vector.extract_strided_slice %get3A_422 {offsets = [4], sizes = [1], strides = [1]} : vector<16xi32> to vector<1xi32>
            %squeeze3A_477 = vector.extract %slice3A_476[0] : i32 from vector<1xi32>
            %mul3A_478 = arith.constant 16 : i32
            %mul3A_479 = arith.muli %sub3A_413, %mul3A_478 : i32
            %add3A_480 = arith.constant 4 : i32
            %add3A_481 = arith.addi %mul3A_479, %add3A_480 : i32
            %dma_start3A_482 = arith.constant 0 : i32
            %dma_start3A_483 = tpu.memref_slice %arg13[%add3A_481, %dma_start3A_482] : memref<80x16xf32, #tpu.memory_space<vmem>> -> memref<1x16xf32, #tpu.memory_space<vmem>>
            %dma_start3A_484 = arith.constant 0 : i32
            %dma_start3A_485 = tpu.memref_slice %arg5[%squeeze3A_477, %dma_start3A_484] : memref<100001x16xf32, #tpu.memory_space<hbm>> -> memref<1x16xf32, #tpu.memory_space<hbm>>
            %dma_start3A_486 = arith.constant 0 : i32
            %dma_start3A_487 = tpu.memref_slice %arg13[%add3A_481, %dma_start3A_486] : memref<80x16xf32, #tpu.memory_space<vmem>> -> memref<1x16xf32, #tpu.memory_space<vmem>>
            %dma_start3A_488 = arith.constant 0 : i32
            %dma_start3A_489 = tpu.memref_slice %arg5[%squeeze3A_477, %dma_start3A_488] : memref<100001x16xf32, #tpu.memory_space<hbm>> -> memref<1x16xf32, #tpu.memory_space<hbm>>
            tpu.enqueue_dma source(%dma_start3A_489 : memref<1x16xf32, #tpu.memory_space<hbm>>) target(%dma_start3A_487 : memref<1x16xf32, #tpu.memory_space<vmem>>) target_semaphore(%arg18 : memref<!tpu.dma_semaphore, #tpu.memory_space<semaphore_mem>>)
            %slice3A_490 = vector.extract_strided_slice %get3A_422 {offsets = [5], sizes = [1], strides = [1]} : vector<16xi32> to vector<1xi32>
            %squeeze3A_491 = vector.extract %slice3A_490[0] : i32 from vector<1xi32>
            %mul3A_492 = arith.constant 16 : i32
            %mul3A_493 = arith.muli %sub3A_413, %mul3A_492 : i32
            %add3A_494 = arith.constant 5 : i32
            %add3A_495 = arith.addi %mul3A_493, %add3A_494 : i32
            %dma_start3A_496 = arith.constant 0 : i32
            %dma_start3A_497 = tpu.memref_slice %arg13[%add3A_495, %dma_start3A_496] : memref<80x16xf32, #tpu.memory_space<vmem>> -> memref<1x16xf32, #tpu.memory_space<vmem>>
            %dma_start3A_498 = arith.constant 0 : i32
            %dma_start3A_499 = tpu.memref_slice %arg5[%squeeze3A_491, %dma_start3A_498] : memref<100001x16xf32, #tpu.memory_space<hbm>> -> memref<1x16xf32, #tpu.memory_space<hbm>>
            %dma_start3A_500 = arith.constant 0 : i32
            %dma_start3A_501 = tpu.memref_slice %arg13[%add3A_495, %dma_start3A_500] : memref<80x16xf32, #tpu.memory_space<vmem>> -> memref<1x16xf32, #tpu.memory_space<vmem>>
            %dma_start3A_502 = arith.constant 0 : i32
            %dma_start3A_503 = tpu.memref_slice %arg5[%squeeze3A_491, %dma_start3A_502] : memref<100001x16xf32, #tpu.memory_space<hbm>> -> memref<1x16xf32, #tpu.memory_space<hbm>>
            tpu.enqueue_dma source(%dma_start3A_503 : memref<1x16xf32, #tpu.memory_space<hbm>>) target(%dma_start3A_501 : memref<1x16xf32, #tpu.memory_space<vmem>>) target_semaphore(%arg18 : memref<!tpu.dma_semaphore, #tpu.memory_space<semaphore_mem>>)
            %slice3A_504 = vector.extract_strided_slice %get3A_422 {offsets = [6], sizes = [1], strides = [1]} : vector<16xi32> to vector<1xi32>
            %squeeze3A_505 = vector.extract %slice3A_504[0] : i32 from vector<1xi32>
            %mul3A_506 = arith.constant 16 : i32
            %mul3A_507 = arith.muli %sub3A_413, %mul3A_506 : i32
            %add3A_508 = arith.constant 6 : i32
            %add3A_509 = arith.addi %mul3A_507, %add3A_508 : i32
            %dma_start3A_510 = arith.constant 0 : i32
            %dma_start3A_511 = tpu.memref_slice %arg13[%add3A_509, %dma_start3A_510] : memref<80x16xf32, #tpu.memory_space<vmem>> -> memref<1x16xf32, #tpu.memory_space<vmem>>
            %dma_start3A_512 = arith.constant 0 : i32
            %dma_start3A_513 = tpu.memref_slice %arg5[%squeeze3A_505, %dma_start3A_512] : memref<100001x16xf32, #tpu.memory_space<hbm>> -> memref<1x16xf32, #tpu.memory_space<hbm>>
            %dma_start3A_514 = arith.constant 0 : i32
            %dma_start3A_515 = tpu.memref_slice %arg13[%add3A_509, %dma_start3A_514] : memref<80x16xf32, #tpu.memory_space<vmem>> -> memref<1x16xf32, #tpu.memory_space<vmem>>
            %dma_start3A_516 = arith.constant 0 : i32
            %dma_start3A_517 = tpu.memref_slice %arg5[%squeeze3A_505, %dma_start3A_516] : memref<100001x16xf32, #tpu.memory_space<hbm>> -> memref<1x16xf32, #tpu.memory_space<hbm>>
            tpu.enqueue_dma source(%dma_start3A_517 : memref<1x16xf32, #tpu.memory_space<hbm>>) target(%dma_start3A_515 : memref<1x16xf32, #tpu.memory_space<vmem>>) target_semaphore(%arg18 : memref<!tpu.dma_semaphore, #tpu.memory_space<semaphore_mem>>)
            %slice3A_518 = vector.extract_strided_slice %get3A_422 {offsets = [7], sizes = [1], strides = [1]} : vector<16xi32> to vector<1xi32>
            %squeeze3A_519 = vector.extract %slice3A_518[0] : i32 from vector<1xi32>
            %mul3A_520 = arith.constant 16 : i32
            %mul3A_521 = arith.muli %sub3A_413, %mul3A_520 : i32
            %add3A_522 = arith.constant 7 : i32
            %add3A_523 = arith.addi %mul3A_521, %add3A_522 : i32
            %dma_start3A_524 = arith.constant 0 : i32
            %dma_start3A_525 = tpu.memref_slice %arg13[%add3A_523, %dma_start3A_524] : memref<80x16xf32, #tpu.memory_space<vmem>> -> memref<1x16xf32, #tpu.memory_space<vmem>>
            %dma_start3A_526 = arith.constant 0 : i32
            %dma_start3A_527 = tpu.memref_slice %arg5[%squeeze3A_519, %dma_start3A_526] : memref<100001x16xf32, #tpu.memory_space<hbm>> -> memref<1x16xf32, #tpu.memory_space<hbm>>
            %dma_start3A_528 = arith.constant 0 : i32
            %dma_start3A_529 = tpu.memref_slice %arg13[%add3A_523, %dma_start3A_528] : memref<80x16xf32, #tpu.memory_space<vmem>> -> memref<1x16xf32, #tpu.memory_space<vmem>>
            %dma_start3A_530 = arith.constant 0 : i32
            %dma_start3A_531 = tpu.memref_slice %arg5[%squeeze3A_519, %dma_start3A_530] : memref<100001x16xf32, #tpu.memory_space<hbm>> -> memref<1x16xf32, #tpu.memory_space<hbm>>
            tpu.enqueue_dma source(%dma_start3A_531 : memref<1x16xf32, #tpu.memory_space<hbm>>) target(%dma_start3A_529 : memref<1x16xf32, #tpu.memory_space<vmem>>) target_semaphore(%arg18 : memref<!tpu.dma_semaphore, #tpu.memory_space<semaphore_mem>>)
            %slice3A_532 = vector.extract_strided_slice %get3A_422 {offsets = [8], sizes = [1], strides = [1]} : vector<16xi32> to vector<1xi32>
            %squeeze3A_533 = vector.extract %slice3A_532[0] : i32 from vector<1xi32>
            %mul3A_534 = arith.constant 16 : i32
            %mul3A_535 = arith.muli %sub3A_413, %mul3A_534 : i32
            %add3A_536 = arith.constant 8 : i32
            %add3A_537 = arith.addi %mul3A_535, %add3A_536 : i32
            %dma_start3A_538 = arith.constant 0 : i32
            %dma_start3A_539 = tpu.memref_slice %arg13[%add3A_537, %dma_start3A_538] : memref<80x16xf32, #tpu.memory_space<vmem>> -> memref<1x16xf32, #tpu.memory_space<vmem>>
            %dma_start3A_540 = arith.constant 0 : i32
            %dma_start3A_541 = tpu.memref_slice %arg5[%squeeze3A_533, %dma_start3A_540] : memref<100001x16xf32, #tpu.memory_space<hbm>> -> memref<1x16xf32, #tpu.memory_space<hbm>>
            %dma_start3A_542 = arith.constant 0 : i32
            %dma_start3A_543 = tpu.memref_slice %arg13[%add3A_537, %dma_start3A_542] : memref<80x16xf32, #tpu.memory_space<vmem>> -> memref<1x16xf32, #tpu.memory_space<vmem>>
            %dma_start3A_544 = arith.constant 0 : i32
            %dma_start3A_545 = tpu.memref_slice %arg5[%squeeze3A_533, %dma_start3A_544] : memref<100001x16xf32, #tpu.memory_space<hbm>> -> memref<1x16xf32, #tpu.memory_space<hbm>>
            tpu.enqueue_dma source(%dma_start3A_545 : memref<1x16xf32, #tpu.memory_space<hbm>>) target(%dma_start3A_543 : memref<1x16xf32, #tpu.memory_space<vmem>>) target_semaphore(%arg18 : memref<!tpu.dma_semaphore, #tpu.memory_space<semaphore_mem>>)
            %slice3A_546 = vector.extract_strided_slice %get3A_422 {offsets = [9], sizes = [1], strides = [1]} : vector<16xi32> to vector<1xi32>
            %squeeze3A_547 = vector.extract %slice3A_546[0] : i32 from vector<1xi32>
            %mul3A_548 = arith.constant 16 : i32
            %mul3A_549 = arith.muli %sub3A_413, %mul3A_548 : i32
            %add3A_550 = arith.constant 9 : i32
            %add3A_551 = arith.addi %mul3A_549, %add3A_550 : i32
            %dma_start3A_552 = arith.constant 0 : i32
            %dma_start3A_553 = tpu.memref_slice %arg13[%add3A_551, %dma_start3A_552] : memref<80x16xf32, #tpu.memory_space<vmem>> -> memref<1x16xf32, #tpu.memory_space<vmem>>
            %dma_start3A_554 = arith.constant 0 : i32
            %dma_start3A_555 = tpu.memref_slice %arg5[%squeeze3A_547, %dma_start3A_554] : memref<100001x16xf32, #tpu.memory_space<hbm>> -> memref<1x16xf32, #tpu.memory_space<hbm>>
            %dma_start3A_556 = arith.constant 0 : i32
            %dma_start3A_557 = tpu.memref_slice %arg13[%add3A_551, %dma_start3A_556] : memref<80x16xf32, #tpu.memory_space<vmem>> -> memref<1x16xf32, #tpu.memory_space<vmem>>
            %dma_start3A_558 = arith.constant 0 : i32
            %dma_start3A_559 = tpu.memref_slice %arg5[%squeeze3A_547, %dma_start3A_558] : memref<100001x16xf32, #tpu.memory_space<hbm>> -> memref<1x16xf32, #tpu.memory_space<hbm>>
            tpu.enqueue_dma source(%dma_start3A_559 : memref<1x16xf32, #tpu.memory_space<hbm>>) target(%dma_start3A_557 : memref<1x16xf32, #tpu.memory_space<vmem>>) target_semaphore(%arg18 : memref<!tpu.dma_semaphore, #tpu.memory_space<semaphore_mem>>)
            %slice3A_560 = vector.extract_strided_slice %get3A_422 {offsets = [10], sizes = [1], strides = [1]} : vector<16xi32> to vector<1xi32>
            %squeeze3A_561 = vector.extract %slice3A_560[0] : i32 from vector<1xi32>
            %mul3A_562 = arith.constant 16 : i32
            %mul3A_563 = arith.muli %sub3A_413, %mul3A_562 : i32
            %add3A_564 = arith.constant 10 : i32
            %add3A_565 = arith.addi %mul3A_563, %add3A_564 : i32
            %dma_start3A_566 = arith.constant 0 : i32
            %dma_start3A_567 = tpu.memref_slice %arg13[%add3A_565, %dma_start3A_566] : memref<80x16xf32, #tpu.memory_space<vmem>> -> memref<1x16xf32, #tpu.memory_space<vmem>>
            %dma_start3A_568 = arith.constant 0 : i32
            %dma_start3A_569 = tpu.memref_slice %arg5[%squeeze3A_561, %dma_start3A_568] : memref<100001x16xf32, #tpu.memory_space<hbm>> -> memref<1x16xf32, #tpu.memory_space<hbm>>
            %dma_start3A_570 = arith.constant 0 : i32
            %dma_start3A_571 = tpu.memref_slice %arg13[%add3A_565, %dma_start3A_570] : memref<80x16xf32, #tpu.memory_space<vmem>> -> memref<1x16xf32, #tpu.memory_space<vmem>>
            %dma_start3A_572 = arith.constant 0 : i32
            %dma_start3A_573 = tpu.memref_slice %arg5[%squeeze3A_561, %dma_start3A_572] : memref<100001x16xf32, #tpu.memory_space<hbm>> -> memref<1x16xf32, #tpu.memory_space<hbm>>
            tpu.enqueue_dma source(%dma_start3A_573 : memref<1x16xf32, #tpu.memory_space<hbm>>) target(%dma_start3A_571 : memref<1x16xf32, #tpu.memory_space<vmem>>) target_semaphore(%arg18 : memref<!tpu.dma_semaphore, #tpu.memory_space<semaphore_mem>>)
            %slice3A_574 = vector.extract_strided_slice %get3A_422 {offsets = [11], sizes = [1], strides = [1]} : vector<16xi32> to vector<1xi32>
            %squeeze3A_575 = vector.extract %slice3A_574[0] : i32 from vector<1xi32>
            %mul3A_576 = arith.constant 16 : i32
            %mul3A_577 = arith.muli %sub3A_413, %mul3A_576 : i32
            %add3A_578 = arith.constant 11 : i32
            %add3A_579 = arith.addi %mul3A_577, %add3A_578 : i32
            %dma_start3A_580 = arith.constant 0 : i32
            %dma_start3A_581 = tpu.memref_slice %arg13[%add3A_579, %dma_start3A_580] : memref<80x16xf32, #tpu.memory_space<vmem>> -> memref<1x16xf32, #tpu.memory_space<vmem>>
            %dma_start3A_582 = arith.constant 0 : i32
            %dma_start3A_583 = tpu.memref_slice %arg5[%squeeze3A_575, %dma_start3A_582] : memref<100001x16xf32, #tpu.memory_space<hbm>> -> memref<1x16xf32, #tpu.memory_space<hbm>>
            %dma_start3A_584 = arith.constant 0 : i32
            %dma_start3A_585 = tpu.memref_slice %arg13[%add3A_579, %dma_start3A_584] : memref<80x16xf32, #tpu.memory_space<vmem>> -> memref<1x16xf32, #tpu.memory_space<vmem>>
            %dma_start3A_586 = arith.constant 0 : i32
            %dma_start3A_587 = tpu.memref_slice %arg5[%squeeze3A_575, %dma_start3A_586] : memref<100001x16xf32, #tpu.memory_space<hbm>> -> memref<1x16xf32, #tpu.memory_space<hbm>>
            tpu.enqueue_dma source(%dma_start3A_587 : memref<1x16xf32, #tpu.memory_space<hbm>>) target(%dma_start3A_585 : memref<1x16xf32, #tpu.memory_space<vmem>>) target_semaphore(%arg18 : memref<!tpu.dma_semaphore, #tpu.memory_space<semaphore_mem>>)
            %slice3A_588 = vector.extract_strided_slice %get3A_422 {offsets = [12], sizes = [1], strides = [1]} : vector<16xi32> to vector<1xi32>
            %squeeze3A_589 = vector.extract %slice3A_588[0] : i32 from vector<1xi32>
            %mul3A_590 = arith.constant 16 : i32
            %mul3A_591 = arith.muli %sub3A_413, %mul3A_590 : i32
            %add3A_592 = arith.constant 12 : i32
            %add3A_593 = arith.addi %mul3A_591, %add3A_592 : i32
            %dma_start3A_594 = arith.constant 0 : i32
            %dma_start3A_595 = tpu.memref_slice %arg13[%add3A_593, %dma_start3A_594] : memref<80x16xf32, #tpu.memory_space<vmem>> -> memref<1x16xf32, #tpu.memory_space<vmem>>
            %dma_start3A_596 = arith.constant 0 : i32
            %dma_start3A_597 = tpu.memref_slice %arg5[%squeeze3A_589, %dma_start3A_596] : memref<100001x16xf32, #tpu.memory_space<hbm>> -> memref<1x16xf32, #tpu.memory_space<hbm>>
            %dma_start3A_598 = arith.constant 0 : i32
            %dma_start3A_599 = tpu.memref_slice %arg13[%add3A_593, %dma_start3A_598] : memref<80x16xf32, #tpu.memory_space<vmem>> -> memref<1x16xf32, #tpu.memory_space<vmem>>
            %dma_start3A_600 = arith.constant 0 : i32
            %dma_start3A_601 = tpu.memref_slice %arg5[%squeeze3A_589, %dma_start3A_600] : memref<100001x16xf32, #tpu.memory_space<hbm>> -> memref<1x16xf32, #tpu.memory_space<hbm>>
            tpu.enqueue_dma source(%dma_start3A_601 : memref<1x16xf32, #tpu.memory_space<hbm>>) target(%dma_start3A_599 : memref<1x16xf32, #tpu.memory_space<vmem>>) target_semaphore(%arg18 : memref<!tpu.dma_semaphore, #tpu.memory_space<semaphore_mem>>)
            %slice3A_602 = vector.extract_strided_slice %get3A_422 {offsets = [13], sizes = [1], strides = [1]} : vector<16xi32> to vector<1xi32>
            %squeeze3A_603 = vector.extract %slice3A_602[0] : i32 from vector<1xi32>
            %mul3A_604 = arith.constant 16 : i32
            %mul3A_605 = arith.muli %sub3A_413, %mul3A_604 : i32
            %add3A_606 = arith.constant 13 : i32
            %add3A_607 = arith.addi %mul3A_605, %add3A_606 : i32
            %dma_start3A_608 = arith.constant 0 : i32
            %dma_start3A_609 = tpu.memref_slice %arg13[%add3A_607, %dma_start3A_608] : memref<80x16xf32, #tpu.memory_space<vmem>> -> memref<1x16xf32, #tpu.memory_space<vmem>>
            %dma_start3A_610 = arith.constant 0 : i32
            %dma_start3A_611 = tpu.memref_slice %arg5[%squeeze3A_603, %dma_start3A_610] : memref<100001x16xf32, #tpu.memory_space<hbm>> -> memref<1x16xf32, #tpu.memory_space<hbm>>
            %dma_start3A_612 = arith.constant 0 : i32
            %dma_start3A_613 = tpu.memref_slice %arg13[%add3A_607, %dma_start3A_612] : memref<80x16xf32, #tpu.memory_space<vmem>> -> memref<1x16xf32, #tpu.memory_space<vmem>>
            %dma_start3A_614 = arith.constant 0 : i32
            %dma_start3A_615 = tpu.memref_slice %arg5[%squeeze3A_603, %dma_start3A_614] : memref<100001x16xf32, #tpu.memory_space<hbm>> -> memref<1x16xf32, #tpu.memory_space<hbm>>
            tpu.enqueue_dma source(%dma_start3A_615 : memref<1x16xf32, #tpu.memory_space<hbm>>) target(%dma_start3A_613 : memref<1x16xf32, #tpu.memory_space<vmem>>) target_semaphore(%arg18 : memref<!tpu.dma_semaphore, #tpu.memory_space<semaphore_mem>>)
            %slice3A_616 = vector.extract_strided_slice %get3A_422 {offsets = [14], sizes = [1], strides = [1]} : vector<16xi32> to vector<1xi32>
            %squeeze3A_617 = vector.extract %slice3A_616[0] : i32 from vector<1xi32>
            %mul3A_618 = arith.constant 16 : i32
            %mul3A_619 = arith.muli %sub3A_413, %mul3A_618 : i32
            %add3A_620 = arith.constant 14 : i32
            %add3A_621 = arith.addi %mul3A_619, %add3A_620 : i32
            %dma_start3A_622 = arith.constant 0 : i32
            %dma_start3A_623 = tpu.memref_slice %arg13[%add3A_621, %dma_start3A_622] : memref<80x16xf32, #tpu.memory_space<vmem>> -> memref<1x16xf32, #tpu.memory_space<vmem>>
            %dma_start3A_624 = arith.constant 0 : i32
            %dma_start3A_625 = tpu.memref_slice %arg5[%squeeze3A_617, %dma_start3A_624] : memref<100001x16xf32, #tpu.memory_space<hbm>> -> memref<1x16xf32, #tpu.memory_space<hbm>>
            %dma_start3A_626 = arith.constant 0 : i32
            %dma_start3A_627 = tpu.memref_slice %arg13[%add3A_621, %dma_start3A_626] : memref<80x16xf32, #tpu.memory_space<vmem>> -> memref<1x16xf32, #tpu.memory_space<vmem>>
            %dma_start3A_628 = arith.constant 0 : i32
            %dma_start3A_629 = tpu.memref_slice %arg5[%squeeze3A_617, %dma_start3A_628] : memref<100001x16xf32, #tpu.memory_space<hbm>> -> memref<1x16xf32, #tpu.memory_space<hbm>>
            tpu.enqueue_dma source(%dma_start3A_629 : memref<1x16xf32, #tpu.memory_space<hbm>>) target(%dma_start3A_627 : memref<1x16xf32, #tpu.memory_space<vmem>>) target_semaphore(%arg18 : memref<!tpu.dma_semaphore, #tpu.memory_space<semaphore_mem>>)
            %slice3A_630 = vector.extract_strided_slice %get3A_422 {offsets = [15], sizes = [1], strides = [1]} : vector<16xi32> to vector<1xi32>
            %squeeze3A_631 = vector.extract %slice3A_630[0] : i32 from vector<1xi32>
            %mul3A_632 = arith.constant 16 : i32
            %mul3A_633 = arith.muli %sub3A_413, %mul3A_632 : i32
            %add3A_634 = arith.constant 15 : i32
            %add3A_635 = arith.addi %mul3A_633, %add3A_634 : i32
            %dma_start3A_636 = arith.constant 0 : i32
            %dma_start3A_637 = tpu.memref_slice %arg13[%add3A_635, %dma_start3A_636] : memref<80x16xf32, #tpu.memory_space<vmem>> -> memref<1x16xf32, #tpu.memory_space<vmem>>
            %dma_start3A_638 = arith.constant 0 : i32
            %dma_start3A_639 = tpu.memref_slice %arg5[%squeeze3A_631, %dma_start3A_638] : memref<100001x16xf32, #tpu.memory_space<hbm>> -> memref<1x16xf32, #tpu.memory_space<hbm>>
            %dma_start3A_640 = arith.constant 0 : i32
            %dma_start3A_641 = tpu.memref_slice %arg13[%add3A_635, %dma_start3A_640] : memref<80x16xf32, #tpu.memory_space<vmem>> -> memref<1x16xf32, #tpu.memory_space<vmem>>
            %dma_start3A_642 = arith.constant 0 : i32
            %dma_start3A_643 = tpu.memref_slice %arg5[%squeeze3A_631, %dma_start3A_642] : memref<100001x16xf32, #tpu.memory_space<hbm>> -> memref<1x16xf32, #tpu.memory_space<hbm>>
            tpu.enqueue_dma source(%dma_start3A_643 : memref<1x16xf32, #tpu.memory_space<hbm>>) target(%dma_start3A_641 : memref<1x16xf32, #tpu.memory_space<vmem>>) target_semaphore(%arg18 : memref<!tpu.dma_semaphore, #tpu.memory_space<semaphore_mem>>)
          } else {
          }
          %mul3A_77 = arith.constant 2 : i32
          %mul3A_78 = arith.muli %scan3A_59, %mul3A_77 : i32
          %add3A_79 = arith.constant 1 : i32
          %add3A_80 = arith.addi %mul3A_78, %add3A_79 : i32
          %lt3A_81 = arith.constant 10 : i32
          %lt3A_82 = arith.cmpi slt, %add3A_80, %lt3A_81 : i32
          %and3A_83 = arith.andi %lt3A_43, %lt3A_82 : i1
          %convert_element_type3A_84 = arith.extui %and3A_83 : i1 to i32
          %cond3A_85 = arith.constant 0 : i32
          %cond3A_86 = arith.cmpi ne, %convert_element_type3A_84, %cond3A_85 : i32
          scf.if %cond3A_86 {
            %add3A_410 = arith.constant 1 : i32
            %add3A_411 = arith.addi %add3A_34, %add3A_410 : i32
            %mul3A_412 = arith.constant 8 : i32
            %mul3A_413 = arith.muli %add3A_411, %mul3A_412 : i32
            %mul3A_414 = arith.constant 20 : i32
            %mul3A_415 = arith.muli %mul3A_413, %mul3A_414 : i32
            %mul3A_416 = arith.constant 16 : i32
            %mul3A_417 = arith.muli %add3A_80, %mul3A_416 : i32
            %add3A_418 = arith.addi %mul3A_415, %mul3A_417 : i32
            %get3A_419 = arith.index_cast %add3A_418 : i32 to index
            %get3A_420 = tpu.vector_load %arg9[%get3A_419] {strides = array<i32>} : memref<10240xi32, #tpu.memory_space<vmem>>, vector<16xi32>,
            %slice3A = vector.extract_strided_slice %get3A_420 {offsets = [0], sizes = [1], strides = [1]} : vector<16xi32> to vector<1xi32>
            %squeeze3A = vector.extract %slice3A[0] : i32 from vector<1xi32>
            %mul3A_421 = arith.constant 16 : i32
            %mul3A_422 = arith.muli %add3A_80, %mul3A_421 : i32
            %add3A_423 = arith.constant 0 : i32
            %add3A_424 = arith.addi %mul3A_422, %add3A_423 : i32
            %dma_start3A = arith.constant 0 : i32
            %dma_start3A_425 = tpu.memref_slice %arg11[%add3A_424, %dma_start3A] : memref<160x16xf32, #tpu.memory_space<vmem>> -> memref<1x16xf32, #tpu.memory_space<vmem>>
            %dma_start3A_426 = arith.constant 0 : i32
            %dma_start3A_427 = tpu.memref_slice %arg4[%squeeze3A, %dma_start3A_426] : memref<1000001x16xf32, #tpu.memory_space<hbm>> -> memref<1x16xf32, #tpu.memory_space<hbm>>
            %dma_start3A_428 = arith.constant 0 : i32
            %dma_start3A_429 = tpu.memref_slice %arg11[%add3A_424, %dma_start3A_428] : memref<160x16xf32, #tpu.memory_space<vmem>> -> memref<1x16xf32, #tpu.memory_space<vmem>>
            %dma_start3A_430 = arith.constant 0 : i32
            %dma_start3A_431 = tpu.memref_slice %arg4[%squeeze3A, %dma_start3A_430] : memref<1000001x16xf32, #tpu.memory_space<hbm>> -> memref<1x16xf32, #tpu.memory_space<hbm>>
            tpu.enqueue_dma source(%dma_start3A_431 : memref<1x16xf32, #tpu.memory_space<hbm>>) target(%dma_start3A_429 : memref<1x16xf32, #tpu.memory_space<vmem>>) target_semaphore(%arg16 : memref<!tpu.dma_semaphore, #tpu.memory_space<semaphore_mem>>)
            %slice3A_432 = vector.extract_strided_slice %get3A_420 {offsets = [1], sizes = [1], strides = [1]} : vector<16xi32> to vector<1xi32>
            %squeeze3A_433 = vector.extract %slice3A_432[0] : i32 from vector<1xi32>
            %mul3A_434 = arith.constant 16 : i32
            %mul3A_435 = arith.muli %add3A_80, %mul3A_434 : i32
            %add3A_436 = arith.constant 1 : i32
            %add3A_437 = arith.addi %mul3A_435, %add3A_436 : i32
            %dma_start3A_438 = arith.constant 0 : i32
            %dma_start3A_439 = tpu.memref_slice %arg11[%add3A_437, %dma_start3A_438] : memref<160x16xf32, #tpu.memory_space<vmem>> -> memref<1x16xf32, #tpu.memory_space<vmem>>
            %dma_start3A_440 = arith.constant 0 : i32
            %dma_start3A_441 = tpu.memref_slice %arg4[%squeeze3A_433, %dma_start3A_440] : memref<1000001x16xf32, #tpu.memory_space<hbm>> -> memref<1x16xf32, #tpu.memory_space<hbm>>
            %dma_start3A_442 = arith.constant 0 : i32
            %dma_start3A_443 = tpu.memref_slice %arg11[%add3A_437, %dma_start3A_442] : memref<160x16xf32, #tpu.memory_space<vmem>> -> memref<1x16xf32, #tpu.memory_space<vmem>>
            %dma_start3A_444 = arith.constant 0 : i32
            %dma_start3A_445 = tpu.memref_slice %arg4[%squeeze3A_433, %dma_start3A_444] : memref<1000001x16xf32, #tpu.memory_space<hbm>> -> memref<1x16xf32, #tpu.memory_space<hbm>>
            tpu.enqueue_dma source(%dma_start3A_445 : memref<1x16xf32, #tpu.memory_space<hbm>>) target(%dma_start3A_443 : memref<1x16xf32, #tpu.memory_space<vmem>>) target_semaphore(%arg16 : memref<!tpu.dma_semaphore, #tpu.memory_space<semaphore_mem>>)
            %slice3A_446 = vector.extract_strided_slice %get3A_420 {offsets = [2], sizes = [1], strides = [1]} : vector<16xi32> to vector<1xi32>
            %squeeze3A_447 = vector.extract %slice3A_446[0] : i32 from vector<1xi32>
            %mul3A_448 = arith.constant 16 : i32
            %mul3A_449 = arith.muli %add3A_80, %mul3A_448 : i32
            %add3A_450 = arith.constant 2 : i32
            %add3A_451 = arith.addi %mul3A_449, %add3A_450 : i32
            %dma_start3A_452 = arith.constant 0 : i32
            %dma_start3A_453 = tpu.memref_slice %arg11[%add3A_451, %dma_start3A_452] : memref<160x16xf32, #tpu.memory_space<vmem>> -> memref<1x16xf32, #tpu.memory_space<vmem>>
            %dma_start3A_454 = arith.constant 0 : i32
            %dma_start3A_455 = tpu.memref_slice %arg4[%squeeze3A_447, %dma_start3A_454] : memref<1000001x16xf32, #tpu.memory_space<hbm>> -> memref<1x16xf32, #tpu.memory_space<hbm>>
            %dma_start3A_456 = arith.constant 0 : i32
            %dma_start3A_457 = tpu.memref_slice %arg11[%add3A_451, %dma_start3A_456] : memref<160x16xf32, #tpu.memory_space<vmem>> -> memref<1x16xf32, #tpu.memory_space<vmem>>
            %dma_start3A_458 = arith.constant 0 : i32
            %dma_start3A_459 = tpu.memref_slice %arg4[%squeeze3A_447, %dma_start3A_458] : memref<1000001x16xf32, #tpu.memory_space<hbm>> -> memref<1x16xf32, #tpu.memory_space<hbm>>
            tpu.enqueue_dma source(%dma_start3A_459 : memref<1x16xf32, #tpu.memory_space<hbm>>) target(%dma_start3A_457 : memref<1x16xf32, #tpu.memory_space<vmem>>) target_semaphore(%arg16 : memref<!tpu.dma_semaphore, #tpu.memory_space<semaphore_mem>>)
            %slice3A_460 = vector.extract_strided_slice %get3A_420 {offsets = [3], sizes = [1], strides = [1]} : vector<16xi32> to vector<1xi32>
            %squeeze3A_461 = vector.extract %slice3A_460[0] : i32 from vector<1xi32>
            %mul3A_462 = arith.constant 16 : i32
            %mul3A_463 = arith.muli %add3A_80, %mul3A_462 : i32
            %add3A_464 = arith.constant 3 : i32
            %add3A_465 = arith.addi %mul3A_463, %add3A_464 : i32
            %dma_start3A_466 = arith.constant 0 : i32
            %dma_start3A_467 = tpu.memref_slice %arg11[%add3A_465, %dma_start3A_466] : memref<160x16xf32, #tpu.memory_space<vmem>> -> memref<1x16xf32, #tpu.memory_space<vmem>>
            %dma_start3A_468 = arith.constant 0 : i32
            %dma_start3A_469 = tpu.memref_slice %arg4[%squeeze3A_461, %dma_start3A_468] : memref<1000001x16xf32, #tpu.memory_space<hbm>> -> memref<1x16xf32, #tpu.memory_space<hbm>>
            %dma_start3A_470 = arith.constant 0 : i32
            %dma_start3A_471 = tpu.memref_slice %arg11[%add3A_465, %dma_start3A_470] : memref<160x16xf32, #tpu.memory_space<vmem>> -> memref<1x16xf32, #tpu.memory_space<vmem>>
            %dma_start3A_472 = arith.constant 0 : i32
            %dma_start3A_473 = tpu.memref_slice %arg4[%squeeze3A_461, %dma_start3A_472] : memref<1000001x16xf32, #tpu.memory_space<hbm>> -> memref<1x16xf32, #tpu.memory_space<hbm>>
            tpu.enqueue_dma source(%dma_start3A_473 : memref<1x16xf32, #tpu.memory_space<hbm>>) target(%dma_start3A_471 : memref<1x16xf32, #tpu.memory_space<vmem>>) target_semaphore(%arg16 : memref<!tpu.dma_semaphore, #tpu.memory_space<semaphore_mem>>)
            %slice3A_474 = vector.extract_strided_slice %get3A_420 {offsets = [4], sizes = [1], strides = [1]} : vector<16xi32> to vector<1xi32>
            %squeeze3A_475 = vector.extract %slice3A_474[0] : i32 from vector<1xi32>
            %mul3A_476 = arith.constant 16 : i32
            %mul3A_477 = arith.muli %add3A_80, %mul3A_476 : i32
            %add3A_478 = arith.constant 4 : i32
            %add3A_479 = arith.addi %mul3A_477, %add3A_478 : i32
            %dma_start3A_480 = arith.constant 0 : i32
            %dma_start3A_481 = tpu.memref_slice %arg11[%add3A_479, %dma_start3A_480] : memref<160x16xf32, #tpu.memory_space<vmem>> -> memref<1x16xf32, #tpu.memory_space<vmem>>
            %dma_start3A_482 = arith.constant 0 : i32
            %dma_start3A_483 = tpu.memref_slice %arg4[%squeeze3A_475, %dma_start3A_482] : memref<1000001x16xf32, #tpu.memory_space<hbm>> -> memref<1x16xf32, #tpu.memory_space<hbm>>
            %dma_start3A_484 = arith.constant 0 : i32
            %dma_start3A_485 = tpu.memref_slice %arg11[%add3A_479, %dma_start3A_484] : memref<160x16xf32, #tpu.memory_space<vmem>> -> memref<1x16xf32, #tpu.memory_space<vmem>>
            %dma_start3A_486 = arith.constant 0 : i32
            %dma_start3A_487 = tpu.memref_slice %arg4[%squeeze3A_475, %dma_start3A_486] : memref<1000001x16xf32, #tpu.memory_space<hbm>> -> memref<1x16xf32, #tpu.memory_space<hbm>>
            tpu.enqueue_dma source(%dma_start3A_487 : memref<1x16xf32, #tpu.memory_space<hbm>>) target(%dma_start3A_485 : memref<1x16xf32, #tpu.memory_space<vmem>>) target_semaphore(%arg16 : memref<!tpu.dma_semaphore, #tpu.memory_space<semaphore_mem>>)
            %slice3A_488 = vector.extract_strided_slice %get3A_420 {offsets = [5], sizes = [1], strides = [1]} : vector<16xi32> to vector<1xi32>
            %squeeze3A_489 = vector.extract %slice3A_488[0] : i32 from vector<1xi32>
            %mul3A_490 = arith.constant 16 : i32
            %mul3A_491 = arith.muli %add3A_80, %mul3A_490 : i32
            %add3A_492 = arith.constant 5 : i32
            %add3A_493 = arith.addi %mul3A_491, %add3A_492 : i32
            %dma_start3A_494 = arith.constant 0 : i32
            %dma_start3A_495 = tpu.memref_slice %arg11[%add3A_493, %dma_start3A_494] : memref<160x16xf32, #tpu.memory_space<vmem>> -> memref<1x16xf32, #tpu.memory_space<vmem>>
            %dma_start3A_496 = arith.constant 0 : i32
            %dma_start3A_497 = tpu.memref_slice %arg4[%squeeze3A_489, %dma_start3A_496] : memref<1000001x16xf32, #tpu.memory_space<hbm>> -> memref<1x16xf32, #tpu.memory_space<hbm>>
            %dma_start3A_498 = arith.constant 0 : i32
            %dma_start3A_499 = tpu.memref_slice %arg11[%add3A_493, %dma_start3A_498] : memref<160x16xf32, #tpu.memory_space<vmem>> -> memref<1x16xf32, #tpu.memory_space<vmem>>
            %dma_start3A_500 = arith.constant 0 : i32
            %dma_start3A_501 = tpu.memref_slice %arg4[%squeeze3A_489, %dma_start3A_500] : memref<1000001x16xf32, #tpu.memory_space<hbm>> -> memref<1x16xf32, #tpu.memory_space<hbm>>
            tpu.enqueue_dma source(%dma_start3A_501 : memref<1x16xf32, #tpu.memory_space<hbm>>) target(%dma_start3A_499 : memref<1x16xf32, #tpu.memory_space<vmem>>) target_semaphore(%arg16 : memref<!tpu.dma_semaphore, #tpu.memory_space<semaphore_mem>>)
            %slice3A_502 = vector.extract_strided_slice %get3A_420 {offsets = [6], sizes = [1], strides = [1]} : vector<16xi32> to vector<1xi32>
            %squeeze3A_503 = vector.extract %slice3A_502[0] : i32 from vector<1xi32>
            %mul3A_504 = arith.constant 16 : i32
            %mul3A_505 = arith.muli %add3A_80, %mul3A_504 : i32
            %add3A_506 = arith.constant 6 : i32
            %add3A_507 = arith.addi %mul3A_505, %add3A_506 : i32
            %dma_start3A_508 = arith.constant 0 : i32
            %dma_start3A_509 = tpu.memref_slice %arg11[%add3A_507, %dma_start3A_508] : memref<160x16xf32, #tpu.memory_space<vmem>> -> memref<1x16xf32, #tpu.memory_space<vmem>>
            %dma_start3A_510 = arith.constant 0 : i32
            %dma_start3A_511 = tpu.memref_slice %arg4[%squeeze3A_503, %dma_start3A_510] : memref<1000001x16xf32, #tpu.memory_space<hbm>> -> memref<1x16xf32, #tpu.memory_space<hbm>>
            %dma_start3A_512 = arith.constant 0 : i32
            %dma_start3A_513 = tpu.memref_slice %arg11[%add3A_507, %dma_start3A_512] : memref<160x16xf32, #tpu.memory_space<vmem>> -> memref<1x16xf32, #tpu.memory_space<vmem>>
            %dma_start3A_514 = arith.constant 0 : i32
            %dma_start3A_515 = tpu.memref_slice %arg4[%squeeze3A_503, %dma_start3A_514] : memref<1000001x16xf32, #tpu.memory_space<hbm>> -> memref<1x16xf32, #tpu.memory_space<hbm>>
            tpu.enqueue_dma source(%dma_start3A_515 : memref<1x16xf32, #tpu.memory_space<hbm>>) target(%dma_start3A_513 : memref<1x16xf32, #tpu.memory_space<vmem>>) target_semaphore(%arg16 : memref<!tpu.dma_semaphore, #tpu.memory_space<semaphore_mem>>)
            %slice3A_516 = vector.extract_strided_slice %get3A_420 {offsets = [7], sizes = [1], strides = [1]} : vector<16xi32> to vector<1xi32>
            %squeeze3A_517 = vector.extract %slice3A_516[0] : i32 from vector<1xi32>
            %mul3A_518 = arith.constant 16 : i32
            %mul3A_519 = arith.muli %add3A_80, %mul3A_518 : i32
            %add3A_520 = arith.constant 7 : i32
            %add3A_521 = arith.addi %mul3A_519, %add3A_520 : i32
            %dma_start3A_522 = arith.constant 0 : i32
            %dma_start3A_523 = tpu.memref_slice %arg11[%add3A_521, %dma_start3A_522] : memref<160x16xf32, #tpu.memory_space<vmem>> -> memref<1x16xf32, #tpu.memory_space<vmem>>
            %dma_start3A_524 = arith.constant 0 : i32
            %dma_start3A_525 = tpu.memref_slice %arg4[%squeeze3A_517, %dma_start3A_524] : memref<1000001x16xf32, #tpu.memory_space<hbm>> -> memref<1x16xf32, #tpu.memory_space<hbm>>
            %dma_start3A_526 = arith.constant 0 : i32
            %dma_start3A_527 = tpu.memref_slice %arg11[%add3A_521, %dma_start3A_526] : memref<160x16xf32, #tpu.memory_space<vmem>> -> memref<1x16xf32, #tpu.memory_space<vmem>>
            %dma_start3A_528 = arith.constant 0 : i32
            %dma_start3A_529 = tpu.memref_slice %arg4[%squeeze3A_517, %dma_start3A_528] : memref<1000001x16xf32, #tpu.memory_space<hbm>> -> memref<1x16xf32, #tpu.memory_space<hbm>>
            tpu.enqueue_dma source(%dma_start3A_529 : memref<1x16xf32, #tpu.memory_space<hbm>>) target(%dma_start3A_527 : memref<1x16xf32, #tpu.memory_space<vmem>>) target_semaphore(%arg16 : memref<!tpu.dma_semaphore, #tpu.memory_space<semaphore_mem>>)
            %slice3A_530 = vector.extract_strided_slice %get3A_420 {offsets = [8], sizes = [1], strides = [1]} : vector<16xi32> to vector<1xi32>
            %squeeze3A_531 = vector.extract %slice3A_530[0] : i32 from vector<1xi32>
            %mul3A_532 = arith.constant 16 : i32
            %mul3A_533 = arith.muli %add3A_80, %mul3A_532 : i32
            %add3A_534 = arith.constant 8 : i32
            %add3A_535 = arith.addi %mul3A_533, %add3A_534 : i32
            %dma_start3A_536 = arith.constant 0 : i32
            %dma_start3A_537 = tpu.memref_slice %arg11[%add3A_535, %dma_start3A_536] : memref<160x16xf32, #tpu.memory_space<vmem>> -> memref<1x16xf32, #tpu.memory_space<vmem>>
            %dma_start3A_538 = arith.constant 0 : i32
            %dma_start3A_539 = tpu.memref_slice %arg4[%squeeze3A_531, %dma_start3A_538] : memref<1000001x16xf32, #tpu.memory_space<hbm>> -> memref<1x16xf32, #tpu.memory_space<hbm>>
            %dma_start3A_540 = arith.constant 0 : i32
            %dma_start3A_541 = tpu.memref_slice %arg11[%add3A_535, %dma_start3A_540] : memref<160x16xf32, #tpu.memory_space<vmem>> -> memref<1x16xf32, #tpu.memory_space<vmem>>
            %dma_start3A_542 = arith.constant 0 : i32
            %dma_start3A_543 = tpu.memref_slice %arg4[%squeeze3A_531, %dma_start3A_542] : memref<1000001x16xf32, #tpu.memory_space<hbm>> -> memref<1x16xf32, #tpu.memory_space<hbm>>
            tpu.enqueue_dma source(%dma_start3A_543 : memref<1x16xf32, #tpu.memory_space<hbm>>) target(%dma_start3A_541 : memref<1x16xf32, #tpu.memory_space<vmem>>) target_semaphore(%arg16 : memref<!tpu.dma_semaphore, #tpu.memory_space<semaphore_mem>>)
            %slice3A_544 = vector.extract_strided_slice %get3A_420 {offsets = [9], sizes = [1], strides = [1]} : vector<16xi32> to vector<1xi32>
            %squeeze3A_545 = vector.extract %slice3A_544[0] : i32 from vector<1xi32>
            %mul3A_546 = arith.constant 16 : i32
            %mul3A_547 = arith.muli %add3A_80, %mul3A_546 : i32
            %add3A_548 = arith.constant 9 : i32
            %add3A_549 = arith.addi %mul3A_547, %add3A_548 : i32
            %dma_start3A_550 = arith.constant 0 : i32
            %dma_start3A_551 = tpu.memref_slice %arg11[%add3A_549, %dma_start3A_550] : memref<160x16xf32, #tpu.memory_space<vmem>> -> memref<1x16xf32, #tpu.memory_space<vmem>>
            %dma_start3A_552 = arith.constant 0 : i32
            %dma_start3A_553 = tpu.memref_slice %arg4[%squeeze3A_545, %dma_start3A_552] : memref<1000001x16xf32, #tpu.memory_space<hbm>> -> memref<1x16xf32, #tpu.memory_space<hbm>>
            %dma_start3A_554 = arith.constant 0 : i32
            %dma_start3A_555 = tpu.memref_slice %arg11[%add3A_549, %dma_start3A_554] : memref<160x16xf32, #tpu.memory_space<vmem>> -> memref<1x16xf32, #tpu.memory_space<vmem>>
            %dma_start3A_556 = arith.constant 0 : i32
            %dma_start3A_557 = tpu.memref_slice %arg4[%squeeze3A_545, %dma_start3A_556] : memref<1000001x16xf32, #tpu.memory_space<hbm>> -> memref<1x16xf32, #tpu.memory_space<hbm>>
            tpu.enqueue_dma source(%dma_start3A_557 : memref<1x16xf32, #tpu.memory_space<hbm>>) target(%dma_start3A_555 : memref<1x16xf32, #tpu.memory_space<vmem>>) target_semaphore(%arg16 : memref<!tpu.dma_semaphore, #tpu.memory_space<semaphore_mem>>)
            %slice3A_558 = vector.extract_strided_slice %get3A_420 {offsets = [10], sizes = [1], strides = [1]} : vector<16xi32> to vector<1xi32>
            %squeeze3A_559 = vector.extract %slice3A_558[0] : i32 from vector<1xi32>
            %mul3A_560 = arith.constant 16 : i32
            %mul3A_561 = arith.muli %add3A_80, %mul3A_560 : i32
            %add3A_562 = arith.constant 10 : i32
            %add3A_563 = arith.addi %mul3A_561, %add3A_562 : i32
            %dma_start3A_564 = arith.constant 0 : i32
            %dma_start3A_565 = tpu.memref_slice %arg11[%add3A_563, %dma_start3A_564] : memref<160x16xf32, #tpu.memory_space<vmem>> -> memref<1x16xf32, #tpu.memory_space<vmem>>
            %dma_start3A_566 = arith.constant 0 : i32
            %dma_start3A_567 = tpu.memref_slice %arg4[%squeeze3A_559, %dma_start3A_566] : memref<1000001x16xf32, #tpu.memory_space<hbm>> -> memref<1x16xf32, #tpu.memory_space<hbm>>
            %dma_start3A_568 = arith.constant 0 : i32
            %dma_start3A_569 = tpu.memref_slice %arg11[%add3A_563, %dma_start3A_568] : memref<160x16xf32, #tpu.memory_space<vmem>> -> memref<1x16xf32, #tpu.memory_space<vmem>>
            %dma_start3A_570 = arith.constant 0 : i32
            %dma_start3A_571 = tpu.memref_slice %arg4[%squeeze3A_559, %dma_start3A_570] : memref<1000001x16xf32, #tpu.memory_space<hbm>> -> memref<1x16xf32, #tpu.memory_space<hbm>>
            tpu.enqueue_dma source(%dma_start3A_571 : memref<1x16xf32, #tpu.memory_space<hbm>>) target(%dma_start3A_569 : memref<1x16xf32, #tpu.memory_space<vmem>>) target_semaphore(%arg16 : memref<!tpu.dma_semaphore, #tpu.memory_space<semaphore_mem>>)
            %slice3A_572 = vector.extract_strided_slice %get3A_420 {offsets = [11], sizes = [1], strides = [1]} : vector<16xi32> to vector<1xi32>
            %squeeze3A_573 = vector.extract %slice3A_572[0] : i32 from vector<1xi32>
            %mul3A_574 = arith.constant 16 : i32
            %mul3A_575 = arith.muli %add3A_80, %mul3A_574 : i32
            %add3A_576 = arith.constant 11 : i32
            %add3A_577 = arith.addi %mul3A_575, %add3A_576 : i32
            %dma_start3A_578 = arith.constant 0 : i32
            %dma_start3A_579 = tpu.memref_slice %arg11[%add3A_577, %dma_start3A_578] : memref<160x16xf32, #tpu.memory_space<vmem>> -> memref<1x16xf32, #tpu.memory_space<vmem>>
            %dma_start3A_580 = arith.constant 0 : i32
            %dma_start3A_581 = tpu.memref_slice %arg4[%squeeze3A_573, %dma_start3A_580] : memref<1000001x16xf32, #tpu.memory_space<hbm>> -> memref<1x16xf32, #tpu.memory_space<hbm>>
            %dma_start3A_582 = arith.constant 0 : i32
            %dma_start3A_583 = tpu.memref_slice %arg11[%add3A_577, %dma_start3A_582] : memref<160x16xf32, #tpu.memory_space<vmem>> -> memref<1x16xf32, #tpu.memory_space<vmem>>
            %dma_start3A_584 = arith.constant 0 : i32
            %dma_start3A_585 = tpu.memref_slice %arg4[%squeeze3A_573, %dma_start3A_584] : memref<1000001x16xf32, #tpu.memory_space<hbm>> -> memref<1x16xf32, #tpu.memory_space<hbm>>
            tpu.enqueue_dma source(%dma_start3A_585 : memref<1x16xf32, #tpu.memory_space<hbm>>) target(%dma_start3A_583 : memref<1x16xf32, #tpu.memory_space<vmem>>) target_semaphore(%arg16 : memref<!tpu.dma_semaphore, #tpu.memory_space<semaphore_mem>>)
            %slice3A_586 = vector.extract_strided_slice %get3A_420 {offsets = [12], sizes = [1], strides = [1]} : vector<16xi32> to vector<1xi32>
            %squeeze3A_587 = vector.extract %slice3A_586[0] : i32 from vector<1xi32>
            %mul3A_588 = arith.constant 16 : i32
            %mul3A_589 = arith.muli %add3A_80, %mul3A_588 : i32
            %add3A_590 = arith.constant 12 : i32
            %add3A_591 = arith.addi %mul3A_589, %add3A_590 : i32
            %dma_start3A_592 = arith.constant 0 : i32
            %dma_start3A_593 = tpu.memref_slice %arg11[%add3A_591, %dma_start3A_592] : memref<160x16xf32, #tpu.memory_space<vmem>> -> memref<1x16xf32, #tpu.memory_space<vmem>>
            %dma_start3A_594 = arith.constant 0 : i32
            %dma_start3A_595 = tpu.memref_slice %arg4[%squeeze3A_587, %dma_start3A_594] : memref<1000001x16xf32, #tpu.memory_space<hbm>> -> memref<1x16xf32, #tpu.memory_space<hbm>>
            %dma_start3A_596 = arith.constant 0 : i32
            %dma_start3A_597 = tpu.memref_slice %arg11[%add3A_591, %dma_start3A_596] : memref<160x16xf32, #tpu.memory_space<vmem>> -> memref<1x16xf32, #tpu.memory_space<vmem>>
            %dma_start3A_598 = arith.constant 0 : i32
            %dma_start3A_599 = tpu.memref_slice %arg4[%squeeze3A_587, %dma_start3A_598] : memref<1000001x16xf32, #tpu.memory_space<hbm>> -> memref<1x16xf32, #tpu.memory_space<hbm>>
            tpu.enqueue_dma source(%dma_start3A_599 : memref<1x16xf32, #tpu.memory_space<hbm>>) target(%dma_start3A_597 : memref<1x16xf32, #tpu.memory_space<vmem>>) target_semaphore(%arg16 : memref<!tpu.dma_semaphore, #tpu.memory_space<semaphore_mem>>)
            %slice3A_600 = vector.extract_strided_slice %get3A_420 {offsets = [13], sizes = [1], strides = [1]} : vector<16xi32> to vector<1xi32>
            %squeeze3A_601 = vector.extract %slice3A_600[0] : i32 from vector<1xi32>
            %mul3A_602 = arith.constant 16 : i32
            %mul3A_603 = arith.muli %add3A_80, %mul3A_602 : i32
            %add3A_604 = arith.constant 13 : i32
            %add3A_605 = arith.addi %mul3A_603, %add3A_604 : i32
            %dma_start3A_606 = arith.constant 0 : i32
            %dma_start3A_607 = tpu.memref_slice %arg11[%add3A_605, %dma_start3A_606] : memref<160x16xf32, #tpu.memory_space<vmem>> -> memref<1x16xf32, #tpu.memory_space<vmem>>
            %dma_start3A_608 = arith.constant 0 : i32
            %dma_start3A_609 = tpu.memref_slice %arg4[%squeeze3A_601, %dma_start3A_608] : memref<1000001x16xf32, #tpu.memory_space<hbm>> -> memref<1x16xf32, #tpu.memory_space<hbm>>
            %dma_start3A_610 = arith.constant 0 : i32
            %dma_start3A_611 = tpu.memref_slice %arg11[%add3A_605, %dma_start3A_610] : memref<160x16xf32, #tpu.memory_space<vmem>> -> memref<1x16xf32, #tpu.memory_space<vmem>>
            %dma_start3A_612 = arith.constant 0 : i32
            %dma_start3A_613 = tpu.memref_slice %arg4[%squeeze3A_601, %dma_start3A_612] : memref<1000001x16xf32, #tpu.memory_space<hbm>> -> memref<1x16xf32, #tpu.memory_space<hbm>>
            tpu.enqueue_dma source(%dma_start3A_613 : memref<1x16xf32, #tpu.memory_space<hbm>>) target(%dma_start3A_611 : memref<1x16xf32, #tpu.memory_space<vmem>>) target_semaphore(%arg16 : memref<!tpu.dma_semaphore, #tpu.memory_space<semaphore_mem>>)
            %slice3A_614 = vector.extract_strided_slice %get3A_420 {offsets = [14], sizes = [1], strides = [1]} : vector<16xi32> to vector<1xi32>
            %squeeze3A_615 = vector.extract %slice3A_614[0] : i32 from vector<1xi32>
            %mul3A_616 = arith.constant 16 : i32
            %mul3A_617 = arith.muli %add3A_80, %mul3A_616 : i32
            %add3A_618 = arith.constant 14 : i32
            %add3A_619 = arith.addi %mul3A_617, %add3A_618 : i32
            %dma_start3A_620 = arith.constant 0 : i32
            %dma_start3A_621 = tpu.memref_slice %arg11[%add3A_619, %dma_start3A_620] : memref<160x16xf32, #tpu.memory_space<vmem>> -> memref<1x16xf32, #tpu.memory_space<vmem>>
            %dma_start3A_622 = arith.constant 0 : i32
            %dma_start3A_623 = tpu.memref_slice %arg4[%squeeze3A_615, %dma_start3A_622] : memref<1000001x16xf32, #tpu.memory_space<hbm>> -> memref<1x16xf32, #tpu.memory_space<hbm>>
            %dma_start3A_624 = arith.constant 0 : i32
            %dma_start3A_625 = tpu.memref_slice %arg11[%add3A_619, %dma_start3A_624] : memref<160x16xf32, #tpu.memory_space<vmem>> -> memref<1x16xf32, #tpu.memory_space<vmem>>
            %dma_start3A_626 = arith.constant 0 : i32
            %dma_start3A_627 = tpu.memref_slice %arg4[%squeeze3A_615, %dma_start3A_626] : memref<1000001x16xf32, #tpu.memory_space<hbm>> -> memref<1x16xf32, #tpu.memory_space<hbm>>
            tpu.enqueue_dma source(%dma_start3A_627 : memref<1x16xf32, #tpu.memory_space<hbm>>) target(%dma_start3A_625 : memref<1x16xf32, #tpu.memory_space<vmem>>) target_semaphore(%arg16 : memref<!tpu.dma_semaphore, #tpu.memory_space<semaphore_mem>>)
            %slice3A_628 = vector.extract_strided_slice %get3A_420 {offsets = [15], sizes = [1], strides = [1]} : vector<16xi32> to vector<1xi32>
            %squeeze3A_629 = vector.extract %slice3A_628[0] : i32 from vector<1xi32>
            %mul3A_630 = arith.constant 16 : i32
            %mul3A_631 = arith.muli %add3A_80, %mul3A_630 : i32
            %add3A_632 = arith.constant 15 : i32
            %add3A_633 = arith.addi %mul3A_631, %add3A_632 : i32
            %dma_start3A_634 = arith.constant 0 : i32
            %dma_start3A_635 = tpu.memref_slice %arg11[%add3A_633, %dma_start3A_634] : memref<160x16xf32, #tpu.memory_space<vmem>> -> memref<1x16xf32, #tpu.memory_space<vmem>>
            %dma_start3A_636 = arith.constant 0 : i32
            %dma_start3A_637 = tpu.memref_slice %arg4[%squeeze3A_629, %dma_start3A_636] : memref<1000001x16xf32, #tpu.memory_space<hbm>> -> memref<1x16xf32, #tpu.memory_space<hbm>>
            %dma_start3A_638 = arith.constant 0 : i32
            %dma_start3A_639 = tpu.memref_slice %arg11[%add3A_633, %dma_start3A_638] : memref<160x16xf32, #tpu.memory_space<vmem>> -> memref<1x16xf32, #tpu.memory_space<vmem>>
            %dma_start3A_640 = arith.constant 0 : i32
            %dma_start3A_641 = tpu.memref_slice %arg4[%squeeze3A_629, %dma_start3A_640] : memref<1000001x16xf32, #tpu.memory_space<hbm>> -> memref<1x16xf32, #tpu.memory_space<hbm>>
            tpu.enqueue_dma source(%dma_start3A_641 : memref<1x16xf32, #tpu.memory_space<hbm>>) target(%dma_start3A_639 : memref<1x16xf32, #tpu.memory_space<vmem>>) target_semaphore(%arg16 : memref<!tpu.dma_semaphore, #tpu.memory_space<semaphore_mem>>)
          } else {
          }
          %ge3A_87 = arith.constant 10 : i32
          %ge3A_88 = arith.cmpi sge, %add3A_80, %ge3A_87 : i32
          %lt3A_89 = arith.constant 15 : i32
          %lt3A_90 = arith.cmpi slt, %add3A_80, %lt3A_89 : i32
          %and3A_91 = arith.andi %ge3A_88, %lt3A_90 : i1
          %and3A_92 = arith.andi %lt3A_43, %and3A_91 : i1
          %convert_element_type3A_93 = arith.extui %and3A_92 : i1 to i32
          %cond3A_94 = arith.constant 0 : i32
          %cond3A_95 = arith.cmpi ne, %convert_element_type3A_93, %cond3A_94 : i32
          scf.if %cond3A_95 {
            %add3A_410 = arith.constant 1 : i32
            %add3A_411 = arith.addi %add3A_34, %add3A_410 : i32
            %sub3A_412 = arith.constant 10 : i32
            %sub3A_413 = arith.subi %add3A_80, %sub3A_412 : i32
            %mul3A_414 = arith.constant 8 : i32
            %mul3A_415 = arith.muli %add3A_411, %mul3A_414 : i32
            %mul3A_416 = arith.constant 10 : i32
            %mul3A_417 = arith.muli %mul3A_415, %mul3A_416 : i32
            %mul3A_418 = arith.constant 16 : i32
            %mul3A_419 = arith.muli %sub3A_413, %mul3A_418 : i32
            %add3A_420 = arith.addi %mul3A_417, %mul3A_419 : i32
            %get3A_421 = arith.index_cast %add3A_420 : i32 to index
            %get3A_422 = tpu.vector_load %arg10[%get3A_421] {strides = array<i32>} : memref<5120xi32, #tpu.memory_space<vmem>>, vector<16xi32>,
            %slice3A = vector.extract_strided_slice %get3A_422 {offsets = [0], sizes = [1], strides = [1]} : vector<16xi32> to vector<1xi32>
            %squeeze3A = vector.extract %slice3A[0] : i32 from vector<1xi32>
            %mul3A_423 = arith.constant 16 : i32
            %mul3A_424 = arith.muli %sub3A_413, %mul3A_423 : i32
            %add3A_425 = arith.constant 0 : i32
            %add3A_426 = arith.addi %mul3A_424, %add3A_425 : i32
            %dma_start3A = arith.constant 0 : i32
            %dma_start3A_427 = tpu.memref_slice %arg13[%add3A_426, %dma_start3A] : memref<80x16xf32, #tpu.memory_space<vmem>> -> memref<1x16xf32, #tpu.memory_space<vmem>>
            %dma_start3A_428 = arith.constant 0 : i32
            %dma_start3A_429 = tpu.memref_slice %arg5[%squeeze3A, %dma_start3A_428] : memref<100001x16xf32, #tpu.memory_space<hbm>> -> memref<1x16xf32, #tpu.memory_space<hbm>>
            %dma_start3A_430 = arith.constant 0 : i32
            %dma_start3A_431 = tpu.memref_slice %arg13[%add3A_426, %dma_start3A_430] : memref<80x16xf32, #tpu.memory_space<vmem>> -> memref<1x16xf32, #tpu.memory_space<vmem>>
            %dma_start3A_432 = arith.constant 0 : i32
            %dma_start3A_433 = tpu.memref_slice %arg5[%squeeze3A, %dma_start3A_432] : memref<100001x16xf32, #tpu.memory_space<hbm>> -> memref<1x16xf32, #tpu.memory_space<hbm>>
            tpu.enqueue_dma source(%dma_start3A_433 : memref<1x16xf32, #tpu.memory_space<hbm>>) target(%dma_start3A_431 : memref<1x16xf32, #tpu.memory_space<vmem>>) target_semaphore(%arg18 : memref<!tpu.dma_semaphore, #tpu.memory_space<semaphore_mem>>)
            %slice3A_434 = vector.extract_strided_slice %get3A_422 {offsets = [1], sizes = [1], strides = [1]} : vector<16xi32> to vector<1xi32>
            %squeeze3A_435 = vector.extract %slice3A_434[0] : i32 from vector<1xi32>
            %mul3A_436 = arith.constant 16 : i32
            %mul3A_437 = arith.muli %sub3A_413, %mul3A_436 : i32
            %add3A_438 = arith.constant 1 : i32
            %add3A_439 = arith.addi %mul3A_437, %add3A_438 : i32
            %dma_start3A_440 = arith.constant 0 : i32
            %dma_start3A_441 = tpu.memref_slice %arg13[%add3A_439, %dma_start3A_440] : memref<80x16xf32, #tpu.memory_space<vmem>> -> memref<1x16xf32, #tpu.memory_space<vmem>>
            %dma_start3A_442 = arith.constant 0 : i32
            %dma_start3A_443 = tpu.memref_slice %arg5[%squeeze3A_435, %dma_start3A_442] : memref<100001x16xf32, #tpu.memory_space<hbm>> -> memref<1x16xf32, #tpu.memory_space<hbm>>
            %dma_start3A_444 = arith.constant 0 : i32
            %dma_start3A_445 = tpu.memref_slice %arg13[%add3A_439, %dma_start3A_444] : memref<80x16xf32, #tpu.memory_space<vmem>> -> memref<1x16xf32, #tpu.memory_space<vmem>>
            %dma_start3A_446 = arith.constant 0 : i32
            %dma_start3A_447 = tpu.memref_slice %arg5[%squeeze3A_435, %dma_start3A_446] : memref<100001x16xf32, #tpu.memory_space<hbm>> -> memref<1x16xf32, #tpu.memory_space<hbm>>
            tpu.enqueue_dma source(%dma_start3A_447 : memref<1x16xf32, #tpu.memory_space<hbm>>) target(%dma_start3A_445 : memref<1x16xf32, #tpu.memory_space<vmem>>) target_semaphore(%arg18 : memref<!tpu.dma_semaphore, #tpu.memory_space<semaphore_mem>>)
            %slice3A_448 = vector.extract_strided_slice %get3A_422 {offsets = [2], sizes = [1], strides = [1]} : vector<16xi32> to vector<1xi32>
            %squeeze3A_449 = vector.extract %slice3A_448[0] : i32 from vector<1xi32>
            %mul3A_450 = arith.constant 16 : i32
            %mul3A_451 = arith.muli %sub3A_413, %mul3A_450 : i32
            %add3A_452 = arith.constant 2 : i32
            %add3A_453 = arith.addi %mul3A_451, %add3A_452 : i32
            %dma_start3A_454 = arith.constant 0 : i32
            %dma_start3A_455 = tpu.memref_slice %arg13[%add3A_453, %dma_start3A_454] : memref<80x16xf32, #tpu.memory_space<vmem>> -> memref<1x16xf32, #tpu.memory_space<vmem>>
            %dma_start3A_456 = arith.constant 0 : i32
            %dma_start3A_457 = tpu.memref_slice %arg5[%squeeze3A_449, %dma_start3A_456] : memref<100001x16xf32, #tpu.memory_space<hbm>> -> memref<1x16xf32, #tpu.memory_space<hbm>>
            %dma_start3A_458 = arith.constant 0 : i32
            %dma_start3A_459 = tpu.memref_slice %arg13[%add3A_453, %dma_start3A_458] : memref<80x16xf32, #tpu.memory_space<vmem>> -> memref<1x16xf32, #tpu.memory_space<vmem>>
            %dma_start3A_460 = arith.constant 0 : i32
            %dma_start3A_461 = tpu.memref_slice %arg5[%squeeze3A_449, %dma_start3A_460] : memref<100001x16xf32, #tpu.memory_space<hbm>> -> memref<1x16xf32, #tpu.memory_space<hbm>>
            tpu.enqueue_dma source(%dma_start3A_461 : memref<1x16xf32, #tpu.memory_space<hbm>>) target(%dma_start3A_459 : memref<1x16xf32, #tpu.memory_space<vmem>>) target_semaphore(%arg18 : memref<!tpu.dma_semaphore, #tpu.memory_space<semaphore_mem>>)
            %slice3A_462 = vector.extract_strided_slice %get3A_422 {offsets = [3], sizes = [1], strides = [1]} : vector<16xi32> to vector<1xi32>
            %squeeze3A_463 = vector.extract %slice3A_462[0] : i32 from vector<1xi32>
            %mul3A_464 = arith.constant 16 : i32
            %mul3A_465 = arith.muli %sub3A_413, %mul3A_464 : i32
            %add3A_466 = arith.constant 3 : i32
            %add3A_467 = arith.addi %mul3A_465, %add3A_466 : i32
            %dma_start3A_468 = arith.constant 0 : i32
            %dma_start3A_469 = tpu.memref_slice %arg13[%add3A_467, %dma_start3A_468] : memref<80x16xf32, #tpu.memory_space<vmem>> -> memref<1x16xf32, #tpu.memory_space<vmem>>
            %dma_start3A_470 = arith.constant 0 : i32
            %dma_start3A_471 = tpu.memref_slice %arg5[%squeeze3A_463, %dma_start3A_470] : memref<100001x16xf32, #tpu.memory_space<hbm>> -> memref<1x16xf32, #tpu.memory_space<hbm>>
            %dma_start3A_472 = arith.constant 0 : i32
            %dma_start3A_473 = tpu.memref_slice %arg13[%add3A_467, %dma_start3A_472] : memref<80x16xf32, #tpu.memory_space<vmem>> -> memref<1x16xf32, #tpu.memory_space<vmem>>
            %dma_start3A_474 = arith.constant 0 : i32
            %dma_start3A_475 = tpu.memref_slice %arg5[%squeeze3A_463, %dma_start3A_474] : memref<100001x16xf32, #tpu.memory_space<hbm>> -> memref<1x16xf32, #tpu.memory_space<hbm>>
            tpu.enqueue_dma source(%dma_start3A_475 : memref<1x16xf32, #tpu.memory_space<hbm>>) target(%dma_start3A_473 : memref<1x16xf32, #tpu.memory_space<vmem>>) target_semaphore(%arg18 : memref<!tpu.dma_semaphore, #tpu.memory_space<semaphore_mem>>)
            %slice3A_476 = vector.extract_strided_slice %get3A_422 {offsets = [4], sizes = [1], strides = [1]} : vector<16xi32> to vector<1xi32>
            %squeeze3A_477 = vector.extract %slice3A_476[0] : i32 from vector<1xi32>
            %mul3A_478 = arith.constant 16 : i32
            %mul3A_479 = arith.muli %sub3A_413, %mul3A_478 : i32
            %add3A_480 = arith.constant 4 : i32
            %add3A_481 = arith.addi %mul3A_479, %add3A_480 : i32
            %dma_start3A_482 = arith.constant 0 : i32
            %dma_start3A_483 = tpu.memref_slice %arg13[%add3A_481, %dma_start3A_482] : memref<80x16xf32, #tpu.memory_space<vmem>> -> memref<1x16xf32, #tpu.memory_space<vmem>>
            %dma_start3A_484 = arith.constant 0 : i32
            %dma_start3A_485 = tpu.memref_slice %arg5[%squeeze3A_477, %dma_start3A_484] : memref<100001x16xf32, #tpu.memory_space<hbm>> -> memref<1x16xf32, #tpu.memory_space<hbm>>
            %dma_start3A_486 = arith.constant 0 : i32
            %dma_start3A_487 = tpu.memref_slice %arg13[%add3A_481, %dma_start3A_486] : memref<80x16xf32, #tpu.memory_space<vmem>> -> memref<1x16xf32, #tpu.memory_space<vmem>>
            %dma_start3A_488 = arith.constant 0 : i32
            %dma_start3A_489 = tpu.memref_slice %arg5[%squeeze3A_477, %dma_start3A_488] : memref<100001x16xf32, #tpu.memory_space<hbm>> -> memref<1x16xf32, #tpu.memory_space<hbm>>
            tpu.enqueue_dma source(%dma_start3A_489 : memref<1x16xf32, #tpu.memory_space<hbm>>) target(%dma_start3A_487 : memref<1x16xf32, #tpu.memory_space<vmem>>) target_semaphore(%arg18 : memref<!tpu.dma_semaphore, #tpu.memory_space<semaphore_mem>>)
            %slice3A_490 = vector.extract_strided_slice %get3A_422 {offsets = [5], sizes = [1], strides = [1]} : vector<16xi32> to vector<1xi32>
            %squeeze3A_491 = vector.extract %slice3A_490[0] : i32 from vector<1xi32>
            %mul3A_492 = arith.constant 16 : i32
            %mul3A_493 = arith.muli %sub3A_413, %mul3A_492 : i32
            %add3A_494 = arith.constant 5 : i32
            %add3A_495 = arith.addi %mul3A_493, %add3A_494 : i32
            %dma_start3A_496 = arith.constant 0 : i32
            %dma_start3A_497 = tpu.memref_slice %arg13[%add3A_495, %dma_start3A_496] : memref<80x16xf32, #tpu.memory_space<vmem>> -> memref<1x16xf32, #tpu.memory_space<vmem>>
            %dma_start3A_498 = arith.constant 0 : i32
            %dma_start3A_499 = tpu.memref_slice %arg5[%squeeze3A_491, %dma_start3A_498] : memref<100001x16xf32, #tpu.memory_space<hbm>> -> memref<1x16xf32, #tpu.memory_space<hbm>>
            %dma_start3A_500 = arith.constant 0 : i32
            %dma_start3A_501 = tpu.memref_slice %arg13[%add3A_495, %dma_start3A_500] : memref<80x16xf32, #tpu.memory_space<vmem>> -> memref<1x16xf32, #tpu.memory_space<vmem>>
            %dma_start3A_502 = arith.constant 0 : i32
            %dma_start3A_503 = tpu.memref_slice %arg5[%squeeze3A_491, %dma_start3A_502] : memref<100001x16xf32, #tpu.memory_space<hbm>> -> memref<1x16xf32, #tpu.memory_space<hbm>>
            tpu.enqueue_dma source(%dma_start3A_503 : memref<1x16xf32, #tpu.memory_space<hbm>>) target(%dma_start3A_501 : memref<1x16xf32, #tpu.memory_space<vmem>>) target_semaphore(%arg18 : memref<!tpu.dma_semaphore, #tpu.memory_space<semaphore_mem>>)
            %slice3A_504 = vector.extract_strided_slice %get3A_422 {offsets = [6], sizes = [1], strides = [1]} : vector<16xi32> to vector<1xi32>
            %squeeze3A_505 = vector.extract %slice3A_504[0] : i32 from vector<1xi32>
            %mul3A_506 = arith.constant 16 : i32
            %mul3A_507 = arith.muli %sub3A_413, %mul3A_506 : i32
            %add3A_508 = arith.constant 6 : i32
            %add3A_509 = arith.addi %mul3A_507, %add3A_508 : i32
            %dma_start3A_510 = arith.constant 0 : i32
            %dma_start3A_511 = tpu.memref_slice %arg13[%add3A_509, %dma_start3A_510] : memref<80x16xf32, #tpu.memory_space<vmem>> -> memref<1x16xf32, #tpu.memory_space<vmem>>
            %dma_start3A_512 = arith.constant 0 : i32
            %dma_start3A_513 = tpu.memref_slice %arg5[%squeeze3A_505, %dma_start3A_512] : memref<100001x16xf32, #tpu.memory_space<hbm>> -> memref<1x16xf32, #tpu.memory_space<hbm>>
            %dma_start3A_514 = arith.constant 0 : i32
            %dma_start3A_515 = tpu.memref_slice %arg13[%add3A_509, %dma_start3A_514] : memref<80x16xf32, #tpu.memory_space<vmem>> -> memref<1x16xf32, #tpu.memory_space<vmem>>
            %dma_start3A_516 = arith.constant 0 : i32
            %dma_start3A_517 = tpu.memref_slice %arg5[%squeeze3A_505, %dma_start3A_516] : memref<100001x16xf32, #tpu.memory_space<hbm>> -> memref<1x16xf32, #tpu.memory_space<hbm>>
            tpu.enqueue_dma source(%dma_start3A_517 : memref<1x16xf32, #tpu.memory_space<hbm>>) target(%dma_start3A_515 : memref<1x16xf32, #tpu.memory_space<vmem>>) target_semaphore(%arg18 : memref<!tpu.dma_semaphore, #tpu.memory_space<semaphore_mem>>)
            %slice3A_518 = vector.extract_strided_slice %get3A_422 {offsets = [7], sizes = [1], strides = [1]} : vector<16xi32> to vector<1xi32>
            %squeeze3A_519 = vector.extract %slice3A_518[0] : i32 from vector<1xi32>
            %mul3A_520 = arith.constant 16 : i32
            %mul3A_521 = arith.muli %sub3A_413, %mul3A_520 : i32
            %add3A_522 = arith.constant 7 : i32
            %add3A_523 = arith.addi %mul3A_521, %add3A_522 : i32
            %dma_start3A_524 = arith.constant 0 : i32
            %dma_start3A_525 = tpu.memref_slice %arg13[%add3A_523, %dma_start3A_524] : memref<80x16xf32, #tpu.memory_space<vmem>> -> memref<1x16xf32, #tpu.memory_space<vmem>>
            %dma_start3A_526 = arith.constant 0 : i32
            %dma_start3A_527 = tpu.memref_slice %arg5[%squeeze3A_519, %dma_start3A_526] : memref<100001x16xf32, #tpu.memory_space<hbm>> -> memref<1x16xf32, #tpu.memory_space<hbm>>
            %dma_start3A_528 = arith.constant 0 : i32
            %dma_start3A_529 = tpu.memref_slice %arg13[%add3A_523, %dma_start3A_528] : memref<80x16xf32, #tpu.memory_space<vmem>> -> memref<1x16xf32, #tpu.memory_space<vmem>>
            %dma_start3A_530 = arith.constant 0 : i32
            %dma_start3A_531 = tpu.memref_slice %arg5[%squeeze3A_519, %dma_start3A_530] : memref<100001x16xf32, #tpu.memory_space<hbm>> -> memref<1x16xf32, #tpu.memory_space<hbm>>
            tpu.enqueue_dma source(%dma_start3A_531 : memref<1x16xf32, #tpu.memory_space<hbm>>) target(%dma_start3A_529 : memref<1x16xf32, #tpu.memory_space<vmem>>) target_semaphore(%arg18 : memref<!tpu.dma_semaphore, #tpu.memory_space<semaphore_mem>>)
            %slice3A_532 = vector.extract_strided_slice %get3A_422 {offsets = [8], sizes = [1], strides = [1]} : vector<16xi32> to vector<1xi32>
            %squeeze3A_533 = vector.extract %slice3A_532[0] : i32 from vector<1xi32>
            %mul3A_534 = arith.constant 16 : i32
            %mul3A_535 = arith.muli %sub3A_413, %mul3A_534 : i32
            %add3A_536 = arith.constant 8 : i32
            %add3A_537 = arith.addi %mul3A_535, %add3A_536 : i32
            %dma_start3A_538 = arith.constant 0 : i32
            %dma_start3A_539 = tpu.memref_slice %arg13[%add3A_537, %dma_start3A_538] : memref<80x16xf32, #tpu.memory_space<vmem>> -> memref<1x16xf32, #tpu.memory_space<vmem>>
            %dma_start3A_540 = arith.constant 0 : i32
            %dma_start3A_541 = tpu.memref_slice %arg5[%squeeze3A_533, %dma_start3A_540] : memref<100001x16xf32, #tpu.memory_space<hbm>> -> memref<1x16xf32, #tpu.memory_space<hbm>>
            %dma_start3A_542 = arith.constant 0 : i32
            %dma_start3A_543 = tpu.memref_slice %arg13[%add3A_537, %dma_start3A_542] : memref<80x16xf32, #tpu.memory_space<vmem>> -> memref<1x16xf32, #tpu.memory_space<vmem>>
            %dma_start3A_544 = arith.constant 0 : i32
            %dma_start3A_545 = tpu.memref_slice %arg5[%squeeze3A_533, %dma_start3A_544] : memref<100001x16xf32, #tpu.memory_space<hbm>> -> memref<1x16xf32, #tpu.memory_space<hbm>>
            tpu.enqueue_dma source(%dma_start3A_545 : memref<1x16xf32, #tpu.memory_space<hbm>>) target(%dma_start3A_543 : memref<1x16xf32, #tpu.memory_space<vmem>>) target_semaphore(%arg18 : memref<!tpu.dma_semaphore, #tpu.memory_space<semaphore_mem>>)
            %slice3A_546 = vector.extract_strided_slice %get3A_422 {offsets = [9], sizes = [1], strides = [1]} : vector<16xi32> to vector<1xi32>
            %squeeze3A_547 = vector.extract %slice3A_546[0] : i32 from vector<1xi32>
            %mul3A_548 = arith.constant 16 : i32
            %mul3A_549 = arith.muli %sub3A_413, %mul3A_548 : i32
            %add3A_550 = arith.constant 9 : i32
            %add3A_551 = arith.addi %mul3A_549, %add3A_550 : i32
            %dma_start3A_552 = arith.constant 0 : i32
            %dma_start3A_553 = tpu.memref_slice %arg13[%add3A_551, %dma_start3A_552] : memref<80x16xf32, #tpu.memory_space<vmem>> -> memref<1x16xf32, #tpu.memory_space<vmem>>
            %dma_start3A_554 = arith.constant 0 : i32
            %dma_start3A_555 = tpu.memref_slice %arg5[%squeeze3A_547, %dma_start3A_554] : memref<100001x16xf32, #tpu.memory_space<hbm>> -> memref<1x16xf32, #tpu.memory_space<hbm>>
            %dma_start3A_556 = arith.constant 0 : i32
            %dma_start3A_557 = tpu.memref_slice %arg13[%add3A_551, %dma_start3A_556] : memref<80x16xf32, #tpu.memory_space<vmem>> -> memref<1x16xf32, #tpu.memory_space<vmem>>
            %dma_start3A_558 = arith.constant 0 : i32
            %dma_start3A_559 = tpu.memref_slice %arg5[%squeeze3A_547, %dma_start3A_558] : memref<100001x16xf32, #tpu.memory_space<hbm>> -> memref<1x16xf32, #tpu.memory_space<hbm>>
            tpu.enqueue_dma source(%dma_start3A_559 : memref<1x16xf32, #tpu.memory_space<hbm>>) target(%dma_start3A_557 : memref<1x16xf32, #tpu.memory_space<vmem>>) target_semaphore(%arg18 : memref<!tpu.dma_semaphore, #tpu.memory_space<semaphore_mem>>)
            %slice3A_560 = vector.extract_strided_slice %get3A_422 {offsets = [10], sizes = [1], strides = [1]} : vector<16xi32> to vector<1xi32>
            %squeeze3A_561 = vector.extract %slice3A_560[0] : i32 from vector<1xi32>
            %mul3A_562 = arith.constant 16 : i32
            %mul3A_563 = arith.muli %sub3A_413, %mul3A_562 : i32
            %add3A_564 = arith.constant 10 : i32
            %add3A_565 = arith.addi %mul3A_563, %add3A_564 : i32
            %dma_start3A_566 = arith.constant 0 : i32
            %dma_start3A_567 = tpu.memref_slice %arg13[%add3A_565, %dma_start3A_566] : memref<80x16xf32, #tpu.memory_space<vmem>> -> memref<1x16xf32, #tpu.memory_space<vmem>>
            %dma_start3A_568 = arith.constant 0 : i32
            %dma_start3A_569 = tpu.memref_slice %arg5[%squeeze3A_561, %dma_start3A_568] : memref<100001x16xf32, #tpu.memory_space<hbm>> -> memref<1x16xf32, #tpu.memory_space<hbm>>
            %dma_start3A_570 = arith.constant 0 : i32
            %dma_start3A_571 = tpu.memref_slice %arg13[%add3A_565, %dma_start3A_570] : memref<80x16xf32, #tpu.memory_space<vmem>> -> memref<1x16xf32, #tpu.memory_space<vmem>>
            %dma_start3A_572 = arith.constant 0 : i32
            %dma_start3A_573 = tpu.memref_slice %arg5[%squeeze3A_561, %dma_start3A_572] : memref<100001x16xf32, #tpu.memory_space<hbm>> -> memref<1x16xf32, #tpu.memory_space<hbm>>
            tpu.enqueue_dma source(%dma_start3A_573 : memref<1x16xf32, #tpu.memory_space<hbm>>) target(%dma_start3A_571 : memref<1x16xf32, #tpu.memory_space<vmem>>) target_semaphore(%arg18 : memref<!tpu.dma_semaphore, #tpu.memory_space<semaphore_mem>>)
            %slice3A_574 = vector.extract_strided_slice %get3A_422 {offsets = [11], sizes = [1], strides = [1]} : vector<16xi32> to vector<1xi32>
            %squeeze3A_575 = vector.extract %slice3A_574[0] : i32 from vector<1xi32>
            %mul3A_576 = arith.constant 16 : i32
            %mul3A_577 = arith.muli %sub3A_413, %mul3A_576 : i32
            %add3A_578 = arith.constant 11 : i32
            %add3A_579 = arith.addi %mul3A_577, %add3A_578 : i32
            %dma_start3A_580 = arith.constant 0 : i32
            %dma_start3A_581 = tpu.memref_slice %arg13[%add3A_579, %dma_start3A_580] : memref<80x16xf32, #tpu.memory_space<vmem>> -> memref<1x16xf32, #tpu.memory_space<vmem>>
            %dma_start3A_582 = arith.constant 0 : i32
            %dma_start3A_583 = tpu.memref_slice %arg5[%squeeze3A_575, %dma_start3A_582] : memref<100001x16xf32, #tpu.memory_space<hbm>> -> memref<1x16xf32, #tpu.memory_space<hbm>>
            %dma_start3A_584 = arith.constant 0 : i32
            %dma_start3A_585 = tpu.memref_slice %arg13[%add3A_579, %dma_start3A_584] : memref<80x16xf32, #tpu.memory_space<vmem>> -> memref<1x16xf32, #tpu.memory_space<vmem>>
            %dma_start3A_586 = arith.constant 0 : i32
            %dma_start3A_587 = tpu.memref_slice %arg5[%squeeze3A_575, %dma_start3A_586] : memref<100001x16xf32, #tpu.memory_space<hbm>> -> memref<1x16xf32, #tpu.memory_space<hbm>>
            tpu.enqueue_dma source(%dma_start3A_587 : memref<1x16xf32, #tpu.memory_space<hbm>>) target(%dma_start3A_585 : memref<1x16xf32, #tpu.memory_space<vmem>>) target_semaphore(%arg18 : memref<!tpu.dma_semaphore, #tpu.memory_space<semaphore_mem>>)
            %slice3A_588 = vector.extract_strided_slice %get3A_422 {offsets = [12], sizes = [1], strides = [1]} : vector<16xi32> to vector<1xi32>
            %squeeze3A_589 = vector.extract %slice3A_588[0] : i32 from vector<1xi32>
            %mul3A_590 = arith.constant 16 : i32
            %mul3A_591 = arith.muli %sub3A_413, %mul3A_590 : i32
            %add3A_592 = arith.constant 12 : i32
            %add3A_593 = arith.addi %mul3A_591, %add3A_592 : i32
            %dma_start3A_594 = arith.constant 0 : i32
            %dma_start3A_595 = tpu.memref_slice %arg13[%add3A_593, %dma_start3A_594] : memref<80x16xf32, #tpu.memory_space<vmem>> -> memref<1x16xf32, #tpu.memory_space<vmem>>
            %dma_start3A_596 = arith.constant 0 : i32
            %dma_start3A_597 = tpu.memref_slice %arg5[%squeeze3A_589, %dma_start3A_596] : memref<100001x16xf32, #tpu.memory_space<hbm>> -> memref<1x16xf32, #tpu.memory_space<hbm>>
            %dma_start3A_598 = arith.constant 0 : i32
            %dma_start3A_599 = tpu.memref_slice %arg13[%add3A_593, %dma_start3A_598] : memref<80x16xf32, #tpu.memory_space<vmem>> -> memref<1x16xf32, #tpu.memory_space<vmem>>
            %dma_start3A_600 = arith.constant 0 : i32
            %dma_start3A_601 = tpu.memref_slice %arg5[%squeeze3A_589, %dma_start3A_600] : memref<100001x16xf32, #tpu.memory_space<hbm>> -> memref<1x16xf32, #tpu.memory_space<hbm>>
            tpu.enqueue_dma source(%dma_start3A_601 : memref<1x16xf32, #tpu.memory_space<hbm>>) target(%dma_start3A_599 : memref<1x16xf32, #tpu.memory_space<vmem>>) target_semaphore(%arg18 : memref<!tpu.dma_semaphore, #tpu.memory_space<semaphore_mem>>)
            %slice3A_602 = vector.extract_strided_slice %get3A_422 {offsets = [13], sizes = [1], strides = [1]} : vector<16xi32> to vector<1xi32>
            %squeeze3A_603 = vector.extract %slice3A_602[0] : i32 from vector<1xi32>
            %mul3A_604 = arith.constant 16 : i32
            %mul3A_605 = arith.muli %sub3A_413, %mul3A_604 : i32
            %add3A_606 = arith.constant 13 : i32
            %add3A_607 = arith.addi %mul3A_605, %add3A_606 : i32
            %dma_start3A_608 = arith.constant 0 : i32
            %dma_start3A_609 = tpu.memref_slice %arg13[%add3A_607, %dma_start3A_608] : memref<80x16xf32, #tpu.memory_space<vmem>> -> memref<1x16xf32, #tpu.memory_space<vmem>>
            %dma_start3A_610 = arith.constant 0 : i32
            %dma_start3A_611 = tpu.memref_slice %arg5[%squeeze3A_603, %dma_start3A_610] : memref<100001x16xf32, #tpu.memory_space<hbm>> -> memref<1x16xf32, #tpu.memory_space<hbm>>
            %dma_start3A_612 = arith.constant 0 : i32
            %dma_start3A_613 = tpu.memref_slice %arg13[%add3A_607, %dma_start3A_612] : memref<80x16xf32, #tpu.memory_space<vmem>> -> memref<1x16xf32, #tpu.memory_space<vmem>>
            %dma_start3A_614 = arith.constant 0 : i32
            %dma_start3A_615 = tpu.memref_slice %arg5[%squeeze3A_603, %dma_start3A_614] : memref<100001x16xf32, #tpu.memory_space<hbm>> -> memref<1x16xf32, #tpu.memory_space<hbm>>
            tpu.enqueue_dma source(%dma_start3A_615 : memref<1x16xf32, #tpu.memory_space<hbm>>) target(%dma_start3A_613 : memref<1x16xf32, #tpu.memory_space<vmem>>) target_semaphore(%arg18 : memref<!tpu.dma_semaphore, #tpu.memory_space<semaphore_mem>>)
            %slice3A_616 = vector.extract_strided_slice %get3A_422 {offsets = [14], sizes = [1], strides = [1]} : vector<16xi32> to vector<1xi32>
            %squeeze3A_617 = vector.extract %slice3A_616[0] : i32 from vector<1xi32>
            %mul3A_618 = arith.constant 16 : i32
            %mul3A_619 = arith.muli %sub3A_413, %mul3A_618 : i32
            %add3A_620 = arith.constant 14 : i32
            %add3A_621 = arith.addi %mul3A_619, %add3A_620 : i32
            %dma_start3A_622 = arith.constant 0 : i32
            %dma_start3A_623 = tpu.memref_slice %arg13[%add3A_621, %dma_start3A_622] : memref<80x16xf32, #tpu.memory_space<vmem>> -> memref<1x16xf32, #tpu.memory_space<vmem>>
            %dma_start3A_624 = arith.constant 0 : i32
            %dma_start3A_625 = tpu.memref_slice %arg5[%squeeze3A_617, %dma_start3A_624] : memref<100001x16xf32, #tpu.memory_space<hbm>> -> memref<1x16xf32, #tpu.memory_space<hbm>>
            %dma_start3A_626 = arith.constant 0 : i32
            %dma_start3A_627 = tpu.memref_slice %arg13[%add3A_621, %dma_start3A_626] : memref<80x16xf32, #tpu.memory_space<vmem>> -> memref<1x16xf32, #tpu.memory_space<vmem>>
            %dma_start3A_628 = arith.constant 0 : i32
            %dma_start3A_629 = tpu.memref_slice %arg5[%squeeze3A_617, %dma_start3A_628] : memref<100001x16xf32, #tpu.memory_space<hbm>> -> memref<1x16xf32, #tpu.memory_space<hbm>>
            tpu.enqueue_dma source(%dma_start3A_629 : memref<1x16xf32, #tpu.memory_space<hbm>>) target(%dma_start3A_627 : memref<1x16xf32, #tpu.memory_space<vmem>>) target_semaphore(%arg18 : memref<!tpu.dma_semaphore, #tpu.memory_space<semaphore_mem>>)
            %slice3A_630 = vector.extract_strided_slice %get3A_422 {offsets = [15], sizes = [1], strides = [1]} : vector<16xi32> to vector<1xi32>
            %squeeze3A_631 = vector.extract %slice3A_630[0] : i32 from vector<1xi32>
            %mul3A_632 = arith.constant 16 : i32
            %mul3A_633 = arith.muli %sub3A_413, %mul3A_632 : i32
            %add3A_634 = arith.constant 15 : i32
            %add3A_635 = arith.addi %mul3A_633, %add3A_634 : i32
            %dma_start3A_636 = arith.constant 0 : i32
            %dma_start3A_637 = tpu.memref_slice %arg13[%add3A_635, %dma_start3A_636] : memref<80x16xf32, #tpu.memory_space<vmem>> -> memref<1x16xf32, #tpu.memory_space<vmem>>
            %dma_start3A_638 = arith.constant 0 : i32
            %dma_start3A_639 = tpu.memref_slice %arg5[%squeeze3A_631, %dma_start3A_638] : memref<100001x16xf32, #tpu.memory_space<hbm>> -> memref<1x16xf32, #tpu.memory_space<hbm>>
            %dma_start3A_640 = arith.constant 0 : i32
            %dma_start3A_641 = tpu.memref_slice %arg13[%add3A_635, %dma_start3A_640] : memref<80x16xf32, #tpu.memory_space<vmem>> -> memref<1x16xf32, #tpu.memory_space<vmem>>
            %dma_start3A_642 = arith.constant 0 : i32
            %dma_start3A_643 = tpu.memref_slice %arg5[%squeeze3A_631, %dma_start3A_642] : memref<100001x16xf32, #tpu.memory_space<hbm>> -> memref<1x16xf32, #tpu.memory_space<hbm>>
            tpu.enqueue_dma source(%dma_start3A_643 : memref<1x16xf32, #tpu.memory_space<hbm>>) target(%dma_start3A_641 : memref<1x16xf32, #tpu.memory_space<vmem>>) target_semaphore(%arg18 : memref<!tpu.dma_semaphore, #tpu.memory_space<semaphore_mem>>)
          } else {
          }
          %broadcast_in_dim3A_96 = arith.constant 0.000000e+00 : f32
          %broadcast_in_dim3A_97 = vector.broadcast %broadcast_in_dim3A_96 : f32 to vector<16xf32>
          %broadcast_in_dim3A_98 = arith.constant 0.000000e+00 : f32
          %broadcast_in_dim3A_99 = vector.broadcast %broadcast_in_dim3A_98 : f32 to vector<16xf32>
          %mul3A_100 = arith.constant 20 : i32
          %mul3A_101 = arith.muli %scan3A_59, %mul3A_100 : i32
          %add3A_102 = arith.constant 0 : i32
          %add3A_103 = arith.addi %mul3A_101, %add3A_102 : i32
          %get3A = arith.index_cast %add3A_103 : i32 to index
          %get3A_104 = arith.constant 0 : index
          %get3A_105 = tpu.vector_load %arg12[%get3A, %get3A_104] {strides = array<i32>} : memref<160x16xf32, #tpu.memory_space<vmem>>, vector<16xf32>,
          %add3A_106 = arith.addf %broadcast_in_dim3A_97, %get3A_105 : vector<16xf32>
          %mul3A_107 = arith.mulf %get3A_105, %get3A_105 : vector<16xf32>
          %add3A_108 = arith.addf %broadcast_in_dim3A_99, %mul3A_107 : vector<16xf32>
          %mul3A_109 = arith.constant 20 : i32
          %mul3A_110 = arith.muli %scan3A_59, %mul3A_109 : i32
          %add3A_111 = arith.constant 1 : i32
          %add3A_112 = arith.addi %mul3A_110, %add3A_111 : i32
          %get3A_113 = arith.index_cast %add3A_112 : i32 to index
          %get3A_114 = arith.constant 0 : index
          %get3A_115 = tpu.vector_load %arg12[%get3A_113, %get3A_114] {strides = array<i32>} : memref<160x16xf32, #tpu.memory_space<vmem>>, vector<16xf32>,
          %add3A_116 = arith.addf %add3A_106, %get3A_115 : vector<16xf32>
          %mul3A_117 = arith.mulf %get3A_115, %get3A_115 : vector<16xf32>
          %add3A_118 = arith.addf %add3A_108, %mul3A_117 : vector<16xf32>
          %mul3A_119 = arith.constant 20 : i32
          %mul3A_120 = arith.muli %scan3A_59, %mul3A_119 : i32
          %add3A_121 = arith.constant 2 : i32
          %add3A_122 = arith.addi %mul3A_120, %add3A_121 : i32
          %get3A_123 = arith.index_cast %add3A_122 : i32 to index
          %get3A_124 = arith.constant 0 : index
          %get3A_125 = tpu.vector_load %arg12[%get3A_123, %get3A_124] {strides = array<i32>} : memref<160x16xf32, #tpu.memory_space<vmem>>, vector<16xf32>,
          %add3A_126 = arith.addf %add3A_116, %get3A_125 : vector<16xf32>
          %mul3A_127 = arith.mulf %get3A_125, %get3A_125 : vector<16xf32>
          %add3A_128 = arith.addf %add3A_118, %mul3A_127 : vector<16xf32>
          %mul3A_129 = arith.constant 20 : i32
          %mul3A_130 = arith.muli %scan3A_59, %mul3A_129 : i32
          %add3A_131 = arith.constant 3 : i32
          %add3A_132 = arith.addi %mul3A_130, %add3A_131 : i32
          %get3A_133 = arith.index_cast %add3A_132 : i32 to index
          %get3A_134 = arith.constant 0 : index
          %get3A_135 = tpu.vector_load %arg12[%get3A_133, %get3A_134] {strides = array<i32>} : memref<160x16xf32, #tpu.memory_space<vmem>>, vector<16xf32>,
          %add3A_136 = arith.addf %add3A_126, %get3A_135 : vector<16xf32>
          %mul3A_137 = arith.mulf %get3A_135, %get3A_135 : vector<16xf32>
          %add3A_138 = arith.addf %add3A_128, %mul3A_137 : vector<16xf32>
          %mul3A_139 = arith.constant 20 : i32
          %mul3A_140 = arith.muli %scan3A_59, %mul3A_139 : i32
          %add3A_141 = arith.constant 4 : i32
          %add3A_142 = arith.addi %mul3A_140, %add3A_141 : i32
          %get3A_143 = arith.index_cast %add3A_142 : i32 to index
          %get3A_144 = arith.constant 0 : index
          %get3A_145 = tpu.vector_load %arg12[%get3A_143, %get3A_144] {strides = array<i32>} : memref<160x16xf32, #tpu.memory_space<vmem>>, vector<16xf32>,
          %add3A_146 = arith.addf %add3A_136, %get3A_145 : vector<16xf32>
          %mul3A_147 = arith.mulf %get3A_145, %get3A_145 : vector<16xf32>
          %add3A_148 = arith.addf %add3A_138, %mul3A_147 : vector<16xf32>
          %mul3A_149 = arith.constant 20 : i32
          %mul3A_150 = arith.muli %scan3A_59, %mul3A_149 : i32
          %add3A_151 = arith.constant 5 : i32
          %add3A_152 = arith.addi %mul3A_150, %add3A_151 : i32
          %get3A_153 = arith.index_cast %add3A_152 : i32 to index
          %get3A_154 = arith.constant 0 : index
          %get3A_155 = tpu.vector_load %arg12[%get3A_153, %get3A_154] {strides = array<i32>} : memref<160x16xf32, #tpu.memory_space<vmem>>, vector<16xf32>,
          %add3A_156 = arith.addf %add3A_146, %get3A_155 : vector<16xf32>
          %mul3A_157 = arith.mulf %get3A_155, %get3A_155 : vector<16xf32>
          %add3A_158 = arith.addf %add3A_148, %mul3A_157 : vector<16xf32>
          %mul3A_159 = arith.constant 20 : i32
          %mul3A_160 = arith.muli %scan3A_59, %mul3A_159 : i32
          %add3A_161 = arith.constant 6 : i32
          %add3A_162 = arith.addi %mul3A_160, %add3A_161 : i32
          %get3A_163 = arith.index_cast %add3A_162 : i32 to index
          %get3A_164 = arith.constant 0 : index
          %get3A_165 = tpu.vector_load %arg12[%get3A_163, %get3A_164] {strides = array<i32>} : memref<160x16xf32, #tpu.memory_space<vmem>>, vector<16xf32>,
          %add3A_166 = arith.addf %add3A_156, %get3A_165 : vector<16xf32>
          %mul3A_167 = arith.mulf %get3A_165, %get3A_165 : vector<16xf32>
          %add3A_168 = arith.addf %add3A_158, %mul3A_167 : vector<16xf32>
          %mul3A_169 = arith.constant 20 : i32
          %mul3A_170 = arith.muli %scan3A_59, %mul3A_169 : i32
          %add3A_171 = arith.constant 7 : i32
          %add3A_172 = arith.addi %mul3A_170, %add3A_171 : i32
          %get3A_173 = arith.index_cast %add3A_172 : i32 to index
          %get3A_174 = arith.constant 0 : index
          %get3A_175 = tpu.vector_load %arg12[%get3A_173, %get3A_174] {strides = array<i32>} : memref<160x16xf32, #tpu.memory_space<vmem>>, vector<16xf32>,
          %add3A_176 = arith.addf %add3A_166, %get3A_175 : vector<16xf32>
          %mul3A_177 = arith.mulf %get3A_175, %get3A_175 : vector<16xf32>
          %add3A_178 = arith.addf %add3A_168, %mul3A_177 : vector<16xf32>
          %mul3A_179 = arith.constant 20 : i32
          %mul3A_180 = arith.muli %scan3A_59, %mul3A_179 : i32
          %add3A_181 = arith.constant 8 : i32
          %add3A_182 = arith.addi %mul3A_180, %add3A_181 : i32
          %get3A_183 = arith.index_cast %add3A_182 : i32 to index
          %get3A_184 = arith.constant 0 : index
          %get3A_185 = tpu.vector_load %arg12[%get3A_183, %get3A_184] {strides = array<i32>} : memref<160x16xf32, #tpu.memory_space<vmem>>, vector<16xf32>,
          %add3A_186 = arith.addf %add3A_176, %get3A_185 : vector<16xf32>
          %mul3A_187 = arith.mulf %get3A_185, %get3A_185 : vector<16xf32>
          %add3A_188 = arith.addf %add3A_178, %mul3A_187 : vector<16xf32>
          %mul3A_189 = arith.constant 20 : i32
          %mul3A_190 = arith.muli %scan3A_59, %mul3A_189 : i32
          %add3A_191 = arith.constant 9 : i32
          %add3A_192 = arith.addi %mul3A_190, %add3A_191 : i32
          %get3A_193 = arith.index_cast %add3A_192 : i32 to index
          %get3A_194 = arith.constant 0 : index
          %get3A_195 = tpu.vector_load %arg12[%get3A_193, %get3A_194] {strides = array<i32>} : memref<160x16xf32, #tpu.memory_space<vmem>>, vector<16xf32>,
          %add3A_196 = arith.addf %add3A_186, %get3A_195 : vector<16xf32>
          %mul3A_197 = arith.mulf %get3A_195, %get3A_195 : vector<16xf32>
          %add3A_198 = arith.addf %add3A_188, %mul3A_197 : vector<16xf32>
          %mul3A_199 = arith.constant 20 : i32
          %mul3A_200 = arith.muli %scan3A_59, %mul3A_199 : i32
          %add3A_201 = arith.constant 10 : i32
          %add3A_202 = arith.addi %mul3A_200, %add3A_201 : i32
          %get3A_203 = arith.index_cast %add3A_202 : i32 to index
          %get3A_204 = arith.constant 0 : index
          %get3A_205 = tpu.vector_load %arg12[%get3A_203, %get3A_204] {strides = array<i32>} : memref<160x16xf32, #tpu.memory_space<vmem>>, vector<16xf32>,
          %add3A_206 = arith.addf %add3A_196, %get3A_205 : vector<16xf32>
          %mul3A_207 = arith.mulf %get3A_205, %get3A_205 : vector<16xf32>
          %add3A_208 = arith.addf %add3A_198, %mul3A_207 : vector<16xf32>
          %mul3A_209 = arith.constant 20 : i32
          %mul3A_210 = arith.muli %scan3A_59, %mul3A_209 : i32
          %add3A_211 = arith.constant 11 : i32
          %add3A_212 = arith.addi %mul3A_210, %add3A_211 : i32
          %get3A_213 = arith.index_cast %add3A_212 : i32 to index
          %get3A_214 = arith.constant 0 : index
          %get3A_215 = tpu.vector_load %arg12[%get3A_213, %get3A_214] {strides = array<i32>} : memref<160x16xf32, #tpu.memory_space<vmem>>, vector<16xf32>,
          %add3A_216 = arith.addf %add3A_206, %get3A_215 : vector<16xf32>
          %mul3A_217 = arith.mulf %get3A_215, %get3A_215 : vector<16xf32>
          %add3A_218 = arith.addf %add3A_208, %mul3A_217 : vector<16xf32>
          %mul3A_219 = arith.constant 20 : i32
          %mul3A_220 = arith.muli %scan3A_59, %mul3A_219 : i32
          %add3A_221 = arith.constant 12 : i32
          %add3A_222 = arith.addi %mul3A_220, %add3A_221 : i32
          %get3A_223 = arith.index_cast %add3A_222 : i32 to index
          %get3A_224 = arith.constant 0 : index
          %get3A_225 = tpu.vector_load %arg12[%get3A_223, %get3A_224] {strides = array<i32>} : memref<160x16xf32, #tpu.memory_space<vmem>>, vector<16xf32>,
          %add3A_226 = arith.addf %add3A_216, %get3A_225 : vector<16xf32>
          %mul3A_227 = arith.mulf %get3A_225, %get3A_225 : vector<16xf32>
          %add3A_228 = arith.addf %add3A_218, %mul3A_227 : vector<16xf32>
          %mul3A_229 = arith.constant 20 : i32
          %mul3A_230 = arith.muli %scan3A_59, %mul3A_229 : i32
          %add3A_231 = arith.constant 13 : i32
          %add3A_232 = arith.addi %mul3A_230, %add3A_231 : i32
          %get3A_233 = arith.index_cast %add3A_232 : i32 to index
          %get3A_234 = arith.constant 0 : index
          %get3A_235 = tpu.vector_load %arg12[%get3A_233, %get3A_234] {strides = array<i32>} : memref<160x16xf32, #tpu.memory_space<vmem>>, vector<16xf32>,
          %add3A_236 = arith.addf %add3A_226, %get3A_235 : vector<16xf32>
          %mul3A_237 = arith.mulf %get3A_235, %get3A_235 : vector<16xf32>
          %add3A_238 = arith.addf %add3A_228, %mul3A_237 : vector<16xf32>
          %mul3A_239 = arith.constant 20 : i32
          %mul3A_240 = arith.muli %scan3A_59, %mul3A_239 : i32
          %add3A_241 = arith.constant 14 : i32
          %add3A_242 = arith.addi %mul3A_240, %add3A_241 : i32
          %get3A_243 = arith.index_cast %add3A_242 : i32 to index
          %get3A_244 = arith.constant 0 : index
          %get3A_245 = tpu.vector_load %arg12[%get3A_243, %get3A_244] {strides = array<i32>} : memref<160x16xf32, #tpu.memory_space<vmem>>, vector<16xf32>,
          %add3A_246 = arith.addf %add3A_236, %get3A_245 : vector<16xf32>
          %mul3A_247 = arith.mulf %get3A_245, %get3A_245 : vector<16xf32>
          %add3A_248 = arith.addf %add3A_238, %mul3A_247 : vector<16xf32>
          %mul3A_249 = arith.constant 20 : i32
          %mul3A_250 = arith.muli %scan3A_59, %mul3A_249 : i32
          %add3A_251 = arith.constant 15 : i32
          %add3A_252 = arith.addi %mul3A_250, %add3A_251 : i32
          %get3A_253 = arith.index_cast %add3A_252 : i32 to index
          %get3A_254 = arith.constant 0 : index
          %get3A_255 = tpu.vector_load %arg12[%get3A_253, %get3A_254] {strides = array<i32>} : memref<160x16xf32, #tpu.memory_space<vmem>>, vector<16xf32>,
          %add3A_256 = arith.addf %add3A_246, %get3A_255 : vector<16xf32>
          %mul3A_257 = arith.mulf %get3A_255, %get3A_255 : vector<16xf32>
          %add3A_258 = arith.addf %add3A_248, %mul3A_257 : vector<16xf32>
          %mul3A_259 = arith.constant 20 : i32
          %mul3A_260 = arith.muli %scan3A_59, %mul3A_259 : i32
          %add3A_261 = arith.constant 16 : i32
          %add3A_262 = arith.addi %mul3A_260, %add3A_261 : i32
          %get3A_263 = arith.index_cast %add3A_262 : i32 to index
          %get3A_264 = arith.constant 0 : index
          %get3A_265 = tpu.vector_load %arg12[%get3A_263, %get3A_264] {strides = array<i32>} : memref<160x16xf32, #tpu.memory_space<vmem>>, vector<16xf32>,
          %add3A_266 = arith.addf %add3A_256, %get3A_265 : vector<16xf32>
          %mul3A_267 = arith.mulf %get3A_265, %get3A_265 : vector<16xf32>
          %add3A_268 = arith.addf %add3A_258, %mul3A_267 : vector<16xf32>
          %mul3A_269 = arith.constant 20 : i32
          %mul3A_270 = arith.muli %scan3A_59, %mul3A_269 : i32
          %add3A_271 = arith.constant 17 : i32
          %add3A_272 = arith.addi %mul3A_270, %add3A_271 : i32
          %get3A_273 = arith.index_cast %add3A_272 : i32 to index
          %get3A_274 = arith.constant 0 : index
          %get3A_275 = tpu.vector_load %arg12[%get3A_273, %get3A_274] {strides = array<i32>} : memref<160x16xf32, #tpu.memory_space<vmem>>, vector<16xf32>,
          %add3A_276 = arith.addf %add3A_266, %get3A_275 : vector<16xf32>
          %mul3A_277 = arith.mulf %get3A_275, %get3A_275 : vector<16xf32>
          %add3A_278 = arith.addf %add3A_268, %mul3A_277 : vector<16xf32>
          %mul3A_279 = arith.constant 20 : i32
          %mul3A_280 = arith.muli %scan3A_59, %mul3A_279 : i32
          %add3A_281 = arith.constant 18 : i32
          %add3A_282 = arith.addi %mul3A_280, %add3A_281 : i32
          %get3A_283 = arith.index_cast %add3A_282 : i32 to index
          %get3A_284 = arith.constant 0 : index
          %get3A_285 = tpu.vector_load %arg12[%get3A_283, %get3A_284] {strides = array<i32>} : memref<160x16xf32, #tpu.memory_space<vmem>>, vector<16xf32>,
          %add3A_286 = arith.addf %add3A_276, %get3A_285 : vector<16xf32>
          %mul3A_287 = arith.mulf %get3A_285, %get3A_285 : vector<16xf32>
          %add3A_288 = arith.addf %add3A_278, %mul3A_287 : vector<16xf32>
          %mul3A_289 = arith.constant 20 : i32
          %mul3A_290 = arith.muli %scan3A_59, %mul3A_289 : i32
          %add3A_291 = arith.constant 19 : i32
          %add3A_292 = arith.addi %mul3A_290, %add3A_291 : i32
          %get3A_293 = arith.index_cast %add3A_292 : i32 to index
          %get3A_294 = arith.constant 0 : index
          %get3A_295 = tpu.vector_load %arg12[%get3A_293, %get3A_294] {strides = array<i32>} : memref<160x16xf32, #tpu.memory_space<vmem>>, vector<16xf32>,
          %add3A_296 = arith.addf %add3A_286, %get3A_295 : vector<16xf32>
          %mul3A_297 = arith.mulf %get3A_295, %get3A_295 : vector<16xf32>
          %add3A_298 = arith.addf %add3A_288, %mul3A_297 : vector<16xf32>
          %mul3A_299 = arith.constant 10 : i32
          %mul3A_300 = arith.muli %scan3A_59, %mul3A_299 : i32
          %add3A_301 = arith.constant 0 : i32
          %add3A_302 = arith.addi %mul3A_300, %add3A_301 : i32
          %get3A_303 = arith.index_cast %add3A_302 : i32 to index
          %get3A_304 = arith.constant 0 : index
          %get3A_305 = tpu.vector_load %arg14[%get3A_303, %get3A_304] {strides = array<i32>} : memref<80x16xf32, #tpu.memory_space<vmem>>, vector<16xf32>,
          %add3A_306 = arith.addf %add3A_296, %get3A_305 : vector<16xf32>
          %mul3A_307 = arith.mulf %get3A_305, %get3A_305 : vector<16xf32>
          %add3A_308 = arith.addf %add3A_298, %mul3A_307 : vector<16xf32>
          %mul3A_309 = arith.constant 10 : i32
          %mul3A_310 = arith.muli %scan3A_59, %mul3A_309 : i32
          %add3A_311 = arith.constant 1 : i32
          %add3A_312 = arith.addi %mul3A_310, %add3A_311 : i32
          %get3A_313 = arith.index_cast %add3A_312 : i32 to index
          %get3A_314 = arith.constant 0 : index
          %get3A_315 = tpu.vector_load %arg14[%get3A_313, %get3A_314] {strides = array<i32>} : memref<80x16xf32, #tpu.memory_space<vmem>>, vector<16xf32>,
          %add3A_316 = arith.addf %add3A_306, %get3A_315 : vector<16xf32>
          %mul3A_317 = arith.mulf %get3A_315, %get3A_315 : vector<16xf32>
          %add3A_318 = arith.addf %add3A_308, %mul3A_317 : vector<16xf32>
          %mul3A_319 = arith.constant 10 : i32
          %mul3A_320 = arith.muli %scan3A_59, %mul3A_319 : i32
          %add3A_321 = arith.constant 2 : i32
          %add3A_322 = arith.addi %mul3A_320, %add3A_321 : i32
          %get3A_323 = arith.index_cast %add3A_322 : i32 to index
          %get3A_324 = arith.constant 0 : index
          %get3A_325 = tpu.vector_load %arg14[%get3A_323, %get3A_324] {strides = array<i32>} : memref<80x16xf32, #tpu.memory_space<vmem>>, vector<16xf32>,
          %add3A_326 = arith.addf %add3A_316, %get3A_325 : vector<16xf32>
          %mul3A_327 = arith.mulf %get3A_325, %get3A_325 : vector<16xf32>
          %add3A_328 = arith.addf %add3A_318, %mul3A_327 : vector<16xf32>
          %mul3A_329 = arith.constant 10 : i32
          %mul3A_330 = arith.muli %scan3A_59, %mul3A_329 : i32
          %add3A_331 = arith.constant 3 : i32
          %add3A_332 = arith.addi %mul3A_330, %add3A_331 : i32
          %get3A_333 = arith.index_cast %add3A_332 : i32 to index
          %get3A_334 = arith.constant 0 : index
          %get3A_335 = tpu.vector_load %arg14[%get3A_333, %get3A_334] {strides = array<i32>} : memref<80x16xf32, #tpu.memory_space<vmem>>, vector<16xf32>,
          %add3A_336 = arith.addf %add3A_326, %get3A_335 : vector<16xf32>
          %mul3A_337 = arith.mulf %get3A_335, %get3A_335 : vector<16xf32>
          %add3A_338 = arith.addf %add3A_328, %mul3A_337 : vector<16xf32>
          %mul3A_339 = arith.constant 10 : i32
          %mul3A_340 = arith.muli %scan3A_59, %mul3A_339 : i32
          %add3A_341 = arith.constant 4 : i32
          %add3A_342 = arith.addi %mul3A_340, %add3A_341 : i32
          %get3A_343 = arith.index_cast %add3A_342 : i32 to index
          %get3A_344 = arith.constant 0 : index
          %get3A_345 = tpu.vector_load %arg14[%get3A_343, %get3A_344] {strides = array<i32>} : memref<80x16xf32, #tpu.memory_space<vmem>>, vector<16xf32>,
          %add3A_346 = arith.addf %add3A_336, %get3A_345 : vector<16xf32>
          %mul3A_347 = arith.mulf %get3A_345, %get3A_345 : vector<16xf32>
          %add3A_348 = arith.addf %add3A_338, %mul3A_347 : vector<16xf32>
          %mul3A_349 = arith.constant 10 : i32
          %mul3A_350 = arith.muli %scan3A_59, %mul3A_349 : i32
          %add3A_351 = arith.constant 5 : i32
          %add3A_352 = arith.addi %mul3A_350, %add3A_351 : i32
          %get3A_353 = arith.index_cast %add3A_352 : i32 to index
          %get3A_354 = arith.constant 0 : index
          %get3A_355 = tpu.vector_load %arg14[%get3A_353, %get3A_354] {strides = array<i32>} : memref<80x16xf32, #tpu.memory_space<vmem>>, vector<16xf32>,
          %add3A_356 = arith.addf %add3A_346, %get3A_355 : vector<16xf32>
          %mul3A_357 = arith.mulf %get3A_355, %get3A_355 : vector<16xf32>
          %add3A_358 = arith.addf %add3A_348, %mul3A_357 : vector<16xf32>
          %mul3A_359 = arith.constant 10 : i32
          %mul3A_360 = arith.muli %scan3A_59, %mul3A_359 : i32
          %add3A_361 = arith.constant 6 : i32
          %add3A_362 = arith.addi %mul3A_360, %add3A_361 : i32
          %get3A_363 = arith.index_cast %add3A_362 : i32 to index
          %get3A_364 = arith.constant 0 : index
          %get3A_365 = tpu.vector_load %arg14[%get3A_363, %get3A_364] {strides = array<i32>} : memref<80x16xf32, #tpu.memory_space<vmem>>, vector<16xf32>,
          %add3A_366 = arith.addf %add3A_356, %get3A_365 : vector<16xf32>
          %mul3A_367 = arith.mulf %get3A_365, %get3A_365 : vector<16xf32>
          %add3A_368 = arith.addf %add3A_358, %mul3A_367 : vector<16xf32>
          %mul3A_369 = arith.constant 10 : i32
          %mul3A_370 = arith.muli %scan3A_59, %mul3A_369 : i32
          %add3A_371 = arith.constant 7 : i32
          %add3A_372 = arith.addi %mul3A_370, %add3A_371 : i32
          %get3A_373 = arith.index_cast %add3A_372 : i32 to index
          %get3A_374 = arith.constant 0 : index
          %get3A_375 = tpu.vector_load %arg14[%get3A_373, %get3A_374] {strides = array<i32>} : memref<80x16xf32, #tpu.memory_space<vmem>>, vector<16xf32>,
          %add3A_376 = arith.addf %add3A_366, %get3A_375 : vector<16xf32>
          %mul3A_377 = arith.mulf %get3A_375, %get3A_375 : vector<16xf32>
          %add3A_378 = arith.addf %add3A_368, %mul3A_377 : vector<16xf32>
          %mul3A_379 = arith.constant 10 : i32
          %mul3A_380 = arith.muli %scan3A_59, %mul3A_379 : i32
          %add3A_381 = arith.constant 8 : i32
          %add3A_382 = arith.addi %mul3A_380, %add3A_381 : i32
          %get3A_383 = arith.index_cast %add3A_382 : i32 to index
          %get3A_384 = arith.constant 0 : index
          %get3A_385 = tpu.vector_load %arg14[%get3A_383, %get3A_384] {strides = array<i32>} : memref<80x16xf32, #tpu.memory_space<vmem>>, vector<16xf32>,
          %add3A_386 = arith.addf %add3A_376, %get3A_385 : vector<16xf32>
          %mul3A_387 = arith.mulf %get3A_385, %get3A_385 : vector<16xf32>
          %add3A_388 = arith.addf %add3A_378, %mul3A_387 : vector<16xf32>
          %mul3A_389 = arith.constant 10 : i32
          %mul3A_390 = arith.muli %scan3A_59, %mul3A_389 : i32
          %add3A_391 = arith.constant 9 : i32
          %add3A_392 = arith.addi %mul3A_390, %add3A_391 : i32
          %get3A_393 = arith.index_cast %add3A_392 : i32 to index
          %get3A_394 = arith.constant 0 : index
          %get3A_395 = tpu.vector_load %arg14[%get3A_393, %get3A_394] {strides = array<i32>} : memref<80x16xf32, #tpu.memory_space<vmem>>, vector<16xf32>,
          %add3A_396 = arith.addf %add3A_386, %get3A_395 : vector<16xf32>
          %mul3A_397 = arith.mulf %get3A_395, %get3A_395 : vector<16xf32>
          %add3A_398 = arith.addf %add3A_388, %mul3A_397 : vector<16xf32>
          %mul3A_399 = arith.mulf %add3A_396, %add3A_396 : vector<16xf32>
          %sub3A = arith.subf %mul3A_399, %add3A_398 : vector<16xf32>
          %reduce_sum3A = arith.constant true
          %reduce_sum3A_400 = vector.broadcast %reduce_sum3A : i1 to vector<16xi1>
          %reduce_sum3A_401 = tpu.scan <sum>, %sub3A masked %reduce_sum3A_400 : vector<16xf32>, vector<16xi1> -> vector<16xf32>
          %reduce_sum3A_402 = vector.extract %reduce_sum3A_401[15] : f32 from vector<16xf32>
          %mul3A_403 = arith.constant 5.000000e-01 : f32
          %mul3A_404 = arith.mulf %mul3A_403, %reduce_sum3A_402 : f32
          %mul3A_405 = arith.constant 8 : i32
          %mul3A_406 = arith.muli %add3A_34, %mul3A_405 : i32
          %add3A_407 = arith.addi %mul3A_406, %scan3A_59 : i32
          %broadcast_in_dim3A_408 = vector.broadcast %add3A_407 : i32 to vector<16xi32>
          %broadcast_in_dim3A_409 = vector.broadcast %mul3A_404 : f32 to vector<16xf32>
          tpu.vector_store_idx %arg15[%broadcast_in_dim3A_408], %broadcast_in_dim3A_409 masked %eq3A_5 : memref<512xf32, #tpu.memory_space<vmem>>[vector<16xi32>], vector<16xf32>, vector<16xi1>
        }
        %scan3A_58 = arith.constant 8 : i32
      } else {
      }
    }
    %scan3A_23 = arith.constant 32 : i32
    "tpu.region"() ({
      %run_scoped3A = tpu.sem_alloc : memref<!tpu.dma_semaphore, #tpu.memory_space<semaphore_mem>>
      %dma_start3A = tpu.memref_slice %arg8[%mul3A_2] : memref<16384xf32, #tpu.memory_space<hbm>> -> memref<512xf32, #tpu.memory_space<hbm>>
      %dma_start3A_24 = tpu.memref_slice %arg8[%mul3A_2] : memref<16384xf32, #tpu.memory_space<hbm>> -> memref<512xf32, #tpu.memory_space<hbm>>
      tpu.enqueue_dma source(%arg15 : memref<512xf32, #tpu.memory_space<vmem>>) target(%dma_start3A_24 : memref<512xf32, #tpu.memory_space<hbm>>) target_semaphore(%run_scoped3A : memref<!tpu.dma_semaphore, #tpu.memory_space<semaphore_mem>>)
      %dma_wait3A = tpu.memref_slice %arg8[%mul3A_2] : memref<16384xf32, #tpu.memory_space<hbm>> -> memref<512xf32, #tpu.memory_space<hbm>>
      %dma_wait3A_25 = tpu.memref_slice %arg8[%mul3A_2] : memref<16384xf32, #tpu.memory_space<hbm>> -> memref<512xf32, #tpu.memory_space<hbm>>
      tpu.wait_dma2 semaphore(%run_scoped3A : memref<!tpu.dma_semaphore, #tpu.memory_space<semaphore_mem>>) src(%arg15 : memref<512xf32, #tpu.memory_space<vmem>>) dst(%dma_wait3A_25 : memref<512xf32, #tpu.memory_space<hbm>>)
      tpu.yield
    }) : () -> ()
    return
  }
}

</mosaic_0001>

<sc_bundles>
// kernel: kernel.3.cloned.1.call-start
scs
__scs_entry_jumppad:
0x0: {  	(pc) =	sbr.rel $0x88, $3  }
0x1: {  	(tag) =	ssettag $0x0;
	lr =	simm.s32 $0x1  }
0x2: {  	[smem:$0x3F9D] =	sst lr;
	_ =	strace $0xD0000000  }
0x3: {  	_ = 	snop  }
0x4: {  	_ = 	snop  }
0x5: {  	_ = 	snop  }
0x6: {  	_ = 	snop  }
0x7: {  	_ = 	snop  }
__scs_overlays_trampoline_lowered:
0x8: {  	[smem:$0x3FAC] =	sst s0  }
0x9: {  	[smem:$0x3FAD] =	sst s1  }
0xa: {  	[smem:$0x3FAE] =	sst s2  }
0xb: {  	[smem:$0x3FAF] =	sst s3  }
0xc: {  	[smem:$0x3FB0] =	sst s4  }
0xd: {  	[smem:$0x3FB1] =	sst s5  }
0xe: {  	[smem:$0x3FB2] =	sst s6  }
0xf: {  	[smem:$0x3FB3] =	sst s7  }
0x10: {  	[smem:$0x3FB4] =	sst s8  }
0x11: {  	[smem:$0x3FB5] =	sst s9;
	s0 =	simm.s32 @!p0 $0x0  }
0x12: {  	s1 =	sld [smem:$0x3F9B];
	s0 =	simm.s32 @p0 $0x1  }
0x13: {  	[smem:$0x3FB6] =	sst s0;
	s0 =	simm.s32 @!p1 $0x0  }
0x14: {  	s2 =	sld [smem:$0x3F9A];
	s0 =	simm.s32 @p1 $0x1  }
0x15: {  	[smem:$0x3FB7] =	sst s0;
	s0 =	simm.s32 @!p2 $0x0  }
0x16: {  	s3 =	sld [smem:$0x3FDB];
	s0 =	simm.s32 @p2 $0x1  }
0x17: {  	s4 =	simm.s32 $0x1BF5;
	[smem:$0x3FB9] =	sst s0  }
0x18: {  	s0 =	sld [smem:$0x3F9C];
	_ =	swait.ge [sflag:s4], $0x0  }
0x19: {  	s7 =	sld [smem:$0x3F9D]  }
0x1a: {  	s8 =	sadd.s32 $0xFFFFE003, lr  }
0x1b: {  	s9 =	sadd.s32 $0xFFFFFEF7, lr;
	s5 =	simm.s32 $0xFFFFFFFF;
	p2 =	slt.u32 s8, $0xFFFFF086  }
0x1c: {  	p1 =	slt.u32 s9, $0xF7A;
	s5 =	simm.s32 @!p2 $0x0  }
0x1d: {  	s5 =	simm.s32 @p1 $0x1;
	p0 =	seq.s32 s7, s2  }
0x1e: {  	s7 =	smul.u32 @!p0 $0xF7A, s2;
	p2 =	seq.s32 @!p0 s5, $0x0  }
0x1f: {  	s9 =	smul.u32 $0xF7A, s1;
	s8 =	simm.s32 @!p0 $0x1BF5;
	p2 =	por !p2, p0  }
0x20: {  	[sflag:s8] =	ssyncset.s32 @!p0 $0xFFFFF086;
	s6 =	sadd.s32 @!p0 s3, s7;
	s7 =	simm.s32 @!p0 $0x108  }
0x21: {  	s3 =	sadd.s32 s3, s9;
	s6 =	sadd.s32 @!p0 $0x88, s6;
	s7 =	simm.s32 @p2 $0x1082  }
0x22: {  	[simem:s7], [sflag:s8] =	dma.local @!p0 [hbm:s6], $0xF7A  }
0x23: {  	s9 =	sor.u32 $0xD0000000, s2;
	s6 =	simm.s32 $0x108;
	_ =	swait.ge @!p0 [sflag:s8], $0x0  }
0x24: {  	s3 =	sadd.s32 $0x88, s3;
	s6 =	simm.s32 @!p1 $0x1082;
	[sflag:s4] =	ssyncset.s32 $0xFFFFF086  }
0x25: {  	[simem:s6], [sflag:s4] =	dma.local [hbm:s3], $0xF7A  }
0x26: {  	[smem:$0x3F9D] =	sst s1;
	(tag) =	ssettag s2;
	_ =	strace s9  }
0x27: {  	s1 =	sld [smem:$0x3FAD]  }
0x28: {  	s2 =	sld [smem:$0x3FAE]  }
0x29: {  	s4 =	sld [smem:$0x3FB0]  }
0x2a: {  	p0 =	seq.s32 s5, $0x0;
	s5 =	sld [smem:$0x3FB1]  }
0x2b: {  	s6 =	sld [smem:$0x3FB2]  }
0x2c: {  	s7 =	sld [smem:$0x3FB3]  }
0x2d: {  	s3 =	simm.s32 $0x108;
	s8 =	sld [smem:$0x3FB4]  }
0x2e: {  	s3 =	simm.s32 @!p0 $0x1082;
	s9 =	sld [smem:$0x3FB5]  }
0x2f: {  	lr =	sadd.s32 s0, s3;
	s0 =	sld [smem:$0x3FAC]  }
0x30: {  	s3 =	sld [smem:$0x3FAF]  }
0x31: {  	[smem:$0x3FB8] =	sst s10  }
0x32: {  	s10 =	sld [smem:$0x3FB6];
	_ =	sdelay $0x3  }
0x33: {  	p0 =	seq.s32 s10, $0x1;
	s10 =	sld [smem:$0x3FB8];
	_ =	sdelay $0x3  }
0x34: {  	[smem:$0x3FB8] =	sst s10  }
0x35: {  	s10 =	sld [smem:$0x3FB7];
	_ =	sdelay $0x3  }
0x36: {  	p1 =	seq.s32 s10, $0x1;
	s10 =	sld [smem:$0x3FB8];
	_ =	sdelay $0x3  }
0x37: {  	[smem:$0x3FB8] =	sst s10  }
0x38: {  	s10 =	sld [smem:$0x3FB9]  }
0x39: {  	_ = 	snop;
	(pc) =	sbr.ind lr, $3  }
0x3a: {  	_ = 	snop  }
0x3b: {  	_ = 	snop  }
0x3c: {  	p2 =	seq.s32 s10, $0x1;
	s10 =	sld [smem:$0x3FB8]  }
0x3d: {  	_ =	shalt  }
0x3e: {  	_ =	shalt  }
0x3f: {  	_ =	shalt  }
0x40: {  	_ =	shalt  }
0x41: {  	_ =	shalt  }
0x42: {  	_ =	shalt  }
0x43: {  	_ =	shalt  }
0x44: {  	_ =	shalt  }
0x45: {  	_ =	shalt  }
0x46: {  	_ =	shalt  }
0x47: {  	_ =	shalt  }
0x48: {  	_ =	shalt  }
0x49: {  	_ =	shalt  }
0x4a: {  	_ =	shalt  }
0x4b: {  	_ =	shalt  }
0x4c: {  	_ =	shalt  }
0x4d: {  	_ =	shalt  }
0x4e: {  	_ =	shalt  }
0x4f: {  	_ =	shalt  }
0x50: {  	_ =	shalt  }
0x51: {  	_ =	shalt  }
0x52: {  	_ =	shalt  }
0x53: {  	_ =	shalt  }
0x54: {  	_ =	shalt  }
0x55: {  	_ =	shalt  }
0x56: {  	_ =	shalt  }
0x57: {  	_ =	shalt  }
0x58: {  	_ =	shalt  }
0x59: {  	_ =	shalt  }
0x5a: {  	_ =	shalt  }
0x5b: {  	_ =	shalt  }
0x5c: {  	_ =	shalt  }
0x5d: {  	_ =	shalt  }
0x5e: {  	_ =	shalt  }
0x5f: {  	_ =	shalt  }
0x60: {  	_ =	shalt  }
0x61: {  	_ =	shalt  }
0x62: {  	_ =	shalt  }
0x63: {  	_ =	shalt  }
0x64: {  	_ =	shalt  }
0x65: {  	_ =	shalt  }
0x66: {  	_ =	shalt  }
0x67: {  	_ =	shalt  }
0x68: {  	_ =	shalt  }
0x69: {  	_ =	shalt  }
0x6a: {  	_ =	shalt  }
0x6b: {  	_ =	shalt  }
0x6c: {  	_ =	shalt  }
0x6d: {  	_ =	shalt  }
0x6e: {  	_ =	shalt  }
0x6f: {  	_ =	shalt  }
0x70: {  	_ =	shalt  }
0x71: {  	_ =	shalt  }
0x72: {  	_ =	shalt  }
0x73: {  	_ =	shalt  }
0x74: {  	_ =	shalt  }
0x75: {  	_ =	shalt  }
0x76: {  	_ =	shalt  }
0x77: {  	_ =	shalt  }
0x78: {  	_ =	shalt  }
0x79: {  	_ =	shalt  }
0x7a: {  	_ =	shalt  }
0x7b: {  	_ =	shalt  }
0x7c: {  	_ =	shalt  }
0x7d: {  	_ =	shalt  }
0x7e: {  	_ =	shalt  }
0x7f: {  	_ =	shalt  }
0x80: {  	_ =	shalt  }
0x81: {  	_ =	shalt  }
0x82: {  	_ =	shalt  }
0x83: {  	_ =	shalt  }
0x84: {  	_ =	shalt  }
0x85: {  	_ =	shalt  }
0x86: {  	_ =	shalt  }
0x87: {  	_ =	shalt  }
.Lfunc_end0:
.L_simem_size_0:
called_computation_lowered:
.L_overlay_start_0:
0x88: {  	s2 =	sld [smem:$0x3FD9]  }
0x89: {  	s3 =	sld [smem:$0x3FFE];
	_ =	sdelay $0x1  }
0x8a: {  	s1 =	srdreg.scid  }
0x8b: {  	s0 =	sand.u32 $0x1, s1  }
0x8c: {  	s17 =	sshll.u32 s0, $0xA;
	s2 =	sadd.s32 s3, s2  }
0x8d: {  	s2 =	sadd.s32 s2, s17  }
0x8e: {  	[smem:$0x3FC4] =	sst s2  }
0x8f: {  	_ = 	snop  }
0x90: {  	s2 =	sld [smem:$0x3FD0];
	(tm) =	ssettm $0x1  }
0x91: {  	s18 =	sld [smem:$0x3FFB];
	_ =	sdelay $0x3  }
0x92: {  	_ =	strace s18  }
0x93: {  	s3 =	sld [smem:$0x3FFC];
	_ =	sdelay $0x3  }
0x94: {  	_ =	strace s3  }
0x95: {  	s3 =	sld [smem:$0x3FFD];
	_ =	sdelay $0x3  }
0x96: {  	_ =	strace s3  }
0x97: {  	_ =	strace $0x8FFFFFFF  }
0x98: {  	s19 =	sld [smem:$0x3FDB];
	_ =	sdelay $0x1  }
0x99: {  	s4 =	simm.s32 $_scs_section_size  }
0x9a: {  	s5 =	simm.s32 $_size__tile_overlayer_lowered;
	s6 =	simm.s32 $_tile_overlayer_lowered  }
0x9b: {  	s22 =	simm.s32 $0x1BFF;
	s21 =	sshll.u32 s6, $0x1;
	s3 =	sadd.s32 s4, s19  }
0x9c: {  	s7 =	simm.s32 $0x0;
	s20 =	sshll.u32 s5, $0x1;
	s5 =	sadd.s32 s21, s3  }
0x9d: {  	[timem:s7], [sflag:s22] =	dma.local [hbm:s5], s20  }
0x9e: {  	_ =	swait.ge [sflag:s22], s20  }
0x9f: {  	s4 =	ssub.s32 $0x0, s20;
	[sflag:s22] =	ssyncset.done $0x0  }
0xa0: {  	[sflag:s22] =	ssyncadd.s32 s4;
	_ =	sdelay $0x1  }
0xa1: {  	s23 =	simm.s32 $0x1B8B  }
0xa2: {  	_ =	swait.ge [sflag:s23], $0x1  }
0xa3: {  	[sflag:s23] =	ssyncset.done $0x0  }
0xa4: {  	s25 =	simm.s32 $0x1B8E;
	s24 =	sld [smem:$0x3FFE];
	[sflag:s23] =	ssyncadd.s32 $0xFFFFFFFF  }
0xa5: {  	s26 =	simm.s32 $execute0_lowered;
	[smem:$0x3FD2] =	sst s25  }
0xa6: {  	s5 =	sshll.u32 s26, $0x1;
	_ =	strace $0x80000046;
	[dreg:$0x1] =	wrdreg $0xFFFFFFFF  }
0xa7: {  	s28 =	simm.s32 $_size_execute0_lowered;
	s3 =	sadd.s32 s3, s5;
	[dreg:$0x0] =	wrdreg $0x0  }
0xa8: {  	s5 =	sshll.u32 s28, $0x1;
	[dreg:$0x2] =	wrdreg s3  }
0xa9: {  	[dreg:$0x3] =	wrdreg s5  }
0xaa: {  	[dreg:$0x4] =	wrdreg $0xC0  }
0xab: {  	_ =	task [dreg:s7], $0x5FFFF  }
0xac: {  	[dreg:$0x1] =	wrdreg $0xFFFFFFFF  }
0xad: {  	[dreg:$0x0] =	wrdreg $0x60  }
0xae: {  	[dreg:$0x2] =	wrdreg s24  }
0xaf: {  	[dreg:$0x3] =	wrdreg s2  }
0xb0: {  	[dreg:$0x4] =	wrdreg $0x9  }
0xb1: {  	_ =	task.clear_ibuf [dreg:s7], $0x5FFFF;
	_ =	strace $0x90000046  }
0xb2: {  	s29 =	simm.s32 $0x9;
	_ =	strace $0x80000048  }
0xb3: {  	_ =	swait.ge [sflag:s29], $0x1  }
0xb4: {  	[sflag:s29] =	ssyncadd.s32 $0xFFFFFFFF  }
0xb5: {  	_ =	strace $0x90000048  }
0xb6: {  	_ =	sfence  }
0xb7: {  	s30 =	sld [smem:$0x0];
	_ =	sdelay $0x2  }
0xb8: {  	s31 =	sshll.u32 s1, $0xD;
	s1 =	sshrl.u32 s1, $0x2  }
0xb9: {  	s3 =	sand.u32 $0x4000, s31;
	s1 =	sadd.s32 s1, s30  }
0xba: {  	s0 =	sor.u32 s3, s0;
	s1 =	sshll.u32 s1, $0x11  }
0xbb: {  	s0 =	sor.u32 s1, s0  }
0xbc: {  	s0 =	sadd.s32 $0x8F2B, s0  }
0xbd: {  	[sflag:s0] =	ssyncadd.remote.s32 $0x1  }
0xbe: {  	_ =	sfence.sel $0xFFFF  }
0xbf: {  	[dreg:$0x0] =	wrdreg $0xFFFFFFFF;
	(pc) =	sbr.abs _section_cstart, $3  }
0xc0: {  	[dreg:$0x1] =	wrdreg $0xFFFFFFFF  }
0xc1: {  	_ =	task.clear_ibuf [dreg:s7], $0x2FFFF;
	_ =	strace $0x9FFFFFFF  }
0xc2: {  	(tm) =	ssettm $0x7FFFFFFF  }
0xc3: {  	_ =	shalt  }
tec
execute0_lowered:
.L_overlay_start_1:
0x0: {  	(tag) =	ssettag $0x1  }
0x1: {  	s0 =	srdreg.scid;
	s1 =	rddreg [dreg:$0x0]  }
0x2: {  	s2 =	stileid.u32;
	s5 =	rddreg [dreg:$0x1]  }
0x3: {  	s13 =	simm.s32 $0x3C00;
	s0 =	sand.u32 $0x1, s0;
	s2 =	sshll.u32 s2, $0x1  }
0x4: {  	s14 =	simm.s32 $0xDC00;
	s15 =	simm.s32 $0x12C00;
	s6 =	sor.u32 s0, s2  }
0x5: {  	s17 =	simm.s32 $0x4;
	s0 =	ssub.s32 $0x2, s0;
	s3 =	smul.u32 $0x500, s6  }
0x6: {  	s2 =	simm.s32 $0x0;
	s4 =	smul.u32 $0x280, s6;
	s28 =	sshrl.u32 s0, $0x1  }
0x7: {  	[smem:$0x7FF] =	sst s2;
	s30 =	sshll.u32 s6, $0x6;
	s0 =	ssub.s32 s0, s28  }
0x8: {  	s7 =	sadd.s32 s3, s1;
	s8 =	sadd.s32 s4, s1;
	s3 =	sadd.s32 $0x196A00, s1  }
.Ltmp0:
0x9: {  	s4 =	sadd.s32 $0xFE00, s1;
	s1 =	sadd.s32 s5, s30;
	(pc) =	sbr.rel .LBB2_1-.Ltmp0, $4  }
0xa: {  	_ =	strace $0x80000047;
	s0 =	smax.u32 s0, $0x1;
	[dreg:$0x5] =	wrdreg s1  }
0xb: {  	s18 =	simm.s32 $0x8C00;
	s29 =	sadd.s32 $0xE00, s7;
	[dreg:$0x6] =	wrdreg s0  }
0xc: {  	v0 =	vlaneseq.u32;
	s19 =	simm.s32 $0x10400;
	s31 =	sadd.s32 $0xAE00, s8;
	[dreg:$0x3] =	wrdreg s29  }
0xd: {  	v1 =	vimm.f32 $0.0e+00;
	v0 =	vmul.u32 $0x80, v0;
	s5 =	simm.s32 $0x0;
	s1 =	simm.s32 $0x5;
	[dreg:$0x4] =	wrdreg s31  }
.LBB2_35:
0xe: {  	s0 =	rddreg [dreg:$0x5];
	s1 =	simm.s32 $0x5  }
0xf: {  	[hbm4b:s0+s2] =	stream.linear.scatter [tilespmem:s15], [sflag:$0x5], $0x200, $0x38;
	[tilespmem:$0x12E00] =	vst v63  }
0x10: {  	_ =	swait.ge [sflag:s1], $0x200  }
0x11: {  	s5 =	rddreg [dreg:$0x7]  }
0x12: {  	s31 =	rddreg [dreg:$0x6];
	s5 =	sadd.s32 $0x1, s5  }
0x13: {  	p0 =	sne.s32 s5, s31  }
.Ltmp1:
0x14: {  	_ = 	snop;
	(pc) =	sbr.rel @!p0 .LBB2_36-.Ltmp1, $3  }
0x15: {  	_ =	sdelay $0x1  }
0x16: {  	[sflag:s1] =	ssyncset.done $0x0  }
0x17: {  	[sflag:s1] =	ssyncadd.s32 $0xFFFFFE00  }
.LBB2_1:
0x18: {  	[dreg:$0x7] =	wrdreg s5  }
0x19: {  	s0 =	rddreg [dreg:$0x3]  }
0x1a: {  	[tilespmem:s2], [sflag:$0x5] =	stream.linear.gather [hbm4b:s0+s2], $0x2800, $0x38;
	[tilespmem:$0x12E00] =	vst v63  }
0x1b: {  	_ =	swait.ge [sflag:s1], $0x2800  }
0x1c: {  	[sflag:s1] =	ssyncset.done $0x0  }
0x1d: {  	s31 =	simm.s32 $0x2800;
	s30 =	rddreg [dreg:$0x4];
	[sflag:s1] =	ssyncadd.s32 $0xFFFFD800  }
0x1e: {  	[tilespmem:s31], [sflag:$0x5] =	stream.linear.gather [hbm4b:s30+s2], $0x1400, $0x38;
	[tilespmem:$0x12E00] =	vst v63  }
0x1f: {  	_ =	swait.ge [sflag:s1], $0x1400  }
0x20: {  	[sflag:s1] =	ssyncset.done $0x0  }
0x21: {  	[sflag:s1] =	ssyncadd.s32 $0xFFFFEC00  }
0x22: {  	v2 =	vld [tilespmem:s2+$0x0];
	_ =	sdelay $0x4  }
0x23: {  	v2 =	vshll.u32 v2, $0x4  }
0x24: {  	(v2sf) =	vpush v2, $0x0  }
0x25: {  	(v2sf) =	vpush v2, $0x1  }
0x26: {  	(v2sf) =	vpush v2, $0x2;
	_ =	sdelay $0x1  }
0x27: {  	(v2sf) =	vpush v2, $0x4;
	_ =	sdelay $0x1  }
0x28: {  	(v2sf) =	vpush v2, $0x3  }
0x29: {  	(v2sf) =	vpush v2, $0x5  }
0x2a: {  	s5 =	simm.s32 $0x0;
	s0 =	simm.s32 $0x0;
	s1 =	simm.s32 $0x2000;
	(v2sf) =	vpush v2, $0x6  }
.LBB2_2:
0x2b: {  	p0 =	sne.s32 s1, $0x12000  }
0x2c: {  	s25 =	sadd.s32 $0x3C80, s0;
	s9 =	sadd.s32 $0x4180, s0;
	s6 =	smov.u32 s1  }
0x2d: {  	s1 =	sadd.s32 $0x2000, s1;
	s22 =	sadd.s32 $0x3F80, s0;
	s7 =	sadd.s32 $0x4200, s0;
	(v2sf) =	vpush v2, $0x7  }
0x2e: {  	s24 =	sadd.s32 $0x3E80, s0;
	s10 =	sadd.s32 $0x4000, s0;
	s8 =	sadd.s32 $0x4280, s0  }
0x2f: {  	s26 =	sadd.s32 $0x3C00, s0;
	s28 =	sadd.s32 $0x3E00, s0;
	(v2sf) =	vpush v2, $0x8  }
0x30: {  	s21 =	simm.s32 $0x0;
	s29 =	sadd.s32 $0x3F00, s0;
	s5 =	sadd.s32 $0x10, s5  }
0x31: {  	s30 =	sadd.s32 $0x3D00, s0;
	s20 =	sadd.s32 $0x4100, s0;
	s23 =	spop (v2sf);
	(v2sf) =	vpush v2, $0x9  }
0x32: {  	s31 =	sand.u32 $0x1FFFFFF0, s23;
	s23 =	sadd.s32 $0x4080, s0;
	s11 =	spop (v2sf)  }
0x33: {  	s31 =	sadd.s32 s3, s31;
	s11 =	sand.u32 $0x1FFFFFF0, s11;
	s12 =	spop (v2sf);
	(v2sf) =	vpush v2, $0xA  }
0x34: {  	[tilespmem:s26], [sflag:$0x1] =	stream.linear.gather [hbm4b:s31+s21], $0x80, $0x38;
	[tilespmem:$0x12E00] =	vst v63  }
0x35: {  	s11 =	sadd.s32 s3, s11;
	s26 =	sadd.s32 $0x3D80, s0;
	s31 =	spop (v2sf);
	(v2sf) =	vpush v2, $0xB  }
0x36: {  	[tilespmem:s25], [sflag:$0x1] =	stream.linear.gather [hbm4b:s11+s21], $0x80, $0x38;
	[tilespmem:$0x12E00] =	vst v63  }
0x37: {  	s11 =	sand.u32 $0x1FFFFFF0, s12;
	s12 =	sand.u32 $0x1FFFFFF0, s31;
	s25 =	spop (v2sf);
	(v2sf) =	vpush v2, $0xC  }
0x38: {  	s11 =	sadd.s32 s3, s11;
	s25 =	sand.u32 $0x1FFFFFF0, s25;
	s31 =	spop (v2sf)  }
0x39: {  	[tilespmem:s30], [sflag:$0x1] =	stream.linear.gather [hbm4b:s11+s21], $0x80, $0x38;
	(v2sf) =	vpush v2, $0xD;
	[tilespmem:$0x12E00] =	vst v63  }
0x3a: {  	s11 =	sadd.s32 s3, s25;
	s25 =	sand.u32 $0x1FFFFFF0, s31;
	s30 =	spop (v2sf)  }
0x3b: {  	[tilespmem:s26], [sflag:$0x1] =	stream.linear.gather [hbm4b:s11+s21], $0x80, $0x38;
	(v2sf) =	vpush v2, $0xE;
	[tilespmem:$0x12E00] =	vst v63  }
0x3c: {  	s11 =	sadd.s32 s3, s12;
	s12 =	sand.u32 $0x1FFFFFF0, s30;
	s26 =	spop (v2sf)  }
0x3d: {  	[tilespmem:s28], [sflag:$0x1] =	stream.linear.gather [hbm4b:s11+s21], $0x80, $0x38;
	(v2sf) =	vpush v2, $0xF;
	[tilespmem:$0x12E00] =	vst v63  }
0x3e: {  	s11 =	sadd.s32 s3, s25;
	s25 =	sand.u32 $0x1FFFFFF0, s26;
	s26 =	spop (v2sf)  }
0x3f: {  	[tilespmem:s24], [sflag:$0x1] =	stream.linear.gather [hbm4b:s11+s21], $0x80, $0x38;
	[tilespmem:$0x12E00] =	vst v63  }
0x40: {  	s11 =	sadd.s32 s3, s12;
	s12 =	sand.u32 $0x1FFFFFF0, s26;
	s24 =	spop (v2sf)  }
0x41: {  	[tilespmem:s29], [sflag:$0x1] =	stream.linear.gather [hbm4b:s11+s21], $0x80, $0x38;
	[tilespmem:$0x12E00] =	vst v63  }
0x42: {  	s11 =	sadd.s32 s3, s25;
	s24 =	sand.u32 $0x1FFFFFF0, s24;
	s25 =	spop (v2sf)  }
0x43: {  	[tilespmem:s22], [sflag:$0x1] =	stream.linear.gather [hbm4b:s11+s21], $0x80, $0x38;
	[tilespmem:$0x12E00] =	vst v63  }
0x44: {  	s11 =	sadd.s32 s3, s12;
	s12 =	sand.u32 $0x1FFFFFF0, s25;
	s22 =	spop (v2sf)  }
0x45: {  	[tilespmem:s10], [sflag:$0x1] =	stream.linear.gather [hbm4b:s11+s21], $0x80, $0x38;
	[tilespmem:$0x12E00] =	vst v63  }
0x46: {  	s10 =	sadd.s32 s3, s24;
	s11 =	sand.u32 $0x1FFFFFF0, s22;
	s22 =	spop (v2sf)  }
0x47: {  	[tilespmem:s23], [sflag:$0x1] =	stream.linear.gather [hbm4b:s10+s21], $0x80, $0x38;
	[tilespmem:$0x12E00] =	vst v63  }
0x48: {  	s10 =	sadd.s32 s3, s12;
	s12 =	sand.u32 $0x1FFFFFF0, s22;
	s22 =	spop (v2sf)  }
0x49: {  	[tilespmem:s20], [sflag:$0x1] =	stream.linear.gather [hbm4b:s10+s21], $0x80, $0x38;
	[tilespmem:$0x12E00] =	vst v63  }
0x4a: {  	s10 =	sadd.s32 s3, s11;
	s11 =	sand.u32 $0x1FFFFFF0, s22;
	s20 =	spop (v2sf)  }
0x4b: {  	[tilespmem:s9], [sflag:$0x1] =	stream.linear.gather [hbm4b:s10+s21], $0x80, $0x38;
	[tilespmem:$0x12E00] =	vst v63  }
0x4c: {  	s9 =	sadd.s32 s3, s12;
	s10 =	sand.u32 $0x1FFFFFF0, s20;
	s12 =	spop (v2sf)  }
0x4d: {  	[tilespmem:s7], [sflag:$0x1] =	stream.linear.gather [hbm4b:s9+s21], $0x80, $0x38;
	[tilespmem:$0x12E00] =	vst v63  }
0x4e: {  	s7 =	sadd.s32 s3, s11;
	s9 =	sand.u32 $0x1FFFFFF0, s12  }
0x4f: {  	[tilespmem:s8], [sflag:$0x1] =	stream.linear.gather [hbm4b:s7+s21], $0x80, $0x38;
	[tilespmem:$0x12E00] =	vst v63  }
0x50: {  	s7 =	sadd.s32 $0x4300, s0;
	s8 =	sadd.s32 s3, s10  }
0x51: {  	[tilespmem:s7], [sflag:$0x1] =	stream.linear.gather [hbm4b:s8+s21], $0x80, $0x38;
	[tilespmem:$0x12E00] =	vst v63  }
0x52: {  	s0 =	sadd.s32 $0x4380, s0;
	s7 =	sadd.s32 s3, s9  }
0x53: {  	[tilespmem:s0], [sflag:$0x1] =	stream.linear.gather [hbm4b:s7+s21], $0x80, $0x38;
	[tilespmem:$0x12E00] =	vst v63  }
0x54: {  	v2 =	vld [tilespmem:s5+$0x0];
	_ =	sdelay $0x4  }
0x55: {  	v2 =	vshll.u32 v2, $0x4  }
0x56: {  	(v2sf) =	vpush v2, $0x0  }
0x57: {  	(v2sf) =	vpush v2, $0x1  }
0x58: {  	(v2sf) =	vpush v2, $0x2;
	_ =	sdelay $0x1  }
0x59: {  	(v2sf) =	vpush v2, $0x4  }
.Ltmp2:
0x5a: {  	(pc) =	sbr.rel @p0 .LBB2_2-.Ltmp2, $3  }
0x5b: {  	(v2sf) =	vpush v2, $0x3  }
0x5c: {  	(v2sf) =	vpush v2, $0x5;
	_ =	sdelay $0x1  }
0x5d: {  	s22 =	simm.s32 $0x2800;
	s0 =	sshra.s32 s6, $0x2;
	(v2sf) =	vpush v2, $0x6  }
0x5e: {  	_ =	sdelay $0x1  }
0x5f: {  	s7 =	sadd.s32 $0x3C80, s0;
	s6 =	sadd.s32 $0x4180, s0  }
0x60: {  	s8 =	sadd.s32 $0x3F80, s0;
	s1 =	sadd.s32 $0x4200, s0;
	(v2sf) =	vpush v2, $0x7;
	s9 =	sadd.s32 $0x3E80, s0  }
0x61: {  	s10 =	sadd.s32 $0x4000, s0;
	s5 =	sadd.s32 $0x4280, s0;
	s11 =	sadd.s32 $0x3C00, s0  }
0x62: {  	s12 =	sadd.s32 $0x3E00, s0;
	s20 =	sadd.s32 $0x3F00, s0;
	(v2sf) =	vpush v2, $0x8;
	s23 =	spop (v2sf)  }
0x63: {  	s24 =	sadd.s32 $0x3D00, s0;
	s23 =	sand.u32 $0x1FFFFFF0, s23;
	s25 =	spop (v2sf)  }
0x64: {  	(v2sf) =	vpush v2, $0x9;
	s23 =	sadd.s32 s3, s23;
	s25 =	sand.u32 $0x1FFFFFF0, s25;
	s26 =	spop (v2sf)  }
0x65: {  	[tilespmem:s11], [sflag:$0x1] =	stream.linear.gather [hbm4b:s23+s21], $0x80, $0x38;
	[tilespmem:$0x12E00] =	vst v63  }
0x66: {  	s28 =	sadd.s32 $0x3D80, s0;
	(v2sf) =	vpush v2, $0xA;
	s31 =	sadd.s32 s3, s25;
	s16 =	spop (v2sf)  }
0x67: {  	[tilespmem:s7], [sflag:$0x1] =	stream.linear.gather [hbm4b:s31+s21], $0x80, $0x38;
	[tilespmem:$0x12E00] =	vst v63  }
0x68: {  	s11 =	sadd.s32 $0x4100, s0;
	s29 =	sand.u32 $0x1FFFFFF0, s26;
	(v2sf) =	vpush v2, $0xB;
	s30 =	spop (v2sf)  }
0x69: {  	s23 =	sadd.s32 s3, s29;
	s7 =	sadd.s32 $0x4080, s0;
	s26 =	sand.u32 $0x1FFFFFF0, s30  }
0x6a: {  	(v2sf) =	vpush v2, $0xC;
	[tilespmem:s24], [sflag:$0x1] =	stream.linear.gather [hbm4b:s23+s21], $0x80, $0x38;
	[tilespmem:$0x12E00] =	vst v63  }
0x6b: {  	s31 =	sand.u32 $0x1FFFFFF0, s16;
	s16 =	spop (v2sf);
	s29 =	sadd.s32 s3, s26  }
0x6c: {  	(v2sf) =	vpush v2, $0xD;
	[tilespmem:s28], [sflag:$0x1] =	stream.linear.gather [hbm4b:s29+s21], $0x80, $0x38;
	[tilespmem:$0x12E00] =	vst v63  }
0x6d: {  	s23 =	sadd.s32 s3, s31;
	s24 =	sand.u32 $0x1FFFFFF0, s16;
	s30 =	spop (v2sf)  }
0x6e: {  	(v2sf) =	vpush v2, $0xE;
	[tilespmem:s12], [sflag:$0x1] =	stream.linear.gather [hbm4b:s23+s21], $0x80, $0x38;
	[tilespmem:$0x12E00] =	vst v63  }
0x6f: {  	s24 =	sadd.s32 s3, s24;
	s31 =	sand.u32 $0x1FFFFFF0, s30;
	s16 =	spop (v2sf)  }
0x70: {  	(v2sf) =	vpush v2, $0xF;
	[tilespmem:s9], [sflag:$0x1] =	stream.linear.gather [hbm4b:s24+s21], $0x80, $0x38;
	[tilespmem:$0x12E00] =	vst v63  }
0x71: {  	s25 =	spop (v2sf);
	s12 =	sadd.s32 s3, s31;
	s24 =	sand.u32 $0x1FFFFFF0, s16  }
0x72: {  	[tilespmem:s20], [sflag:$0x1] =	stream.linear.gather [hbm4b:s12+s21], $0x80, $0x38;
	[tilespmem:$0x12E00] =	vst v63  }
0x73: {  	s26 =	sand.u32 $0x1FFFFFF0, s25;
	s9 =	sadd.s32 s3, s24;
	s28 =	spop (v2sf)  }
0x74: {  	[tilespmem:s8], [sflag:$0x1] =	stream.linear.gather [hbm4b:s9+s21], $0x80, $0x38;
	[tilespmem:$0x12E00] =	vst v63  }
0x75: {  	s12 =	sadd.s32 s3, s26;
	s29 =	sand.u32 $0x1FFFFFF0, s28;
	s30 =	spop (v2sf)  }
0x76: {  	[tilespmem:s10], [sflag:$0x1] =	stream.linear.gather [hbm4b:s12+s21], $0x80, $0x38;
	[tilespmem:$0x12E00] =	vst v63  }
0x77: {  	s9 =	sand.u32 $0x1FFFFFF0, s30;
	s8 =	sadd.s32 s3, s29;
	s31 =	spop (v2sf)  }
0x78: {  	[tilespmem:s7], [sflag:$0x1] =	stream.linear.gather [hbm4b:s8+s21], $0x80, $0x38;
	[tilespmem:$0x12E00] =	vst v63  }
0x79: {  	s9 =	sadd.s32 s3, s9;
	s12 =	sand.u32 $0x1FFFFFF0, s31;
	s16 =	spop (v2sf)  }
0x7a: {  	[tilespmem:s11], [sflag:$0x1] =	stream.linear.gather [hbm4b:s9+s21], $0x80, $0x38;
	[tilespmem:$0x12E00] =	vst v63  }
0x7b: {  	s7 =	sadd.s32 s3, s12;
	s8 =	sand.u32 $0x1FFFFFF0, s16;
	s20 =	spop (v2sf)  }
0x7c: {  	[tilespmem:s6], [sflag:$0x1] =	stream.linear.gather [hbm4b:s7+s21], $0x80, $0x38;
	[tilespmem:$0x12E00] =	vst v63  }
0x7d: {  	s23 =	sand.u32 $0x1FFFFFF0, s20;
	s8 =	sadd.s32 s3, s8;
	s24 =	spop (v2sf)  }
0x7e: {  	[tilespmem:s1], [sflag:$0x1] =	stream.linear.gather [hbm4b:s8+s21], $0x80, $0x38;
	[tilespmem:$0x12E00] =	vst v63  }
0x7f: {  	s25 =	sand.u32 $0x1FFFFFF0, s24;
	s26 =	spop (v2sf);
	s6 =	sadd.s32 s3, s23  }
0x80: {  	[tilespmem:s5], [sflag:$0x1] =	stream.linear.gather [hbm4b:s6+s21], $0x80, $0x38;
	[tilespmem:$0x12E00] =	vst v63  }
0x81: {  	s29 =	sadd.s32 $0x4300, s0;
	s28 =	sand.u32 $0x1FFFFFF0, s26;
	s1 =	sadd.s32 s3, s25  }
0x82: {  	[tilespmem:s29], [sflag:$0x1] =	stream.linear.gather [hbm4b:s1+s21], $0x80, $0x38;
	[tilespmem:$0x12E00] =	vst v63  }
0x83: {  	s30 =	sadd.s32 $0x4380, s0;
	s31 =	sadd.s32 s3, s28  }
0x84: {  	[tilespmem:s30], [sflag:$0x1] =	stream.linear.gather [hbm4b:s31+s21], $0x80, $0x38;
	[tilespmem:$0x12E00] =	vst v63  }
0x85: {  	v2 =	vld [tilespmem:s22+$0x0];
	_ =	sdelay $0x4  }
0x86: {  	v2 =	vshll.u32 v2, $0x4  }
0x87: {  	(v2sf) =	vpush v2, $0x0  }
0x88: {  	(v2sf) =	vpush v2, $0x1  }
0x89: {  	(v2sf) =	vpush v2, $0x2;
	_ =	sdelay $0x1  }
0x8a: {  	(v2sf) =	vpush v2, $0x4;
	_ =	sdelay $0x1  }
0x8b: {  	(v2sf) =	vpush v2, $0x3  }
0x8c: {  	(v2sf) =	vpush v2, $0x5  }
0x8d: {  	s0 =	simm.s32 $0x0;
	s5 =	simm.s32 $0x2800;
	s1 =	simm.s32 $0x2000;
	(v2sf) =	vpush v2, $0x6  }
.LBB2_4:
0x8e: {  	p0 =	sne.s32 s1, $0x8000  }
0x8f: {  	s11 =	sadd.s32 $0xDC80, s0;
	s9 =	sadd.s32 $0xE180, s0;
	s6 =	smov.u32 s1  }
0x90: {  	s1 =	sadd.s32 $0x2000, s1;
	s23 =	sadd.s32 $0xDF80, s0;
	s7 =	sadd.s32 $0xE200, s0;
	(v2sf) =	vpush v2, $0x7  }
0x91: {  	s25 =	sadd.s32 $0xDE80, s0;
	s20 =	sadd.s32 $0xE000, s0;
	s8 =	sadd.s32 $0xE280, s0  }
0x92: {  	s12 =	sadd.s32 $0xDC00, s0;
	s26 =	sadd.s32 $0xDE00, s0;
	(v2sf) =	vpush v2, $0x8  }
0x93: {  	s28 =	sadd.s32 $0xDF00, s0;
	s5 =	sadd.s32 $0x10, s5  }
0x94: {  	s29 =	sadd.s32 $0xDD00, s0;
	s10 =	sadd.s32 $0xE100, s0;
	s24 =	spop (v2sf);
	(v2sf) =	vpush v2, $0x9  }
0x95: {  	s30 =	sand.u32 $0x1FFFFFF0, s24;
	s24 =	sadd.s32 $0xE080, s0;
	s31 =	spop (v2sf)  }
0x96: {  	s30 =	sadd.s32 s4, s30;
	s31 =	sand.u32 $0x1FFFFFF0, s31;
	s16 =	spop (v2sf);
	(v2sf) =	vpush v2, $0xA  }
0x97: {  	[tilespmem:s12], [sflag:$0x3] =	stream.linear.gather [hbm4b:s30+s21], $0x80, $0x38;
	[tilespmem:$0x12E00] =	vst v63  }
0x98: {  	s12 =	sadd.s32 s4, s31;
	s30 =	sadd.s32 $0xDD80, s0;
	s31 =	spop (v2sf);
	(v2sf) =	vpush v2, $0xB  }
0x99: {  	[tilespmem:s11], [sflag:$0x3] =	stream.linear.gather [hbm4b:s12+s21], $0x80, $0x38;
	[tilespmem:$0x12E00] =	vst v63  }
0x9a: {  	s11 =	sand.u32 $0x1FFFFFF0, s16;
	s12 =	sand.u32 $0x1FFFFFF0, s31;
	s16 =	spop (v2sf);
	(v2sf) =	vpush v2, $0xC  }
0x9b: {  	s11 =	sadd.s32 s4, s11;
	s16 =	sand.u32 $0x1FFFFFF0, s16;
	s31 =	spop (v2sf)  }
0x9c: {  	[tilespmem:s29], [sflag:$0x3] =	stream.linear.gather [hbm4b:s11+s21], $0x80, $0x38;
	(v2sf) =	vpush v2, $0xD;
	[tilespmem:$0x12E00] =	vst v63  }
0x9d: {  	s11 =	sadd.s32 s4, s16;
	s16 =	sand.u32 $0x1FFFFFF0, s31;
	s29 =	spop (v2sf)  }
0x9e: {  	[tilespmem:s30], [sflag:$0x3] =	stream.linear.gather [hbm4b:s11+s21], $0x80, $0x38;
	(v2sf) =	vpush v2, $0xE;
	[tilespmem:$0x12E00] =	vst v63  }
0x9f: {  	s11 =	sadd.s32 s4, s12;
	s12 =	sand.u32 $0x1FFFFFF0, s29;
	s29 =	spop (v2sf)  }
0xa0: {  	[tilespmem:s26], [sflag:$0x3] =	stream.linear.gather [hbm4b:s11+s21], $0x80, $0x38;
	(v2sf) =	vpush v2, $0xF;
	[tilespmem:$0x12E00] =	vst v63  }
0xa1: {  	s11 =	sadd.s32 s4, s16;
	s16 =	sand.u32 $0x1FFFFFF0, s29;
	s26 =	spop (v2sf)  }
0xa2: {  	[tilespmem:s25], [sflag:$0x3] =	stream.linear.gather [hbm4b:s11+s21], $0x80, $0x38;
	[tilespmem:$0x12E00] =	vst v63  }
0xa3: {  	s11 =	sadd.s32 s4, s12;
	s12 =	sand.u32 $0x1FFFFFF0, s26;
	s25 =	spop (v2sf)  }
0xa4: {  	[tilespmem:s28], [sflag:$0x3] =	stream.linear.gather [hbm4b:s11+s21], $0x80, $0x38;
	[tilespmem:$0x12E00] =	vst v63  }
0xa5: {  	s11 =	sadd.s32 s4, s16;
	s16 =	sand.u32 $0x1FFFFFF0, s25;
	s25 =	spop (v2sf)  }
0xa6: {  	[tilespmem:s23], [sflag:$0x3] =	stream.linear.gather [hbm4b:s11+s21], $0x80, $0x38;
	[tilespmem:$0x12E00] =	vst v63  }
0xa7: {  	s11 =	sadd.s32 s4, s12;
	s12 =	sand.u32 $0x1FFFFFF0, s25;
	s23 =	spop (v2sf)  }
0xa8: {  	[tilespmem:s20], [sflag:$0x3] =	stream.linear.gather [hbm4b:s11+s21], $0x80, $0x38;
	[tilespmem:$0x12E00] =	vst v63  }
0xa9: {  	s11 =	sadd.s32 s4, s16;
	s16 =	sand.u32 $0x1FFFFFF0, s23;
	s20 =	spop (v2sf)  }
0xaa: {  	[tilespmem:s24], [sflag:$0x3] =	stream.linear.gather [hbm4b:s11+s21], $0x80, $0x38;
	[tilespmem:$0x12E00] =	vst v63  }
0xab: {  	s11 =	sadd.s32 s4, s12;
	s12 =	sand.u32 $0x1FFFFFF0, s20;
	s20 =	spop (v2sf)  }
0xac: {  	[tilespmem:s10], [sflag:$0x3] =	stream.linear.gather [hbm4b:s11+s21], $0x80, $0x38;
	[tilespmem:$0x12E00] =	vst v63  }
0xad: {  	s10 =	sadd.s32 s4, s16;
	s11 =	sand.u32 $0x1FFFFFF0, s20;
	s16 =	spop (v2sf)  }
0xae: {  	[tilespmem:s9], [sflag:$0x3] =	stream.linear.gather [hbm4b:s10+s21], $0x80, $0x38;
	[tilespmem:$0x12E00] =	vst v63  }
0xaf: {  	s9 =	sadd.s32 s4, s12;
	s10 =	sand.u32 $0x1FFFFFF0, s16;
	s12 =	spop (v2sf)  }
0xb0: {  	[tilespmem:s7], [sflag:$0x3] =	stream.linear.gather [hbm4b:s9+s21], $0x80, $0x38;
	[tilespmem:$0x12E00] =	vst v63  }
0xb1: {  	s7 =	sadd.s32 s4, s11;
	s9 =	sand.u32 $0x1FFFFFF0, s12  }
0xb2: {  	[tilespmem:s8], [sflag:$0x3] =	stream.linear.gather [hbm4b:s7+s21], $0x80, $0x38;
	[tilespmem:$0x12E00] =	vst v63  }
0xb3: {  	s7 =	sadd.s32 $0xE300, s0;
	s8 =	sadd.s32 s4, s10  }
0xb4: {  	[tilespmem:s7], [sflag:$0x3] =	stream.linear.gather [hbm4b:s8+s21], $0x80, $0x38;
	[tilespmem:$0x12E00] =	vst v63  }
0xb5: {  	s0 =	sadd.s32 $0xE380, s0;
	s7 =	sadd.s32 s4, s9  }
0xb6: {  	[tilespmem:s0], [sflag:$0x3] =	stream.linear.gather [hbm4b:s7+s21], $0x80, $0x38;
	[tilespmem:$0x12E00] =	vst v63  }
0xb7: {  	v2 =	vld [tilespmem:s5+$0x0];
	_ =	sdelay $0x4  }
0xb8: {  	v2 =	vshll.u32 v2, $0x4  }
0xb9: {  	(v2sf) =	vpush v2, $0x0  }
0xba: {  	(v2sf) =	vpush v2, $0x1  }
0xbb: {  	(v2sf) =	vpush v2, $0x2;
	_ =	sdelay $0x1  }
0xbc: {  	(v2sf) =	vpush v2, $0x4  }
.Ltmp3:
0xbd: {  	(pc) =	sbr.rel @p0 .LBB2_4-.Ltmp3, $3  }
0xbe: {  	(v2sf) =	vpush v2, $0x3  }
0xbf: {  	(v2sf) =	vpush v2, $0x5;
	_ =	sdelay $0x1  }
0xc0: {  	s0 =	sshra.s32 s6, $0x2;
	(v2sf) =	vpush v2, $0x6  }
0xc1: {  	_ =	sdelay $0x1  }
0xc2: {  	s7 =	sadd.s32 $0xDC80, s0;
	s6 =	sadd.s32 $0xE180, s0;
	s8 =	sadd.s32 $0xDF80, s0  }
0xc3: {  	s1 =	sadd.s32 $0xE200, s0;
	(v2sf) =	vpush v2, $0x7;
	s9 =	sadd.s32 $0xDE80, s0;
	s10 =	sadd.s32 $0xE000, s0  }
0xc4: {  	s5 =	sadd.s32 $0xE280, s0;
	s11 =	sadd.s32 $0xDC00, s0;
	s12 =	sadd.s32 $0xDE00, s0  }
0xc5: {  	s16 =	sadd.s32 $0xDF00, s0;
	s23 =	sadd.s32 $0xDD00, s0;
	(v2sf) =	vpush v2, $0x8;
	s20 =	spop (v2sf)  }
0xc6: {  	s26 =	sadd.s32 $0xDD80, s0;
	s20 =	sand.u32 $0x1FFFFFF0, s20;
	s24 =	spop (v2sf)  }
0xc7: {  	(v2sf) =	vpush v2, $0x9;
	s20 =	sadd.s32 s4, s20;
	s24 =	sand.u32 $0x1FFFFFF0, s24;
	s25 =	spop (v2sf)  }
0xc8: {  	[tilespmem:s11], [sflag:$0x3] =	stream.linear.gather [hbm4b:s20+s21], $0x80, $0x38;
	[tilespmem:$0x12E00] =	vst v63  }
0xc9: {  	s28 =	simm.s32 $0x8;
	(v2sf) =	vpush v2, $0xA;
	s29 =	sadd.s32 s4, s24;
	s30 =	spop (v2sf)  }
0xca: {  	[tilespmem:s7], [sflag:$0x3] =	stream.linear.gather [hbm4b:s29+s21], $0x80, $0x38;
	[tilespmem:$0x12E00] =	vst v63  }
0xcb: {  	s31 =	simm.s32 $0x0;
	s25 =	sand.u32 $0x1FFFFFF0, s25;
	s29 =	spop (v2sf)  }
0xcc: {  	s11 =	sadd.s32 $0xE100, s0;
	(v2sf) =	vpush v2, $0xB;
	s20 =	sadd.s32 s4, s25;
	s25 =	sand.u32 $0x1FFFFFF0, s29  }
0xcd: {  	[tilespmem:s23], [sflag:$0x3] =	stream.linear.gather [hbm4b:s20+s21], $0x80, $0x38;
	[tilespmem:$0x12E00] =	vst v63  }
0xce: {  	(v2sf) =	vpush v2, $0xC;
	s20 =	sand.u32 $0x1FFFFFF0, s30;
	s30 =	spop (v2sf);
	s29 =	sadd.s32 s4, s25  }
0xcf: {  	(v2sf) =	vpush v2, $0xD;
	[tilespmem:s26], [sflag:$0x3] =	stream.linear.gather [hbm4b:s29+s21], $0x80, $0x38;
	[tilespmem:$0x12E00] =	vst v63  }
0xd0: {  	s23 =	sand.u32 $0x1FFFFFF0, s30;
	s20 =	sadd.s32 s4, s20;
	s30 =	spop (v2sf)  }
0xd1: {  	(v2sf) =	vpush v2, $0xE;
	[tilespmem:s12], [sflag:$0x3] =	stream.linear.gather [hbm4b:s20+s21], $0x80, $0x38;
	[tilespmem:$0x12E00] =	vst v63  }
0xd2: {  	s23 =	sadd.s32 s4, s23;
	s25 =	sand.u32 $0x1FFFFFF0, s30;
	s26 =	spop (v2sf)  }
0xd3: {  	(v2sf) =	vpush v2, $0xF;
	[tilespmem:s9], [sflag:$0x3] =	stream.linear.gather [hbm4b:s23+s21], $0x80, $0x38;
	[tilespmem:$0x12E00] =	vst v63  }
0xd4: {  	s29 =	sand.u32 $0x1FFFFFF0, s26;
	s30 =	spop (v2sf);
	s12 =	sadd.s32 s4, s25  }
0xd5: {  	[tilespmem:s16], [sflag:$0x3] =	stream.linear.gather [hbm4b:s12+s21], $0x80, $0x38;
	[tilespmem:$0x12E00] =	vst v63  }
0xd6: {  	s7 =	sadd.s32 $0xE080, s0;
	s9 =	sadd.s32 s4, s29;
	s24 =	spop (v2sf)  }
0xd7: {  	[tilespmem:s8], [sflag:$0x3] =	stream.linear.gather [hbm4b:s9+s21], $0x80, $0x38;
	[tilespmem:$0x12E00] =	vst v63  }
0xd8: {  	s23 =	sand.u32 $0x1FFFFFF0, s30;
	s25 =	sand.u32 $0x1FFFFFF0, s24;
	s26 =	spop (v2sf)  }
0xd9: {  	s12 =	sadd.s32 s4, s23;
	s9 =	sand.u32 $0x1FFFFFF0, s26;
	s8 =	sadd.s32 s4, s25  }
0xda: {  	[tilespmem:s10], [sflag:$0x3] =	stream.linear.gather [hbm4b:s12+s21], $0x80, $0x38;
	[tilespmem:$0x12E00] =	vst v63  }
0xdb: {  	s26 =	sadd.s32 $0xE300, s0;
	s29 =	spop (v2sf);
	s9 =	sadd.s32 s4, s9  }
0xdc: {  	[tilespmem:s7], [sflag:$0x3] =	stream.linear.gather [hbm4b:s8+s21], $0x80, $0x38;
	[tilespmem:$0x12E00] =	vst v63  }
0xdd: {  	s30 =	sand.u32 $0x1FFFFFF0, s29;
	s29 =	sadd.s32 $0xE380, s0;
	s10 =	spop (v2sf)  }
0xde: {  	s7 =	sadd.s32 s4, s30;
	s8 =	sand.u32 $0x1FFFFFF0, s10;
	s12 =	spop (v2sf)  }
0xdf: {  	[tilespmem:s11], [sflag:$0x3] =	stream.linear.gather [hbm4b:s9+s21], $0x80, $0x38;
	[tilespmem:$0x12E00] =	vst v63  }
0xe0: {  	s16 =	sand.u32 $0x1FFFFFF0, s12;
	s8 =	sadd.s32 s4, s8;
	s20 =	spop (v2sf)  }
0xe1: {  	[tilespmem:s6], [sflag:$0x3] =	stream.linear.gather [hbm4b:s7+s21], $0x80, $0x38;
	[tilespmem:$0x12E00] =	vst v63  }
0xe2: {  	s23 =	sand.u32 $0x1FFFFFF0, s20;
	s24 =	spop (v2sf);
	s6 =	sadd.s32 s4, s16  }
0xe3: {  	[tilespmem:s1], [sflag:$0x3] =	stream.linear.gather [hbm4b:s8+s21], $0x80, $0x38;
	[tilespmem:$0x12E00] =	vst v63  }
0xe4: {  	s7 =	simm.s32 $0x2810;
	s16 =	simm.s32 $0x1;
	s25 =	sand.u32 $0x1FFFFFF0, s24  }
0xe5: {  	[tilespmem:s5], [sflag:$0x3] =	stream.linear.gather [hbm4b:s6+s21], $0x80, $0x38;
	[tilespmem:$0x12E00] =	vst v63  }
.Ltmp4:
0xe6: {  	s24 =	simm.s32 $0x27B0;
	s1 =	sadd.s32 s4, s23;
	(pc) =	sbr.rel .LBB2_6-.Ltmp4, $4  }
0xe7: {  	s30 =	sadd.s32 s4, s25;
	s23 =	simm.s32 $0xB0;
	s25 =	simm.s32 $0xA0  }
0xe8: {  	[tilespmem:s26], [sflag:$0x3] =	stream.linear.gather [hbm4b:s1+s21], $0x80, $0x38;
	[tilespmem:$0x12E00] =	vst v63  }
0xe9: {  	s8 =	simm.s32 $0x150;
	s26 =	simm.s32 $0x2850;
	s1 =	simm.s32 $0x0  }
0xea: {  	[tilespmem:s29], [sflag:$0x3] =	stream.linear.gather [hbm4b:s30+s21], $0x80, $0x38;
	[tilespmem:$0x12E00] =	vst v63  }
.LBB2_34:
0xeb: {  	s1 =	sadd.s32 $0x1, s1  }
0xec: {  	p0 =	sne.s32 s1, $0x20  }
.Ltmp5:
0xed: {  	_ = 	snop;
	(pc) =	sbr.rel @!p0 .LBB2_35-.Ltmp5, $4  }
0xee: {  	s21 =	sadd.s32 $0x140, s21  }
0xef: {  	s22 =	sadd.s32 $0xA0, s22;
	s31 =	sadd.s32 $0x10, s31;
	s23 =	sadd.s32 $0x140, s23  }
0xf0: {  	s24 =	sadd.s32 $0xA0, s24;
	s25 =	sadd.s32 $0x140, s25;
	s26 =	sadd.s32 $0xA0, s26  }
0xf1: {  	s28 =	sadd.s32 $0x10, s28;
	s8 =	sadd.s32 $0x140, s8;
	s7 =	sadd.s32 $0xA0, s7  }
.LBB2_6:
0xf2: {  	_ =	swait.ge [sflag:s16], $0x5000  }
0xf3: {  	[sflag:s16] =	ssyncset.done $0x0  }
0xf4: {  	s0 =	simm.s32 $0x3;
	[sflag:s16] =	ssyncadd.s32 $0xFFFFB000  }
0xf5: {  	_ =	swait.ge [sflag:s0], $0x2800  }
0xf6: {  	[sflag:s0] =	ssyncset.done $0x0  }
0xf7: {  	[sflag:s0] =	ssyncadd.s32 $0xFFFFD800  }
0xf8: {  	v2 =	vld [tilespmem:s21+$0x0];
	_ =	sdelay $0x2  }
0xf9: {  	s0 =	simm.s32 $0x0  }
0xfa: {  	v3 =	vmov s0  }
0xfb: {  	vm0 =	veq.s32 v2, $0x0;
	v2 =	vshll.u32 v3, $0x7  }
0xfc: {  	v2 =	vor.u32 v0, v2  }
0xfd: {  	v3 =	vor.u32 $0x1, v2  }
0xfe: {  	v4 =	vor.u32 $0x2, v2  }
0xff: {  	v5 =	vor.u32 $0x3, v2  }
0x100: {  	v6 =	vor.u32 $0x4, v2  }
0x101: {  	v7 =	vor.u32 $0x5, v2;
	[tilespmem:v2+s13+$0x0] =	vst.idx.msk vm0, v1  }
0x102: {  	[tilespmem:v3+s13+$0x0] =	vst.idx.msk vm0, v1;
	v3 =	vor.u32 $0x6, v2  }
0x103: {  	v57 =	vor.u32 $0x7, v2;
	[tilespmem:v4+s13+$0x0] =	vst.idx.msk vm0, v1  }
0x104: {  	v58 =	vor.u32 $0x8, v2;
	[tilespmem:v5+s13+$0x0] =	vst.idx.msk vm0, v1  }
0x105: {  	v59 =	vor.u32 $0x9, v2;
	[tilespmem:v6+s13+$0x0] =	vst.idx.msk vm0, v1  }
0x106: {  	v60 =	vor.u32 $0xA, v2;
	[tilespmem:v7+s13+$0x0] =	vst.idx.msk vm0, v1  }
0x107: {  	[tilespmem:v3+s13+$0x0] =	vst.idx.msk vm0, v1;
	v3 =	vor.u32 $0xB, v2  }
0x108: {  	v61 =	vor.u32 $0xC, v2;
	[tilespmem:v57+s13+$0x0] =	vst.idx.msk vm0, v1  }
0x109: {  	v62 =	vor.u32 $0xD, v2;
	[tilespmem:v58+s13+$0x0] =	vst.idx.msk vm0, v1  }
0x10a: {  	v63 =	vor.u32 $0xE, v2;
	[tilespmem:v59+s13+$0x0] =	vst.idx.msk vm0, v1  }
0x10b: {  	[tilespmem:v60+s13+$0x0] =	vst.idx.msk vm0, v1  }
0x10c: {  	v2 =	vor.u32 $0xF, v2;
	[tilespmem:v3+s13+$0x0] =	vst.idx.msk vm0, v1  }
0x10d: {  	[tilespmem:v61+s13+$0x0] =	vst.idx.msk vm0, v1  }
0x10e: {  	[tilespmem:v62+s13+$0x0] =	vst.idx.msk vm0, v1  }
0x10f: {  	s5 =	simm.s32 $0x10;
	s6 =	smov.u32 s21;
	[tilespmem:v63+s13+$0x0] =	vst.idx.msk vm0, v1  }
.LBB2_7:
0x110: {  	p0 =	sne.s32 s5, $0x90  }
0x111: {  	[tilespmem:v2+s13+$0x0] =	vst.idx.msk vm0, v1;
	s6 =	sadd.s32 $0x10, s6;
	s9 =	smov.u32 s5;
	s5 =	sadd.s32 $0x10, s5  }
0x112: {  	v2 =	vld [tilespmem:s6+$0x0];
	_ =	sdelay $0x3  }
0x113: {  	v3 =	vmov s9  }
0x114: {  	vm0 =	veq.s32 v2, $0x0;
	v2 =	vshll.u32 v3, $0x7  }
0x115: {  	v2 =	vor.u32 v0, v2  }
0x116: {  	v3 =	vor.u32 $0x1, v2  }
0x117: {  	v4 =	vor.u32 $0x2, v2  }
0x118: {  	v5 =	vor.u32 $0x3, v2  }
0x119: {  	v6 =	vor.u32 $0x4, v2  }
0x11a: {  	v7 =	vor.u32 $0x5, v2;
	[tilespmem:v2+s13+$0x0] =	vst.idx.msk vm0, v1  }
0x11b: {  	[tilespmem:v3+s13+$0x0] =	vst.idx.msk vm0, v1;
	v3 =	vor.u32 $0x6, v2  }
0x11c: {  	[tilespmem:v4+s13+$0x0] =	vst.idx.msk vm0, v1;
	v4 =	vor.u32 $0x7, v2  }
0x11d: {  	[tilespmem:v5+s13+$0x0] =	vst.idx.msk vm0, v1;
	v5 =	vor.u32 $0x8, v2  }
0x11e: {  	[tilespmem:v6+s13+$0x0] =	vst.idx.msk vm0, v1;
	v6 =	vor.u32 $0x9, v2  }
0x11f: {  	[tilespmem:v7+s13+$0x0] =	vst.idx.msk vm0, v1;
	v7 =	vor.u32 $0xA, v2  }
0x120: {  	[tilespmem:v3+s13+$0x0] =	vst.idx.msk vm0, v1;
	v3 =	vor.u32 $0xB, v2  }
0x121: {  	[tilespmem:v4+s13+$0x0] =	vst.idx.msk vm0, v1;
	v4 =	vor.u32 $0xC, v2  }
0x122: {  	[tilespmem:v5+s13+$0x0] =	vst.idx.msk vm0, v1;
	v5 =	vor.u32 $0xD, v2  }
0x123: {  	[tilespmem:v6+s13+$0x0] =	vst.idx.msk vm0, v1;
	v6 =	vor.u32 $0xE, v2  }
.Ltmp6:
0x124: {  	v2 =	vor.u32 $0xF, v2;
	[tilespmem:v7+s13+$0x0] =	vst.idx.msk vm0, v1;
	(pc) =	sbr.rel @p0 .LBB2_7-.Ltmp6, $4  }
0x125: {  	[tilespmem:v3+s13+$0x0] =	vst.idx.msk vm0, v1  }
0x126: {  	[tilespmem:v4+s13+$0x0] =	vst.idx.msk vm0, v1  }
0x127: {  	[tilespmem:v5+s13+$0x0] =	vst.idx.msk vm0, v1  }
0x128: {  	[tilespmem:v6+s13+$0x0] =	vst.idx.msk vm0, v1  }
0x129: {  	_ =	sdelay $0x4  }
0x12a: {  	[tilespmem:v2+s13+$0x0] =	vst.idx.msk vm0, v1;
	s5 =	smov.u32 s22  }
.LBB2_9:
0x12b: {  	v2 =	vld [tilespmem:s5+$0x0];
	_ =	sdelay $0x3  }
0x12c: {  	v3 =	vmov s0  }
0x12d: {  	vm0 =	veq.s32 v2, $0x0;
	v2 =	vshll.u32 v3, $0x7  }
0x12e: {  	v2 =	vor.u32 v0, v2  }
0x12f: {  	v3 =	vor.u32 $0x1, v2  }
0x130: {  	v4 =	vor.u32 $0x2, v2  }
0x131: {  	v5 =	vor.u32 $0x3, v2  }
0x132: {  	v6 =	vor.u32 $0x4, v2  }
0x133: {  	v7 =	vor.u32 $0x5, v2;
	[tilespmem:v2+s14+$0x0] =	vst.idx.msk vm0, v1  }
0x134: {  	[tilespmem:v3+s14+$0x0] =	vst.idx.msk vm0, v1;
	v3 =	vor.u32 $0x6, v2  }
0x135: {  	v57 =	vor.u32 $0x7, v2;
	[tilespmem:v4+s14+$0x0] =	vst.idx.msk vm0, v1  }
0x136: {  	v58 =	vor.u32 $0x8, v2;
	[tilespmem:v5+s14+$0x0] =	vst.idx.msk vm0, v1  }
0x137: {  	v59 =	vor.u32 $0x9, v2;
	[tilespmem:v6+s14+$0x0] =	vst.idx.msk vm0, v1  }
0x138: {  	v60 =	vor.u32 $0xA, v2;
	[tilespmem:v7+s14+$0x0] =	vst.idx.msk vm0, v1  }
0x139: {  	[tilespmem:v3+s14+$0x0] =	vst.idx.msk vm0, v1;
	v3 =	vor.u32 $0xB, v2  }
0x13a: {  	v61 =	vor.u32 $0xC, v2;
	[tilespmem:v57+s14+$0x0] =	vst.idx.msk vm0, v1  }
0x13b: {  	v62 =	vor.u32 $0xD, v2;
	[tilespmem:v58+s14+$0x0] =	vst.idx.msk vm0, v1  }
0x13c: {  	v63 =	vor.u32 $0xE, v2;
	[tilespmem:v59+s14+$0x0] =	vst.idx.msk vm0, v1  }
0x13d: {  	p0 =	sne.s32 s0, $0x40;
	v2 =	vor.u32 $0xF, v2;
	[tilespmem:v60+s14+$0x0] =	vst.idx.msk vm0, v1  }
.Ltmp7:
0x13e: {  	[tilespmem:v3+s14+$0x0] =	vst.idx.msk vm0, v1;
	(pc) =	sbr.rel @p0 .LBB2_9-.Ltmp7, $4  }
0x13f: {  	[tilespmem:v61+s14+$0x0] =	vst.idx.msk vm0, v1  }
0x140: {  	[tilespmem:v62+s14+$0x0] =	vst.idx.msk vm0, v1  }
0x141: {  	[tilespmem:v63+s14+$0x0] =	vst.idx.msk vm0, v1  }
0x142: {  	s5 =	sadd.s32 $0x10, s5;
	s0 =	sadd.s32 $0x10, s0;
	[tilespmem:v2+s14+$0x0] =	vst.idx.msk vm0, v1  }
.Ltmp8:
0x143: {  	(pc) =	sbr.rel .LBB2_11-.Ltmp8, $4  }
0x144: {  	_ = 	snop  }
0x145: {  	s0 =	simm.s32 $0x0  }
0x146: {  	s5 =	simm.s32 $0x1;
	s6 =	simm.s32 $0xDE80;
	s9 =	simm.s32 $0x4100  }
0x147: {  	s10 =	smov.u32 s24;
	s29 =	smov.u32 s23;
	s30 =	simm.s32 $0x0  }
.LBB2_16:
0x148: {  	v2 =	vld [tilespmem:s29+$0x0];
	_ =	sdelay $0x4  }
0x149: {  	v2 =	vshll.u32 v2, $0x4  }
0x14a: {  	(v2sf) =	vpush v2, $0x0;
	_ =	sdelay $0x3  }
0x14b: {  	(v2sf) =	vpush v2, $0x1;
	_ =	sdelay $0x3  }
0x14c: {  	(v2sf) =	vpush v2, $0x2;
	_ =	sdelay $0x3  }
0x14d: {  	(v2sf) =	vpush v2, $0x3;
	_ =	sdelay $0x2  }
0x14e: {  	s11 =	spop (v2sf)  }
0x14f: {  	s20 =	sshra.s32 s0, $0x2;
	(v2sf) =	vpush v2, $0x4;
	s11 =	sand.u32 $0x1FFFFFF0, s11  }
0x150: {  	s12 =	sadd.s32 $0x9400, s20;
	s11 =	sadd.s32 s3, s11  }
0x151: {  	[tilespmem:s12], [sflag:$0x2] =	stream.linear.gather [hbm4b:s11+s2], $0x80, $0x38;
	[tilespmem:$0x12E00] =	vst v63  }
0x152: {  	s12 =	spop (v2sf)  }
0x153: {  	(v2sf) =	vpush v2, $0x5;
	s11 =	sand.u32 $0x1FFFFFF0, s12  }
0x154: {  	s12 =	sadd.s32 $0x9480, s20;
	s11 =	sadd.s32 s3, s11  }
0x155: {  	[tilespmem:s12], [sflag:$0x2] =	stream.linear.gather [hbm4b:s11+s2], $0x80, $0x38;
	[tilespmem:$0x12E00] =	vst v63  }
0x156: {  	s12 =	spop (v2sf)  }
0x157: {  	(v2sf) =	vpush v2, $0x6;
	s11 =	sand.u32 $0x1FFFFFF0, s12  }
0x158: {  	s12 =	sadd.s32 $0x9500, s20;
	s11 =	sadd.s32 s3, s11  }
0x159: {  	[tilespmem:s12], [sflag:$0x2] =	stream.linear.gather [hbm4b:s11+s2], $0x80, $0x38;
	[tilespmem:$0x12E00] =	vst v63  }
0x15a: {  	s12 =	spop (v2sf)  }
0x15b: {  	(v2sf) =	vpush v2, $0x7;
	s11 =	sand.u32 $0x1FFFFFF0, s12  }
0x15c: {  	s12 =	sadd.s32 $0x9580, s20;
	s11 =	sadd.s32 s3, s11  }
0x15d: {  	[tilespmem:s12], [sflag:$0x2] =	stream.linear.gather [hbm4b:s11+s2], $0x80, $0x38;
	[tilespmem:$0x12E00] =	vst v63  }
0x15e: {  	s12 =	spop (v2sf)  }
0x15f: {  	(v2sf) =	vpush v2, $0x8;
	s11 =	sand.u32 $0x1FFFFFF0, s12  }
0x160: {  	s12 =	sadd.s32 $0x9600, s20;
	s11 =	sadd.s32 s3, s11  }
0x161: {  	[tilespmem:s12], [sflag:$0x2] =	stream.linear.gather [hbm4b:s11+s2], $0x80, $0x38;
	[tilespmem:$0x12E00] =	vst v63  }
0x162: {  	s12 =	spop (v2sf)  }
0x163: {  	(v2sf) =	vpush v2, $0x9;
	s11 =	sand.u32 $0x1FFFFFF0, s12  }
0x164: {  	s12 =	sadd.s32 $0x9680, s20;
	s11 =	sadd.s32 s3, s11  }
0x165: {  	[tilespmem:s12], [sflag:$0x2] =	stream.linear.gather [hbm4b:s11+s2], $0x80, $0x38;
	[tilespmem:$0x12E00] =	vst v63  }
0x166: {  	s12 =	spop (v2sf)  }
0x167: {  	(v2sf) =	vpush v2, $0xA;
	s11 =	sand.u32 $0x1FFFFFF0, s12  }
0x168: {  	s12 =	sadd.s32 $0x9700, s20;
	s11 =	sadd.s32 s3, s11  }
0x169: {  	[tilespmem:s12], [sflag:$0x2] =	stream.linear.gather [hbm4b:s11+s2], $0x80, $0x38;
	[tilespmem:$0x12E00] =	vst v63  }
0x16a: {  	s12 =	spop (v2sf)  }
0x16b: {  	(v2sf) =	vpush v2, $0xB;
	s11 =	sand.u32 $0x1FFFFFF0, s12  }
0x16c: {  	s12 =	sadd.s32 $0x9780, s20;
	s11 =	sadd.s32 s3, s11  }
0x16d: {  	[tilespmem:s12], [sflag:$0x2] =	stream.linear.gather [hbm4b:s11+s2], $0x80, $0x38;
	[tilespmem:$0x12E00] =	vst v63  }
0x16e: {  	s12 =	spop (v2sf)  }
0x16f: {  	(v2sf) =	vpush v2, $0xC;
	s11 =	sand.u32 $0x1FFFFFF0, s12  }
0x170: {  	s12 =	sadd.s32 $0x9800, s20;
	s11 =	sadd.s32 s3, s11  }
0x171: {  	[tilespmem:s12], [sflag:$0x2] =	stream.linear.gather [hbm4b:s11+s2], $0x80, $0x38;
	[tilespmem:$0x12E00] =	vst v63  }
0x172: {  	s12 =	spop (v2sf)  }
0x173: {  	(v2sf) =	vpush v2, $0xD;
	s11 =	sand.u32 $0x1FFFFFF0, s12  }
0x174: {  	s12 =	sadd.s32 $0x9880, s20;
	s11 =	sadd.s32 s3, s11  }
0x175: {  	[tilespmem:s12], [sflag:$0x2] =	stream.linear.gather [hbm4b:s11+s2], $0x80, $0x38;
	[tilespmem:$0x12E00] =	vst v63  }
0x176: {  	s12 =	spop (v2sf)  }
0x177: {  	(v2sf) =	vpush v2, $0xE;
	s11 =	sand.u32 $0x1FFFFFF0, s12  }
0x178: {  	s12 =	sadd.s32 $0x9900, s20;
	s11 =	sadd.s32 s3, s11  }
0x179: {  	[tilespmem:s12], [sflag:$0x2] =	stream.linear.gather [hbm4b:s11+s2], $0x80, $0x38;
	[tilespmem:$0x12E00] =	vst v63  }
0x17a: {  	s12 =	spop (v2sf)  }
0x17b: {  	(v2sf) =	vpush v2, $0xF;
	s11 =	sand.u32 $0x1FFFFFF0, s12  }
0x17c: {  	s12 =	sadd.s32 $0x9980, s20;
	s11 =	sadd.s32 s3, s11  }
0x17d: {  	[tilespmem:s12], [sflag:$0x2] =	stream.linear.gather [hbm4b:s11+s2], $0x80, $0x38;
	[tilespmem:$0x12E00] =	vst v63  }
0x17e: {  	s12 =	spop (v2sf)  }
0x17f: {  	s11 =	sand.u32 $0x1FFFFFF0, s12  }
0x180: {  	s12 =	sadd.s32 $0x9A00, s20;
	s11 =	sadd.s32 s3, s11  }
0x181: {  	[tilespmem:s12], [sflag:$0x2] =	stream.linear.gather [hbm4b:s11+s2], $0x80, $0x38;
	[tilespmem:$0x12E00] =	vst v63  }
0x182: {  	s12 =	spop (v2sf)  }
0x183: {  	s11 =	sand.u32 $0x1FFFFFF0, s12  }
0x184: {  	s12 =	sadd.s32 $0x9A80, s20;
	s11 =	sadd.s32 s3, s11  }
0x185: {  	[tilespmem:s12], [sflag:$0x2] =	stream.linear.gather [hbm4b:s11+s2], $0x80, $0x38;
	[tilespmem:$0x12E00] =	vst v63  }
0x186: {  	s12 =	spop (v2sf)  }
0x187: {  	s11 =	sand.u32 $0x1FFFFFF0, s12  }
0x188: {  	s12 =	sadd.s32 $0x9B00, s20;
	s11 =	sadd.s32 s3, s11  }
0x189: {  	[tilespmem:s12], [sflag:$0x2] =	stream.linear.gather [hbm4b:s11+s2], $0x80, $0x38;
	[tilespmem:$0x12E00] =	vst v63  }
0x18a: {  	s12 =	spop (v2sf)  }
0x18b: {  	s11 =	sand.u32 $0x1FFFFFF0, s12  }
0x18c: {  	s20 =	sadd.s32 $0x9B80, s20;
	s11 =	sadd.s32 s3, s11  }
0x18d: {  	[tilespmem:s20], [sflag:$0x2] =	stream.linear.gather [hbm4b:s11+s2], $0x80, $0x38;
	[tilespmem:$0x12E00] =	vst v63  }
.LBB2_19:
0x18e: {  	v2 =	vld [tilespmem:s9+$0xFFFFFB00];
	_ =	sdelay $0x1  }
0x18f: {  	v3 =	vld [tilespmem:s9+$0xFFFFFB80];
	_ =	sdelay $0x1  }
0x190: {  	v4 =	vld [tilespmem:s9+$0xFFFFFC00]  }
0x191: {  	v5 =	vadd.f32 $0.0e+00, v2  }
0x192: {  	v6 =	vld [tilespmem:s9+$0xFFFFFC80]  }
0x193: {  	v2 =	vmul.f32 v2, v2;
	v5 =	vadd.f32 v3, v5;
	v3 =	vmul.f32 v3, v3  }
0x194: {  	v7 =	vld [tilespmem:s9+$0xFFFFFD00]  }
0x195: {  	v2 =	vadd.f32 v3, v2;
	v3 =	vadd.f32 v4, v5;
	v4 =	vmul.f32 v4, v4  }
0x196: {  	v12 =	vld [tilespmem:s9+$0xFFFFFD80]  }
0x197: {  	v13 =	vmul.f32 v6, v6;
	v2 =	vadd.f32 v4, v2;
	v3 =	vadd.f32 v6, v3  }
0x198: {  	v14 =	vld [tilespmem:s9+$0xFFFFFE00]  }
0x199: {  	v15 =	vmul.f32 v7, v7;
	v2 =	vadd.f32 v13, v2;
	v3 =	vadd.f32 v7, v3  }
0x19a: {  	v16 =	vld [tilespmem:s9+$0xFFFFFE80]  }
0x19b: {  	v17 =	vmul.f32 v12, v12;
	v2 =	vadd.f32 v15, v2;
	v3 =	vadd.f32 v12, v3  }
0x19c: {  	v18 =	vld [tilespmem:s9+$0xFFFFFF00]  }
0x19d: {  	v19 =	vmul.f32 v14, v14;
	v2 =	vadd.f32 v17, v2;
	v3 =	vadd.f32 v14, v3  }
0x19e: {  	v20 =	vld [tilespmem:s9+$0xFFFFFF80]  }
0x19f: {  	v21 =	vmul.f32 v16, v16;
	v2 =	vadd.f32 v19, v2;
	v3 =	vadd.f32 v16, v3  }
0x1a0: {  	v22 =	vld [tilespmem:s9+$0x0]  }
0x1a1: {  	v23 =	vmul.f32 v18, v18;
	v2 =	vadd.f32 v21, v2;
	v3 =	vadd.f32 v18, v3  }
0x1a2: {  	v24 =	vld [tilespmem:s9+$0x80]  }
0x1a3: {  	v25 =	vmul.f32 v20, v20;
	v2 =	vadd.f32 v23, v2;
	v3 =	vadd.f32 v20, v3  }
0x1a4: {  	v26 =	vld [tilespmem:s9+$0x100]  }
0x1a5: {  	v27 =	vmul.f32 v22, v22;
	v2 =	vadd.f32 v25, v2;
	v3 =	vadd.f32 v22, v3  }
0x1a6: {  	v28 =	vld [tilespmem:s9+$0x180]  }
0x1a7: {  	v29 =	vmul.f32 v24, v24;
	v2 =	vadd.f32 v27, v2;
	v3 =	vadd.f32 v24, v3  }
0x1a8: {  	v30 =	vld [tilespmem:s9+$0x200]  }
0x1a9: {  	v31 =	vmul.f32 v26, v26;
	v2 =	vadd.f32 v29, v2;
	v3 =	vadd.f32 v26, v3  }
0x1aa: {  	v32 =	vld [tilespmem:s9+$0x280]  }
0x1ab: {  	v33 =	vmul.f32 v28, v28;
	v2 =	vadd.f32 v31, v2;
	v3 =	vadd.f32 v28, v3  }
0x1ac: {  	v34 =	vld [tilespmem:s9+$0x300]  }
0x1ad: {  	v35 =	vmul.f32 v30, v30;
	v2 =	vadd.f32 v33, v2;
	v3 =	vadd.f32 v30, v3  }
0x1ae: {  	v36 =	vld [tilespmem:s9+$0x380]  }
0x1af: {  	v37 =	vmul.f32 v32, v32;
	v2 =	vadd.f32 v35, v2;
	v3 =	vadd.f32 v32, v3  }
0x1b0: {  	v38 =	vld [tilespmem:s9+$0x400]  }
0x1b1: {  	v39 =	vmul.f32 v34, v34;
	v2 =	vadd.f32 v37, v2;
	v3 =	vadd.f32 v34, v3  }
0x1b2: {  	v40 =	vld [tilespmem:s9+$0x480]  }
0x1b3: {  	v41 =	vmul.f32 v36, v36;
	v2 =	vadd.f32 v39, v2;
	v3 =	vadd.f32 v36, v3  }
0x1b4: {  	v42 =	vld [tilespmem:s6+$0xFFFFFD80]  }
0x1b5: {  	v43 =	vmul.f32 v38, v38;
	v2 =	vadd.f32 v41, v2;
	v3 =	vadd.f32 v38, v3  }
0x1b6: {  	v44 =	vld [tilespmem:s6+$0xFFFFFE00]  }
0x1b7: {  	v45 =	vmul.f32 v40, v40;
	v2 =	vadd.f32 v43, v2;
	v3 =	vadd.f32 v40, v3  }
0x1b8: {  	v46 =	vld [tilespmem:s6+$0xFFFFFE80]  }
0x1b9: {  	v47 =	vmul.f32 v42, v42;
	v2 =	vadd.f32 v45, v2;
	v3 =	vadd.f32 v42, v3  }
0x1ba: {  	v48 =	vld [tilespmem:s6+$0xFFFFFF00]  }
0x1bb: {  	v49 =	vmul.f32 v44, v44;
	v2 =	vadd.f32 v47, v2;
	v3 =	vadd.f32 v44, v3  }
0x1bc: {  	v50 =	vld [tilespmem:s6+$0xFFFFFF80]  }
0x1bd: {  	v51 =	vmul.f32 v46, v46;
	v2 =	vadd.f32 v49, v2;
	v3 =	vadd.f32 v46, v3  }
0x1be: {  	v52 =	vld [tilespmem:s6+$0x0]  }
0x1bf: {  	v53 =	vmul.f32 v48, v48;
	v2 =	vadd.f32 v51, v2;
	v3 =	vadd.f32 v48, v3  }
0x1c0: {  	v54 =	vld [tilespmem:s6+$0x80]  }
0x1c1: {  	v55 =	vmul.f32 v50, v50;
	v2 =	vadd.f32 v53, v2;
	v3 =	vadd.f32 v50, v3  }
0x1c2: {  	v56 =	vld [tilespmem:s6+$0x100]  }
0x1c3: {  	v57 =	vmul.f32 v52, v52;
	v2 =	vadd.f32 v55, v2;
	v3 =	vadd.f32 v52, v3  }
0x1c4: {  	v58 =	vld [tilespmem:s6+$0x180]  }
0x1c5: {  	v59 =	vmul.f32 v54, v54;
	v2 =	vadd.f32 v57, v2;
	v3 =	vadd.f32 v54, v3  }
0x1c6: {  	v60 =	vld [tilespmem:s6+$0x200]  }
0x1c7: {  	v61 =	vmul.f32 v56, v56;
	v2 =	vadd.f32 v59, v2;
	v3 =	vadd.f32 v56, v3;
	_ =	sdelay $0x1  }
0x1c8: {  	v62 =	vmul.f32 v58, v58;
	v2 =	vadd.f32 v61, v2;
	v3 =	vadd.f32 v58, v3;
	_ =	sdelay $0x1  }
0x1c9: {  	v63 =	vmul.f32 v60, v60;
	v2 =	vadd.f32 v62, v2;
	v3 =	vadd.f32 v60, v3;
	_ =	sdelay $0x1  }
0x1ca: {  	v2 =	vadd.f32 v63, v2;
	v3 =	vmul.f32 v3, v3;
	_ =	sdelay $0x1  }
0x1cb: {  	v2 =	vsub.f32 v3, v2;
	_ =	sdelay $0x1  }
0x1cc: {  	(xrf2) =	vadd.scan.msk.f32 $0xffff, v2;
	_ =	sdelay $0x9  }
0x1cd: {  	v2, _, _ =	vpop (xrf2)  }
0x1ce: {  	(v2sf) =	vpush v2, $0xF;
	_ =	sdelay $0xc  }
0x1cf: {  	s11 =	sadd.s32 s30, s31;
	s0 =	sadd.s32 $0x4000, s0  }
0x1d0: {  	p0 =	sne.s32 s0, $0x20000;
	v2 =	vmov s11  }
.Ltmp9:
0x1d1: {  	s20 =	spop (v2sf);
	(pc) =	sbr.rel @!p0 .LBB2_20-.Ltmp9, $3  }
0x1d2: {  	s11 =	smul.f32 $5.000000000e-01, s20;
	_ =	sdelay $0x1  }
0x1d3: {  	s30 =	sadd.s32 $0x1, s30;
	s5 =	sadd.s32 $0x2, s5;
	s6 =	sadd.s32 $0x500, s6;
	v3 =	vmov s11  }
0x1d4: {  	s29 =	sadd.s32 $0x20, s29;
	s10 =	sadd.s32 $0x20, s10;
	s9 =	sadd.s32 $0xA00, s9;
	[tilespmem:v2+s15+$0x0] =	vst.idx.msk $0x1, v3  }
.LBB2_11:
0x1d5: {  	p0 =	sgt.u32 s30, $0x4  }
.Ltmp10:
0x1d6: {  	_ = 	snop;
	(pc) =	sbr.rel @p0 .LBB2_13-.Ltmp10, $1  }
0x1d7: {  	_ =	sdelay $0x3  }
0x1d8: {  	v2 =	vld [tilespmem:s29+$0xFFFFFFF0];
	_ =	sdelay $0x4  }
0x1d9: {  	v2 =	vshll.u32 v2, $0x4  }
0x1da: {  	(v2sf) =	vpush v2, $0x0;
	_ =	sdelay $0x3  }
0x1db: {  	(v2sf) =	vpush v2, $0x1;
	_ =	sdelay $0x3  }
0x1dc: {  	(v2sf) =	vpush v2, $0x2;
	_ =	sdelay $0x3  }
0x1dd: {  	(v2sf) =	vpush v2, $0x3;
	_ =	sdelay $0x2  }
0x1de: {  	s11 =	spop (v2sf)  }
0x1df: {  	s20 =	sshra.s32 s0, $0x2;
	(v2sf) =	vpush v2, $0x4;
	s11 =	sand.u32 $0x1FFFFFF0, s11  }
0x1e0: {  	s12 =	sadd.s32 $0x8C00, s20;
	s11 =	sadd.s32 s3, s11  }
0x1e1: {  	[tilespmem:s12], [sflag:$0x2] =	stream.linear.gather [hbm4b:s11+s2], $0x80, $0x38;
	[tilespmem:$0x12E00] =	vst v63  }
0x1e2: {  	s12 =	spop (v2sf)  }
0x1e3: {  	(v2sf) =	vpush v2, $0x5;
	s11 =	sand.u32 $0x1FFFFFF0, s12  }
0x1e4: {  	s12 =	sadd.s32 $0x8C80, s20;
	s11 =	sadd.s32 s3, s11  }
0x1e5: {  	[tilespmem:s12], [sflag:$0x2] =	stream.linear.gather [hbm4b:s11+s2], $0x80, $0x38;
	[tilespmem:$0x12E00] =	vst v63  }
0x1e6: {  	s12 =	spop (v2sf)  }
0x1e7: {  	(v2sf) =	vpush v2, $0x6;
	s11 =	sand.u32 $0x1FFFFFF0, s12  }
0x1e8: {  	s12 =	sadd.s32 $0x8D00, s20;
	s11 =	sadd.s32 s3, s11  }
0x1e9: {  	[tilespmem:s12], [sflag:$0x2] =	stream.linear.gather [hbm4b:s11+s2], $0x80, $0x38;
	[tilespmem:$0x12E00] =	vst v63  }
0x1ea: {  	s12 =	spop (v2sf)  }
0x1eb: {  	(v2sf) =	vpush v2, $0x7;
	s11 =	sand.u32 $0x1FFFFFF0, s12  }
0x1ec: {  	s12 =	sadd.s32 $0x8D80, s20;
	s11 =	sadd.s32 s3, s11  }
0x1ed: {  	[tilespmem:s12], [sflag:$0x2] =	stream.linear.gather [hbm4b:s11+s2], $0x80, $0x38;
	[tilespmem:$0x12E00] =	vst v63  }
0x1ee: {  	s12 =	spop (v2sf)  }
0x1ef: {  	(v2sf) =	vpush v2, $0x8;
	s11 =	sand.u32 $0x1FFFFFF0, s12  }
0x1f0: {  	s12 =	sadd.s32 $0x8E00, s20;
	s11 =	sadd.s32 s3, s11  }
0x1f1: {  	[tilespmem:s12], [sflag:$0x2] =	stream.linear.gather [hbm4b:s11+s2], $0x80, $0x38;
	[tilespmem:$0x12E00] =	vst v63  }
0x1f2: {  	s12 =	spop (v2sf)  }
0x1f3: {  	(v2sf) =	vpush v2, $0x9;
	s11 =	sand.u32 $0x1FFFFFF0, s12  }
0x1f4: {  	s12 =	sadd.s32 $0x8E80, s20;
	s11 =	sadd.s32 s3, s11  }
0x1f5: {  	[tilespmem:s12], [sflag:$0x2] =	stream.linear.gather [hbm4b:s11+s2], $0x80, $0x38;
	[tilespmem:$0x12E00] =	vst v63  }
0x1f6: {  	s12 =	spop (v2sf)  }
0x1f7: {  	(v2sf) =	vpush v2, $0xA;
	s11 =	sand.u32 $0x1FFFFFF0, s12  }
0x1f8: {  	s12 =	sadd.s32 $0x8F00, s20;
	s11 =	sadd.s32 s3, s11  }
0x1f9: {  	[tilespmem:s12], [sflag:$0x2] =	stream.linear.gather [hbm4b:s11+s2], $0x80, $0x38;
	[tilespmem:$0x12E00] =	vst v63  }
0x1fa: {  	s12 =	spop (v2sf)  }
0x1fb: {  	(v2sf) =	vpush v2, $0xB;
	s11 =	sand.u32 $0x1FFFFFF0, s12  }
0x1fc: {  	s12 =	sadd.s32 $0x8F80, s20;
	s11 =	sadd.s32 s3, s11  }
0x1fd: {  	[tilespmem:s12], [sflag:$0x2] =	stream.linear.gather [hbm4b:s11+s2], $0x80, $0x38;
	[tilespmem:$0x12E00] =	vst v63  }
0x1fe: {  	s12 =	spop (v2sf)  }
0x1ff: {  	(v2sf) =	vpush v2, $0xC;
	s11 =	sand.u32 $0x1FFFFFF0, s12  }
0x200: {  	s12 =	sadd.s32 $0x9000, s20;
	s11 =	sadd.s32 s3, s11  }
0x201: {  	[tilespmem:s12], [sflag:$0x2] =	stream.linear.gather [hbm4b:s11+s2], $0x80, $0x38;
	[tilespmem:$0x12E00] =	vst v63  }
0x202: {  	s12 =	spop (v2sf)  }
0x203: {  	(v2sf) =	vpush v2, $0xD;
	s11 =	sand.u32 $0x1FFFFFF0, s12  }
0x204: {  	s12 =	sadd.s32 $0x9080, s20;
	s11 =	sadd.s32 s3, s11  }
0x205: {  	[tilespmem:s12], [sflag:$0x2] =	stream.linear.gather [hbm4b:s11+s2], $0x80, $0x38;
	[tilespmem:$0x12E00] =	vst v63  }
0x206: {  	s12 =	spop (v2sf)  }
0x207: {  	(v2sf) =	vpush v2, $0xE;
	s11 =	sand.u32 $0x1FFFFFF0, s12  }
0x208: {  	s12 =	sadd.s32 $0x9100, s20;
	s11 =	sadd.s32 s3, s11  }
0x209: {  	[tilespmem:s12], [sflag:$0x2] =	stream.linear.gather [hbm4b:s11+s2], $0x80, $0x38;
	[tilespmem:$0x12E00] =	vst v63  }
0x20a: {  	s12 =	spop (v2sf)  }
0x20b: {  	(v2sf) =	vpush v2, $0xF;
	s11 =	sand.u32 $0x1FFFFFF0, s12  }
0x20c: {  	s12 =	sadd.s32 $0x9180, s20;
	s11 =	sadd.s32 s3, s11  }
0x20d: {  	[tilespmem:s12], [sflag:$0x2] =	stream.linear.gather [hbm4b:s11+s2], $0x80, $0x38;
	[tilespmem:$0x12E00] =	vst v63  }
0x20e: {  	s12 =	spop (v2sf)  }
0x20f: {  	s11 =	sand.u32 $0x1FFFFFF0, s12  }
0x210: {  	s12 =	sadd.s32 $0x9200, s20;
	s11 =	sadd.s32 s3, s11  }
0x211: {  	[tilespmem:s12], [sflag:$0x2] =	stream.linear.gather [hbm4b:s11+s2], $0x80, $0x38;
	[tilespmem:$0x12E00] =	vst v63  }
0x212: {  	s12 =	spop (v2sf)  }
0x213: {  	s11 =	sand.u32 $0x1FFFFFF0, s12  }
0x214: {  	s12 =	sadd.s32 $0x9280, s20;
	s11 =	sadd.s32 s3, s11  }
0x215: {  	[tilespmem:s12], [sflag:$0x2] =	stream.linear.gather [hbm4b:s11+s2], $0x80, $0x38;
	[tilespmem:$0x12E00] =	vst v63  }
0x216: {  	s12 =	spop (v2sf)  }
0x217: {  	s11 =	sand.u32 $0x1FFFFFF0, s12  }
0x218: {  	s12 =	sadd.s32 $0x9300, s20;
	s11 =	sadd.s32 s3, s11  }
0x219: {  	[tilespmem:s12], [sflag:$0x2] =	stream.linear.gather [hbm4b:s11+s2], $0x80, $0x38;
	[tilespmem:$0x12E00] =	vst v63  }
0x21a: {  	s12 =	spop (v2sf)  }
0x21b: {  	s11 =	sand.u32 $0x1FFFFFF0, s12  }
0x21c: {  	s20 =	sadd.s32 $0x9380, s20;
	s11 =	sadd.s32 s3, s11  }
0x21d: {  	[tilespmem:s20], [sflag:$0x2] =	stream.linear.gather [hbm4b:s11+s2], $0x80, $0x38;
	[tilespmem:$0x12E00] =	vst v63  }
.LBB2_13:
0x21e: {  	s11 =	sadd.s32 $0xFFFFFFF5, s5  }
0x21f: {  	p1 =	sgt.u32 s11, $0x4  }
.Ltmp11:
0x220: {  	_ = 	snop;
	(pc) =	sbr.rel @p1 .LBB2_15-.Ltmp11, $1  }
0x221: {  	_ =	sdelay $0x3  }
0x222: {  	v2 =	vld [tilespmem:s10+$0x0];
	_ =	sdelay $0x4  }
0x223: {  	v2 =	vshll.u32 v2, $0x4  }
0x224: {  	(v2sf) =	vpush v2, $0x0;
	_ =	sdelay $0x3  }
0x225: {  	(v2sf) =	vpush v2, $0x1;
	_ =	sdelay $0x3  }
0x226: {  	(v2sf) =	vpush v2, $0x2;
	_ =	sdelay $0x3  }
0x227: {  	(v2sf) =	vpush v2, $0x3;
	_ =	sdelay $0x2  }
0x228: {  	s11 =	spop (v2sf)  }
0x229: {  	s20 =	sshra.s32 s0, $0x2;
	(v2sf) =	vpush v2, $0x4;
	s11 =	sand.u32 $0x1FFFFFF0, s11  }
0x22a: {  	s12 =	sadd.s32 $0xB400, s20;
	s11 =	sadd.s32 s4, s11  }
0x22b: {  	[tilespmem:s12], [sflag:$0x4] =	stream.linear.gather [hbm4b:s11+s2], $0x80, $0x38;
	[tilespmem:$0x12E00] =	vst v63  }
0x22c: {  	s12 =	spop (v2sf)  }
0x22d: {  	(v2sf) =	vpush v2, $0x5;
	s11 =	sand.u32 $0x1FFFFFF0, s12  }
0x22e: {  	s12 =	sadd.s32 $0xB480, s20;
	s11 =	sadd.s32 s4, s11  }
0x22f: {  	[tilespmem:s12], [sflag:$0x4] =	stream.linear.gather [hbm4b:s11+s2], $0x80, $0x38;
	[tilespmem:$0x12E00] =	vst v63  }
0x230: {  	s12 =	spop (v2sf)  }
0x231: {  	(v2sf) =	vpush v2, $0x6;
	s11 =	sand.u32 $0x1FFFFFF0, s12  }
0x232: {  	s12 =	sadd.s32 $0xB500, s20;
	s11 =	sadd.s32 s4, s11  }
0x233: {  	[tilespmem:s12], [sflag:$0x4] =	stream.linear.gather [hbm4b:s11+s2], $0x80, $0x38;
	[tilespmem:$0x12E00] =	vst v63  }
0x234: {  	s12 =	spop (v2sf)  }
0x235: {  	(v2sf) =	vpush v2, $0x7;
	s11 =	sand.u32 $0x1FFFFFF0, s12  }
0x236: {  	s12 =	sadd.s32 $0xB580, s20;
	s11 =	sadd.s32 s4, s11  }
0x237: {  	[tilespmem:s12], [sflag:$0x4] =	stream.linear.gather [hbm4b:s11+s2], $0x80, $0x38;
	[tilespmem:$0x12E00] =	vst v63  }
0x238: {  	s12 =	spop (v2sf)  }
0x239: {  	(v2sf) =	vpush v2, $0x8;
	s11 =	sand.u32 $0x1FFFFFF0, s12  }
0x23a: {  	s12 =	sadd.s32 $0xB600, s20;
	s11 =	sadd.s32 s4, s11  }
0x23b: {  	[tilespmem:s12], [sflag:$0x4] =	stream.linear.gather [hbm4b:s11+s2], $0x80, $0x38;
	[tilespmem:$0x12E00] =	vst v63  }
0x23c: {  	s12 =	spop (v2sf)  }
0x23d: {  	(v2sf) =	vpush v2, $0x9;
	s11 =	sand.u32 $0x1FFFFFF0, s12  }
0x23e: {  	s12 =	sadd.s32 $0xB680, s20;
	s11 =	sadd.s32 s4, s11  }
0x23f: {  	[tilespmem:s12], [sflag:$0x4] =	stream.linear.gather [hbm4b:s11+s2], $0x80, $0x38;
	[tilespmem:$0x12E00] =	vst v63  }
0x240: {  	s12 =	spop (v2sf)  }
0x241: {  	(v2sf) =	vpush v2, $0xA;
	s11 =	sand.u32 $0x1FFFFFF0, s12  }
0x242: {  	s12 =	sadd.s32 $0xB700, s20;
	s11 =	sadd.s32 s4, s11  }
0x243: {  	[tilespmem:s12], [sflag:$0x4] =	stream.linear.gather [hbm4b:s11+s2], $0x80, $0x38;
	[tilespmem:$0x12E00] =	vst v63  }
0x244: {  	s12 =	spop (v2sf)  }
0x245: {  	(v2sf) =	vpush v2, $0xB;
	s11 =	sand.u32 $0x1FFFFFF0, s12  }
0x246: {  	s12 =	sadd.s32 $0xB780, s20;
	s11 =	sadd.s32 s4, s11  }
0x247: {  	[tilespmem:s12], [sflag:$0x4] =	stream.linear.gather [hbm4b:s11+s2], $0x80, $0x38;
	[tilespmem:$0x12E00] =	vst v63  }
0x248: {  	s12 =	spop (v2sf)  }
0x249: {  	(v2sf) =	vpush v2, $0xC;
	s11 =	sand.u32 $0x1FFFFFF0, s12  }
0x24a: {  	s12 =	sadd.s32 $0xB800, s20;
	s11 =	sadd.s32 s4, s11  }
0x24b: {  	[tilespmem:s12], [sflag:$0x4] =	stream.linear.gather [hbm4b:s11+s2], $0x80, $0x38;
	[tilespmem:$0x12E00] =	vst v63  }
0x24c: {  	s12 =	spop (v2sf)  }
0x24d: {  	(v2sf) =	vpush v2, $0xD;
	s11 =	sand.u32 $0x1FFFFFF0, s12  }
0x24e: {  	s12 =	sadd.s32 $0xB880, s20;
	s11 =	sadd.s32 s4, s11  }
0x24f: {  	[tilespmem:s12], [sflag:$0x4] =	stream.linear.gather [hbm4b:s11+s2], $0x80, $0x38;
	[tilespmem:$0x12E00] =	vst v63  }
0x250: {  	s12 =	spop (v2sf)  }
0x251: {  	(v2sf) =	vpush v2, $0xE;
	s11 =	sand.u32 $0x1FFFFFF0, s12  }
0x252: {  	s12 =	sadd.s32 $0xB900, s20;
	s11 =	sadd.s32 s4, s11  }
0x253: {  	[tilespmem:s12], [sflag:$0x4] =	stream.linear.gather [hbm4b:s11+s2], $0x80, $0x38;
	[tilespmem:$0x12E00] =	vst v63  }
0x254: {  	s12 =	spop (v2sf)  }
0x255: {  	(v2sf) =	vpush v2, $0xF;
	s11 =	sand.u32 $0x1FFFFFF0, s12  }
0x256: {  	s12 =	sadd.s32 $0xB980, s20;
	s11 =	sadd.s32 s4, s11  }
0x257: {  	[tilespmem:s12], [sflag:$0x4] =	stream.linear.gather [hbm4b:s11+s2], $0x80, $0x38;
	[tilespmem:$0x12E00] =	vst v63  }
0x258: {  	s12 =	spop (v2sf)  }
0x259: {  	s11 =	sand.u32 $0x1FFFFFF0, s12  }
0x25a: {  	s12 =	sadd.s32 $0xBA00, s20;
	s11 =	sadd.s32 s4, s11  }
0x25b: {  	[tilespmem:s12], [sflag:$0x4] =	stream.linear.gather [hbm4b:s11+s2], $0x80, $0x38;
	[tilespmem:$0x12E00] =	vst v63  }
0x25c: {  	s12 =	spop (v2sf)  }
0x25d: {  	s11 =	sand.u32 $0x1FFFFFF0, s12  }
0x25e: {  	s12 =	sadd.s32 $0xBA80, s20;
	s11 =	sadd.s32 s4, s11  }
0x25f: {  	[tilespmem:s12], [sflag:$0x4] =	stream.linear.gather [hbm4b:s11+s2], $0x80, $0x38;
	[tilespmem:$0x12E00] =	vst v63  }
0x260: {  	s12 =	spop (v2sf)  }
0x261: {  	s11 =	sand.u32 $0x1FFFFFF0, s12  }
0x262: {  	s12 =	sadd.s32 $0xBB00, s20;
	s11 =	sadd.s32 s4, s11  }
0x263: {  	[tilespmem:s12], [sflag:$0x4] =	stream.linear.gather [hbm4b:s11+s2], $0x80, $0x38;
	[tilespmem:$0x12E00] =	vst v63  }
0x264: {  	s12 =	spop (v2sf)  }
0x265: {  	s11 =	sand.u32 $0x1FFFFFF0, s12  }
0x266: {  	s20 =	sadd.s32 $0xBB80, s20;
	s11 =	sadd.s32 s4, s11  }
0x267: {  	[tilespmem:s20], [sflag:$0x4] =	stream.linear.gather [hbm4b:s11+s2], $0x80, $0x38;
	[tilespmem:$0x12E00] =	vst v63  }
.LBB2_15:
.Ltmp12:
0x268: {  	(pc) =	sbr.rel @!p0 .LBB2_16-.Ltmp12, $1  }
0x269: {  	_ =	sdelay $0x3  }
0x26a: {  	p0 =	sgt.u32 s5, $0xE  }
.Ltmp13:
0x26b: {  	_ = 	snop;
	(pc) =	sbr.rel @p0 .LBB2_19-.Ltmp13, $1  }
0x26c: {  	_ =	sdelay $0x3  }
0x26d: {  	v2 =	vld [tilespmem:s10+$0x10];
	_ =	sdelay $0x4  }
0x26e: {  	v2 =	vshll.u32 v2, $0x4  }
0x26f: {  	(v2sf) =	vpush v2, $0x0;
	_ =	sdelay $0x3  }
0x270: {  	(v2sf) =	vpush v2, $0x1;
	_ =	sdelay $0x3  }
0x271: {  	(v2sf) =	vpush v2, $0x2;
	_ =	sdelay $0x3  }
0x272: {  	(v2sf) =	vpush v2, $0x3;
	_ =	sdelay $0x2  }
0x273: {  	s11 =	spop (v2sf)  }
0x274: {  	s20 =	sshra.s32 s0, $0x2;
	(v2sf) =	vpush v2, $0x4;
	s11 =	sand.u32 $0x1FFFFFF0, s11  }
0x275: {  	s12 =	sadd.s32 $0xBC00, s20;
	s11 =	sadd.s32 s4, s11  }
0x276: {  	[tilespmem:s12], [sflag:$0x4] =	stream.linear.gather [hbm4b:s11+s2], $0x80, $0x38;
	[tilespmem:$0x12E00] =	vst v63  }
0x277: {  	s12 =	spop (v2sf)  }
0x278: {  	(v2sf) =	vpush v2, $0x5;
	s11 =	sand.u32 $0x1FFFFFF0, s12  }
0x279: {  	s12 =	sadd.s32 $0xBC80, s20;
	s11 =	sadd.s32 s4, s11  }
0x27a: {  	[tilespmem:s12], [sflag:$0x4] =	stream.linear.gather [hbm4b:s11+s2], $0x80, $0x38;
	[tilespmem:$0x12E00] =	vst v63  }
0x27b: {  	s12 =	spop (v2sf)  }
0x27c: {  	(v2sf) =	vpush v2, $0x6;
	s11 =	sand.u32 $0x1FFFFFF0, s12  }
0x27d: {  	s12 =	sadd.s32 $0xBD00, s20;
	s11 =	sadd.s32 s4, s11  }
0x27e: {  	[tilespmem:s12], [sflag:$0x4] =	stream.linear.gather [hbm4b:s11+s2], $0x80, $0x38;
	[tilespmem:$0x12E00] =	vst v63  }
0x27f: {  	s12 =	spop (v2sf)  }
0x280: {  	(v2sf) =	vpush v2, $0x7;
	s11 =	sand.u32 $0x1FFFFFF0, s12  }
0x281: {  	s12 =	sadd.s32 $0xBD80, s20;
	s11 =	sadd.s32 s4, s11  }
0x282: {  	[tilespmem:s12], [sflag:$0x4] =	stream.linear.gather [hbm4b:s11+s2], $0x80, $0x38;
	[tilespmem:$0x12E00] =	vst v63  }
0x283: {  	s12 =	spop (v2sf)  }
0x284: {  	(v2sf) =	vpush v2, $0x8;
	s11 =	sand.u32 $0x1FFFFFF0, s12  }
0x285: {  	s12 =	sadd.s32 $0xBE00, s20;
	s11 =	sadd.s32 s4, s11  }
0x286: {  	[tilespmem:s12], [sflag:$0x4] =	stream.linear.gather [hbm4b:s11+s2], $0x80, $0x38;
	[tilespmem:$0x12E00] =	vst v63  }
0x287: {  	s12 =	spop (v2sf)  }
0x288: {  	(v2sf) =	vpush v2, $0x9;
	s11 =	sand.u32 $0x1FFFFFF0, s12  }
0x289: {  	s12 =	sadd.s32 $0xBE80, s20;
	s11 =	sadd.s32 s4, s11  }
0x28a: {  	[tilespmem:s12], [sflag:$0x4] =	stream.linear.gather [hbm4b:s11+s2], $0x80, $0x38;
	[tilespmem:$0x12E00] =	vst v63  }
0x28b: {  	s12 =	spop (v2sf)  }
0x28c: {  	(v2sf) =	vpush v2, $0xA;
	s11 =	sand.u32 $0x1FFFFFF0, s12  }
0x28d: {  	s12 =	sadd.s32 $0xBF00, s20;
	s11 =	sadd.s32 s4, s11  }
0x28e: {  	[tilespmem:s12], [sflag:$0x4] =	stream.linear.gather [hbm4b:s11+s2], $0x80, $0x38;
	[tilespmem:$0x12E00] =	vst v63  }
0x28f: {  	s12 =	spop (v2sf)  }
0x290: {  	(v2sf) =	vpush v2, $0xB;
	s11 =	sand.u32 $0x1FFFFFF0, s12  }
0x291: {  	s12 =	sadd.s32 $0xBF80, s20;
	s11 =	sadd.s32 s4, s11  }
0x292: {  	[tilespmem:s12], [sflag:$0x4] =	stream.linear.gather [hbm4b:s11+s2], $0x80, $0x38;
	[tilespmem:$0x12E00] =	vst v63  }
0x293: {  	s12 =	spop (v2sf)  }
0x294: {  	(v2sf) =	vpush v2, $0xC;
	s11 =	sand.u32 $0x1FFFFFF0, s12  }
0x295: {  	s12 =	sadd.s32 $0xC000, s20;
	s11 =	sadd.s32 s4, s11  }
0x296: {  	[tilespmem:s12], [sflag:$0x4] =	stream.linear.gather [hbm4b:s11+s2], $0x80, $0x38;
	[tilespmem:$0x12E00] =	vst v63  }
0x297: {  	s12 =	spop (v2sf)  }
0x298: {  	(v2sf) =	vpush v2, $0xD;
	s11 =	sand.u32 $0x1FFFFFF0, s12  }
0x299: {  	s12 =	sadd.s32 $0xC080, s20;
	s11 =	sadd.s32 s4, s11  }
0x29a: {  	[tilespmem:s12], [sflag:$0x4] =	stream.linear.gather [hbm4b:s11+s2], $0x80, $0x38;
	[tilespmem:$0x12E00] =	vst v63  }
0x29b: {  	s12 =	spop (v2sf)  }
0x29c: {  	(v2sf) =	vpush v2, $0xE;
	s11 =	sand.u32 $0x1FFFFFF0, s12  }
0x29d: {  	s12 =	sadd.s32 $0xC100, s20;
	s11 =	sadd.s32 s4, s11  }
0x29e: {  	[tilespmem:s12], [sflag:$0x4] =	stream.linear.gather [hbm4b:s11+s2], $0x80, $0x38;
	[tilespmem:$0x12E00] =	vst v63  }
0x29f: {  	s12 =	spop (v2sf)  }
0x2a0: {  	s11 =	sand.u32 $0x1FFFFFF0, s12  }
0x2a1: {  	(v2sf) =	vpush v2, $0xF;
	s12 =	sadd.s32 $0xC180, s20;
	s11 =	sadd.s32 s4, s11  }
0x2a2: {  	[tilespmem:s12], [sflag:$0x4] =	stream.linear.gather [hbm4b:s11+s2], $0x80, $0x38;
	[tilespmem:$0x12E00] =	vst v63  }
0x2a3: {  	s12 =	spop (v2sf)  }
0x2a4: {  	s11 =	sand.u32 $0x1FFFFFF0, s12  }
0x2a5: {  	s12 =	sadd.s32 $0xC200, s20;
	s11 =	sadd.s32 s4, s11  }
0x2a6: {  	[tilespmem:s12], [sflag:$0x4] =	stream.linear.gather [hbm4b:s11+s2], $0x80, $0x38;
	[tilespmem:$0x12E00] =	vst v63  }
0x2a7: {  	s12 =	spop (v2sf)  }
0x2a8: {  	s11 =	sand.u32 $0x1FFFFFF0, s12  }
0x2a9: {  	s12 =	sadd.s32 $0xC280, s20;
	s11 =	sadd.s32 s4, s11  }
0x2aa: {  	[tilespmem:s12], [sflag:$0x4] =	stream.linear.gather [hbm4b:s11+s2], $0x80, $0x38;
	[tilespmem:$0x12E00] =	vst v63  }
0x2ab: {  	s12 =	spop (v2sf)  }
0x2ac: {  	s11 =	sand.u32 $0x1FFFFFF0, s12  }
0x2ad: {  	s12 =	sadd.s32 $0xC300, s20;
	s11 =	sadd.s32 s4, s11  }
0x2ae: {  	[tilespmem:s12], [sflag:$0x4] =	stream.linear.gather [hbm4b:s11+s2], $0x80, $0x38;
	[tilespmem:$0x12E00] =	vst v63  }
.Ltmp14:
0x2af: {  	_ = 	snop;
	(pc) =	sbr.rel .LBB2_19-.Ltmp14, $4  }
0x2b0: {  	s12 =	spop (v2sf)  }
0x2b1: {  	s11 =	sand.u32 $0x1FFFFFF0, s12  }
0x2b2: {  	s20 =	sadd.s32 $0xC380, s20;
	s11 =	sadd.s32 s4, s11  }
0x2b3: {  	[tilespmem:s20], [sflag:$0x4] =	stream.linear.gather [hbm4b:s11+s2], $0x80, $0x38;
	[tilespmem:$0x12E00] =	vst v63  }
.LBB2_20:
0x2b4: {  	s0 =	simm.s32 $0x2  }
0x2b5: {  	_ =	swait.ge [sflag:s0], $0x5000  }
0x2b6: {  	[sflag:s0] =	ssyncset.done $0x0  }
0x2b7: {  	[sflag:s0] =	ssyncadd.s32 $0xFFFFB000  }
0x2b8: {  	_ =	swait.ge [sflag:s17], $0x2800  }
0x2b9: {  	[sflag:s17] =	ssyncset.done $0x0  }
0x2ba: {  	[sflag:s17] =	ssyncadd.s32 $0xFFFFD800  }
0x2bb: {  	v2 =	vld [tilespmem:s25+$0x0];
	_ =	sdelay $0x2  }
0x2bc: {  	s0 =	simm.s32 $0x0  }
0x2bd: {  	v3 =	vmov s0  }
0x2be: {  	vm0 =	veq.s32 v2, $0x0;
	v2 =	vshll.u32 v3, $0x7  }
0x2bf: {  	v2 =	vor.u32 v0, v2  }
0x2c0: {  	v3 =	vor.u32 $0x1, v2  }
0x2c1: {  	v4 =	vor.u32 $0x2, v2  }
0x2c2: {  	v5 =	vor.u32 $0x3, v2  }
0x2c3: {  	v6 =	vor.u32 $0x4, v2  }
0x2c4: {  	v7 =	vor.u32 $0x5, v2;
	[tilespmem:v2+s18+$0x0] =	vst.idx.msk vm0, v1  }
0x2c5: {  	[tilespmem:v3+s18+$0x0] =	vst.idx.msk vm0, v1;
	v3 =	vor.u32 $0x6, v2  }
0x2c6: {  	v57 =	vor.u32 $0x7, v2;
	[tilespmem:v4+s18+$0x0] =	vst.idx.msk vm0, v1  }
0x2c7: {  	v58 =	vor.u32 $0x8, v2;
	[tilespmem:v5+s18+$0x0] =	vst.idx.msk vm0, v1  }
0x2c8: {  	v59 =	vor.u32 $0x9, v2;
	[tilespmem:v6+s18+$0x0] =	vst.idx.msk vm0, v1  }
0x2c9: {  	v60 =	vor.u32 $0xA, v2;
	[tilespmem:v7+s18+$0x0] =	vst.idx.msk vm0, v1  }
0x2ca: {  	[tilespmem:v3+s18+$0x0] =	vst.idx.msk vm0, v1;
	v3 =	vor.u32 $0xB, v2  }
0x2cb: {  	v61 =	vor.u32 $0xC, v2;
	[tilespmem:v57+s18+$0x0] =	vst.idx.msk vm0, v1  }
0x2cc: {  	v62 =	vor.u32 $0xD, v2;
	[tilespmem:v58+s18+$0x0] =	vst.idx.msk vm0, v1  }
0x2cd: {  	v63 =	vor.u32 $0xE, v2;
	[tilespmem:v59+s18+$0x0] =	vst.idx.msk vm0, v1  }
0x2ce: {  	[tilespmem:v60+s18+$0x0] =	vst.idx.msk vm0, v1  }
0x2cf: {  	v2 =	vor.u32 $0xF, v2;
	[tilespmem:v3+s18+$0x0] =	vst.idx.msk vm0, v1  }
0x2d0: {  	[tilespmem:v61+s18+$0x0] =	vst.idx.msk vm0, v1  }
0x2d1: {  	[tilespmem:v62+s18+$0x0] =	vst.idx.msk vm0, v1  }
0x2d2: {  	s5 =	simm.s32 $0x10;
	s6 =	smov.u32 s25;
	[tilespmem:v63+s18+$0x0] =	vst.idx.msk vm0, v1  }
.LBB2_21:
0x2d3: {  	p0 =	sne.s32 s5, $0x90  }
0x2d4: {  	[tilespmem:v2+s18+$0x0] =	vst.idx.msk vm0, v1;
	s6 =	sadd.s32 $0x10, s6;
	s9 =	smov.u32 s5;
	s5 =	sadd.s32 $0x10, s5  }
0x2d5: {  	v2 =	vld [tilespmem:s6+$0x0];
	_ =	sdelay $0x3  }
0x2d6: {  	v3 =	vmov s9  }
0x2d7: {  	vm0 =	veq.s32 v2, $0x0;
	v2 =	vshll.u32 v3, $0x7  }
0x2d8: {  	v2 =	vor.u32 v0, v2  }
0x2d9: {  	v3 =	vor.u32 $0x1, v2  }
0x2da: {  	v4 =	vor.u32 $0x2, v2  }
0x2db: {  	v5 =	vor.u32 $0x3, v2  }
0x2dc: {  	v6 =	vor.u32 $0x4, v2  }
0x2dd: {  	v7 =	vor.u32 $0x5, v2;
	[tilespmem:v2+s18+$0x0] =	vst.idx.msk vm0, v1  }
0x2de: {  	[tilespmem:v3+s18+$0x0] =	vst.idx.msk vm0, v1;
	v3 =	vor.u32 $0x6, v2  }
0x2df: {  	[tilespmem:v4+s18+$0x0] =	vst.idx.msk vm0, v1;
	v4 =	vor.u32 $0x7, v2  }
0x2e0: {  	[tilespmem:v5+s18+$0x0] =	vst.idx.msk vm0, v1;
	v5 =	vor.u32 $0x8, v2  }
0x2e1: {  	[tilespmem:v6+s18+$0x0] =	vst.idx.msk vm0, v1;
	v6 =	vor.u32 $0x9, v2  }
0x2e2: {  	[tilespmem:v7+s18+$0x0] =	vst.idx.msk vm0, v1;
	v7 =	vor.u32 $0xA, v2  }
0x2e3: {  	[tilespmem:v3+s18+$0x0] =	vst.idx.msk vm0, v1;
	v3 =	vor.u32 $0xB, v2  }
0x2e4: {  	[tilespmem:v4+s18+$0x0] =	vst.idx.msk vm0, v1;
	v4 =	vor.u32 $0xC, v2  }
0x2e5: {  	[tilespmem:v5+s18+$0x0] =	vst.idx.msk vm0, v1;
	v5 =	vor.u32 $0xD, v2  }
0x2e6: {  	[tilespmem:v6+s18+$0x0] =	vst.idx.msk vm0, v1;
	v6 =	vor.u32 $0xE, v2  }
.Ltmp15:
0x2e7: {  	v2 =	vor.u32 $0xF, v2;
	[tilespmem:v7+s18+$0x0] =	vst.idx.msk vm0, v1;
	(pc) =	sbr.rel @p0 .LBB2_21-.Ltmp15, $4  }
0x2e8: {  	[tilespmem:v3+s18+$0x0] =	vst.idx.msk vm0, v1  }
0x2e9: {  	[tilespmem:v4+s18+$0x0] =	vst.idx.msk vm0, v1  }
0x2ea: {  	[tilespmem:v5+s18+$0x0] =	vst.idx.msk vm0, v1  }
0x2eb: {  	[tilespmem:v6+s18+$0x0] =	vst.idx.msk vm0, v1  }
0x2ec: {  	_ =	sdelay $0x4  }
0x2ed: {  	[tilespmem:v2+s18+$0x0] =	vst.idx.msk vm0, v1;
	s5 =	smov.u32 s26  }
.LBB2_23:
0x2ee: {  	v2 =	vld [tilespmem:s5+$0x0];
	_ =	sdelay $0x3  }
0x2ef: {  	v3 =	vmov s0  }
0x2f0: {  	vm0 =	veq.s32 v2, $0x0;
	v2 =	vshll.u32 v3, $0x7  }
0x2f1: {  	v2 =	vor.u32 v0, v2  }
0x2f2: {  	v3 =	vor.u32 $0x1, v2  }
0x2f3: {  	v4 =	vor.u32 $0x2, v2  }
0x2f4: {  	v5 =	vor.u32 $0x3, v2  }
0x2f5: {  	v6 =	vor.u32 $0x4, v2  }
0x2f6: {  	v7 =	vor.u32 $0x5, v2;
	[tilespmem:v2+s19+$0x0] =	vst.idx.msk vm0, v1  }
0x2f7: {  	[tilespmem:v3+s19+$0x0] =	vst.idx.msk vm0, v1;
	v3 =	vor.u32 $0x6, v2  }
0x2f8: {  	v57 =	vor.u32 $0x7, v2;
	[tilespmem:v4+s19+$0x0] =	vst.idx.msk vm0, v1  }
0x2f9: {  	v58 =	vor.u32 $0x8, v2;
	[tilespmem:v5+s19+$0x0] =	vst.idx.msk vm0, v1  }
0x2fa: {  	v59 =	vor.u32 $0x9, v2;
	[tilespmem:v6+s19+$0x0] =	vst.idx.msk vm0, v1  }
0x2fb: {  	v60 =	vor.u32 $0xA, v2;
	[tilespmem:v7+s19+$0x0] =	vst.idx.msk vm0, v1  }
0x2fc: {  	[tilespmem:v3+s19+$0x0] =	vst.idx.msk vm0, v1;
	v3 =	vor.u32 $0xB, v2  }
0x2fd: {  	v61 =	vor.u32 $0xC, v2;
	[tilespmem:v57+s19+$0x0] =	vst.idx.msk vm0, v1  }
0x2fe: {  	v62 =	vor.u32 $0xD, v2;
	[tilespmem:v58+s19+$0x0] =	vst.idx.msk vm0, v1  }
0x2ff: {  	v63 =	vor.u32 $0xE, v2;
	[tilespmem:v59+s19+$0x0] =	vst.idx.msk vm0, v1  }
0x300: {  	p0 =	sne.s32 s0, $0x40;
	v2 =	vor.u32 $0xF, v2;
	[tilespmem:v60+s19+$0x0] =	vst.idx.msk vm0, v1  }
.Ltmp16:
0x301: {  	[tilespmem:v3+s19+$0x0] =	vst.idx.msk vm0, v1;
	(pc) =	sbr.rel @p0 .LBB2_23-.Ltmp16, $4  }
0x302: {  	[tilespmem:v61+s19+$0x0] =	vst.idx.msk vm0, v1  }
0x303: {  	[tilespmem:v62+s19+$0x0] =	vst.idx.msk vm0, v1  }
0x304: {  	[tilespmem:v63+s19+$0x0] =	vst.idx.msk vm0, v1  }
0x305: {  	s5 =	sadd.s32 $0x10, s5;
	s0 =	sadd.s32 $0x10, s0;
	[tilespmem:v2+s19+$0x0] =	vst.idx.msk vm0, v1  }
.Ltmp17:
0x306: {  	(pc) =	sbr.rel .LBB2_25-.Ltmp17, $4  }
0x307: {  	_ = 	snop  }
0x308: {  	s0 =	simm.s32 $0x0  }
0x309: {  	s10 =	simm.s32 $0x1;
	s5 =	simm.s32 $0x10680;
	s6 =	simm.s32 $0x9100  }
0x30a: {  	s30 =	smov.u32 s7;
	s29 =	smov.u32 s8;
	s9 =	simm.s32 $0x0  }
.LBB2_30:
0x30b: {  	v2 =	vld [tilespmem:s29+$0x0];
	_ =	sdelay $0x4  }
0x30c: {  	v2 =	vshll.u32 v2, $0x4  }
0x30d: {  	(v2sf) =	vpush v2, $0x0;
	_ =	sdelay $0x3  }
0x30e: {  	(v2sf) =	vpush v2, $0x1;
	_ =	sdelay $0x3  }
0x30f: {  	(v2sf) =	vpush v2, $0x2;
	_ =	sdelay $0x3  }
0x310: {  	(v2sf) =	vpush v2, $0x3;
	_ =	sdelay $0x2  }
0x311: {  	s11 =	spop (v2sf)  }
0x312: {  	(v2sf) =	vpush v2, $0x4;
	s11 =	sand.u32 $0x1FFFFFF0, s11  }
0x313: {  	s12 =	sadd.s32 $0x4400, s20;
	s11 =	sadd.s32 s3, s11  }
0x314: {  	[tilespmem:s12], [sflag:$0x1] =	stream.linear.gather [hbm4b:s11+s2], $0x80, $0x38;
	[tilespmem:$0x12E00] =	vst v63  }
0x315: {  	s12 =	spop (v2sf)  }
0x316: {  	(v2sf) =	vpush v2, $0x5;
	s11 =	sand.u32 $0x1FFFFFF0, s12  }
0x317: {  	s12 =	sadd.s32 $0x4480, s20;
	s11 =	sadd.s32 s3, s11  }
0x318: {  	[tilespmem:s12], [sflag:$0x1] =	stream.linear.gather [hbm4b:s11+s2], $0x80, $0x38;
	[tilespmem:$0x12E00] =	vst v63  }
0x319: {  	s12 =	spop (v2sf)  }
0x31a: {  	(v2sf) =	vpush v2, $0x6;
	s11 =	sand.u32 $0x1FFFFFF0, s12  }
0x31b: {  	s12 =	sadd.s32 $0x4500, s20;
	s11 =	sadd.s32 s3, s11  }
0x31c: {  	[tilespmem:s12], [sflag:$0x1] =	stream.linear.gather [hbm4b:s11+s2], $0x80, $0x38;
	[tilespmem:$0x12E00] =	vst v63  }
0x31d: {  	s12 =	spop (v2sf)  }
0x31e: {  	(v2sf) =	vpush v2, $0x7;
	s11 =	sand.u32 $0x1FFFFFF0, s12  }
0x31f: {  	s12 =	sadd.s32 $0x4580, s20;
	s11 =	sadd.s32 s3, s11  }
0x320: {  	[tilespmem:s12], [sflag:$0x1] =	stream.linear.gather [hbm4b:s11+s2], $0x80, $0x38;
	[tilespmem:$0x12E00] =	vst v63  }
0x321: {  	s12 =	spop (v2sf)  }
0x322: {  	(v2sf) =	vpush v2, $0x8;
	s11 =	sand.u32 $0x1FFFFFF0, s12  }
0x323: {  	s12 =	sadd.s32 $0x4600, s20;
	s11 =	sadd.s32 s3, s11  }
0x324: {  	[tilespmem:s12], [sflag:$0x1] =	stream.linear.gather [hbm4b:s11+s2], $0x80, $0x38;
	[tilespmem:$0x12E00] =	vst v63  }
0x325: {  	s12 =	spop (v2sf)  }
0x326: {  	(v2sf) =	vpush v2, $0x9;
	s11 =	sand.u32 $0x1FFFFFF0, s12  }
0x327: {  	s12 =	sadd.s32 $0x4680, s20;
	s11 =	sadd.s32 s3, s11  }
0x328: {  	[tilespmem:s12], [sflag:$0x1] =	stream.linear.gather [hbm4b:s11+s2], $0x80, $0x38;
	[tilespmem:$0x12E00] =	vst v63  }
0x329: {  	s12 =	spop (v2sf)  }
0x32a: {  	(v2sf) =	vpush v2, $0xA;
	s11 =	sand.u32 $0x1FFFFFF0, s12  }
0x32b: {  	s12 =	sadd.s32 $0x4700, s20;
	s11 =	sadd.s32 s3, s11  }
0x32c: {  	[tilespmem:s12], [sflag:$0x1] =	stream.linear.gather [hbm4b:s11+s2], $0x80, $0x38;
	[tilespmem:$0x12E00] =	vst v63  }
0x32d: {  	s12 =	spop (v2sf)  }
0x32e: {  	(v2sf) =	vpush v2, $0xB;
	s11 =	sand.u32 $0x1FFFFFF0, s12  }
0x32f: {  	s12 =	sadd.s32 $0x4780, s20;
	s11 =	sadd.s32 s3, s11  }
0x330: {  	[tilespmem:s12], [sflag:$0x1] =	stream.linear.gather [hbm4b:s11+s2], $0x80, $0x38;
	[tilespmem:$0x12E00] =	vst v63  }
0x331: {  	s12 =	spop (v2sf)  }
0x332: {  	(v2sf) =	vpush v2, $0xC;
	s11 =	sand.u32 $0x1FFFFFF0, s12  }
0x333: {  	s12 =	sadd.s32 $0x4800, s20;
	s11 =	sadd.s32 s3, s11  }
0x334: {  	[tilespmem:s12], [sflag:$0x1] =	stream.linear.gather [hbm4b:s11+s2], $0x80, $0x38;
	[tilespmem:$0x12E00] =	vst v63  }
0x335: {  	s12 =	spop (v2sf)  }
0x336: {  	(v2sf) =	vpush v2, $0xD;
	s11 =	sand.u32 $0x1FFFFFF0, s12  }
0x337: {  	s12 =	sadd.s32 $0x4880, s20;
	s11 =	sadd.s32 s3, s11  }
0x338: {  	[tilespmem:s12], [sflag:$0x1] =	stream.linear.gather [hbm4b:s11+s2], $0x80, $0x38;
	[tilespmem:$0x12E00] =	vst v63  }
0x339: {  	s12 =	spop (v2sf)  }
0x33a: {  	(v2sf) =	vpush v2, $0xE;
	s11 =	sand.u32 $0x1FFFFFF0, s12  }
0x33b: {  	s12 =	sadd.s32 $0x4900, s20;
	s11 =	sadd.s32 s3, s11  }
0x33c: {  	[tilespmem:s12], [sflag:$0x1] =	stream.linear.gather [hbm4b:s11+s2], $0x80, $0x38;
	[tilespmem:$0x12E00] =	vst v63  }
0x33d: {  	s12 =	spop (v2sf)  }
0x33e: {  	(v2sf) =	vpush v2, $0xF;
	s11 =	sand.u32 $0x1FFFFFF0, s12  }
0x33f: {  	s12 =	sadd.s32 $0x4980, s20;
	s11 =	sadd.s32 s3, s11  }
0x340: {  	[tilespmem:s12], [sflag:$0x1] =	stream.linear.gather [hbm4b:s11+s2], $0x80, $0x38;
	[tilespmem:$0x12E00] =	vst v63  }
0x341: {  	s12 =	spop (v2sf)  }
0x342: {  	s11 =	sand.u32 $0x1FFFFFF0, s12  }
0x343: {  	s12 =	sadd.s32 $0x4A00, s20;
	s11 =	sadd.s32 s3, s11  }
0x344: {  	[tilespmem:s12], [sflag:$0x1] =	stream.linear.gather [hbm4b:s11+s2], $0x80, $0x38;
	[tilespmem:$0x12E00] =	vst v63  }
0x345: {  	s12 =	spop (v2sf)  }
0x346: {  	s11 =	sand.u32 $0x1FFFFFF0, s12  }
0x347: {  	s12 =	sadd.s32 $0x4A80, s20;
	s11 =	sadd.s32 s3, s11  }
0x348: {  	[tilespmem:s12], [sflag:$0x1] =	stream.linear.gather [hbm4b:s11+s2], $0x80, $0x38;
	[tilespmem:$0x12E00] =	vst v63  }
0x349: {  	s12 =	spop (v2sf)  }
0x34a: {  	s11 =	sand.u32 $0x1FFFFFF0, s12  }
0x34b: {  	s12 =	sadd.s32 $0x4B00, s20;
	s11 =	sadd.s32 s3, s11  }
0x34c: {  	[tilespmem:s12], [sflag:$0x1] =	stream.linear.gather [hbm4b:s11+s2], $0x80, $0x38;
	[tilespmem:$0x12E00] =	vst v63  }
0x34d: {  	s12 =	spop (v2sf)  }
0x34e: {  	s11 =	sand.u32 $0x1FFFFFF0, s12  }
0x34f: {  	s20 =	sadd.s32 $0x4B80, s20;
	s11 =	sadd.s32 s3, s11  }
0x350: {  	[tilespmem:s20], [sflag:$0x1] =	stream.linear.gather [hbm4b:s11+s2], $0x80, $0x38;
	[tilespmem:$0x12E00] =	vst v63  }
.LBB2_33:
0x351: {  	v2 =	vld [tilespmem:s6+$0xFFFFFB00];
	_ =	sdelay $0x1  }
0x352: {  	v3 =	vld [tilespmem:s6+$0xFFFFFB80];
	_ =	sdelay $0x1  }
0x353: {  	v4 =	vld [tilespmem:s6+$0xFFFFFC00]  }
0x354: {  	v5 =	vadd.f32 $0.0e+00, v2  }
0x355: {  	v6 =	vld [tilespmem:s6+$0xFFFFFC80]  }
0x356: {  	v2 =	vmul.f32 v2, v2;
	v5 =	vadd.f32 v3, v5;
	v3 =	vmul.f32 v3, v3  }
0x357: {  	v7 =	vld [tilespmem:s6+$0xFFFFFD00]  }
0x358: {  	v2 =	vadd.f32 v3, v2;
	v3 =	vadd.f32 v4, v5;
	v4 =	vmul.f32 v4, v4  }
0x359: {  	v12 =	vld [tilespmem:s6+$0xFFFFFD80]  }
0x35a: {  	v13 =	vmul.f32 v6, v6;
	v2 =	vadd.f32 v4, v2;
	v3 =	vadd.f32 v6, v3  }
0x35b: {  	v14 =	vld [tilespmem:s6+$0xFFFFFE00]  }
0x35c: {  	v15 =	vmul.f32 v7, v7;
	v2 =	vadd.f32 v13, v2;
	v3 =	vadd.f32 v7, v3  }
0x35d: {  	v16 =	vld [tilespmem:s6+$0xFFFFFE80]  }
0x35e: {  	v17 =	vmul.f32 v12, v12;
	v2 =	vadd.f32 v15, v2;
	v3 =	vadd.f32 v12, v3  }
0x35f: {  	v18 =	vld [tilespmem:s6+$0xFFFFFF00]  }
0x360: {  	v19 =	vmul.f32 v14, v14;
	v2 =	vadd.f32 v17, v2;
	v3 =	vadd.f32 v14, v3  }
0x361: {  	v20 =	vld [tilespmem:s6+$0xFFFFFF80]  }
0x362: {  	v21 =	vmul.f32 v16, v16;
	v2 =	vadd.f32 v19, v2;
	v3 =	vadd.f32 v16, v3  }
0x363: {  	v22 =	vld [tilespmem:s6+$0x0]  }
0x364: {  	v23 =	vmul.f32 v18, v18;
	v2 =	vadd.f32 v21, v2;
	v3 =	vadd.f32 v18, v3  }
0x365: {  	v24 =	vld [tilespmem:s6+$0x80]  }
0x366: {  	v25 =	vmul.f32 v20, v20;
	v2 =	vadd.f32 v23, v2;
	v3 =	vadd.f32 v20, v3  }
0x367: {  	v26 =	vld [tilespmem:s6+$0x100]  }
0x368: {  	v27 =	vmul.f32 v22, v22;
	v2 =	vadd.f32 v25, v2;
	v3 =	vadd.f32 v22, v3  }
0x369: {  	v28 =	vld [tilespmem:s6+$0x180]  }
0x36a: {  	v29 =	vmul.f32 v24, v24;
	v2 =	vadd.f32 v27, v2;
	v3 =	vadd.f32 v24, v3  }
0x36b: {  	v30 =	vld [tilespmem:s6+$0x200]  }
0x36c: {  	v31 =	vmul.f32 v26, v26;
	v2 =	vadd.f32 v29, v2;
	v3 =	vadd.f32 v26, v3  }
0x36d: {  	v32 =	vld [tilespmem:s6+$0x280]  }
0x36e: {  	v33 =	vmul.f32 v28, v28;
	v2 =	vadd.f32 v31, v2;
	v3 =	vadd.f32 v28, v3  }
0x36f: {  	v34 =	vld [tilespmem:s6+$0x300]  }
0x370: {  	v35 =	vmul.f32 v30, v30;
	v2 =	vadd.f32 v33, v2;
	v3 =	vadd.f32 v30, v3  }
0x371: {  	v36 =	vld [tilespmem:s6+$0x380]  }
0x372: {  	v37 =	vmul.f32 v32, v32;
	v2 =	vadd.f32 v35, v2;
	v3 =	vadd.f32 v32, v3  }
0x373: {  	v38 =	vld [tilespmem:s6+$0x400]  }
0x374: {  	v39 =	vmul.f32 v34, v34;
	v2 =	vadd.f32 v37, v2;
	v3 =	vadd.f32 v34, v3  }
0x375: {  	v40 =	vld [tilespmem:s6+$0x480]  }
0x376: {  	v41 =	vmul.f32 v36, v36;
	v2 =	vadd.f32 v39, v2;
	v3 =	vadd.f32 v36, v3  }
0x377: {  	v42 =	vld [tilespmem:s5+$0xFFFFFD80]  }
0x378: {  	v43 =	vmul.f32 v38, v38;
	v2 =	vadd.f32 v41, v2;
	v3 =	vadd.f32 v38, v3  }
0x379: {  	v44 =	vld [tilespmem:s5+$0xFFFFFE00]  }
0x37a: {  	v45 =	vmul.f32 v40, v40;
	v2 =	vadd.f32 v43, v2;
	v3 =	vadd.f32 v40, v3  }
0x37b: {  	v46 =	vld [tilespmem:s5+$0xFFFFFE80]  }
0x37c: {  	v47 =	vmul.f32 v42, v42;
	v2 =	vadd.f32 v45, v2;
	v3 =	vadd.f32 v42, v3  }
0x37d: {  	v48 =	vld [tilespmem:s5+$0xFFFFFF00]  }
0x37e: {  	v49 =	vmul.f32 v44, v44;
	v2 =	vadd.f32 v47, v2;
	v3 =	vadd.f32 v44, v3  }
0x37f: {  	v50 =	vld [tilespmem:s5+$0xFFFFFF80]  }
0x380: {  	v51 =	vmul.f32 v46, v46;
	v2 =	vadd.f32 v49, v2;
	v3 =	vadd.f32 v46, v3  }
0x381: {  	v52 =	vld [tilespmem:s5+$0x0]  }
0x382: {  	v53 =	vmul.f32 v48, v48;
	v2 =	vadd.f32 v51, v2;
	v3 =	vadd.f32 v48, v3  }
0x383: {  	v54 =	vld [tilespmem:s5+$0x80]  }
0x384: {  	v55 =	vmul.f32 v50, v50;
	v2 =	vadd.f32 v53, v2;
	v3 =	vadd.f32 v50, v3  }
0x385: {  	v56 =	vld [tilespmem:s5+$0x100]  }
0x386: {  	v57 =	vmul.f32 v52, v52;
	v2 =	vadd.f32 v55, v2;
	v3 =	vadd.f32 v52, v3  }
0x387: {  	v58 =	vld [tilespmem:s5+$0x180]  }
0x388: {  	v59 =	vmul.f32 v54, v54;
	v2 =	vadd.f32 v57, v2;
	v3 =	vadd.f32 v54, v3  }
0x389: {  	v60 =	vld [tilespmem:s5+$0x200]  }
0x38a: {  	v61 =	vmul.f32 v56, v56;
	v2 =	vadd.f32 v59, v2;
	v3 =	vadd.f32 v56, v3;
	_ =	sdelay $0x1  }
0x38b: {  	v62 =	vmul.f32 v58, v58;
	v2 =	vadd.f32 v61, v2;
	v3 =	vadd.f32 v58, v3;
	_ =	sdelay $0x1  }
0x38c: {  	v63 =	vmul.f32 v60, v60;
	v2 =	vadd.f32 v62, v2;
	v3 =	vadd.f32 v60, v3;
	_ =	sdelay $0x1  }
0x38d: {  	v2 =	vadd.f32 v63, v2;
	v3 =	vmul.f32 v3, v3;
	_ =	sdelay $0x1  }
0x38e: {  	v2 =	vsub.f32 v3, v2;
	_ =	sdelay $0x1  }
0x38f: {  	(xrf2) =	vadd.scan.msk.f32 $0xffff, v2;
	_ =	sdelay $0x9  }
0x390: {  	v2, _, _ =	vpop (xrf2)  }
0x391: {  	(v2sf) =	vpush v2, $0xF;
	_ =	sdelay $0xc  }
0x392: {  	s11 =	sadd.s32 s9, s28;
	s0 =	sadd.s32 $0x4000, s0  }
0x393: {  	p0 =	sne.s32 s0, $0x20000;
	v2 =	vmov s11  }
.Ltmp18:
0x394: {  	s20 =	spop (v2sf);
	(pc) =	sbr.rel @!p0 .LBB2_34-.Ltmp18, $3  }
0x395: {  	s11 =	smul.f32 $5.000000000e-01, s20;
	_ =	sdelay $0x1  }
0x396: {  	s9 =	sadd.s32 $0x1, s9;
	s10 =	sadd.s32 $0x2, s10;
	s5 =	sadd.s32 $0x500, s5;
	v3 =	vmov s11  }
0x397: {  	s29 =	sadd.s32 $0x20, s29;
	s30 =	sadd.s32 $0x20, s30;
	s6 =	sadd.s32 $0xA00, s6;
	[tilespmem:v2+s15+$0x0] =	vst.idx.msk $0x1, v3  }
.LBB2_25:
0x398: {  	p0 =	sne.s32 s1, $0x1F;
	p1 =	slt.u32 s9, $0x5  }
0x399: {  	p0 =	por !p0, !p1  }
0x39a: {  	p0 =	por !p0, !p0  }
.Ltmp19:
0x39b: {  	_ = 	snop;
	(pc) =	sbr.rel @!p0 .LBB2_27-.Ltmp19, $2  }
0x39c: {  	_ =	sdelay $0x2  }
0x39d: {  	s20 =	sshra.s32 s0, $0x2  }
0x39e: {  	v2 =	vld [tilespmem:s29+$0xFFFFFFF0];
	_ =	sdelay $0x4  }
0x39f: {  	v2 =	vshll.u32 v2, $0x4  }
0x3a0: {  	(v2sf) =	vpush v2, $0x0;
	_ =	sdelay $0x3  }
0x3a1: {  	(v2sf) =	vpush v2, $0x1;
	_ =	sdelay $0x3  }
0x3a2: {  	(v2sf) =	vpush v2, $0x2;
	_ =	sdelay $0x3  }
0x3a3: {  	(v2sf) =	vpush v2, $0x3;
	_ =	sdelay $0x2  }
0x3a4: {  	s11 =	spop (v2sf)  }
0x3a5: {  	(v2sf) =	vpush v2, $0x4;
	s11 =	sand.u32 $0x1FFFFFF0, s11  }
0x3a6: {  	s12 =	sadd.s32 $0x3C00, s20;
	s11 =	sadd.s32 s3, s11  }
0x3a7: {  	[tilespmem:s12], [sflag:$0x1] =	stream.linear.gather [hbm4b:s11+s2], $0x80, $0x38;
	[tilespmem:$0x12E00] =	vst v63  }
0x3a8: {  	s12 =	spop (v2sf)  }
0x3a9: {  	(v2sf) =	vpush v2, $0x5;
	s11 =	sand.u32 $0x1FFFFFF0, s12  }
0x3aa: {  	s12 =	sadd.s32 $0x3C80, s20;
	s11 =	sadd.s32 s3, s11  }
0x3ab: {  	[tilespmem:s12], [sflag:$0x1] =	stream.linear.gather [hbm4b:s11+s2], $0x80, $0x38;
	[tilespmem:$0x12E00] =	vst v63  }
0x3ac: {  	s12 =	spop (v2sf)  }
0x3ad: {  	(v2sf) =	vpush v2, $0x6;
	s11 =	sand.u32 $0x1FFFFFF0, s12  }
0x3ae: {  	s12 =	sadd.s32 $0x3D00, s20;
	s11 =	sadd.s32 s3, s11  }
0x3af: {  	[tilespmem:s12], [sflag:$0x1] =	stream.linear.gather [hbm4b:s11+s2], $0x80, $0x38;
	[tilespmem:$0x12E00] =	vst v63  }
0x3b0: {  	s12 =	spop (v2sf)  }
0x3b1: {  	(v2sf) =	vpush v2, $0x7;
	s11 =	sand.u32 $0x1FFFFFF0, s12  }
0x3b2: {  	s12 =	sadd.s32 $0x3D80, s20;
	s11 =	sadd.s32 s3, s11  }
0x3b3: {  	[tilespmem:s12], [sflag:$0x1] =	stream.linear.gather [hbm4b:s11+s2], $0x80, $0x38;
	[tilespmem:$0x12E00] =	vst v63  }
0x3b4: {  	s12 =	spop (v2sf)  }
0x3b5: {  	(v2sf) =	vpush v2, $0x8;
	s11 =	sand.u32 $0x1FFFFFF0, s12  }
0x3b6: {  	s12 =	sadd.s32 $0x3E00, s20;
	s11 =	sadd.s32 s3, s11  }
0x3b7: {  	[tilespmem:s12], [sflag:$0x1] =	stream.linear.gather [hbm4b:s11+s2], $0x80, $0x38;
	[tilespmem:$0x12E00] =	vst v63  }
0x3b8: {  	s12 =	spop (v2sf)  }
0x3b9: {  	(v2sf) =	vpush v2, $0x9;
	s11 =	sand.u32 $0x1FFFFFF0, s12  }
0x3ba: {  	s12 =	sadd.s32 $0x3E80, s20;
	s11 =	sadd.s32 s3, s11  }
0x3bb: {  	[tilespmem:s12], [sflag:$0x1] =	stream.linear.gather [hbm4b:s11+s2], $0x80, $0x38;
	[tilespmem:$0x12E00] =	vst v63  }
0x3bc: {  	s12 =	spop (v2sf)  }
0x3bd: {  	(v2sf) =	vpush v2, $0xA;
	s11 =	sand.u32 $0x1FFFFFF0, s12  }
0x3be: {  	s12 =	sadd.s32 $0x3F00, s20;
	s11 =	sadd.s32 s3, s11  }
0x3bf: {  	[tilespmem:s12], [sflag:$0x1] =	stream.linear.gather [hbm4b:s11+s2], $0x80, $0x38;
	[tilespmem:$0x12E00] =	vst v63  }
0x3c0: {  	s12 =	spop (v2sf)  }
0x3c1: {  	(v2sf) =	vpush v2, $0xB;
	s11 =	sand.u32 $0x1FFFFFF0, s12  }
0x3c2: {  	s12 =	sadd.s32 $0x3F80, s20;
	s11 =	sadd.s32 s3, s11  }
0x3c3: {  	[tilespmem:s12], [sflag:$0x1] =	stream.linear.gather [hbm4b:s11+s2], $0x80, $0x38;
	[tilespmem:$0x12E00] =	vst v63  }
0x3c4: {  	s12 =	spop (v2sf)  }
0x3c5: {  	(v2sf) =	vpush v2, $0xC;
	s11 =	sand.u32 $0x1FFFFFF0, s12  }
0x3c6: {  	s12 =	sadd.s32 $0x4000, s20;
	s11 =	sadd.s32 s3, s11  }
0x3c7: {  	[tilespmem:s12], [sflag:$0x1] =	stream.linear.gather [hbm4b:s11+s2], $0x80, $0x38;
	[tilespmem:$0x12E00] =	vst v63  }
0x3c8: {  	s12 =	spop (v2sf)  }
0x3c9: {  	(v2sf) =	vpush v2, $0xD;
	s11 =	sand.u32 $0x1FFFFFF0, s12  }
0x3ca: {  	s12 =	sadd.s32 $0x4080, s20;
	s11 =	sadd.s32 s3, s11  }
0x3cb: {  	[tilespmem:s12], [sflag:$0x1] =	stream.linear.gather [hbm4b:s11+s2], $0x80, $0x38;
	[tilespmem:$0x12E00] =	vst v63  }
0x3cc: {  	s12 =	spop (v2sf)  }
0x3cd: {  	(v2sf) =	vpush v2, $0xE;
	s11 =	sand.u32 $0x1FFFFFF0, s12  }
0x3ce: {  	s12 =	sadd.s32 $0x4100, s20;
	s11 =	sadd.s32 s3, s11  }
0x3cf: {  	[tilespmem:s12], [sflag:$0x1] =	stream.linear.gather [hbm4b:s11+s2], $0x80, $0x38;
	[tilespmem:$0x12E00] =	vst v63  }
0x3d0: {  	s12 =	spop (v2sf)  }
0x3d1: {  	(v2sf) =	vpush v2, $0xF;
	s11 =	sand.u32 $0x1FFFFFF0, s12  }
0x3d2: {  	s12 =	sadd.s32 $0x4180, s20;
	s11 =	sadd.s32 s3, s11  }
0x3d3: {  	[tilespmem:s12], [sflag:$0x1] =	stream.linear.gather [hbm4b:s11+s2], $0x80, $0x38;
	[tilespmem:$0x12E00] =	vst v63  }
0x3d4: {  	s12 =	spop (v2sf)  }
0x3d5: {  	s11 =	sand.u32 $0x1FFFFFF0, s12  }
0x3d6: {  	s12 =	sadd.s32 $0x4200, s20;
	s11 =	sadd.s32 s3, s11  }
0x3d7: {  	[tilespmem:s12], [sflag:$0x1] =	stream.linear.gather [hbm4b:s11+s2], $0x80, $0x38;
	[tilespmem:$0x12E00] =	vst v63  }
0x3d8: {  	s12 =	spop (v2sf)  }
0x3d9: {  	s11 =	sand.u32 $0x1FFFFFF0, s12  }
0x3da: {  	s12 =	sadd.s32 $0x4280, s20;
	s11 =	sadd.s32 s3, s11  }
0x3db: {  	[tilespmem:s12], [sflag:$0x1] =	stream.linear.gather [hbm4b:s11+s2], $0x80, $0x38;
	[tilespmem:$0x12E00] =	vst v63  }
0x3dc: {  	s12 =	spop (v2sf)  }
0x3dd: {  	s11 =	sand.u32 $0x1FFFFFF0, s12  }
0x3de: {  	s12 =	sadd.s32 $0x4300, s20;
	s11 =	sadd.s32 s3, s11  }
0x3df: {  	[tilespmem:s12], [sflag:$0x1] =	stream.linear.gather [hbm4b:s11+s2], $0x80, $0x38;
	[tilespmem:$0x12E00] =	vst v63  }
0x3e0: {  	s12 =	spop (v2sf)  }
0x3e1: {  	s11 =	sand.u32 $0x1FFFFFF0, s12  }
0x3e2: {  	s12 =	sadd.s32 $0x4380, s20;
	s11 =	sadd.s32 s3, s11  }
0x3e3: {  	[tilespmem:s12], [sflag:$0x1] =	stream.linear.gather [hbm4b:s11+s2], $0x80, $0x38;
	[tilespmem:$0x12E00] =	vst v63  }
.LBB2_27:
0x3e4: {  	p1 =	seq.s32 s1, $0x1F;
	s11 =	sadd.s32 $0xFFFFFFF5, s10  }
0x3e5: {  	p2 =	sgt.u32 @!p1 s11, $0x4  }
0x3e6: {  	p2 =	por p1, p2  }
.Ltmp20:
0x3e7: {  	_ = 	snop;
	(pc) =	sbr.rel @p2 .LBB2_29-.Ltmp20, $1  }
0x3e8: {  	_ =	sdelay $0x3  }
0x3e9: {  	v2 =	vld [tilespmem:s30+$0xFFFFFFF0];
	_ =	sdelay $0x4  }
0x3ea: {  	v2 =	vshll.u32 v2, $0x4  }
0x3eb: {  	(v2sf) =	vpush v2, $0x0;
	_ =	sdelay $0x3  }
0x3ec: {  	(v2sf) =	vpush v2, $0x1;
	_ =	sdelay $0x3  }
0x3ed: {  	(v2sf) =	vpush v2, $0x2;
	_ =	sdelay $0x3  }
0x3ee: {  	(v2sf) =	vpush v2, $0x3;
	_ =	sdelay $0x2  }
0x3ef: {  	s11 =	spop (v2sf)  }
0x3f0: {  	(v2sf) =	vpush v2, $0x4;
	s11 =	sand.u32 $0x1FFFFFF0, s11  }
0x3f1: {  	s12 =	sadd.s32 $0x8C00, s20;
	s11 =	sadd.s32 s4, s11  }
0x3f2: {  	[tilespmem:s12], [sflag:$0x3] =	stream.linear.gather [hbm4b:s11+s2], $0x80, $0x38;
	[tilespmem:$0x12E00] =	vst v63  }
0x3f3: {  	s12 =	spop (v2sf)  }
0x3f4: {  	(v2sf) =	vpush v2, $0x5;
	s11 =	sand.u32 $0x1FFFFFF0, s12  }
0x3f5: {  	s12 =	sadd.s32 $0x8C80, s20;
	s11 =	sadd.s32 s4, s11  }
0x3f6: {  	[tilespmem:s12], [sflag:$0x3] =	stream.linear.gather [hbm4b:s11+s2], $0x80, $0x38;
	[tilespmem:$0x12E00] =	vst v63  }
0x3f7: {  	s12 =	spop (v2sf)  }
0x3f8: {  	(v2sf) =	vpush v2, $0x6;
	s11 =	sand.u32 $0x1FFFFFF0, s12  }
0x3f9: {  	s12 =	sadd.s32 $0x8D00, s20;
	s11 =	sadd.s32 s4, s11  }
0x3fa: {  	[tilespmem:s12], [sflag:$0x3] =	stream.linear.gather [hbm4b:s11+s2], $0x80, $0x38;
	[tilespmem:$0x12E00] =	vst v63  }
0x3fb: {  	s12 =	spop (v2sf)  }
0x3fc: {  	(v2sf) =	vpush v2, $0x7;
	s11 =	sand.u32 $0x1FFFFFF0, s12  }
0x3fd: {  	s12 =	sadd.s32 $0x8D80, s20;
	s11 =	sadd.s32 s4, s11  }
0x3fe: {  	[tilespmem:s12], [sflag:$0x3] =	stream.linear.gather [hbm4b:s11+s2], $0x80, $0x38;
	[tilespmem:$0x12E00] =	vst v63  }
0x3ff: {  	s12 =	spop (v2sf)  }
0x400: {  	(v2sf) =	vpush v2, $0x8;
	s11 =	sand.u32 $0x1FFFFFF0, s12  }
0x401: {  	s12 =	sadd.s32 $0x8E00, s20;
	s11 =	sadd.s32 s4, s11  }
0x402: {  	[tilespmem:s12], [sflag:$0x3] =	stream.linear.gather [hbm4b:s11+s2], $0x80, $0x38;
	[tilespmem:$0x12E00] =	vst v63  }
0x403: {  	s12 =	spop (v2sf)  }
0x404: {  	(v2sf) =	vpush v2, $0x9;
	s11 =	sand.u32 $0x1FFFFFF0, s12  }
0x405: {  	s12 =	sadd.s32 $0x8E80, s20;
	s11 =	sadd.s32 s4, s11  }
0x406: {  	[tilespmem:s12], [sflag:$0x3] =	stream.linear.gather [hbm4b:s11+s2], $0x80, $0x38;
	[tilespmem:$0x12E00] =	vst v63  }
0x407: {  	s12 =	spop (v2sf)  }
0x408: {  	(v2sf) =	vpush v2, $0xA;
	s11 =	sand.u32 $0x1FFFFFF0, s12  }
0x409: {  	s12 =	sadd.s32 $0x8F00, s20;
	s11 =	sadd.s32 s4, s11  }
0x40a: {  	[tilespmem:s12], [sflag:$0x3] =	stream.linear.gather [hbm4b:s11+s2], $0x80, $0x38;
	[tilespmem:$0x12E00] =	vst v63  }
0x40b: {  	s12 =	spop (v2sf)  }
0x40c: {  	(v2sf) =	vpush v2, $0xB;
	s11 =	sand.u32 $0x1FFFFFF0, s12  }
0x40d: {  	s12 =	sadd.s32 $0x8F80, s20;
	s11 =	sadd.s32 s4, s11  }
0x40e: {  	[tilespmem:s12], [sflag:$0x3] =	stream.linear.gather [hbm4b:s11+s2], $0x80, $0x38;
	[tilespmem:$0x12E00] =	vst v63  }
0x40f: {  	s12 =	spop (v2sf)  }
0x410: {  	(v2sf) =	vpush v2, $0xC;
	s11 =	sand.u32 $0x1FFFFFF0, s12  }
0x411: {  	s12 =	sadd.s32 $0x9000, s20;
	s11 =	sadd.s32 s4, s11  }
0x412: {  	[tilespmem:s12], [sflag:$0x3] =	stream.linear.gather [hbm4b:s11+s2], $0x80, $0x38;
	[tilespmem:$0x12E00] =	vst v63  }
0x413: {  	s12 =	spop (v2sf)  }
0x414: {  	(v2sf) =	vpush v2, $0xD;
	s11 =	sand.u32 $0x1FFFFFF0, s12  }
0x415: {  	s12 =	sadd.s32 $0x9080, s20;
	s11 =	sadd.s32 s4, s11  }
0x416: {  	[tilespmem:s12], [sflag:$0x3] =	stream.linear.gather [hbm4b:s11+s2], $0x80, $0x38;
	[tilespmem:$0x12E00] =	vst v63  }
0x417: {  	s12 =	spop (v2sf)  }
0x418: {  	(v2sf) =	vpush v2, $0xE;
	s11 =	sand.u32 $0x1FFFFFF0, s12  }
0x419: {  	s12 =	sadd.s32 $0x9100, s20;
	s11 =	sadd.s32 s4, s11  }
0x41a: {  	[tilespmem:s12], [sflag:$0x3] =	stream.linear.gather [hbm4b:s11+s2], $0x80, $0x38;
	[tilespmem:$0x12E00] =	vst v63  }
0x41b: {  	s12 =	spop (v2sf)  }
0x41c: {  	(v2sf) =	vpush v2, $0xF;
	s11 =	sand.u32 $0x1FFFFFF0, s12  }
0x41d: {  	s12 =	sadd.s32 $0x9180, s20;
	s11 =	sadd.s32 s4, s11  }
0x41e: {  	[tilespmem:s12], [sflag:$0x3] =	stream.linear.gather [hbm4b:s11+s2], $0x80, $0x38;
	[tilespmem:$0x12E00] =	vst v63  }
0x41f: {  	s12 =	spop (v2sf)  }
0x420: {  	s11 =	sand.u32 $0x1FFFFFF0, s12  }
0x421: {  	s12 =	sadd.s32 $0x9200, s20;
	s11 =	sadd.s32 s4, s11  }
0x422: {  	[tilespmem:s12], [sflag:$0x3] =	stream.linear.gather [hbm4b:s11+s2], $0x80, $0x38;
	[tilespmem:$0x12E00] =	vst v63  }
0x423: {  	s12 =	spop (v2sf)  }
0x424: {  	s11 =	sand.u32 $0x1FFFFFF0, s12  }
0x425: {  	s12 =	sadd.s32 $0x9280, s20;
	s11 =	sadd.s32 s4, s11  }
0x426: {  	[tilespmem:s12], [sflag:$0x3] =	stream.linear.gather [hbm4b:s11+s2], $0x80, $0x38;
	[tilespmem:$0x12E00] =	vst v63  }
0x427: {  	s12 =	spop (v2sf)  }
0x428: {  	s11 =	sand.u32 $0x1FFFFFF0, s12  }
0x429: {  	s12 =	sadd.s32 $0x9300, s20;
	s11 =	sadd.s32 s4, s11  }
0x42a: {  	[tilespmem:s12], [sflag:$0x3] =	stream.linear.gather [hbm4b:s11+s2], $0x80, $0x38;
	[tilespmem:$0x12E00] =	vst v63  }
0x42b: {  	s12 =	spop (v2sf)  }
0x42c: {  	s11 =	sand.u32 $0x1FFFFFF0, s12  }
0x42d: {  	s12 =	sadd.s32 $0x9380, s20;
	s11 =	sadd.s32 s4, s11  }
0x42e: {  	[tilespmem:s12], [sflag:$0x3] =	stream.linear.gather [hbm4b:s11+s2], $0x80, $0x38;
	[tilespmem:$0x12E00] =	vst v63  }
.LBB2_29:
.Ltmp21:
0x42f: {  	(pc) =	sbr.rel @p0 .LBB2_30-.Ltmp21, $1  }
0x430: {  	_ =	sdelay $0x3  }
0x431: {  	p0 =	slt.u32 @!p1 s9, $0x5  }
0x432: {  	p0 =	por p1, p0  }
0x433: {  	p1 =	sgt.u32 @!p0 s10, $0xE  }
0x434: {  	p0 =	por p0, p1  }
.Ltmp22:
0x435: {  	_ = 	snop;
	(pc) =	sbr.rel @p0 .LBB2_33-.Ltmp22, $1  }
0x436: {  	_ =	sdelay $0x3  }
0x437: {  	v2 =	vld [tilespmem:s30+$0x0];
	_ =	sdelay $0x4  }
0x438: {  	v2 =	vshll.u32 v2, $0x4  }
0x439: {  	(v2sf) =	vpush v2, $0x0;
	_ =	sdelay $0x3  }
0x43a: {  	(v2sf) =	vpush v2, $0x1;
	_ =	sdelay $0x3  }
0x43b: {  	(v2sf) =	vpush v2, $0x2;
	_ =	sdelay $0x3  }
0x43c: {  	(v2sf) =	vpush v2, $0x3;
	_ =	sdelay $0x2  }
0x43d: {  	s11 =	spop (v2sf)  }
0x43e: {  	(v2sf) =	vpush v2, $0x4;
	s11 =	sand.u32 $0x1FFFFFF0, s11  }
0x43f: {  	s12 =	sadd.s32 $0x9400, s20;
	s11 =	sadd.s32 s4, s11  }
0x440: {  	[tilespmem:s12], [sflag:$0x3] =	stream.linear.gather [hbm4b:s11+s2], $0x80, $0x38;
	[tilespmem:$0x12E00] =	vst v63  }
0x441: {  	s12 =	spop (v2sf)  }
0x442: {  	(v2sf) =	vpush v2, $0x5;
	s11 =	sand.u32 $0x1FFFFFF0, s12  }
0x443: {  	s12 =	sadd.s32 $0x9480, s20;
	s11 =	sadd.s32 s4, s11  }
0x444: {  	[tilespmem:s12], [sflag:$0x3] =	stream.linear.gather [hbm4b:s11+s2], $0x80, $0x38;
	[tilespmem:$0x12E00] =	vst v63  }
0x445: {  	s12 =	spop (v2sf)  }
0x446: {  	(v2sf) =	vpush v2, $0x6;
	s11 =	sand.u32 $0x1FFFFFF0, s12  }
0x447: {  	s12 =	sadd.s32 $0x9500, s20;
	s11 =	sadd.s32 s4, s11  }
0x448: {  	[tilespmem:s12], [sflag:$0x3] =	stream.linear.gather [hbm4b:s11+s2], $0x80, $0x38;
	[tilespmem:$0x12E00] =	vst v63  }
0x449: {  	s12 =	spop (v2sf)  }
0x44a: {  	(v2sf) =	vpush v2, $0x7;
	s11 =	sand.u32 $0x1FFFFFF0, s12  }
0x44b: {  	s12 =	sadd.s32 $0x9580, s20;
	s11 =	sadd.s32 s4, s11  }
0x44c: {  	[tilespmem:s12], [sflag:$0x3] =	stream.linear.gather [hbm4b:s11+s2], $0x80, $0x38;
	[tilespmem:$0x12E00] =	vst v63  }
0x44d: {  	s12 =	spop (v2sf)  }
0x44e: {  	(v2sf) =	vpush v2, $0x8;
	s11 =	sand.u32 $0x1FFFFFF0, s12  }
0x44f: {  	s12 =	sadd.s32 $0x9600, s20;
	s11 =	sadd.s32 s4, s11  }
0x450: {  	[tilespmem:s12], [sflag:$0x3] =	stream.linear.gather [hbm4b:s11+s2], $0x80, $0x38;
	[tilespmem:$0x12E00] =	vst v63  }
0x451: {  	s12 =	spop (v2sf)  }
0x452: {  	(v2sf) =	vpush v2, $0x9;
	s11 =	sand.u32 $0x1FFFFFF0, s12  }
0x453: {  	s12 =	sadd.s32 $0x9680, s20;
	s11 =	sadd.s32 s4, s11  }
0x454: {  	[tilespmem:s12], [sflag:$0x3] =	stream.linear.gather [hbm4b:s11+s2], $0x80, $0x38;
	[tilespmem:$0x12E00] =	vst v63  }
0x455: {  	s12 =	spop (v2sf)  }
0x456: {  	(v2sf) =	vpush v2, $0xA;
	s11 =	sand.u32 $0x1FFFFFF0, s12  }
0x457: {  	s12 =	sadd.s32 $0x9700, s20;
	s11 =	sadd.s32 s4, s11  }
0x458: {  	[tilespmem:s12], [sflag:$0x3] =	stream.linear.gather [hbm4b:s11+s2], $0x80, $0x38;
	[tilespmem:$0x12E00] =	vst v63  }
0x459: {  	s12 =	spop (v2sf)  }
0x45a: {  	(v2sf) =	vpush v2, $0xB;
	s11 =	sand.u32 $0x1FFFFFF0, s12  }
0x45b: {  	s12 =	sadd.s32 $0x9780, s20;
	s11 =	sadd.s32 s4, s11  }
0x45c: {  	[tilespmem:s12], [sflag:$0x3] =	stream.linear.gather [hbm4b:s11+s2], $0x80, $0x38;
	[tilespmem:$0x12E00] =	vst v63  }
0x45d: {  	s12 =	spop (v2sf)  }
0x45e: {  	(v2sf) =	vpush v2, $0xC;
	s11 =	sand.u32 $0x1FFFFFF0, s12  }
0x45f: {  	s12 =	sadd.s32 $0x9800, s20;
	s11 =	sadd.s32 s4, s11  }
0x460: {  	[tilespmem:s12], [sflag:$0x3] =	stream.linear.gather [hbm4b:s11+s2], $0x80, $0x38;
	[tilespmem:$0x12E00] =	vst v63  }
0x461: {  	s12 =	spop (v2sf)  }
0x462: {  	(v2sf) =	vpush v2, $0xD;
	s11 =	sand.u32 $0x1FFFFFF0, s12  }
0x463: {  	s12 =	sadd.s32 $0x9880, s20;
	s11 =	sadd.s32 s4, s11  }
0x464: {  	[tilespmem:s12], [sflag:$0x3] =	stream.linear.gather [hbm4b:s11+s2], $0x80, $0x38;
	[tilespmem:$0x12E00] =	vst v63  }
0x465: {  	s12 =	spop (v2sf)  }
0x466: {  	(v2sf) =	vpush v2, $0xE;
	s11 =	sand.u32 $0x1FFFFFF0, s12  }
0x467: {  	s12 =	sadd.s32 $0x9900, s20;
	s11 =	sadd.s32 s4, s11  }
0x468: {  	[tilespmem:s12], [sflag:$0x3] =	stream.linear.gather [hbm4b:s11+s2], $0x80, $0x38;
	[tilespmem:$0x12E00] =	vst v63  }
0x469: {  	s12 =	spop (v2sf)  }
0x46a: {  	s11 =	sand.u32 $0x1FFFFFF0, s12  }
0x46b: {  	(v2sf) =	vpush v2, $0xF;
	s12 =	sadd.s32 $0x9980, s20;
	s11 =	sadd.s32 s4, s11  }
0x46c: {  	[tilespmem:s12], [sflag:$0x3] =	stream.linear.gather [hbm4b:s11+s2], $0x80, $0x38;
	[tilespmem:$0x12E00] =	vst v63  }
0x46d: {  	s12 =	spop (v2sf)  }
0x46e: {  	s11 =	sand.u32 $0x1FFFFFF0, s12  }
0x46f: {  	s12 =	sadd.s32 $0x9A00, s20;
	s11 =	sadd.s32 s4, s11  }
0x470: {  	[tilespmem:s12], [sflag:$0x3] =	stream.linear.gather [hbm4b:s11+s2], $0x80, $0x38;
	[tilespmem:$0x12E00] =	vst v63  }
0x471: {  	s12 =	spop (v2sf)  }
0x472: {  	s11 =	sand.u32 $0x1FFFFFF0, s12  }
0x473: {  	s12 =	sadd.s32 $0x9A80, s20;
	s11 =	sadd.s32 s4, s11  }
0x474: {  	[tilespmem:s12], [sflag:$0x3] =	stream.linear.gather [hbm4b:s11+s2], $0x80, $0x38;
	[tilespmem:$0x12E00] =	vst v63  }
0x475: {  	s12 =	spop (v2sf)  }
0x476: {  	s11 =	sand.u32 $0x1FFFFFF0, s12  }
0x477: {  	s12 =	sadd.s32 $0x9B00, s20;
	s11 =	sadd.s32 s4, s11  }
0x478: {  	[tilespmem:s12], [sflag:$0x3] =	stream.linear.gather [hbm4b:s11+s2], $0x80, $0x38;
	[tilespmem:$0x12E00] =	vst v63  }
.Ltmp23:
0x479: {  	_ = 	snop;
	(pc) =	sbr.rel .LBB2_33-.Ltmp23, $4  }
0x47a: {  	s12 =	spop (v2sf)  }
0x47b: {  	s11 =	sand.u32 $0x1FFFFFF0, s12  }
0x47c: {  	s20 =	sadd.s32 $0x9B80, s20;
	s11 =	sadd.s32 s4, s11  }
0x47d: {  	[tilespmem:s20], [sflag:$0x3] =	stream.linear.gather [hbm4b:s11+s2], $0x80, $0x38;
	[tilespmem:$0x12E00] =	vst v63  }
.LBB2_36:
0x47e: {  	_ =	sfence.sel $0x180000  }
0x47f: {  	[bflag:$0x0] =	sbarrier.arrive $0xFFFF  }
0x480: {  	_ =	strace $0x90000047  }
0x481: {  	s0 =	stileid.u32;
	[bflag:$0x2] =	sbarrier.arrive $0xFFFF  }
0x482: {  	p0 =	sne.s32 s0, $0x0;
	s0 =	rddreg [dreg:$0x2]  }
0x483: {  	s0 =	sadd.s32 @!p0 $0x100000, s0  }
0x484: {  	[sflag:s0] =	ssyncadd.tile.s32 @!p0 $0x1;
	_ =	shalt  }
.Lfunc_end2:
_tile_overlayer_lowered:
.L_overlay_start_2:
0x485: {  	(tag) =	ssettag $0x2  }
0x486: {  	s0 =	rddreg [dreg:$0x0];
	s2 =	stileid.u32  }
0x487: {  	s1 =	rddreg [dreg:$0x1];
	p0 =	sne.s32 s2, $0x0  }
0x488: {  	s3 =	rddreg [dreg:$0x2];
	[bflag:$0x3] =	sbarrier.arrive $0xFFFF;
	s2 =	simm.s32 @!p0 $0x1C05  }
0x489: {  	[timem:s3], [sflag:s2] =	dma.local @!p0 [hbm:s0], s1  }
0x48a: {  	s0 =	simm.s32 @!p0 $0x5  }
0x48b: {  	_ =	swait.ge @!p0 [sflag:s0], s1  }
0x48c: {  	s1 =	ssub.s32 @!p0 $0x0, s1;
	[sflag:s0] =	ssyncset.done @!p0 $0x0  }
0x48d: {  	[sflag:s0] =	ssyncadd.s32 @!p0 s1  }
0x48e: {  	[bflag:$0x3] =	sbarrier.arrive $0xFFFF  }
0x48f: {  	_ =	shalt  }

</sc_bundles>
